<compile_context>
chip_gen: v7x
topology: tpu7x:2x2x1
jax: 0.10.2.dev20260603
libtpu: 0.0.44.dev20260713+nightly
codegen_flags: <defaults>
</compile_context>

<pallas_src>
import functools

import jax
import jax.numpy as jnp
from jax import lax
from jax.experimental import pallas as pl
from jax.experimental.pallas import tpu as pltpu
from jax.experimental.pallas import tpu_sc as plsc

NN = 10000
EE = 320000
HID = 128
NBLK = 2000
EBLK = 2000

_HI = jax.lax.Precision.HIGHEST


def _dot(a, b):
    return jnp.dot(a, b, precision=_HI, preferred_element_type=jnp.float32)


def _sigmoid(x):
    return 1.0 / (1.0 + jnp.exp(-x))


def _rtne16(x):
    xi = pltpu.bitcast(x, jnp.int32)
    r = xi + jnp.int32(0x7FFF) + jnp.bitwise_and(
        jax.lax.shift_right_logical(xi, 16), jnp.int32(1))
    return jax.lax.shift_right_logical(r, 16)


def _pack2(a, b):
    return jnp.bitwise_or(_rtne16(a),
                          jax.lax.shift_left(_rtne16(b), jnp.int32(16)))


def _unpack2(p):
    hi = jax.lax.shift_left(jax.lax.shift_right_logical(p, 16),
                            jnp.int32(16))
    lo = jax.lax.shift_left(p, jnp.int32(16))
    return (pltpu.bitcast(lo, jnp.float32),
            pltpu.bitcast(hi, jnp.float32))


def _prep_body(h_ref, WhW, Whb, AW, Ab, BW, Bb, DW, Db, EW, Eb, eW, eb,
               C1W, C1b, h1_o, Ah_o, Tsrc_o, Tdst_o, W1_o, c1_o):
    h1 = _dot(h_ref[...], WhW[...]) + Whb[...]
    h1_o[...] = h1
    Ah_o[...] = _dot(h1, AW[...]) + Ab[...]
    dh = _dot(h1, DW[...]) + Db[...]
    bh = _dot(h1, BW[...]) + Bb[...]
    Tsrc_o[...] = _pack2(dh, bh)
    Tdst_o[...] = _dot(h1, EW[...]) + Eb[...]
    W1_o[...] = _dot(eW[...], C1W[...])
    c1_o[...] = jnp.broadcast_to(_dot(eb[...], C1W[...]) + C1b[...], (8, HID))


def _prep(h, p, lp):
    nb = NN // NBLK
    full = lambda s: pl.BlockSpec(s, lambda i: (0, 0))
    blk = lambda s: pl.BlockSpec(s, lambda i: (i, 0))
    w128 = full((HID, HID))
    b128 = full((1, HID))
    ins = [blk((NBLK, HID))] + [w128, b128] * 5 + [full((16, HID)), full((1, HID)), w128, b128]
    outs = [blk((NBLK, HID)), blk((NBLK, HID)), blk((NBLK, HID)),
            blk((NBLK, HID)), full((16, HID)), full((8, HID))]
    oshapes = [jax.ShapeDtypeStruct((NN, HID), jnp.float32),
               jax.ShapeDtypeStruct((NN, HID), jnp.float32),
               jax.ShapeDtypeStruct((NN, HID), jnp.int32),
               jax.ShapeDtypeStruct((NN, HID), jnp.float32),
               jax.ShapeDtypeStruct((16, HID), jnp.float32),
               jax.ShapeDtypeStruct((8, HID), jnp.float32)]
    r = lambda v: v.reshape(1, -1)
    return pl.pallas_call(
        _prep_body, grid=(nb,), in_specs=ins, out_specs=outs, out_shape=oshapes,
    )(h, p['emb_h_W'], r(p['emb_h_b']),
      lp['A_W'], r(lp['A_b']), lp['B_W'], r(lp['B_b']),
      lp['D_W'], r(lp['D_b']), lp['E_W'], r(lp['E_b']),
      p['emb_e_W'], r(p['emb_e_b']), lp['C_W'], r(lp['C_b']))


def _edge1_body(e_ref, gs_ref, gd_ref, W1, c1, enew_o, sbsig_o, stats_o, acc):
    i = pl.program_id(0)

    @pl.when(i == 0)
    def _():
        acc[...] = jnp.zeros_like(acc)

    ce = _dot(e_ref[...], W1[...]) + c1[0:1, :]
    dh, bh = _unpack2(gs_ref[...])
    e_new = ce + dh + gd_ref[...]
    enew_o[...] = e_new
    sg = _sigmoid(e_new)
    sbsig_o[:, HID:] = sg
    sbsig_o[:, :HID] = sg * bh
    acc[0:1, :] += jnp.sum(e_new, axis=0, keepdims=True)
    acc[1:2, :] += jnp.sum(e_new * e_new, axis=0, keepdims=True)

    @pl.when(i == pl.num_programs(0) - 1)
    def _():
        stats_o[...] = acc[...]


def _edge1(e, gsrc, gdst, W1, c1):
    ne = e.shape[0]
    nb = ne // EBLK
    blk = lambda s: pl.BlockSpec(s, lambda i: (i, 0))
    full = lambda s: pl.BlockSpec(s, lambda i: (0, 0))
    return pl.pallas_call(
        _edge1_body, grid=(nb,),
        in_specs=[blk((EBLK, 16)), blk((EBLK, HID)), blk((EBLK, HID)),
                  full((16, HID)), full((8, HID))],
        out_specs=[blk((EBLK, HID)), blk((EBLK, 2 * HID)), full((8, HID))],
        out_shape=[jax.ShapeDtypeStruct((ne, HID), jnp.float32),
                   jax.ShapeDtypeStruct((ne, 2 * HID), jnp.float32),
                   jax.ShapeDtypeStruct((8, HID), jnp.float32)],
        scratch_shapes=[pltpu.VMEM((8, HID), jnp.float32)],
    )(e, gsrc, gdst, W1, c1)


def _nodea_body(Ah_ref, numa_ref, dena_ref, numb_ref, denb_ref,
                hpre_o, stats_o, acc):
    i = pl.program_id(0)

    @pl.when(i == 0)
    def _():
        acc[...] = jnp.zeros_like(acc)

    num = numa_ref[...] + numb_ref[...]
    den = dena_ref[...] + denb_ref[...]
    hp = Ah_ref[...] + num / (den + 1e-6)
    hpre_o[...] = hp
    acc[0:1, :] += jnp.sum(hp, axis=0, keepdims=True)
    acc[1:2, :] += jnp.sum(hp * hp, axis=0, keepdims=True)

    @pl.when(i == pl.num_programs(0) - 1)
    def _():
        stats_o[...] = acc[...]


def _nodea(Ah, numa, dena, numb, denb):
    nb = NN // NBLK
    blk = lambda s: pl.BlockSpec(s, lambda i: (i, 0))
    full = lambda s: pl.BlockSpec(s, lambda i: (0, 0))
    return pl.pallas_call(
        _nodea_body, grid=(nb,),
        in_specs=[blk((NBLK, HID))] * 5,
        out_specs=[blk((NBLK, HID)), full((8, HID))],
        out_shape=[jax.ShapeDtypeStruct((NN, HID), jnp.float32),
                   jax.ShapeDtypeStruct((8, HID), jnp.float32)],
        scratch_shapes=[pltpu.VMEM((8, HID), jnp.float32)],
    )(Ah, numa, dena, numb, denb)


def _nodeb_body(hpre_ref, h1_ref, stats_ref, g_ref, b_ref,
                AW, Ab, BW, Bb, DW, Db, EW, Eb,
                h2_o, Ah_o, Tsrc_o, Tdst_o):
    s = stats_ref[0:1, :]
    q = stats_ref[1:2, :]
    mu = s / NN
    var = q / NN - mu * mu
    rstd = jax.lax.rsqrt(var + 1e-5)
    hn = (hpre_ref[...] - mu) * rstd * g_ref[...] + b_ref[...]
    h2 = jnp.maximum(hn, 0.0) + h1_ref[...]
    h2_o[...] = h2
    Ah_o[...] = _dot(h2, AW[...]) + Ab[...]
    dh = _dot(h2, DW[...]) + Db[...]
    bh = _dot(h2, BW[...]) + Bb[...]
    Tsrc_o[...] = _pack2(dh, bh)
    Tdst_o[...] = _dot(h2, EW[...]) + Eb[...]


def _nodeb_mats(hpre, h1, stats, g, b, lp):
    nb = NN // NBLK
    blk = lambda s: pl.BlockSpec(s, lambda i: (i, 0))
    full = lambda s: pl.BlockSpec(s, lambda i: (0, 0))
    w128 = full((HID, HID))
    b128 = full((1, HID))
    r = lambda v: v.reshape(1, -1)
    return pl.pallas_call(
        _nodeb_body, grid=(nb,),
        in_specs=[blk((NBLK, HID)), blk((NBLK, HID)), full((8, HID)),
                  b128, b128] + [w128, b128] * 4,
        out_specs=[blk((NBLK, HID)), blk((NBLK, HID)), blk((NBLK, HID)),
                   blk((NBLK, HID))],
        out_shape=[jax.ShapeDtypeStruct((NN, HID), jnp.float32),
                   jax.ShapeDtypeStruct((NN, HID), jnp.float32),
                   jax.ShapeDtypeStruct((NN, HID), jnp.int32),
                   jax.ShapeDtypeStruct((NN, HID), jnp.float32)],
    )(hpre, h1, stats, r(g), r(b),
      lp['A_W'], r(lp['A_b']), lp['B_W'], r(lp['B_b']),
      lp['D_W'], r(lp['D_b']), lp['E_W'], r(lp['E_b']))


def _nodeb_final_body(hpre_ref, h1_ref, stats_ref, g_ref, b_ref, h2_o):
    s = stats_ref[0:1, :]
    q = stats_ref[1:2, :]
    mu = s / NN
    var = q / NN - mu * mu
    rstd = jax.lax.rsqrt(var + 1e-5)
    hn = (hpre_ref[...] - mu) * rstd * g_ref[...] + b_ref[...]
    h2_o[...] = jnp.maximum(hn, 0.0) + h1_ref[...]


def _nodeb_final(hpre, h1, stats, g, b):
    nb = NN // NBLK
    blk = lambda s: pl.BlockSpec(s, lambda i: (i, 0))
    full = lambda s: pl.BlockSpec(s, lambda i: (0, 0))
    r = lambda v: v.reshape(1, -1)
    return pl.pallas_call(
        _nodeb_final_body, grid=(nb,),
        in_specs=[blk((NBLK, HID)), blk((NBLK, HID)), full((8, HID)),
                  full((1, HID)), full((1, HID))],
        out_specs=blk((NBLK, HID)),
        out_shape=jax.ShapeDtypeStruct((NN, HID), jnp.float32),
    )(hpre, h1, stats, r(g), r(b))


def _edge2_body(enew1_ref, e_ref, gs_ref, gd_ref, statsa_ref, statsb_ref,
                g1_ref, b1_ref, eW, ebias, C2W, C2b, sbsig_o):
    s = statsa_ref[0:1, :] + statsb_ref[0:1, :]
    q = statsa_ref[1:2, :] + statsb_ref[1:2, :]
    mu = s / EE
    var = q / EE - mu * mu
    rstd = jax.lax.rsqrt(var + 1e-5)
    gnorm = (enew1_ref[...] - mu) * rstd * g1_ref[...] + b1_ref[...]
    g1 = jnp.maximum(gnorm, 0.0)
    e1 = _dot(e_ref[...], eW[...]) + ebias[...]
    e_out1 = g1 + e1
    ce2 = _dot(e_out1, C2W[...]) + C2b[...]
    dh, bh = _unpack2(gs_ref[...])
    e_new2 = ce2 + dh + gd_ref[...]
    sg = _sigmoid(e_new2)
    sbsig_o[:, HID:] = sg
    sbsig_o[:, :HID] = sg * bh


def _edge2(enew1, e, gsrc, gdst, statsa, statsb, p, lp1, lp2):
    ne = e.shape[0]
    nb = ne // EBLK
    blk = lambda s: pl.BlockSpec(s, lambda i: (i, 0))
    full = lambda s: pl.BlockSpec(s, lambda i: (0, 0))
    r = lambda v: v.reshape(1, -1)
    return pl.pallas_call(
        _edge2_body, grid=(nb,),
        in_specs=[blk((EBLK, HID)), blk((EBLK, 16)), blk((EBLK, HID)),
                  blk((EBLK, HID)), full((8, HID)), full((8, HID)),
                  full((1, HID)), full((1, HID)), full((16, HID)),
                  full((1, HID)), full((HID, HID)), full((1, HID))],
        out_specs=blk((EBLK, 2 * HID)),
        out_shape=jax.ShapeDtypeStruct((ne, 2 * HID), jnp.float32),
    )(enew1, e, gsrc, gdst, statsa, statsb, r(lp1['bn_e_g']),
      r(lp1['bn_e_b']), p['emb_e_W'], r(p['emb_e_b']),
      lp2['C_W'], r(lp2['C_b']))


_NW = 32
_EPW = EE // _NW
_CHG = 40
_GROWS = _EPW // _CHG
_CHS = 80
_SROWS = (EE // 16) // _CHS


def _sc_mesh():
    return plsc.VectorSubcoreMesh(core_axis_name="c", subcore_axis_name="s")


def _pipeline2(nslots, issue_in, wait_in, issue_out, wait_out):

    def slot(i, b):
        @pl.when(i >= 2)
        def _():
            wait_out(b)

        issue_in(i, b)

        @pl.when(i >= 1)
        def _():
            wait_in(1 - b)
            issue_out(i - 1, 1 - b)

    issue_in(0, 0)

    def body(k, _):
        slot(1 + 2 * k, 1)
        slot(2 + 2 * k, 0)
        return 0

    lax.fori_loop(0, (nslots - 1) // 2, body, 0)
    last = nslots - 1
    if nslots % 2 == 0:
        wait_out(1)
        issue_in(last, 1)
        wait_in(0)
        issue_out(last - 1, 0)
        lastb = 1
    else:
        lastb = 0
    wait_in(lastb)
    issue_out(last, lastb)
    wait_out(1 - lastb)
    wait_out(lastb)


def _gather_sc_body(epw, Tsrc_hbm, Tdst_hbm, src_hbm, dst_hbm,
                    gs_out, gd_out,
                    idxs, idxd, bs0, bs1, bd0, bd1,
                    sgs0, sgs1, sgd0, sgd1, sws0, sws1, swd0, swd1,
                    Ts_sp):
    c = lax.axis_index("c")
    s = lax.axis_index("s")
    wid = s * 2 + c
    base = wid * epw

    @pl.when(s == 0)
    def _():
        pltpu.sync_copy(Tsrc_hbm, Ts_sp)

    pltpu.sync_copy(src_hbm.at[pl.ds(base, epw)], idxs)
    pltpu.sync_copy(dst_hbm.at[pl.ds(base, epw)], idxd)
    plsc.subcore_barrier()
    bs = (bs0, bs1)
    bd = (bd0, bd1)
    sgs = (sgs0, sgs1)
    sgd = (sgd0, sgd1)
    sws = (sws0, sws1)
    swd = (swd0, swd1)

    def issue_in(i, b):
        sl = pl.ds(i * _CHG, _CHG)
        pltpu.async_copy(Ts_sp.at[idxs.at[sl]], bs[b], sgs[b])
        pltpu.async_copy(Tdst_hbm.at[idxd.at[sl]], bd[b], sgd[b])

    def wait_in(b):
        sl = pl.ds(0, _CHG)
        pltpu.make_async_copy(Ts_sp.at[idxs.at[sl]], bs[b], sgs[b]).wait()
        pltpu.make_async_copy(Tdst_hbm.at[idxd.at[sl]], bd[b], sgd[b]).wait()

    def issue_out(i, b):
        off = base + i * _CHG
        pltpu.async_copy(bs[b], gs_out.at[pl.ds(off, _CHG)], sws[b])
        pltpu.async_copy(bd[b], gd_out.at[pl.ds(off, _CHG)], swd[b])

    def wait_out(b):
        pltpu.make_async_copy(bs[b], gs_out.at[pl.ds(0, _CHG)], sws[b]).wait()
        pltpu.make_async_copy(bd[b], gd_out.at[pl.ds(0, _CHG)], swd[b]).wait()

    _pipeline2(epw // _CHG, issue_in, wait_in, issue_out, wait_out)


def _gather(Tsrc, Tdst, src, dst):
    ne = src.shape[0]
    epw = ne // _NW
    f = functools.partial(
        pl.kernel,
        out_type=(jax.ShapeDtypeStruct((ne, HID), jnp.int32),
                  jax.ShapeDtypeStruct((ne, HID), jnp.float32)),
        mesh=_sc_mesh(),
        scratch_types=[pltpu.VMEM((epw,), jnp.int32),
                       pltpu.VMEM((epw,), jnp.int32),
                       pltpu.VMEM((_CHG, HID), jnp.int32),
                       pltpu.VMEM((_CHG, HID), jnp.int32),
                       pltpu.VMEM((_CHG, HID), jnp.float32),
                       pltpu.VMEM((_CHG, HID), jnp.float32)]
                      + [pltpu.SemaphoreType.DMA] * 8
                      + [pltpu.VMEM_SHARED((NN, HID), jnp.int32)],
    )(functools.partial(_gather_sc_body, epw))
    return f(Tsrc, Tdst, src, dst)


_NPAD = 10240


def _scatter_sc_body(eps, valsA_hbm, dstA_hbm,
                     zeros_hbm, out_hbm,
                     ix0, ix1, bv0, bv1,
                     sx0, sx1, sl0, sl1, ss0, ss1, acc):
    c = lax.axis_index("c")
    s = lax.axis_index("s")
    stripe = _NPAD // 16
    pltpu.sync_copy(zeros_hbm.at[pl.ds(s * stripe, stripe)],
                    acc.at[pl.ds(s * stripe, stripe)])
    plsc.subcore_barrier()
    ix = (ix0, ix1)
    bv = (bv0, bv1)
    sx = (sx0, sx1)
    sl = (sl0, sl1)
    ss = (ss0, ss1)
    base = s * eps

    def make_stage(vals_hbm, dst_hbm):
        def issue_in(i, b):
            off = base + i * _CHS
            pltpu.async_copy(dst_hbm.at[pl.ds(off, _CHS)], ix[b], sx[b])
            pltpu.async_copy(
                vals_hbm.at[pl.ds(off, _CHS), pl.ds(c * HID, HID)],
                bv[b], sl[b])

        def wait_in(b):
            pltpu.make_async_copy(
                dst_hbm.at[pl.ds(0, _CHS)], ix[b], sx[b]).wait()
            pltpu.make_async_copy(
                vals_hbm.at[pl.ds(0, _CHS), pl.ds(0, HID)],
                bv[b], sl[b]).wait()

        def issue_out(i, b):
            pltpu.async_copy(bv[b], acc.at[ix[b]], ss[b], add=True)

        def wait_out(b):
            pltpu.make_async_copy(bv[b], acc.at[ix[b]], ss[b]).wait()

        return issue_in, wait_in, issue_out, wait_out

    _pipeline2(eps // _CHS, *make_stage(valsA_hbm, dstA_hbm))
    plsc.subcore_barrier()
    pltpu.sync_copy(acc.at[pl.ds(s * stripe, stripe)],
                    out_hbm.at[c, pl.ds(s * stripe, stripe)])


def _scatter(sbsigA, dstA, zeros):
    eps = dstA.shape[0] // 16
    f = functools.partial(
        pl.kernel,
        out_type=jax.ShapeDtypeStruct((2, _NPAD, HID), jnp.float32),
        mesh=_sc_mesh(),
        scratch_types=[pltpu.VMEM((_CHS,), jnp.int32),
                       pltpu.VMEM((_CHS,), jnp.int32),
                       pltpu.VMEM((_CHS, HID), jnp.float32),
                       pltpu.VMEM((_CHS, HID), jnp.float32)]
                      + [pltpu.SemaphoreType.DMA] * 6
                      + [pltpu.VMEM_SHARED((_NPAD, HID), jnp.float32)],
    )(functools.partial(_scatter_sc_body, eps))
    out = f(sbsigA, dstA, zeros)
    return out[0, :NN], out[1, :NN]


def kernel(h, e, edge_index, params):
    src = edge_index[0]
    dst = edge_index[1]
    lp1, lp2 = params['layers']
    zeros = jnp.zeros((_NPAD, HID), jnp.float32)
    HF = EE // 2
    sA, sB = src[:HF], src[HF:]
    dA, dB = dst[:HF], dst[HF:]
    eA, eB = e[:HF], e[HF:]

    h1, Ah1, Tsrc1, Tdst1, W1, c1 = _prep(h, params, lp1)
    g1a = _gather(Tsrc1, Tdst1, sA, dA)
    g1b = _gather(Tsrc1, Tdst1, sB, dB)
    en1a, sb1a, st1a = _edge1(eA, g1a[0], g1a[1], W1, c1)
    en1b, sb1b, st1b = _edge1(eB, g1b[0], g1b[1], W1, c1)
    n1a, d1a = _scatter(sb1a, dA, zeros)
    n1b, d1b = _scatter(sb1b, dB, zeros)
    hpre1, hstats1 = _nodea(Ah1, n1a, d1a, n1b, d1b)
    h2, Ah2, Tsrc2, Tdst2 = _nodeb_mats(hpre1, h1, hstats1,
                                        lp1['bn_h_g'], lp1['bn_h_b'], lp2)
    g2a = _gather(Tsrc2, Tdst2, sA, dA)
    g2b = _gather(Tsrc2, Tdst2, sB, dB)
    sb2a = _edge2(en1a, eA, g2a[0], g2a[1], st1a, st1b, params, lp1, lp2)
    sb2b = _edge2(en1b, eB, g2b[0], g2b[1], st1a, st1b, params, lp1, lp2)
    n2a, d2a = _scatter(sb2a, dA, zeros)
    n2b, d2b = _scatter(sb2b, dB, zeros)
    hpre2, hstats2 = _nodea(Ah2, n2a, d2a, n2b, d2b)
    return _nodeb_final(hpre2, h2, hstats2, lp2['bn_h_g'], lp2['bn_h_b'])

# --- scband reference (transcript-rebuilt; emitter-appended) ---
"""Pipeline reference for scband-gated-gcnnet-50440095924267 (READ-ONLY COPY).

The authoritative reference and input builder live on the scoring server;
editing this copy changes nothing except your own understanding.
"""

import jax, jax.numpy as jnp
import numpy as np

N = 10000
E_NUM = 320000
IN_DIM = 128
IN_DIM_EDGE = 16
HID = 128
OUT = 128
N_LAYERS = 2


def _init_linear(key, fan_in, fan_out):
    k1, k2 = jax.random.split(key)
    lim = 1.0 / np.sqrt(fan_in)
    W = jax.random.uniform(k1, (fan_in, fan_out), minval=-lim, maxval=lim, dtype=jnp.float32)
    b = jax.random.uniform(k2, (fan_out,), minval=-lim, maxval=lim, dtype=jnp.float32)
    return W, b


def _make_params(key):
    keys = jax.random.split(key, 16)
    p = {}
    p['emb_h_W'], p['emb_h_b'] = _init_linear(keys[0], IN_DIM, HID)
    p['emb_e_W'], p['emb_e_b'] = _init_linear(keys[1], IN_DIM_EDGE, HID)
    layers = []
    kidx = 2
    dims = [(HID, HID)] * (N_LAYERS - 1) + [(HID, OUT)]
    for din, dout in dims:
        lp = {}
        for name in ['A', 'B', 'C', 'D', 'E']:
            lp[name + '_W'], lp[name + '_b'] = _init_linear(keys[kidx], din, dout)
            kidx += 1
        lp['bn_h_g'] = jnp.ones((dout,), jnp.float32)
        lp['bn_h_b'] = jnp.zeros((dout,), jnp.float32)
        lp['bn_e_g'] = jnp.ones((dout,), jnp.float32)
        lp['bn_e_b'] = jnp.zeros((dout,), jnp.float32)
        layers.append(lp)
    p['layers'] = layers
    return p


def setup_inputs(seed: int = 0):
    key = jax.random.key(seed)
    k1, k2, k3, k4 = jax.random.split(key, 4)
    h = jax.random.normal(k1, (N, IN_DIM), dtype=jnp.float32)
    e = jax.random.normal(k2, (E_NUM, IN_DIM_EDGE), dtype=jnp.float32)
    edge_index = jax.random.randint(k3, (2, E_NUM), 0, N)
    params = _make_params(k4)
    return {'h': h, 'e': e, 'edge_index': edge_index, 'params': params}


def _bn(x, g, b):
    mu = jnp.mean(x, axis=0, keepdims=True)
    var = jnp.var(x, axis=0, keepdims=True)
    return (x - mu) / jnp.sqrt(var + 1e-5) * g + b


def _gated_layer(h, e, src, dst, p):
    h_in, e_in = h, e
    Ah = h @ p['A_W'] + p['A_b']
    Bh = h @ p['B_W'] + p['B_b']
    Dh = h @ p['D_W'] + p['D_b']
    Eh = h @ p['E_W'] + p['E_b']
    Ce = e @ p['C_W'] + p['C_b']
    e_new = Ce + Dh[src] + Eh[dst]
    sigma = jax.nn.sigmoid(e_new)
    num = jax.ops.segment_sum(sigma * Bh[src], dst, num_segments=h.shape[0])
    den = jax.ops.segment_sum(sigma, dst, num_segments=h.shape[0])
    h_new = Ah + num / (den + 1e-6)
    h_new = _bn(h_new, p['bn_h_g'], p['bn_h_b'])
    e_out = _bn(e_new, p['bn_e_g'], p['bn_e_b'])
    h_new = jax.nn.relu(h_new)
    e_out = jax.nn.relu(e_out)
    h_new = h_in + h_new
    e_out = e_in + e_out
    return h_new, e_out


def reference(h, e, edge_index, params):
    src = edge_index[0]
    dst = edge_index[1]
    h = h @ params['emb_h_W'] + params['emb_h_b']
    e = e @ params['emb_e_W'] + params['emb_e_b']
    for lp in params['layers']:
        h, e = _gated_layer(h, e, src, dst, lp)
    return h

if __name__ == "__main__":
    import jax
    _d = setup_inputs()
    print(jax.jit(kernel)(*tuple(_d.values())))

</pallas_src>

<mosaic_0001>
#map = affine_map<(d0, d1) -> (0, 0)>
#map1 = affine_map<(d0, d1) -> (0)>
module attributes {stable_mosaic.version = 14 : i64} {
  func.func @_gather_sc_body(%arg0: i32, %arg1: i32, %arg2: memref<10000x128xi32, #tpu.memory_space<hbm>>, %arg3: memref<10000x128xf32, #tpu.memory_space<hbm>>, %arg4: memref<160000xi32, #tpu.memory_space<hbm>>, %arg5: memref<160000xi32, #tpu.memory_space<hbm>>, %arg6: memref<160000x128xi32, #tpu.memory_space<hbm>>, %arg7: memref<160000x128xf32, #tpu.memory_space<hbm>>, %arg8: memref<5000xi32, #tpu.memory_space<vmem>>, %arg9: memref<5000xi32, #tpu.memory_space<vmem>>, %arg10: memref<40x128xi32, #tpu.memory_space<vmem>>, %arg11: memref<40x128xi32, #tpu.memory_space<vmem>>, %arg12: memref<40x128xf32, #tpu.memory_space<vmem>>, %arg13: memref<40x128xf32, #tpu.memory_space<vmem>>, %arg14: memref<!tpu.dma_semaphore, #tpu.memory_space<semaphore_mem>>, %arg15: memref<!tpu.dma_semaphore, #tpu.memory_space<semaphore_mem>>, %arg16: memref<!tpu.dma_semaphore, #tpu.memory_space<semaphore_mem>>, %arg17: memref<!tpu.dma_semaphore, #tpu.memory_space<semaphore_mem>>, %arg18: memref<!tpu.dma_semaphore, #tpu.memory_space<semaphore_mem>>, %arg19: memref<!tpu.dma_semaphore, #tpu.memory_space<semaphore_mem>>, %arg20: memref<!tpu.dma_semaphore, #tpu.memory_space<semaphore_mem>>, %arg21: memref<!tpu.dma_semaphore, #tpu.memory_space<semaphore_mem>>, %arg22: memref<10000x128xi32, #tpu.memory_space<vmem_shared>>) attributes {dimension_semantics = [#tpu.dimension_semantics<core_parallel>, #tpu.dimension_semantics<subcore_parallel>], iteration_bounds = array<i64: 2, 16>, scalar_prefetch = 0 : i64, scratch_operands = 15 : i64, tpu.core_type = #tpu.core_type<sc_vector_subcore>, window_params = [{transform_indices = #map}, {transform_indices = #map}, {transform_indices = #map1}, {transform_indices = #map1}, {transform_indices = #map}, {transform_indices = #map}]} {
    %mul3A = arith.constant 2 : i32
    %mul3A_0 = arith.muli %arg1, %mul3A : i32
    %add3A = arith.addi %mul3A_0, %arg0 : i32
    %mul3A_1 = arith.constant 5000 : i32
    %mul3A_2 = arith.muli %add3A, %mul3A_1 : i32
    %eq3A = arith.constant 0 : i32
    %eq3A_3 = arith.cmpi eq, %arg1, %eq3A : i32
    %convert_element_type3A = arith.extui %eq3A_3 : i1 to i32
    %cond3A = arith.constant 0 : i32
    %cond3A_4 = arith.cmpi ne, %convert_element_type3A, %cond3A : i32
    scf.if %cond3A_4 {
      "tpu.region"() ({
        %run_scoped3A = tpu.sem_alloc : memref<!tpu.dma_semaphore, #tpu.memory_space<semaphore_mem>>
        tpu.enqueue_dma source(%arg2 : memref<10000x128xi32, #tpu.memory_space<hbm>>) target(%arg22 : memref<10000x128xi32, #tpu.memory_space<vmem_shared>>) target_semaphore(%run_scoped3A : memref<!tpu.dma_semaphore, #tpu.memory_space<semaphore_mem>>)
        tpu.wait_dma2 semaphore(%run_scoped3A : memref<!tpu.dma_semaphore, #tpu.memory_space<semaphore_mem>>) src(%arg2 : memref<10000x128xi32, #tpu.memory_space<hbm>>) dst(%arg22 : memref<10000x128xi32, #tpu.memory_space<vmem_shared>>)
        tpu.yield
      }) : () -> ()
    } else {
    }
    "tpu.region"() ({
      %run_scoped3A = tpu.sem_alloc : memref<!tpu.dma_semaphore, #tpu.memory_space<semaphore_mem>>
      %dma_start3A_63 = tpu.memref_slice %arg4[%mul3A_2] : memref<160000xi32, #tpu.memory_space<hbm>> -> memref<5000xi32, #tpu.memory_space<hbm>>
      %dma_start3A_64 = tpu.memref_slice %arg4[%mul3A_2] : memref<160000xi32, #tpu.memory_space<hbm>> -> memref<5000xi32, #tpu.memory_space<hbm>>
      tpu.enqueue_dma source(%dma_start3A_64 : memref<5000xi32, #tpu.memory_space<hbm>>) target(%arg8 : memref<5000xi32, #tpu.memory_space<vmem>>) target_semaphore(%run_scoped3A : memref<!tpu.dma_semaphore, #tpu.memory_space<semaphore_mem>>)
      %dma_wait3A_65 = tpu.memref_slice %arg4[%mul3A_2] : memref<160000xi32, #tpu.memory_space<hbm>> -> memref<5000xi32, #tpu.memory_space<hbm>>
      %dma_wait3A_66 = tpu.memref_slice %arg4[%mul3A_2] : memref<160000xi32, #tpu.memory_space<hbm>> -> memref<5000xi32, #tpu.memory_space<hbm>>
      tpu.wait_dma2 semaphore(%run_scoped3A : memref<!tpu.dma_semaphore, #tpu.memory_space<semaphore_mem>>) src(%dma_wait3A_66 : memref<5000xi32, #tpu.memory_space<hbm>>) dst(%arg8 : memref<5000xi32, #tpu.memory_space<vmem>>)
      tpu.yield
    }) : () -> ()
    "tpu.region"() ({
      %run_scoped3A = tpu.sem_alloc : memref<!tpu.dma_semaphore, #tpu.memory_space<semaphore_mem>>
      %dma_start3A_63 = tpu.memref_slice %arg5[%mul3A_2] : memref<160000xi32, #tpu.memory_space<hbm>> -> memref<5000xi32, #tpu.memory_space<hbm>>
      %dma_start3A_64 = tpu.memref_slice %arg5[%mul3A_2] : memref<160000xi32, #tpu.memory_space<hbm>> -> memref<5000xi32, #tpu.memory_space<hbm>>
      tpu.enqueue_dma source(%dma_start3A_64 : memref<5000xi32, #tpu.memory_space<hbm>>) target(%arg9 : memref<5000xi32, #tpu.memory_space<vmem>>) target_semaphore(%run_scoped3A : memref<!tpu.dma_semaphore, #tpu.memory_space<semaphore_mem>>)
      %dma_wait3A_65 = tpu.memref_slice %arg5[%mul3A_2] : memref<160000xi32, #tpu.memory_space<hbm>> -> memref<5000xi32, #tpu.memory_space<hbm>>
      %dma_wait3A_66 = tpu.memref_slice %arg5[%mul3A_2] : memref<160000xi32, #tpu.memory_space<hbm>> -> memref<5000xi32, #tpu.memory_space<hbm>>
      tpu.wait_dma2 semaphore(%run_scoped3A : memref<!tpu.dma_semaphore, #tpu.memory_space<semaphore_mem>>) src(%dma_wait3A_66 : memref<5000xi32, #tpu.memory_space<hbm>>) dst(%arg9 : memref<5000xi32, #tpu.memory_space<vmem>>)
      tpu.yield
    }) : () -> ()
    %barrier3A = arith.constant 0 : index
    tpu.barrier barrier_id(%barrier3A)
    %dma_start3A = arith.constant 0 : i32
    %dma_start3A_5 = tpu.memref_slice %arg8[%dma_start3A] : memref<5000xi32, #tpu.memory_space<vmem>> -> memref<40xi32, #tpu.memory_space<vmem>>
    %dma_start3A_6 = arith.constant 0 : i32
    %dma_start3A_7 = arith.constant 0 : i32
    %dma_start3A_8 = tpu.memref_slice %arg22[%dma_start3A_6, %dma_start3A_7] : memref<10000x128xi32, #tpu.memory_space<vmem_shared>> -> memref<10000x128xi32, #tpu.memory_space<vmem_shared>>
    tpu.enqueue_indirect_dma source(%dma_start3A_8 : memref<10000x128xi32, #tpu.memory_space<vmem_shared>>) target(%arg10 : memref<40x128xi32, #tpu.memory_space<vmem>>) offsets(%dma_start3A_5 : memref<40xi32, #tpu.memory_space<vmem>>) semaphore(%arg14 : memref<!tpu.dma_semaphore, #tpu.memory_space<semaphore_mem>>)
    %dma_start3A_9 = arith.constant 0 : i32
    %dma_start3A_10 = tpu.memref_slice %arg9[%dma_start3A_9] : memref<5000xi32, #tpu.memory_space<vmem>> -> memref<40xi32, #tpu.memory_space<vmem>>
    %dma_start3A_11 = arith.constant 0 : i32
    %dma_start3A_12 = arith.constant 0 : i32
    %dma_start3A_13 = tpu.memref_slice %arg3[%dma_start3A_11, %dma_start3A_12] : memref<10000x128xf32, #tpu.memory_space<hbm>> -> memref<10000x128xf32, #tpu.memory_space<hbm>>
    tpu.enqueue_indirect_dma source(%dma_start3A_13 : memref<10000x128xf32, #tpu.memory_space<hbm>>) target(%arg12 : memref<40x128xf32, #tpu.memory_space<vmem>>) offsets(%dma_start3A_10 : memref<40xi32, #tpu.memory_space<vmem>>) semaphore(%arg16 : memref<!tpu.dma_semaphore, #tpu.memory_space<semaphore_mem>>)
    %scan3A = arith.constant 0 : i32
    %scan3A_14 = arith.constant 0 : i32
    %scan3A_15 = arith.constant 62 : i32
    %scan3A_16 = arith.addi %scan3A_14, %scan3A_15 : i32
    %scan3A_17 = arith.constant 1 : i32
    %scan3A_18 = scf.for %scan3A_63 = %scan3A_14 to %scan3A_16 step %scan3A_17 iter_args(%scan3A_64 = %scan3A) -> (i32)  : i32 {
      %mul3A_65 = arith.constant 2 : i32
      %mul3A_66 = arith.muli %mul3A_65, %scan3A_63 : i32
      %add3A_67 = arith.constant 1 : i32
      %add3A_68 = arith.addi %add3A_67, %mul3A_66 : i32
      %ge3A = arith.constant 2 : i32
      %ge3A_69 = arith.cmpi sge, %add3A_68, %ge3A : i32
      %convert_element_type3A_70 = arith.extui %ge3A_69 : i1 to i32
      %cond3A_71 = arith.constant 0 : i32
      %cond3A_72 = arith.cmpi ne, %convert_element_type3A_70, %cond3A_71 : i32
      scf.if %cond3A_72 {
        %dma_wait3A_113 = arith.constant 0 : i32
        %dma_wait3A_114 = arith.constant 0 : i32
        %dma_wait3A_115 = tpu.memref_slice %arg6[%dma_wait3A_113, %dma_wait3A_114] : memref<160000x128xi32, #tpu.memory_space<hbm>> -> memref<40x128xi32, #tpu.memory_space<hbm>>
        %dma_wait3A_116 = arith.constant 0 : i32
        %dma_wait3A_117 = arith.constant 0 : i32
        %dma_wait3A_118 = tpu.memref_slice %arg6[%dma_wait3A_116, %dma_wait3A_117] : memref<160000x128xi32, #tpu.memory_space<hbm>> -> memref<40x128xi32, #tpu.memory_space<hbm>>
        tpu.wait_dma2 semaphore(%arg19 : memref<!tpu.dma_semaphore, #tpu.memory_space<semaphore_mem>>) src(%arg11 : memref<40x128xi32, #tpu.memory_space<vmem>>) dst(%dma_wait3A_118 : memref<40x128xi32, #tpu.memory_space<hbm>>)
        %dma_wait3A_119 = arith.constant 0 : i32
        %dma_wait3A_120 = arith.constant 0 : i32
        %dma_wait3A_121 = tpu.memref_slice %arg7[%dma_wait3A_119, %dma_wait3A_120] : memref<160000x128xf32, #tpu.memory_space<hbm>> -> memref<40x128xf32, #tpu.memory_space<hbm>>
        %dma_wait3A_122 = arith.constant 0 : i32
        %dma_wait3A_123 = arith.constant 0 : i32
        %dma_wait3A_124 = tpu.memref_slice %arg7[%dma_wait3A_122, %dma_wait3A_123] : memref<160000x128xf32, #tpu.memory_space<hbm>> -> memref<40x128xf32, #tpu.memory_space<hbm>>
        tpu.wait_dma2 semaphore(%arg21 : memref<!tpu.dma_semaphore, #tpu.memory_space<semaphore_mem>>) src(%arg13 : memref<40x128xf32, #tpu.memory_space<vmem>>) dst(%dma_wait3A_124 : memref<40x128xf32, #tpu.memory_space<hbm>>)
      } else {
      }
      %mul3A_73 = arith.constant 40 : i32
      %mul3A_74 = arith.muli %add3A_68, %mul3A_73 : i32
      %dma_start3A_75 = tpu.memref_slice %arg8[%mul3A_74] : memref<5000xi32, #tpu.memory_space<vmem>> -> memref<40xi32, #tpu.memory_space<vmem>>
      %dma_start3A_76 = arith.constant 0 : i32
      %dma_start3A_77 = arith.constant 0 : i32
      %dma_start3A_78 = tpu.memref_slice %arg22[%dma_start3A_76, %dma_start3A_77] : memref<10000x128xi32, #tpu.memory_space<vmem_shared>> -> memref<10000x128xi32, #tpu.memory_space<vmem_shared>>
      tpu.enqueue_indirect_dma source(%dma_start3A_78 : memref<10000x128xi32, #tpu.memory_space<vmem_shared>>) target(%arg11 : memref<40x128xi32, #tpu.memory_space<vmem>>) offsets(%dma_start3A_75 : memref<40xi32, #tpu.memory_space<vmem>>) semaphore(%arg15 : memref<!tpu.dma_semaphore, #tpu.memory_space<semaphore_mem>>)
      %dma_start3A_79 = tpu.memref_slice %arg9[%mul3A_74] : memref<5000xi32, #tpu.memory_space<vmem>> -> memref<40xi32, #tpu.memory_space<vmem>>
      %dma_start3A_80 = arith.constant 0 : i32
      %dma_start3A_81 = arith.constant 0 : i32
      %dma_start3A_82 = tpu.memref_slice %arg3[%dma_start3A_80, %dma_start3A_81] : memref<10000x128xf32, #tpu.memory_space<hbm>> -> memref<10000x128xf32, #tpu.memory_space<hbm>>
      tpu.enqueue_indirect_dma source(%dma_start3A_82 : memref<10000x128xf32, #tpu.memory_space<hbm>>) target(%arg13 : memref<40x128xf32, #tpu.memory_space<vmem>>) offsets(%dma_start3A_79 : memref<40xi32, #tpu.memory_space<vmem>>) semaphore(%arg17 : memref<!tpu.dma_semaphore, #tpu.memory_space<semaphore_mem>>)
      %ge3A_83 = arith.constant 1 : i32
      %ge3A_84 = arith.cmpi sge, %add3A_68, %ge3A_83 : i32
      %convert_element_type3A_85 = arith.extui %ge3A_84 : i1 to i32
      %cond3A_86 = arith.constant 0 : i32
      %cond3A_87 = arith.cmpi ne, %convert_element_type3A_85, %cond3A_86 : i32
      scf.if %cond3A_87 {
        %dma_wait3A_113 = arith.constant 0 : i32
        %dma_wait3A_114 = tpu.memref_slice %arg8[%dma_wait3A_113] : memref<5000xi32, #tpu.memory_space<vmem>> -> memref<40xi32, #tpu.memory_space<vmem>>
        %dma_wait3A_115 = arith.constant 0 : i32
        %dma_wait3A_116 = arith.constant 0 : i32
        %dma_wait3A_117 = tpu.memref_slice %arg22[%dma_wait3A_115, %dma_wait3A_116] : memref<10000x128xi32, #tpu.memory_space<vmem_shared>> -> memref<10000x128xi32, #tpu.memory_space<vmem_shared>>
        tpu.wait_indirect_dma semaphore(%arg14 : memref<!tpu.dma_semaphore, #tpu.memory_space<semaphore_mem>>) src(%dma_wait3A_117 : memref<10000x128xi32, #tpu.memory_space<vmem_shared>>) dst(%arg10 : memref<40x128xi32, #tpu.memory_space<vmem>>)
        %dma_wait3A_118 = arith.constant 0 : i32
        %dma_wait3A_119 = tpu.memref_slice %arg9[%dma_wait3A_118] : memref<5000xi32, #tpu.memory_space<vmem>> -> memref<40xi32, #tpu.memory_space<vmem>>
        %dma_wait3A_120 = arith.constant 0 : i32
        %dma_wait3A_121 = arith.constant 0 : i32
        %dma_wait3A_122 = tpu.memref_slice %arg3[%dma_wait3A_120, %dma_wait3A_121] : memref<10000x128xf32, #tpu.memory_space<hbm>> -> memref<10000x128xf32, #tpu.memory_space<hbm>>
        tpu.wait_indirect_dma semaphore(%arg16 : memref<!tpu.dma_semaphore, #tpu.memory_space<semaphore_mem>>) src(%dma_wait3A_122 : memref<10000x128xf32, #tpu.memory_space<hbm>>) dst(%arg12 : memref<40x128xf32, #tpu.memory_space<vmem>>)
        %sub3A = arith.constant 1 : i32
        %sub3A_123 = arith.subi %add3A_68, %sub3A : i32
        %mul3A_124 = arith.constant 40 : i32
        %mul3A_125 = arith.muli %sub3A_123, %mul3A_124 : i32
        %add3A_126 = arith.addi %mul3A_2, %mul3A_125 : i32
        %dma_start3A_127 = arith.constant 0 : i32
        %dma_start3A_128 = tpu.memref_slice %arg6[%add3A_126, %dma_start3A_127] : memref<160000x128xi32, #tpu.memory_space<hbm>> -> memref<40x128xi32, #tpu.memory_space<hbm>>
        %dma_start3A_129 = arith.constant 0 : i32
        %dma_start3A_130 = tpu.memref_slice %arg6[%add3A_126, %dma_start3A_129] : memref<160000x128xi32, #tpu.memory_space<hbm>> -> memref<40x128xi32, #tpu.memory_space<hbm>>
        tpu.enqueue_dma source(%arg10 : memref<40x128xi32, #tpu.memory_space<vmem>>) target(%dma_start3A_130 : memref<40x128xi32, #tpu.memory_space<hbm>>) target_semaphore(%arg18 : memref<!tpu.dma_semaphore, #tpu.memory_space<semaphore_mem>>)
        %dma_start3A_131 = arith.constant 0 : i32
        %dma_start3A_132 = tpu.memref_slice %arg7[%add3A_126, %dma_start3A_131] : memref<160000x128xf32, #tpu.memory_space<hbm>> -> memref<40x128xf32, #tpu.memory_space<hbm>>
        %dma_start3A_133 = arith.constant 0 : i32
        %dma_start3A_134 = tpu.memref_slice %arg7[%add3A_126, %dma_start3A_133] : memref<160000x128xf32, #tpu.memory_space<hbm>> -> memref<40x128xf32, #tpu.memory_space<hbm>>
        tpu.enqueue_dma source(%arg12 : memref<40x128xf32, #tpu.memory_space<vmem>>) target(%dma_start3A_134 : memref<40x128xf32, #tpu.memory_space<hbm>>) target_semaphore(%arg20 : memref<!tpu.dma_semaphore, #tpu.memory_space<semaphore_mem>>)
      } else {
      }
      %mul3A_88 = arith.constant 2 : i32
      %mul3A_89 = arith.muli %mul3A_88, %scan3A_63 : i32
      %add3A_90 = arith.constant 2 : i32
      %add3A_91 = arith.addi %add3A_90, %mul3A_89 : i32
      %ge3A_92 = arith.constant 2 : i32
      %ge3A_93 = arith.cmpi sge, %add3A_91, %ge3A_92 : i32
      %convert_element_type3A_94 = arith.extui %ge3A_93 : i1 to i32
      %cond3A_95 = arith.constant 0 : i32
      %cond3A_96 = arith.cmpi ne, %convert_element_type3A_94, %cond3A_95 : i32
      scf.if %cond3A_96 {
        %dma_wait3A_113 = arith.constant 0 : i32
        %dma_wait3A_114 = arith.constant 0 : i32
        %dma_wait3A_115 = tpu.memref_slice %arg6[%dma_wait3A_113, %dma_wait3A_114] : memref<160000x128xi32, #tpu.memory_space<hbm>> -> memref<40x128xi32, #tpu.memory_space<hbm>>
        %dma_wait3A_116 = arith.constant 0 : i32
        %dma_wait3A_117 = arith.constant 0 : i32
        %dma_wait3A_118 = tpu.memref_slice %arg6[%dma_wait3A_116, %dma_wait3A_117] : memref<160000x128xi32, #tpu.memory_space<hbm>> -> memref<40x128xi32, #tpu.memory_space<hbm>>
        tpu.wait_dma2 semaphore(%arg18 : memref<!tpu.dma_semaphore, #tpu.memory_space<semaphore_mem>>) src(%arg10 : memref<40x128xi32, #tpu.memory_space<vmem>>) dst(%dma_wait3A_118 : memref<40x128xi32, #tpu.memory_space<hbm>>)
        %dma_wait3A_119 = arith.constant 0 : i32
        %dma_wait3A_120 = arith.constant 0 : i32
        %dma_wait3A_121 = tpu.memref_slice %arg7[%dma_wait3A_119, %dma_wait3A_120] : memref<160000x128xf32, #tpu.memory_space<hbm>> -> memref<40x128xf32, #tpu.memory_space<hbm>>
        %dma_wait3A_122 = arith.constant 0 : i32
        %dma_wait3A_123 = arith.constant 0 : i32
        %dma_wait3A_124 = tpu.memref_slice %arg7[%dma_wait3A_122, %dma_wait3A_123] : memref<160000x128xf32, #tpu.memory_space<hbm>> -> memref<40x128xf32, #tpu.memory_space<hbm>>
        tpu.wait_dma2 semaphore(%arg20 : memref<!tpu.dma_semaphore, #tpu.memory_space<semaphore_mem>>) src(%arg12 : memref<40x128xf32, #tpu.memory_space<vmem>>) dst(%dma_wait3A_124 : memref<40x128xf32, #tpu.memory_space<hbm>>)
      } else {
      }
      %mul3A_97 = arith.constant 40 : i32
      %mul3A_98 = arith.muli %add3A_91, %mul3A_97 : i32
      %dma_start3A_99 = tpu.memref_slice %arg8[%mul3A_98] : memref<5000xi32, #tpu.memory_space<vmem>> -> memref<40xi32, #tpu.memory_space<vmem>>
      %dma_start3A_100 = arith.constant 0 : i32
      %dma_start3A_101 = arith.constant 0 : i32
      %dma_start3A_102 = tpu.memref_slice %arg22[%dma_start3A_100, %dma_start3A_101] : memref<10000x128xi32, #tpu.memory_space<vmem_shared>> -> memref<10000x128xi32, #tpu.memory_space<vmem_shared>>
      tpu.enqueue_indirect_dma source(%dma_start3A_102 : memref<10000x128xi32, #tpu.memory_space<vmem_shared>>) target(%arg10 : memref<40x128xi32, #tpu.memory_space<vmem>>) offsets(%dma_start3A_99 : memref<40xi32, #tpu.memory_space<vmem>>) semaphore(%arg14 : memref<!tpu.dma_semaphore, #tpu.memory_space<semaphore_mem>>)
      %dma_start3A_103 = tpu.memref_slice %arg9[%mul3A_98] : memref<5000xi32, #tpu.memory_space<vmem>> -> memref<40xi32, #tpu.memory_space<vmem>>
      %dma_start3A_104 = arith.constant 0 : i32
      %dma_start3A_105 = arith.constant 0 : i32
      %dma_start3A_106 = tpu.memref_slice %arg3[%dma_start3A_104, %dma_start3A_105] : memref<10000x128xf32, #tpu.memory_space<hbm>> -> memref<10000x128xf32, #tpu.memory_space<hbm>>
      tpu.enqueue_indirect_dma source(%dma_start3A_106 : memref<10000x128xf32, #tpu.memory_space<hbm>>) target(%arg12 : memref<40x128xf32, #tpu.memory_space<vmem>>) offsets(%dma_start3A_103 : memref<40xi32, #tpu.memory_space<vmem>>) semaphore(%arg16 : memref<!tpu.dma_semaphore, #tpu.memory_space<semaphore_mem>>)
      %ge3A_107 = arith.constant 1 : i32
      %ge3A_108 = arith.cmpi sge, %add3A_91, %ge3A_107 : i32
      %convert_element_type3A_109 = arith.extui %ge3A_108 : i1 to i32
      %cond3A_110 = arith.constant 0 : i32
      %cond3A_111 = arith.cmpi ne, %convert_element_type3A_109, %cond3A_110 : i32
      scf.if %cond3A_111 {
        %dma_wait3A_113 = arith.constant 0 : i32
        %dma_wait3A_114 = tpu.memref_slice %arg8[%dma_wait3A_113] : memref<5000xi32, #tpu.memory_space<vmem>> -> memref<40xi32, #tpu.memory_space<vmem>>
        %dma_wait3A_115 = arith.constant 0 : i32
        %dma_wait3A_116 = arith.constant 0 : i32
        %dma_wait3A_117 = tpu.memref_slice %arg22[%dma_wait3A_115, %dma_wait3A_116] : memref<10000x128xi32, #tpu.memory_space<vmem_shared>> -> memref<10000x128xi32, #tpu.memory_space<vmem_shared>>
        tpu.wait_indirect_dma semaphore(%arg15 : memref<!tpu.dma_semaphore, #tpu.memory_space<semaphore_mem>>) src(%dma_wait3A_117 : memref<10000x128xi32, #tpu.memory_space<vmem_shared>>) dst(%arg11 : memref<40x128xi32, #tpu.memory_space<vmem>>)
        %dma_wait3A_118 = arith.constant 0 : i32
        %dma_wait3A_119 = tpu.memref_slice %arg9[%dma_wait3A_118] : memref<5000xi32, #tpu.memory_space<vmem>> -> memref<40xi32, #tpu.memory_space<vmem>>
        %dma_wait3A_120 = arith.constant 0 : i32
        %dma_wait3A_121 = arith.constant 0 : i32
        %dma_wait3A_122 = tpu.memref_slice %arg3[%dma_wait3A_120, %dma_wait3A_121] : memref<10000x128xf32, #tpu.memory_space<hbm>> -> memref<10000x128xf32, #tpu.memory_space<hbm>>
        tpu.wait_indirect_dma semaphore(%arg17 : memref<!tpu.dma_semaphore, #tpu.memory_space<semaphore_mem>>) src(%dma_wait3A_122 : memref<10000x128xf32, #tpu.memory_space<hbm>>) dst(%arg13 : memref<40x128xf32, #tpu.memory_space<vmem>>)
        %sub3A = arith.constant 1 : i32
        %sub3A_123 = arith.subi %add3A_91, %sub3A : i32
        %mul3A_124 = arith.constant 40 : i32
        %mul3A_125 = arith.muli %sub3A_123, %mul3A_124 : i32
        %add3A_126 = arith.addi %mul3A_2, %mul3A_125 : i32
        %dma_start3A_127 = arith.constant 0 : i32
        %dma_start3A_128 = tpu.memref_slice %arg6[%add3A_126, %dma_start3A_127] : memref<160000x128xi32, #tpu.memory_space<hbm>> -> memref<40x128xi32, #tpu.memory_space<hbm>>
        %dma_start3A_129 = arith.constant 0 : i32
        %dma_start3A_130 = tpu.memref_slice %arg6[%add3A_126, %dma_start3A_129] : memref<160000x128xi32, #tpu.memory_space<hbm>> -> memref<40x128xi32, #tpu.memory_space<hbm>>
        tpu.enqueue_dma source(%arg11 : memref<40x128xi32, #tpu.memory_space<vmem>>) target(%dma_start3A_130 : memref<40x128xi32, #tpu.memory_space<hbm>>) target_semaphore(%arg19 : memref<!tpu.dma_semaphore, #tpu.memory_space<semaphore_mem>>)
        %dma_start3A_131 = arith.constant 0 : i32
        %dma_start3A_132 = tpu.memref_slice %arg7[%add3A_126, %dma_start3A_131] : memref<160000x128xf32, #tpu.memory_space<hbm>> -> memref<40x128xf32, #tpu.memory_space<hbm>>
        %dma_start3A_133 = arith.constant 0 : i32
        %dma_start3A_134 = tpu.memref_slice %arg7[%add3A_126, %dma_start3A_133] : memref<160000x128xf32, #tpu.memory_space<hbm>> -> memref<40x128xf32, #tpu.memory_space<hbm>>
        tpu.enqueue_dma source(%arg13 : memref<40x128xf32, #tpu.memory_space<vmem>>) target(%dma_start3A_134 : memref<40x128xf32, #tpu.memory_space<hbm>>) target_semaphore(%arg21 : memref<!tpu.dma_semaphore, #tpu.memory_space<semaphore_mem>>)
      } else {
      }
      %scan3A_112 = arith.constant 0 : i32
      scf.yield %scan3A_112 : i32
    }
    %scan3A_19 = arith.constant 62 : i32
    %dma_wait3A = arith.constant 0 : i32
    %dma_wait3A_20 = tpu.memref_slice %arg8[%dma_wait3A] : memref<5000xi32, #tpu.memory_space<vmem>> -> memref<40xi32, #tpu.memory_space<vmem>>
    %dma_wait3A_21 = arith.constant 0 : i32
    %dma_wait3A_22 = arith.constant 0 : i32
    %dma_wait3A_23 = tpu.memref_slice %arg22[%dma_wait3A_21, %dma_wait3A_22] : memref<10000x128xi32, #tpu.memory_space<vmem_shared>> -> memref<10000x128xi32, #tpu.memory_space<vmem_shared>>
    tpu.wait_indirect_dma semaphore(%arg14 : memref<!tpu.dma_semaphore, #tpu.memory_space<semaphore_mem>>) src(%dma_wait3A_23 : memref<10000x128xi32, #tpu.memory_space<vmem_shared>>) dst(%arg10 : memref<40x128xi32, #tpu.memory_space<vmem>>)
    %dma_wait3A_24 = arith.constant 0 : i32
    %dma_wait3A_25 = tpu.memref_slice %arg9[%dma_wait3A_24] : memref<5000xi32, #tpu.memory_space<vmem>> -> memref<40xi32, #tpu.memory_space<vmem>>
    %dma_wait3A_26 = arith.constant 0 : i32
    %dma_wait3A_27 = arith.constant 0 : i32
    %dma_wait3A_28 = tpu.memref_slice %arg3[%dma_wait3A_26, %dma_wait3A_27] : memref<10000x128xf32, #tpu.memory_space<hbm>> -> memref<10000x128xf32, #tpu.memory_space<hbm>>
    tpu.wait_indirect_dma semaphore(%arg16 : memref<!tpu.dma_semaphore, #tpu.memory_space<semaphore_mem>>) src(%dma_wait3A_28 : memref<10000x128xf32, #tpu.memory_space<hbm>>) dst(%arg12 : memref<40x128xf32, #tpu.memory_space<vmem>>)
    %add3A_29 = arith.constant 4960 : i32
    %add3A_30 = arith.addi %mul3A_2, %add3A_29 : i32
    %dma_start3A_31 = arith.constant 0 : i32
    %dma_start3A_32 = tpu.memref_slice %arg6[%add3A_30, %dma_start3A_31] : memref<160000x128xi32, #tpu.memory_space<hbm>> -> memref<40x128xi32, #tpu.memory_space<hbm>>
    %dma_start3A_33 = arith.constant 0 : i32
    %dma_start3A_34 = tpu.memref_slice %arg6[%add3A_30, %dma_start3A_33] : memref<160000x128xi32, #tpu.memory_space<hbm>> -> memref<40x128xi32, #tpu.memory_space<hbm>>
    tpu.enqueue_dma source(%arg10 : memref<40x128xi32, #tpu.memory_space<vmem>>) target(%dma_start3A_34 : memref<40x128xi32, #tpu.memory_space<hbm>>) target_semaphore(%arg18 : memref<!tpu.dma_semaphore, #tpu.memory_space<semaphore_mem>>)
    %dma_start3A_35 = arith.constant 0 : i32
    %dma_start3A_36 = tpu.memref_slice %arg7[%add3A_30, %dma_start3A_35] : memref<160000x128xf32, #tpu.memory_space<hbm>> -> memref<40x128xf32, #tpu.memory_space<hbm>>
    %dma_start3A_37 = arith.constant 0 : i32
    %dma_start3A_38 = tpu.memref_slice %arg7[%add3A_30, %dma_start3A_37] : memref<160000x128xf32, #tpu.memory_space<hbm>> -> memref<40x128xf32, #tpu.memory_space<hbm>>
    tpu.enqueue_dma source(%arg12 : memref<40x128xf32, #tpu.memory_space<vmem>>) target(%dma_start3A_38 : memref<40x128xf32, #tpu.memory_space<hbm>>) target_semaphore(%arg20 : memref<!tpu.dma_semaphore, #tpu.memory_space<semaphore_mem>>)
    %dma_wait3A_39 = arith.constant 0 : i32
    %dma_wait3A_40 = arith.constant 0 : i32
    %dma_wait3A_41 = tpu.memref_slice %arg6[%dma_wait3A_39, %dma_wait3A_40] : memref<160000x128xi32, #tpu.memory_space<hbm>> -> memref<40x128xi32, #tpu.memory_space<hbm>>
    %dma_wait3A_42 = arith.constant 0 : i32
    %dma_wait3A_43 = arith.constant 0 : i32
    %dma_wait3A_44 = tpu.memref_slice %arg6[%dma_wait3A_42, %dma_wait3A_43] : memref<160000x128xi32, #tpu.memory_space<hbm>> -> memref<40x128xi32, #tpu.memory_space<hbm>>
    tpu.wait_dma2 semaphore(%arg19 : memref<!tpu.dma_semaphore, #tpu.memory_space<semaphore_mem>>) src(%arg11 : memref<40x128xi32, #tpu.memory_space<vmem>>) dst(%dma_wait3A_44 : memref<40x128xi32, #tpu.memory_space<hbm>>)
    %dma_wait3A_45 = arith.constant 0 : i32
    %dma_wait3A_46 = arith.constant 0 : i32
    %dma_wait3A_47 = tpu.memref_slice %arg7[%dma_wait3A_45, %dma_wait3A_46] : memref<160000x128xf32, #tpu.memory_space<hbm>> -> memref<40x128xf32, #tpu.memory_space<hbm>>
    %dma_wait3A_48 = arith.constant 0 : i32
    %dma_wait3A_49 = arith.constant 0 : i32
    %dma_wait3A_50 = tpu.memref_slice %arg7[%dma_wait3A_48, %dma_wait3A_49] : memref<160000x128xf32, #tpu.memory_space<hbm>> -> memref<40x128xf32, #tpu.memory_space<hbm>>
    tpu.wait_dma2 semaphore(%arg21 : memref<!tpu.dma_semaphore, #tpu.memory_space<semaphore_mem>>) src(%arg13 : memref<40x128xf32, #tpu.memory_space<vmem>>) dst(%dma_wait3A_50 : memref<40x128xf32, #tpu.memory_space<hbm>>)
    %dma_wait3A_51 = arith.constant 0 : i32
    %dma_wait3A_52 = arith.constant 0 : i32
    %dma_wait3A_53 = tpu.memref_slice %arg6[%dma_wait3A_51, %dma_wait3A_52] : memref<160000x128xi32, #tpu.memory_space<hbm>> -> memref<40x128xi32, #tpu.memory_space<hbm>>
    %dma_wait3A_54 = arith.constant 0 : i32
    %dma_wait3A_55 = arith.constant 0 : i32
    %dma_wait3A_56 = tpu.memref_slice %arg6[%dma_wait3A_54, %dma_wait3A_55] : memref<160000x128xi32, #tpu.memory_space<hbm>> -> memref<40x128xi32, #tpu.memory_space<hbm>>
    tpu.wait_dma2 semaphore(%arg18 : memref<!tpu.dma_semaphore, #tpu.memory_space<semaphore_mem>>) src(%arg10 : memref<40x128xi32, #tpu.memory_space<vmem>>) dst(%dma_wait3A_56 : memref<40x128xi32, #tpu.memory_space<hbm>>)
    %dma_wait3A_57 = arith.constant 0 : i32
    %dma_wait3A_58 = arith.constant 0 : i32
    %dma_wait3A_59 = tpu.memref_slice %arg7[%dma_wait3A_57, %dma_wait3A_58] : memref<160000x128xf32, #tpu.memory_space<hbm>> -> memref<40x128xf32, #tpu.memory_space<hbm>>
    %dma_wait3A_60 = arith.constant 0 : i32
    %dma_wait3A_61 = arith.constant 0 : i32
    %dma_wait3A_62 = tpu.memref_slice %arg7[%dma_wait3A_60, %dma_wait3A_61] : memref<160000x128xf32, #tpu.memory_space<hbm>> -> memref<40x128xf32, #tpu.memory_space<hbm>>
    tpu.wait_dma2 semaphore(%arg20 : memref<!tpu.dma_semaphore, #tpu.memory_space<semaphore_mem>>) src(%arg12 : memref<40x128xf32, #tpu.memory_space<vmem>>) dst(%dma_wait3A_62 : memref<40x128xf32, #tpu.memory_space<hbm>>)
    return
  }
}

#map = affine_map<(d0, d1) -> (0, 0)>
#map1 = affine_map<(d0, d1) -> (0)>
module attributes {stable_mosaic.version = 14 : i64} {
  func.func @_gather_sc_body(%arg0: i32, %arg1: i32, %arg2: memref<10000x128xi32, #tpu.memory_space<hbm>>, %arg3: memref<10000x128xf32, #tpu.memory_space<hbm>>, %arg4: memref<160000xi32, #tpu.memory_space<hbm>>, %arg5: memref<160000xi32, #tpu.memory_space<hbm>>, %arg6: memref<160000x128xi32, #tpu.memory_space<hbm>>, %arg7: memref<160000x128xf32, #tpu.memory_space<hbm>>, %arg8: memref<5000xi32, #tpu.memory_space<vmem>>, %arg9: memref<5000xi32, #tpu.memory_space<vmem>>, %arg10: memref<40x128xi32, #tpu.memory_space<vmem>>, %arg11: memref<40x128xi32, #tpu.memory_space<vmem>>, %arg12: memref<40x128xf32, #tpu.memory_space<vmem>>, %arg13: memref<40x128xf32, #tpu.memory_space<vmem>>, %arg14: memref<!tpu.dma_semaphore, #tpu.memory_space<semaphore_mem>>, %arg15: memref<!tpu.dma_semaphore, #tpu.memory_space<semaphore_mem>>, %arg16: memref<!tpu.dma_semaphore, #tpu.memory_space<semaphore_mem>>, %arg17: memref<!tpu.dma_semaphore, #tpu.memory_space<semaphore_mem>>, %arg18: memref<!tpu.dma_semaphore, #tpu.memory_space<semaphore_mem>>, %arg19: memref<!tpu.dma_semaphore, #tpu.memory_space<semaphore_mem>>, %arg20: memref<!tpu.dma_semaphore, #tpu.memory_space<semaphore_mem>>, %arg21: memref<!tpu.dma_semaphore, #tpu.memory_space<semaphore_mem>>, %arg22: memref<10000x128xi32, #tpu.memory_space<vmem_shared>>) attributes {dimension_semantics = [#tpu.dimension_semantics<core_parallel>, #tpu.dimension_semantics<subcore_parallel>], iteration_bounds = array<i64: 2, 16>, scalar_prefetch = 0 : i64, scratch_operands = 15 : i64, tpu.core_type = #tpu.core_type<sc_vector_subcore>, window_params = [{transform_indices = #map}, {transform_indices = #map}, {transform_indices = #map1}, {transform_indices = #map1}, {transform_indices = #map}, {transform_indices = #map}]} {
    %mul3A = arith.constant 2 : i32
    %mul3A_0 = arith.muli %arg1, %mul3A : i32
    %add3A = arith.addi %mul3A_0, %arg0 : i32
    %mul3A_1 = arith.constant 5000 : i32
    %mul3A_2 = arith.muli %add3A, %mul3A_1 : i32
    %eq3A = arith.constant 0 : i32
    %eq3A_3 = arith.cmpi eq, %arg1, %eq3A : i32
    %convert_element_type3A = arith.extui %eq3A_3 : i1 to i32
    %cond3A = arith.constant 0 : i32
    %cond3A_4 = arith.cmpi ne, %convert_element_type3A, %cond3A : i32
    scf.if %cond3A_4 {
      "tpu.region"() ({
        %run_scoped3A = tpu.sem_alloc : memref<!tpu.dma_semaphore, #tpu.memory_space<semaphore_mem>>
        tpu.enqueue_dma source(%arg2 : memref<10000x128xi32, #tpu.memory_space<hbm>>) target(%arg22 : memref<10000x128xi32, #tpu.memory_space<vmem_shared>>) target_semaphore(%run_scoped3A : memref<!tpu.dma_semaphore, #tpu.memory_space<semaphore_mem>>)
        tpu.wait_dma2 semaphore(%run_scoped3A : memref<!tpu.dma_semaphore, #tpu.memory_space<semaphore_mem>>) src(%arg2 : memref<10000x128xi32, #tpu.memory_space<hbm>>) dst(%arg22 : memref<10000x128xi32, #tpu.memory_space<vmem_shared>>)
        tpu.yield
      }) : () -> ()
    } else {
    }
    "tpu.region"() ({
      %run_scoped3A = tpu.sem_alloc : memref<!tpu.dma_semaphore, #tpu.memory_space<semaphore_mem>>
      %dma_start3A_63 = tpu.memref_slice %arg4[%mul3A_2] : memref<160000xi32, #tpu.memory_space<hbm>> -> memref<5000xi32, #tpu.memory_space<hbm>>
      %dma_start3A_64 = tpu.memref_slice %arg4[%mul3A_2] : memref<160000xi32, #tpu.memory_space<hbm>> -> memref<5000xi32, #tpu.memory_space<hbm>>
      tpu.enqueue_dma source(%dma_start3A_64 : memref<5000xi32, #tpu.memory_space<hbm>>) target(%arg8 : memref<5000xi32, #tpu.memory_space<vmem>>) target_semaphore(%run_scoped3A : memref<!tpu.dma_semaphore, #tpu.memory_space<semaphore_mem>>)
      %dma_wait3A_65 = tpu.memref_slice %arg4[%mul3A_2] : memref<160000xi32, #tpu.memory_space<hbm>> -> memref<5000xi32, #tpu.memory_space<hbm>>
      %dma_wait3A_66 = tpu.memref_slice %arg4[%mul3A_2] : memref<160000xi32, #tpu.memory_space<hbm>> -> memref<5000xi32, #tpu.memory_space<hbm>>
      tpu.wait_dma2 semaphore(%run_scoped3A : memref<!tpu.dma_semaphore, #tpu.memory_space<semaphore_mem>>) src(%dma_wait3A_66 : memref<5000xi32, #tpu.memory_space<hbm>>) dst(%arg8 : memref<5000xi32, #tpu.memory_space<vmem>>)
      tpu.yield
    }) : () -> ()
    "tpu.region"() ({
      %run_scoped3A = tpu.sem_alloc : memref<!tpu.dma_semaphore, #tpu.memory_space<semaphore_mem>>
      %dma_start3A_63 = tpu.memref_slice %arg5[%mul3A_2] : memref<160000xi32, #tpu.memory_space<hbm>> -> memref<5000xi32, #tpu.memory_space<hbm>>
      %dma_start3A_64 = tpu.memref_slice %arg5[%mul3A_2] : memref<160000xi32, #tpu.memory_space<hbm>> -> memref<5000xi32, #tpu.memory_space<hbm>>
      tpu.enqueue_dma source(%dma_start3A_64 : memref<5000xi32, #tpu.memory_space<hbm>>) target(%arg9 : memref<5000xi32, #tpu.memory_space<vmem>>) target_semaphore(%run_scoped3A : memref<!tpu.dma_semaphore, #tpu.memory_space<semaphore_mem>>)
      %dma_wait3A_65 = tpu.memref_slice %arg5[%mul3A_2] : memref<160000xi32, #tpu.memory_space<hbm>> -> memref<5000xi32, #tpu.memory_space<hbm>>
      %dma_wait3A_66 = tpu.memref_slice %arg5[%mul3A_2] : memref<160000xi32, #tpu.memory_space<hbm>> -> memref<5000xi32, #tpu.memory_space<hbm>>
      tpu.wait_dma2 semaphore(%run_scoped3A : memref<!tpu.dma_semaphore, #tpu.memory_space<semaphore_mem>>) src(%dma_wait3A_66 : memref<5000xi32, #tpu.memory_space<hbm>>) dst(%arg9 : memref<5000xi32, #tpu.memory_space<vmem>>)
      tpu.yield
    }) : () -> ()
    %barrier3A = arith.constant 0 : index
    tpu.barrier barrier_id(%barrier3A)
    %dma_start3A = arith.constant 0 : i32
    %dma_start3A_5 = tpu.memref_slice %arg8[%dma_start3A] : memref<5000xi32, #tpu.memory_space<vmem>> -> memref<40xi32, #tpu.memory_space<vmem>>
    %dma_start3A_6 = arith.constant 0 : i32
    %dma_start3A_7 = arith.constant 0 : i32
    %dma_start3A_8 = tpu.memref_slice %arg22[%dma_start3A_6, %dma_start3A_7] : memref<10000x128xi32, #tpu.memory_space<vmem_shared>> -> memref<10000x128xi32, #tpu.memory_space<vmem_shared>>
    tpu.enqueue_indirect_dma source(%dma_start3A_8 : memref<10000x128xi32, #tpu.memory_space<vmem_shared>>) target(%arg10 : memref<40x128xi32, #tpu.memory_space<vmem>>) offsets(%dma_start3A_5 : memref<40xi32, #tpu.memory_space<vmem>>) semaphore(%arg14 : memref<!tpu.dma_semaphore, #tpu.memory_space<semaphore_mem>>)
    %dma_start3A_9 = arith.constant 0 : i32
    %dma_start3A_10 = tpu.memref_slice %arg9[%dma_start3A_9] : memref<5000xi32, #tpu.memory_space<vmem>> -> memref<40xi32, #tpu.memory_space<vmem>>
    %dma_start3A_11 = arith.constant 0 : i32
    %dma_start3A_12 = arith.constant 0 : i32
    %dma_start3A_13 = tpu.memref_slice %arg3[%dma_start3A_11, %dma_start3A_12] : memref<10000x128xf32, #tpu.memory_space<hbm>> -> memref<10000x128xf32, #tpu.memory_space<hbm>>
    tpu.enqueue_indirect_dma source(%dma_start3A_13 : memref<10000x128xf32, #tpu.memory_space<hbm>>) target(%arg12 : memref<40x128xf32, #tpu.memory_space<vmem>>) offsets(%dma_start3A_10 : memref<40xi32, #tpu.memory_space<vmem>>) semaphore(%arg16 : memref<!tpu.dma_semaphore, #tpu.memory_space<semaphore_mem>>)
    %scan3A = arith.constant 0 : i32
    %scan3A_14 = arith.constant 0 : i32
    %scan3A_15 = arith.constant 62 : i32
    %scan3A_16 = arith.addi %scan3A_14, %scan3A_15 : i32
    %scan3A_17 = arith.constant 1 : i32
    %scan3A_18 = scf.for %scan3A_63 = %scan3A_14 to %scan3A_16 step %scan3A_17 iter_args(%scan3A_64 = %scan3A) -> (i32)  : i32 {
      %mul3A_65 = arith.constant 2 : i32
      %mul3A_66 = arith.muli %mul3A_65, %scan3A_63 : i32
      %add3A_67 = arith.constant 1 : i32
      %add3A_68 = arith.addi %add3A_67, %mul3A_66 : i32
      %ge3A = arith.constant 2 : i32
      %ge3A_69 = arith.cmpi sge, %add3A_68, %ge3A : i32
      %convert_element_type3A_70 = arith.extui %ge3A_69 : i1 to i32
      %cond3A_71 = arith.constant 0 : i32
      %cond3A_72 = arith.cmpi ne, %convert_element_type3A_70, %cond3A_71 : i32
      scf.if %cond3A_72 {
        %dma_wait3A_113 = arith.constant 0 : i32
        %dma_wait3A_114 = arith.constant 0 : i32
        %dma_wait3A_115 = tpu.memref_slice %arg6[%dma_wait3A_113, %dma_wait3A_114] : memref<160000x128xi32, #tpu.memory_space<hbm>> -> memref<40x128xi32, #tpu.memory_space<hbm>>
        %dma_wait3A_116 = arith.constant 0 : i32
        %dma_wait3A_117 = arith.constant 0 : i32
        %dma_wait3A_118 = tpu.memref_slice %arg6[%dma_wait3A_116, %dma_wait3A_117] : memref<160000x128xi32, #tpu.memory_space<hbm>> -> memref<40x128xi32, #tpu.memory_space<hbm>>
        tpu.wait_dma2 semaphore(%arg19 : memref<!tpu.dma_semaphore, #tpu.memory_space<semaphore_mem>>) src(%arg11 : memref<40x128xi32, #tpu.memory_space<vmem>>) dst(%dma_wait3A_118 : memref<40x128xi32, #tpu.memory_space<hbm>>)
        %dma_wait3A_119 = arith.constant 0 : i32
        %dma_wait3A_120 = arith.constant 0 : i32
        %dma_wait3A_121 = tpu.memref_slice %arg7[%dma_wait3A_119, %dma_wait3A_120] : memref<160000x128xf32, #tpu.memory_space<hbm>> -> memref<40x128xf32, #tpu.memory_space<hbm>>
        %dma_wait3A_122 = arith.constant 0 : i32
        %dma_wait3A_123 = arith.constant 0 : i32
        %dma_wait3A_124 = tpu.memref_slice %arg7[%dma_wait3A_122, %dma_wait3A_123] : memref<160000x128xf32, #tpu.memory_space<hbm>> -> memref<40x128xf32, #tpu.memory_space<hbm>>
        tpu.wait_dma2 semaphore(%arg21 : memref<!tpu.dma_semaphore, #tpu.memory_space<semaphore_mem>>) src(%arg13 : memref<40x128xf32, #tpu.memory_space<vmem>>) dst(%dma_wait3A_124 : memref<40x128xf32, #tpu.memory_space<hbm>>)
      } else {
      }
      %mul3A_73 = arith.constant 40 : i32
      %mul3A_74 = arith.muli %add3A_68, %mul3A_73 : i32
      %dma_start3A_75 = tpu.memref_slice %arg8[%mul3A_74] : memref<5000xi32, #tpu.memory_space<vmem>> -> memref<40xi32, #tpu.memory_space<vmem>>
      %dma_start3A_76 = arith.constant 0 : i32
      %dma_start3A_77 = arith.constant 0 : i32
      %dma_start3A_78 = tpu.memref_slice %arg22[%dma_start3A_76, %dma_start3A_77] : memref<10000x128xi32, #tpu.memory_space<vmem_shared>> -> memref<10000x128xi32, #tpu.memory_space<vmem_shared>>
      tpu.enqueue_indirect_dma source(%dma_start3A_78 : memref<10000x128xi32, #tpu.memory_space<vmem_shared>>) target(%arg11 : memref<40x128xi32, #tpu.memory_space<vmem>>) offsets(%dma_start3A_75 : memref<40xi32, #tpu.memory_space<vmem>>) semaphore(%arg15 : memref<!tpu.dma_semaphore, #tpu.memory_space<semaphore_mem>>)
      %dma_start3A_79 = tpu.memref_slice %arg9[%mul3A_74] : memref<5000xi32, #tpu.memory_space<vmem>> -> memref<40xi32, #tpu.memory_space<vmem>>
      %dma_start3A_80 = arith.constant 0 : i32
      %dma_start3A_81 = arith.constant 0 : i32
      %dma_start3A_82 = tpu.memref_slice %arg3[%dma_start3A_80, %dma_start3A_81] : memref<10000x128xf32, #tpu.memory_space<hbm>> -> memref<10000x128xf32, #tpu.memory_space<hbm>>
      tpu.enqueue_indirect_dma source(%dma_start3A_82 : memref<10000x128xf32, #tpu.memory_space<hbm>>) target(%arg13 : memref<40x128xf32, #tpu.memory_space<vmem>>) offsets(%dma_start3A_79 : memref<40xi32, #tpu.memory_space<vmem>>) semaphore(%arg17 : memref<!tpu.dma_semaphore, #tpu.memory_space<semaphore_mem>>)
      %ge3A_83 = arith.constant 1 : i32
      %ge3A_84 = arith.cmpi sge, %add3A_68, %ge3A_83 : i32
      %convert_element_type3A_85 = arith.extui %ge3A_84 : i1 to i32
      %cond3A_86 = arith.constant 0 : i32
      %cond3A_87 = arith.cmpi ne, %convert_element_type3A_85, %cond3A_86 : i32
      scf.if %cond3A_87 {
        %dma_wait3A_113 = arith.constant 0 : i32
        %dma_wait3A_114 = tpu.memref_slice %arg8[%dma_wait3A_113] : memref<5000xi32, #tpu.memory_space<vmem>> -> memref<40xi32, #tpu.memory_space<vmem>>
        %dma_wait3A_115 = arith.constant 0 : i32
        %dma_wait3A_116 = arith.constant 0 : i32
        %dma_wait3A_117 = tpu.memref_slice %arg22[%dma_wait3A_115, %dma_wait3A_116] : memref<10000x128xi32, #tpu.memory_space<vmem_shared>> -> memref<10000x128xi32, #tpu.memory_space<vmem_shared>>
        tpu.wait_indirect_dma semaphore(%arg14 : memref<!tpu.dma_semaphore, #tpu.memory_space<semaphore_mem>>) src(%dma_wait3A_117 : memref<10000x128xi32, #tpu.memory_space<vmem_shared>>) dst(%arg10 : memref<40x128xi32, #tpu.memory_space<vmem>>)
        %dma_wait3A_118 = arith.constant 0 : i32
        %dma_wait3A_119 = tpu.memref_slice %arg9[%dma_wait3A_118] : memref<5000xi32, #tpu.memory_space<vmem>> -> memref<40xi32, #tpu.memory_space<vmem>>
        %dma_wait3A_120 = arith.constant 0 : i32
        %dma_wait3A_121 = arith.constant 0 : i32
        %dma_wait3A_122 = tpu.memref_slice %arg3[%dma_wait3A_120, %dma_wait3A_121] : memref<10000x128xf32, #tpu.memory_space<hbm>> -> memref<10000x128xf32, #tpu.memory_space<hbm>>
        tpu.wait_indirect_dma semaphore(%arg16 : memref<!tpu.dma_semaphore, #tpu.memory_space<semaphore_mem>>) src(%dma_wait3A_122 : memref<10000x128xf32, #tpu.memory_space<hbm>>) dst(%arg12 : memref<40x128xf32, #tpu.memory_space<vmem>>)
        %sub3A = arith.constant 1 : i32
        %sub3A_123 = arith.subi %add3A_68, %sub3A : i32
        %mul3A_124 = arith.constant 40 : i32
        %mul3A_125 = arith.muli %sub3A_123, %mul3A_124 : i32
        %add3A_126 = arith.addi %mul3A_2, %mul3A_125 : i32
        %dma_start3A_127 = arith.constant 0 : i32
        %dma_start3A_128 = tpu.memref_slice %arg6[%add3A_126, %dma_start3A_127] : memref<160000x128xi32, #tpu.memory_space<hbm>> -> memref<40x128xi32, #tpu.memory_space<hbm>>
        %dma_start3A_129 = arith.constant 0 : i32
        %dma_start3A_130 = tpu.memref_slice %arg6[%add3A_126, %dma_start3A_129] : memref<160000x128xi32, #tpu.memory_space<hbm>> -> memref<40x128xi32, #tpu.memory_space<hbm>>
        tpu.enqueue_dma source(%arg10 : memref<40x128xi32, #tpu.memory_space<vmem>>) target(%dma_start3A_130 : memref<40x128xi32, #tpu.memory_space<hbm>>) target_semaphore(%arg18 : memref<!tpu.dma_semaphore, #tpu.memory_space<semaphore_mem>>)
        %dma_start3A_131 = arith.constant 0 : i32
        %dma_start3A_132 = tpu.memref_slice %arg7[%add3A_126, %dma_start3A_131] : memref<160000x128xf32, #tpu.memory_space<hbm>> -> memref<40x128xf32, #tpu.memory_space<hbm>>
        %dma_start3A_133 = arith.constant 0 : i32
        %dma_start3A_134 = tpu.memref_slice %arg7[%add3A_126, %dma_start3A_133] : memref<160000x128xf32, #tpu.memory_space<hbm>> -> memref<40x128xf32, #tpu.memory_space<hbm>>
        tpu.enqueue_dma source(%arg12 : memref<40x128xf32, #tpu.memory_space<vmem>>) target(%dma_start3A_134 : memref<40x128xf32, #tpu.memory_space<hbm>>) target_semaphore(%arg20 : memref<!tpu.dma_semaphore, #tpu.memory_space<semaphore_mem>>)
      } else {
      }
      %mul3A_88 = arith.constant 2 : i32
      %mul3A_89 = arith.muli %mul3A_88, %scan3A_63 : i32
      %add3A_90 = arith.constant 2 : i32
      %add3A_91 = arith.addi %add3A_90, %mul3A_89 : i32
      %ge3A_92 = arith.constant 2 : i32
      %ge3A_93 = arith.cmpi sge, %add3A_91, %ge3A_92 : i32
      %convert_element_type3A_94 = arith.extui %ge3A_93 : i1 to i32
      %cond3A_95 = arith.constant 0 : i32
      %cond3A_96 = arith.cmpi ne, %convert_element_type3A_94, %cond3A_95 : i32
      scf.if %cond3A_96 {
        %dma_wait3A_113 = arith.constant 0 : i32
        %dma_wait3A_114 = arith.constant 0 : i32
        %dma_wait3A_115 = tpu.memref_slice %arg6[%dma_wait3A_113, %dma_wait3A_114] : memref<160000x128xi32, #tpu.memory_space<hbm>> -> memref<40x128xi32, #tpu.memory_space<hbm>>
        %dma_wait3A_116 = arith.constant 0 : i32
        %dma_wait3A_117 = arith.constant 0 : i32
        %dma_wait3A_118 = tpu.memref_slice %arg6[%dma_wait3A_116, %dma_wait3A_117] : memref<160000x128xi32, #tpu.memory_space<hbm>> -> memref<40x128xi32, #tpu.memory_space<hbm>>
        tpu.wait_dma2 semaphore(%arg18 : memref<!tpu.dma_semaphore, #tpu.memory_space<semaphore_mem>>) src(%arg10 : memref<40x128xi32, #tpu.memory_space<vmem>>) dst(%dma_wait3A_118 : memref<40x128xi32, #tpu.memory_space<hbm>>)
        %dma_wait3A_119 = arith.constant 0 : i32
        %dma_wait3A_120 = arith.constant 0 : i32
        %dma_wait3A_121 = tpu.memref_slice %arg7[%dma_wait3A_119, %dma_wait3A_120] : memref<160000x128xf32, #tpu.memory_space<hbm>> -> memref<40x128xf32, #tpu.memory_space<hbm>>
        %dma_wait3A_122 = arith.constant 0 : i32
        %dma_wait3A_123 = arith.constant 0 : i32
        %dma_wait3A_124 = tpu.memref_slice %arg7[%dma_wait3A_122, %dma_wait3A_123] : memref<160000x128xf32, #tpu.memory_space<hbm>> -> memref<40x128xf32, #tpu.memory_space<hbm>>
        tpu.wait_dma2 semaphore(%arg20 : memref<!tpu.dma_semaphore, #tpu.memory_space<semaphore_mem>>) src(%arg12 : memref<40x128xf32, #tpu.memory_space<vmem>>) dst(%dma_wait3A_124 : memref<40x128xf32, #tpu.memory_space<hbm>>)
      } else {
      }
      %mul3A_97 = arith.constant 40 : i32
      %mul3A_98 = arith.muli %add3A_91, %mul3A_97 : i32
      %dma_start3A_99 = tpu.memref_slice %arg8[%mul3A_98] : memref<5000xi32, #tpu.memory_space<vmem>> -> memref<40xi32, #tpu.memory_space<vmem>>
      %dma_start3A_100 = arith.constant 0 : i32
      %dma_start3A_101 = arith.constant 0 : i32
      %dma_start3A_102 = tpu.memref_slice %arg22[%dma_start3A_100, %dma_start3A_101] : memref<10000x128xi32, #tpu.memory_space<vmem_shared>> -> memref<10000x128xi32, #tpu.memory_space<vmem_shared>>
      tpu.enqueue_indirect_dma source(%dma_start3A_102 : memref<10000x128xi32, #tpu.memory_space<vmem_shared>>) target(%arg10 : memref<40x128xi32, #tpu.memory_space<vmem>>) offsets(%dma_start3A_99 : memref<40xi32, #tpu.memory_space<vmem>>) semaphore(%arg14 : memref<!tpu.dma_semaphore, #tpu.memory_space<semaphore_mem>>)
      %dma_start3A_103 = tpu.memref_slice %arg9[%mul3A_98] : memref<5000xi32, #tpu.memory_space<vmem>> -> memref<40xi32, #tpu.memory_space<vmem>>
      %dma_start3A_104 = arith.constant 0 : i32
      %dma_start3A_105 = arith.constant 0 : i32
      %dma_start3A_106 = tpu.memref_slice %arg3[%dma_start3A_104, %dma_start3A_105] : memref<10000x128xf32, #tpu.memory_space<hbm>> -> memref<10000x128xf32, #tpu.memory_space<hbm>>
      tpu.enqueue_indirect_dma source(%dma_start3A_106 : memref<10000x128xf32, #tpu.memory_space<hbm>>) target(%arg12 : memref<40x128xf32, #tpu.memory_space<vmem>>) offsets(%dma_start3A_103 : memref<40xi32, #tpu.memory_space<vmem>>) semaphore(%arg16 : memref<!tpu.dma_semaphore, #tpu.memory_space<semaphore_mem>>)
      %ge3A_107 = arith.constant 1 : i32
      %ge3A_108 = arith.cmpi sge, %add3A_91, %ge3A_107 : i32
      %convert_element_type3A_109 = arith.extui %ge3A_108 : i1 to i32
      %cond3A_110 = arith.constant 0 : i32
      %cond3A_111 = arith.cmpi ne, %convert_element_type3A_109, %cond3A_110 : i32
      scf.if %cond3A_111 {
        %dma_wait3A_113 = arith.constant 0 : i32
        %dma_wait3A_114 = tpu.memref_slice %arg8[%dma_wait3A_113] : memref<5000xi32, #tpu.memory_space<vmem>> -> memref<40xi32, #tpu.memory_space<vmem>>
        %dma_wait3A_115 = arith.constant 0 : i32
        %dma_wait3A_116 = arith.constant 0 : i32
        %dma_wait3A_117 = tpu.memref_slice %arg22[%dma_wait3A_115, %dma_wait3A_116] : memref<10000x128xi32, #tpu.memory_space<vmem_shared>> -> memref<10000x128xi32, #tpu.memory_space<vmem_shared>>
        tpu.wait_indirect_dma semaphore(%arg15 : memref<!tpu.dma_semaphore, #tpu.memory_space<semaphore_mem>>) src(%dma_wait3A_117 : memref<10000x128xi32, #tpu.memory_space<vmem_shared>>) dst(%arg11 : memref<40x128xi32, #tpu.memory_space<vmem>>)
        %dma_wait3A_118 = arith.constant 0 : i32
        %dma_wait3A_119 = tpu.memref_slice %arg9[%dma_wait3A_118] : memref<5000xi32, #tpu.memory_space<vmem>> -> memref<40xi32, #tpu.memory_space<vmem>>
        %dma_wait3A_120 = arith.constant 0 : i32
        %dma_wait3A_121 = arith.constant 0 : i32
        %dma_wait3A_122 = tpu.memref_slice %arg3[%dma_wait3A_120, %dma_wait3A_121] : memref<10000x128xf32, #tpu.memory_space<hbm>> -> memref<10000x128xf32, #tpu.memory_space<hbm>>
        tpu.wait_indirect_dma semaphore(%arg17 : memref<!tpu.dma_semaphore, #tpu.memory_space<semaphore_mem>>) src(%dma_wait3A_122 : memref<10000x128xf32, #tpu.memory_space<hbm>>) dst(%arg13 : memref<40x128xf32, #tpu.memory_space<vmem>>)
        %sub3A = arith.constant 1 : i32
        %sub3A_123 = arith.subi %add3A_91, %sub3A : i32
        %mul3A_124 = arith.constant 40 : i32
        %mul3A_125 = arith.muli %sub3A_123, %mul3A_124 : i32
        %add3A_126 = arith.addi %mul3A_2, %mul3A_125 : i32
        %dma_start3A_127 = arith.constant 0 : i32
        %dma_start3A_128 = tpu.memref_slice %arg6[%add3A_126, %dma_start3A_127] : memref<160000x128xi32, #tpu.memory_space<hbm>> -> memref<40x128xi32, #tpu.memory_space<hbm>>
        %dma_start3A_129 = arith.constant 0 : i32
        %dma_start3A_130 = tpu.memref_slice %arg6[%add3A_126, %dma_start3A_129] : memref<160000x128xi32, #tpu.memory_space<hbm>> -> memref<40x128xi32, #tpu.memory_space<hbm>>
        tpu.enqueue_dma source(%arg11 : memref<40x128xi32, #tpu.memory_space<vmem>>) target(%dma_start3A_130 : memref<40x128xi32, #tpu.memory_space<hbm>>) target_semaphore(%arg19 : memref<!tpu.dma_semaphore, #tpu.memory_space<semaphore_mem>>)
        %dma_start3A_131 = arith.constant 0 : i32
        %dma_start3A_132 = tpu.memref_slice %arg7[%add3A_126, %dma_start3A_131] : memref<160000x128xf32, #tpu.memory_space<hbm>> -> memref<40x128xf32, #tpu.memory_space<hbm>>
        %dma_start3A_133 = arith.constant 0 : i32
        %dma_start3A_134 = tpu.memref_slice %arg7[%add3A_126, %dma_start3A_133] : memref<160000x128xf32, #tpu.memory_space<hbm>> -> memref<40x128xf32, #tpu.memory_space<hbm>>
        tpu.enqueue_dma source(%arg13 : memref<40x128xf32, #tpu.memory_space<vmem>>) target(%dma_start3A_134 : memref<40x128xf32, #tpu.memory_space<hbm>>) target_semaphore(%arg21 : memref<!tpu.dma_semaphore, #tpu.memory_space<semaphore_mem>>)
      } else {
      }
      %scan3A_112 = arith.constant 0 : i32
      scf.yield %scan3A_112 : i32
    }
    %scan3A_19 = arith.constant 62 : i32
    %dma_wait3A = arith.constant 0 : i32
    %dma_wait3A_20 = tpu.memref_slice %arg8[%dma_wait3A] : memref<5000xi32, #tpu.memory_space<vmem>> -> memref<40xi32, #tpu.memory_space<vmem>>
    %dma_wait3A_21 = arith.constant 0 : i32
    %dma_wait3A_22 = arith.constant 0 : i32
    %dma_wait3A_23 = tpu.memref_slice %arg22[%dma_wait3A_21, %dma_wait3A_22] : memref<10000x128xi32, #tpu.memory_space<vmem_shared>> -> memref<10000x128xi32, #tpu.memory_space<vmem_shared>>
    tpu.wait_indirect_dma semaphore(%arg14 : memref<!tpu.dma_semaphore, #tpu.memory_space<semaphore_mem>>) src(%dma_wait3A_23 : memref<10000x128xi32, #tpu.memory_space<vmem_shared>>) dst(%arg10 : memref<40x128xi32, #tpu.memory_space<vmem>>)
    %dma_wait3A_24 = arith.constant 0 : i32
    %dma_wait3A_25 = tpu.memref_slice %arg9[%dma_wait3A_24] : memref<5000xi32, #tpu.memory_space<vmem>> -> memref<40xi32, #tpu.memory_space<vmem>>
    %dma_wait3A_26 = arith.constant 0 : i32
    %dma_wait3A_27 = arith.constant 0 : i32
    %dma_wait3A_28 = tpu.memref_slice %arg3[%dma_wait3A_26, %dma_wait3A_27] : memref<10000x128xf32, #tpu.memory_space<hbm>> -> memref<10000x128xf32, #tpu.memory_space<hbm>>
    tpu.wait_indirect_dma semaphore(%arg16 : memref<!tpu.dma_semaphore, #tpu.memory_space<semaphore_mem>>) src(%dma_wait3A_28 : memref<10000x128xf32, #tpu.memory_space<hbm>>) dst(%arg12 : memref<40x128xf32, #tpu.memory_space<vmem>>)
    %add3A_29 = arith.constant 4960 : i32
    %add3A_30 = arith.addi %mul3A_2, %add3A_29 : i32
    %dma_start3A_31 = arith.constant 0 : i32
    %dma_start3A_32 = tpu.memref_slice %arg6[%add3A_30, %dma_start3A_31] : memref<160000x128xi32, #tpu.memory_space<hbm>> -> memref<40x128xi32, #tpu.memory_space<hbm>>
    %dma_start3A_33 = arith.constant 0 : i32
    %dma_start3A_34 = tpu.memref_slice %arg6[%add3A_30, %dma_start3A_33] : memref<160000x128xi32, #tpu.memory_space<hbm>> -> memref<40x128xi32, #tpu.memory_space<hbm>>
    tpu.enqueue_dma source(%arg10 : memref<40x128xi32, #tpu.memory_space<vmem>>) target(%dma_start3A_34 : memref<40x128xi32, #tpu.memory_space<hbm>>) target_semaphore(%arg18 : memref<!tpu.dma_semaphore, #tpu.memory_space<semaphore_mem>>)
    %dma_start3A_35 = arith.constant 0 : i32
    %dma_start3A_36 = tpu.memref_slice %arg7[%add3A_30, %dma_start3A_35] : memref<160000x128xf32, #tpu.memory_space<hbm>> -> memref<40x128xf32, #tpu.memory_space<hbm>>
    %dma_start3A_37 = arith.constant 0 : i32
    %dma_start3A_38 = tpu.memref_slice %arg7[%add3A_30, %dma_start3A_37] : memref<160000x128xf32, #tpu.memory_space<hbm>> -> memref<40x128xf32, #tpu.memory_space<hbm>>
    tpu.enqueue_dma source(%arg12 : memref<40x128xf32, #tpu.memory_space<vmem>>) target(%dma_start3A_38 : memref<40x128xf32, #tpu.memory_space<hbm>>) target_semaphore(%arg20 : memref<!tpu.dma_semaphore, #tpu.memory_space<semaphore_mem>>)
    %dma_wait3A_39 = arith.constant 0 : i32
    %dma_wait3A_40 = arith.constant 0 : i32
    %dma_wait3A_41 = tpu.memref_slice %arg6[%dma_wait3A_39, %dma_wait3A_40] : memref<160000x128xi32, #tpu.memory_space<hbm>> -> memref<40x128xi32, #tpu.memory_space<hbm>>
    %dma_wait3A_42 = arith.constant 0 : i32
    %dma_wait3A_43 = arith.constant 0 : i32
    %dma_wait3A_44 = tpu.memref_slice %arg6[%dma_wait3A_42, %dma_wait3A_43] : memref<160000x128xi32, #tpu.memory_space<hbm>> -> memref<40x128xi32, #tpu.memory_space<hbm>>
    tpu.wait_dma2 semaphore(%arg19 : memref<!tpu.dma_semaphore, #tpu.memory_space<semaphore_mem>>) src(%arg11 : memref<40x128xi32, #tpu.memory_space<vmem>>) dst(%dma_wait3A_44 : memref<40x128xi32, #tpu.memory_space<hbm>>)
    %dma_wait3A_45 = arith.constant 0 : i32
    %dma_wait3A_46 = arith.constant 0 : i32
    %dma_wait3A_47 = tpu.memref_slice %arg7[%dma_wait3A_45, %dma_wait3A_46] : memref<160000x128xf32, #tpu.memory_space<hbm>> -> memref<40x128xf32, #tpu.memory_space<hbm>>
    %dma_wait3A_48 = arith.constant 0 : i32
    %dma_wait3A_49 = arith.constant 0 : i32
    %dma_wait3A_50 = tpu.memref_slice %arg7[%dma_wait3A_48, %dma_wait3A_49] : memref<160000x128xf32, #tpu.memory_space<hbm>> -> memref<40x128xf32, #tpu.memory_space<hbm>>
    tpu.wait_dma2 semaphore(%arg21 : memref<!tpu.dma_semaphore, #tpu.memory_space<semaphore_mem>>) src(%arg13 : memref<40x128xf32, #tpu.memory_space<vmem>>) dst(%dma_wait3A_50 : memref<40x128xf32, #tpu.memory_space<hbm>>)
    %dma_wait3A_51 = arith.constant 0 : i32
    %dma_wait3A_52 = arith.constant 0 : i32
    %dma_wait3A_53 = tpu.memref_slice %arg6[%dma_wait3A_51, %dma_wait3A_52] : memref<160000x128xi32, #tpu.memory_space<hbm>> -> memref<40x128xi32, #tpu.memory_space<hbm>>
    %dma_wait3A_54 = arith.constant 0 : i32
    %dma_wait3A_55 = arith.constant 0 : i32
    %dma_wait3A_56 = tpu.memref_slice %arg6[%dma_wait3A_54, %dma_wait3A_55] : memref<160000x128xi32, #tpu.memory_space<hbm>> -> memref<40x128xi32, #tpu.memory_space<hbm>>
    tpu.wait_dma2 semaphore(%arg18 : memref<!tpu.dma_semaphore, #tpu.memory_space<semaphore_mem>>) src(%arg10 : memref<40x128xi32, #tpu.memory_space<vmem>>) dst(%dma_wait3A_56 : memref<40x128xi32, #tpu.memory_space<hbm>>)
    %dma_wait3A_57 = arith.constant 0 : i32
    %dma_wait3A_58 = arith.constant 0 : i32
    %dma_wait3A_59 = tpu.memref_slice %arg7[%dma_wait3A_57, %dma_wait3A_58] : memref<160000x128xf32, #tpu.memory_space<hbm>> -> memref<40x128xf32, #tpu.memory_space<hbm>>
    %dma_wait3A_60 = arith.constant 0 : i32
    %dma_wait3A_61 = arith.constant 0 : i32
    %dma_wait3A_62 = tpu.memref_slice %arg7[%dma_wait3A_60, %dma_wait3A_61] : memref<160000x128xf32, #tpu.memory_space<hbm>> -> memref<40x128xf32, #tpu.memory_space<hbm>>
    tpu.wait_dma2 semaphore(%arg20 : memref<!tpu.dma_semaphore, #tpu.memory_space<semaphore_mem>>) src(%arg12 : memref<40x128xf32, #tpu.memory_space<vmem>>) dst(%dma_wait3A_62 : memref<40x128xf32, #tpu.memory_space<hbm>>)
    return
  }
}

#map = affine_map<(d0, d1) -> (0, 0)>
#map1 = affine_map<(d0, d1) -> (0)>
#map2 = affine_map<(d0, d1) -> (0, 0, 0)>
module attributes {stable_mosaic.version = 14 : i64} {
  func.func @_scatter_sc_body(%arg0: i32, %arg1: i32, %arg2: memref<160000x256xf32, #tpu.memory_space<hbm>>, %arg3: memref<160000xi32, #tpu.memory_space<hbm>>, %arg4: memref<10240x128xf32, #tpu.memory_space<hbm>>, %arg5: memref<2x10240x128xf32, #tpu.memory_space<hbm>>, %arg6: memref<80xi32, #tpu.memory_space<vmem>>, %arg7: memref<80xi32, #tpu.memory_space<vmem>>, %arg8: memref<80x128xf32, #tpu.memory_space<vmem>>, %arg9: memref<80x128xf32, #tpu.memory_space<vmem>>, %arg10: memref<!tpu.dma_semaphore, #tpu.memory_space<semaphore_mem>>, %arg11: memref<!tpu.dma_semaphore, #tpu.memory_space<semaphore_mem>>, %arg12: memref<!tpu.dma_semaphore, #tpu.memory_space<semaphore_mem>>, %arg13: memref<!tpu.dma_semaphore, #tpu.memory_space<semaphore_mem>>, %arg14: memref<!tpu.dma_semaphore, #tpu.memory_space<semaphore_mem>>, %arg15: memref<!tpu.dma_semaphore, #tpu.memory_space<semaphore_mem>>, %arg16: memref<10240x128xf32, #tpu.memory_space<vmem_shared>>) attributes {dimension_semantics = [#tpu.dimension_semantics<core_parallel>, #tpu.dimension_semantics<subcore_parallel>], iteration_bounds = array<i64: 2, 16>, scalar_prefetch = 0 : i64, scratch_operands = 11 : i64, tpu.core_type = #tpu.core_type<sc_vector_subcore>, window_params = [{transform_indices = #map}, {transform_indices = #map1}, {transform_indices = #map}, {transform_indices = #map2}]} {
    %mul3A = arith.constant 640 : i32
    %mul3A_0 = arith.muli %arg1, %mul3A : i32
    %mul3A_1 = arith.constant 640 : i32
    %mul3A_2 = arith.muli %arg1, %mul3A_1 : i32
    "tpu.region"() ({
      %run_scoped3A = tpu.sem_alloc : memref<!tpu.dma_semaphore, #tpu.memory_space<semaphore_mem>>
      %dma_start3A_40 = arith.constant 0 : i32
      %dma_start3A_41 = tpu.memref_slice %arg16[%mul3A_2, %dma_start3A_40] : memref<10240x128xf32, #tpu.memory_space<vmem_shared>> -> memref<640x128xf32, #tpu.memory_space<vmem_shared>>
      %dma_start3A_42 = arith.constant 0 : i32
      %dma_start3A_43 = tpu.memref_slice %arg4[%mul3A_0, %dma_start3A_42] : memref<10240x128xf32, #tpu.memory_space<hbm>> -> memref<640x128xf32, #tpu.memory_space<hbm>>
      tpu.enqueue_dma source(%dma_start3A_43 : memref<640x128xf32, #tpu.memory_space<hbm>>) target(%dma_start3A_41 : memref<640x128xf32, #tpu.memory_space<vmem_shared>>) target_semaphore(%run_scoped3A : memref<!tpu.dma_semaphore, #tpu.memory_space<semaphore_mem>>)
      %dma_wait3A_44 = arith.constant 0 : i32
      %dma_wait3A_45 = tpu.memref_slice %arg16[%mul3A_2, %dma_wait3A_44] : memref<10240x128xf32, #tpu.memory_space<vmem_shared>> -> memref<640x128xf32, #tpu.memory_space<vmem_shared>>
      %dma_wait3A_46 = arith.constant 0 : i32
      %dma_wait3A_47 = tpu.memref_slice %arg4[%mul3A_0, %dma_wait3A_46] : memref<10240x128xf32, #tpu.memory_space<hbm>> -> memref<640x128xf32, #tpu.memory_space<hbm>>
      tpu.wait_dma2 semaphore(%run_scoped3A : memref<!tpu.dma_semaphore, #tpu.memory_space<semaphore_mem>>) src(%dma_wait3A_47 : memref<640x128xf32, #tpu.memory_space<hbm>>) dst(%dma_wait3A_45 : memref<640x128xf32, #tpu.memory_space<vmem_shared>>)
      tpu.yield
    }) : () -> ()
    %barrier3A = arith.constant 0 : index
    tpu.barrier barrier_id(%barrier3A)
    %mul3A_3 = arith.constant 10000 : i32
    %mul3A_4 = arith.muli %arg1, %mul3A_3 : i32
    %add3A = arith.constant 0 : i32
    %add3A_5 = arith.addi %mul3A_4, %add3A : i32
    %dma_start3A = tpu.memref_slice %arg3[%add3A_5] : memref<160000xi32, #tpu.memory_space<hbm>> -> memref<80xi32, #tpu.memory_space<hbm>>
    %dma_start3A_6 = tpu.memref_slice %arg3[%add3A_5] : memref<160000xi32, #tpu.memory_space<hbm>> -> memref<80xi32, #tpu.memory_space<hbm>>
    tpu.enqueue_dma source(%dma_start3A_6 : memref<80xi32, #tpu.memory_space<hbm>>) target(%arg6 : memref<80xi32, #tpu.memory_space<vmem>>) target_semaphore(%arg10 : memref<!tpu.dma_semaphore, #tpu.memory_space<semaphore_mem>>)
    %mul3A_7 = arith.constant 128 : i32
    %mul3A_8 = arith.muli %arg0, %mul3A_7 : i32
    %dma_start3A_9 = tpu.memref_slice %arg2[%add3A_5, %mul3A_8] : memref<160000x256xf32, #tpu.memory_space<hbm>> -> memref<80x128xf32, #tpu.memory_space<hbm>>
    %dma_start3A_10 = tpu.memref_slice %arg2[%add3A_5, %mul3A_8] : memref<160000x256xf32, #tpu.memory_space<hbm>> -> memref<80x128xf32, #tpu.memory_space<hbm>>
    tpu.enqueue_dma source(%dma_start3A_10 : memref<80x128xf32, #tpu.memory_space<hbm>>) target(%arg8 : memref<80x128xf32, #tpu.memory_space<vmem>>) target_semaphore(%arg12 : memref<!tpu.dma_semaphore, #tpu.memory_space<semaphore_mem>>)
    %scan3A = arith.constant 0 : i32
    %scan3A_11 = arith.constant 0 : i32
    %scan3A_12 = arith.constant 62 : i32
    %scan3A_13 = arith.addi %scan3A_11, %scan3A_12 : i32
    %scan3A_14 = arith.constant 1 : i32
    %scan3A_15 = scf.for %scan3A_40 = %scan3A_11 to %scan3A_13 step %scan3A_14 iter_args(%scan3A_41 = %scan3A) -> (i32)  : i32 {
      %mul3A_42 = arith.constant 2 : i32
      %mul3A_43 = arith.muli %mul3A_42, %scan3A_40 : i32
      %add3A_44 = arith.constant 1 : i32
      %add3A_45 = arith.addi %add3A_44, %mul3A_43 : i32
      %ge3A = arith.constant 2 : i32
      %ge3A_46 = arith.cmpi sge, %add3A_45, %ge3A : i32
      %convert_element_type3A = arith.extui %ge3A_46 : i1 to i32
      %cond3A = arith.constant 0 : i32
      %cond3A_47 = arith.cmpi ne, %convert_element_type3A, %cond3A : i32
      scf.if %cond3A_47 {
        %dma_wait3A_86 = arith.constant 0 : i32
        %dma_wait3A_87 = arith.constant 0 : i32
        %dma_wait3A_88 = tpu.memref_slice %arg16[%dma_wait3A_86, %dma_wait3A_87] : memref<10240x128xf32, #tpu.memory_space<vmem_shared>> -> memref<10240x128xf32, #tpu.memory_space<vmem_shared>>
        tpu.wait_indirect_dma semaphore(%arg15 : memref<!tpu.dma_semaphore, #tpu.memory_space<semaphore_mem>>) src(%arg9 : memref<80x128xf32, #tpu.memory_space<vmem>>) dst(%dma_wait3A_88 : memref<10240x128xf32, #tpu.memory_space<vmem_shared>>)
      } else {
      }
      %mul3A_48 = arith.constant 80 : i32
      %mul3A_49 = arith.muli %add3A_45, %mul3A_48 : i32
      %add3A_50 = arith.addi %mul3A_4, %mul3A_49 : i32
      %dma_start3A_51 = tpu.memref_slice %arg3[%add3A_50] : memref<160000xi32, #tpu.memory_space<hbm>> -> memref<80xi32, #tpu.memory_space<hbm>>
      %dma_start3A_52 = tpu.memref_slice %arg3[%add3A_50] : memref<160000xi32, #tpu.memory_space<hbm>> -> memref<80xi32, #tpu.memory_space<hbm>>
      tpu.enqueue_dma source(%dma_start3A_52 : memref<80xi32, #tpu.memory_space<hbm>>) target(%arg7 : memref<80xi32, #tpu.memory_space<vmem>>) target_semaphore(%arg11 : memref<!tpu.dma_semaphore, #tpu.memory_space<semaphore_mem>>)
      %mul3A_53 = arith.constant 128 : i32
      %mul3A_54 = arith.muli %arg0, %mul3A_53 : i32
      %dma_start3A_55 = tpu.memref_slice %arg2[%add3A_50, %mul3A_54] : memref<160000x256xf32, #tpu.memory_space<hbm>> -> memref<80x128xf32, #tpu.memory_space<hbm>>
      %dma_start3A_56 = tpu.memref_slice %arg2[%add3A_50, %mul3A_54] : memref<160000x256xf32, #tpu.memory_space<hbm>> -> memref<80x128xf32, #tpu.memory_space<hbm>>
      tpu.enqueue_dma source(%dma_start3A_56 : memref<80x128xf32, #tpu.memory_space<hbm>>) target(%arg9 : memref<80x128xf32, #tpu.memory_space<vmem>>) target_semaphore(%arg13 : memref<!tpu.dma_semaphore, #tpu.memory_space<semaphore_mem>>)
      %ge3A_57 = arith.constant 1 : i32
      %ge3A_58 = arith.cmpi sge, %add3A_45, %ge3A_57 : i32
      %convert_element_type3A_59 = arith.extui %ge3A_58 : i1 to i32
      %cond3A_60 = arith.constant 0 : i32
      %cond3A_61 = arith.cmpi ne, %convert_element_type3A_59, %cond3A_60 : i32
      scf.if %cond3A_61 {
        %dma_wait3A_86 = arith.constant 0 : i32
        %dma_wait3A_87 = tpu.memref_slice %arg3[%dma_wait3A_86] : memref<160000xi32, #tpu.memory_space<hbm>> -> memref<80xi32, #tpu.memory_space<hbm>>
        %dma_wait3A_88 = arith.constant 0 : i32
        %dma_wait3A_89 = tpu.memref_slice %arg3[%dma_wait3A_88] : memref<160000xi32, #tpu.memory_space<hbm>> -> memref<80xi32, #tpu.memory_space<hbm>>
        tpu.wait_dma2 semaphore(%arg10 : memref<!tpu.dma_semaphore, #tpu.memory_space<semaphore_mem>>) src(%dma_wait3A_89 : memref<80xi32, #tpu.memory_space<hbm>>) dst(%arg6 : memref<80xi32, #tpu.memory_space<vmem>>)
        %dma_wait3A_90 = arith.constant 0 : i32
        %dma_wait3A_91 = arith.constant 0 : i32
        %dma_wait3A_92 = tpu.memref_slice %arg2[%dma_wait3A_90, %dma_wait3A_91] : memref<160000x256xf32, #tpu.memory_space<hbm>> -> memref<80x128xf32, #tpu.memory_space<hbm>>
        %dma_wait3A_93 = arith.constant 0 : i32
        %dma_wait3A_94 = arith.constant 0 : i32
        %dma_wait3A_95 = tpu.memref_slice %arg2[%dma_wait3A_93, %dma_wait3A_94] : memref<160000x256xf32, #tpu.memory_space<hbm>> -> memref<80x128xf32, #tpu.memory_space<hbm>>
        tpu.wait_dma2 semaphore(%arg12 : memref<!tpu.dma_semaphore, #tpu.memory_space<semaphore_mem>>) src(%dma_wait3A_95 : memref<80x128xf32, #tpu.memory_space<hbm>>) dst(%arg8 : memref<80x128xf32, #tpu.memory_space<vmem>>)
        %sub3A = arith.constant 1 : i32
        %sub3A_96 = arith.subi %add3A_45, %sub3A : i32
        %dma_start3A_97 = arith.constant 0 : i32
        %dma_start3A_98 = arith.constant 0 : i32
        %dma_start3A_99 = tpu.memref_slice %arg16[%dma_start3A_97, %dma_start3A_98] : memref<10240x128xf32, #tpu.memory_space<vmem_shared>> -> memref<10240x128xf32, #tpu.memory_space<vmem_shared>>
        tpu.enqueue_indirect_dma source(%arg8 : memref<80x128xf32, #tpu.memory_space<vmem>>) target(%dma_start3A_99 : memref<10240x128xf32, #tpu.memory_space<vmem_shared>>) offsets(%arg6 : memref<80xi32, #tpu.memory_space<vmem>>) semaphore(%arg14 : memref<!tpu.dma_semaphore, #tpu.memory_space<semaphore_mem>>) {add = true}
      } else {
      }
      %mul3A_62 = arith.constant 2 : i32
      %mul3A_63 = arith.muli %mul3A_62, %scan3A_40 : i32
      %add3A_64 = arith.constant 2 : i32
      %add3A_65 = arith.addi %add3A_64, %mul3A_63 : i32
      %ge3A_66 = arith.constant 2 : i32
      %ge3A_67 = arith.cmpi sge, %add3A_65, %ge3A_66 : i32
      %convert_element_type3A_68 = arith.extui %ge3A_67 : i1 to i32
      %cond3A_69 = arith.constant 0 : i32
      %cond3A_70 = arith.cmpi ne, %convert_element_type3A_68, %cond3A_69 : i32
      scf.if %cond3A_70 {
        %dma_wait3A_86 = arith.constant 0 : i32
        %dma_wait3A_87 = arith.constant 0 : i32
        %dma_wait3A_88 = tpu.memref_slice %arg16[%dma_wait3A_86, %dma_wait3A_87] : memref<10240x128xf32, #tpu.memory_space<vmem_shared>> -> memref<10240x128xf32, #tpu.memory_space<vmem_shared>>
        tpu.wait_indirect_dma semaphore(%arg14 : memref<!tpu.dma_semaphore, #tpu.memory_space<semaphore_mem>>) src(%arg8 : memref<80x128xf32, #tpu.memory_space<vmem>>) dst(%dma_wait3A_88 : memref<10240x128xf32, #tpu.memory_space<vmem_shared>>)
      } else {
      }
      %mul3A_71 = arith.constant 80 : i32
      %mul3A_72 = arith.muli %add3A_65, %mul3A_71 : i32
      %add3A_73 = arith.addi %mul3A_4, %mul3A_72 : i32
      %dma_start3A_74 = tpu.memref_slice %arg3[%add3A_73] : memref<160000xi32, #tpu.memory_space<hbm>> -> memref<80xi32, #tpu.memory_space<hbm>>
      %dma_start3A_75 = tpu.memref_slice %arg3[%add3A_73] : memref<160000xi32, #tpu.memory_space<hbm>> -> memref<80xi32, #tpu.memory_space<hbm>>
      tpu.enqueue_dma source(%dma_start3A_75 : memref<80xi32, #tpu.memory_space<hbm>>) target(%arg6 : memref<80xi32, #tpu.memory_space<vmem>>) target_semaphore(%arg10 : memref<!tpu.dma_semaphore, #tpu.memory_space<semaphore_mem>>)
      %mul3A_76 = arith.constant 128 : i32
      %mul3A_77 = arith.muli %arg0, %mul3A_76 : i32
      %dma_start3A_78 = tpu.memref_slice %arg2[%add3A_73, %mul3A_77] : memref<160000x256xf32, #tpu.memory_space<hbm>> -> memref<80x128xf32, #tpu.memory_space<hbm>>
      %dma_start3A_79 = tpu.memref_slice %arg2[%add3A_73, %mul3A_77] : memref<160000x256xf32, #tpu.memory_space<hbm>> -> memref<80x128xf32, #tpu.memory_space<hbm>>
      tpu.enqueue_dma source(%dma_start3A_79 : memref<80x128xf32, #tpu.memory_space<hbm>>) target(%arg8 : memref<80x128xf32, #tpu.memory_space<vmem>>) target_semaphore(%arg12 : memref<!tpu.dma_semaphore, #tpu.memory_space<semaphore_mem>>)
      %ge3A_80 = arith.constant 1 : i32
      %ge3A_81 = arith.cmpi sge, %add3A_65, %ge3A_80 : i32
      %convert_element_type3A_82 = arith.extui %ge3A_81 : i1 to i32
      %cond3A_83 = arith.constant 0 : i32
      %cond3A_84 = arith.cmpi ne, %convert_element_type3A_82, %cond3A_83 : i32
      scf.if %cond3A_84 {
        %dma_wait3A_86 = arith.constant 0 : i32
        %dma_wait3A_87 = tpu.memref_slice %arg3[%dma_wait3A_86] : memref<160000xi32, #tpu.memory_space<hbm>> -> memref<80xi32, #tpu.memory_space<hbm>>
        %dma_wait3A_88 = arith.constant 0 : i32
        %dma_wait3A_89 = tpu.memref_slice %arg3[%dma_wait3A_88] : memref<160000xi32, #tpu.memory_space<hbm>> -> memref<80xi32, #tpu.memory_space<hbm>>
        tpu.wait_dma2 semaphore(%arg11 : memref<!tpu.dma_semaphore, #tpu.memory_space<semaphore_mem>>) src(%dma_wait3A_89 : memref<80xi32, #tpu.memory_space<hbm>>) dst(%arg7 : memref<80xi32, #tpu.memory_space<vmem>>)
        %dma_wait3A_90 = arith.constant 0 : i32
        %dma_wait3A_91 = arith.constant 0 : i32
        %dma_wait3A_92 = tpu.memref_slice %arg2[%dma_wait3A_90, %dma_wait3A_91] : memref<160000x256xf32, #tpu.memory_space<hbm>> -> memref<80x128xf32, #tpu.memory_space<hbm>>
        %dma_wait3A_93 = arith.constant 0 : i32
        %dma_wait3A_94 = arith.constant 0 : i32
        %dma_wait3A_95 = tpu.memref_slice %arg2[%dma_wait3A_93, %dma_wait3A_94] : memref<160000x256xf32, #tpu.memory_space<hbm>> -> memref<80x128xf32, #tpu.memory_space<hbm>>
        tpu.wait_dma2 semaphore(%arg13 : memref<!tpu.dma_semaphore, #tpu.memory_space<semaphore_mem>>) src(%dma_wait3A_95 : memref<80x128xf32, #tpu.memory_space<hbm>>) dst(%arg9 : memref<80x128xf32, #tpu.memory_space<vmem>>)
        %sub3A = arith.constant 1 : i32
        %sub3A_96 = arith.subi %add3A_65, %sub3A : i32
        %dma_start3A_97 = arith.constant 0 : i32
        %dma_start3A_98 = arith.constant 0 : i32
        %dma_start3A_99 = tpu.memref_slice %arg16[%dma_start3A_97, %dma_start3A_98] : memref<10240x128xf32, #tpu.memory_space<vmem_shared>> -> memref<10240x128xf32, #tpu.memory_space<vmem_shared>>
        tpu.enqueue_indirect_dma source(%arg9 : memref<80x128xf32, #tpu.memory_space<vmem>>) target(%dma_start3A_99 : memref<10240x128xf32, #tpu.memory_space<vmem_shared>>) offsets(%arg7 : memref<80xi32, #tpu.memory_space<vmem>>) semaphore(%arg15 : memref<!tpu.dma_semaphore, #tpu.memory_space<semaphore_mem>>) {add = true}
      } else {
      }
      %scan3A_85 = arith.constant 0 : i32
      scf.yield %scan3A_85 : i32
    }
    %scan3A_16 = arith.constant 62 : i32
    %dma_wait3A = arith.constant 0 : i32
    %dma_wait3A_17 = tpu.memref_slice %arg3[%dma_wait3A] : memref<160000xi32, #tpu.memory_space<hbm>> -> memref<80xi32, #tpu.memory_space<hbm>>
    %dma_wait3A_18 = arith.constant 0 : i32
    %dma_wait3A_19 = tpu.memref_slice %arg3[%dma_wait3A_18] : memref<160000xi32, #tpu.memory_space<hbm>> -> memref<80xi32, #tpu.memory_space<hbm>>
    tpu.wait_dma2 semaphore(%arg10 : memref<!tpu.dma_semaphore, #tpu.memory_space<semaphore_mem>>) src(%dma_wait3A_19 : memref<80xi32, #tpu.memory_space<hbm>>) dst(%arg6 : memref<80xi32, #tpu.memory_space<vmem>>)
    %dma_wait3A_20 = arith.constant 0 : i32
    %dma_wait3A_21 = arith.constant 0 : i32
    %dma_wait3A_22 = tpu.memref_slice %arg2[%dma_wait3A_20, %dma_wait3A_21] : memref<160000x256xf32, #tpu.memory_space<hbm>> -> memref<80x128xf32, #tpu.memory_space<hbm>>
    %dma_wait3A_23 = arith.constant 0 : i32
    %dma_wait3A_24 = arith.constant 0 : i32
    %dma_wait3A_25 = tpu.memref_slice %arg2[%dma_wait3A_23, %dma_wait3A_24] : memref<160000x256xf32, #tpu.memory_space<hbm>> -> memref<80x128xf32, #tpu.memory_space<hbm>>
    tpu.wait_dma2 semaphore(%arg12 : memref<!tpu.dma_semaphore, #tpu.memory_space<semaphore_mem>>) src(%dma_wait3A_25 : memref<80x128xf32, #tpu.memory_space<hbm>>) dst(%arg8 : memref<80x128xf32, #tpu.memory_space<vmem>>)
    %dma_start3A_26 = arith.constant 0 : i32
    %dma_start3A_27 = arith.constant 0 : i32
    %dma_start3A_28 = tpu.memref_slice %arg16[%dma_start3A_26, %dma_start3A_27] : memref<10240x128xf32, #tpu.memory_space<vmem_shared>> -> memref<10240x128xf32, #tpu.memory_space<vmem_shared>>
    tpu.enqueue_indirect_dma source(%arg8 : memref<80x128xf32, #tpu.memory_space<vmem>>) target(%dma_start3A_28 : memref<10240x128xf32, #tpu.memory_space<vmem_shared>>) offsets(%arg6 : memref<80xi32, #tpu.memory_space<vmem>>) semaphore(%arg14 : memref<!tpu.dma_semaphore, #tpu.memory_space<semaphore_mem>>) {add = true}
    %dma_wait3A_29 = arith.constant 0 : i32
    %dma_wait3A_30 = arith.constant 0 : i32
    %dma_wait3A_31 = tpu.memref_slice %arg16[%dma_wait3A_29, %dma_wait3A_30] : memref<10240x128xf32, #tpu.memory_space<vmem_shared>> -> memref<10240x128xf32, #tpu.memory_space<vmem_shared>>
    tpu.wait_indirect_dma semaphore(%arg15 : memref<!tpu.dma_semaphore, #tpu.memory_space<semaphore_mem>>) src(%arg9 : memref<80x128xf32, #tpu.memory_space<vmem>>) dst(%dma_wait3A_31 : memref<10240x128xf32, #tpu.memory_space<vmem_shared>>)
    %dma_wait3A_32 = arith.constant 0 : i32
    %dma_wait3A_33 = arith.constant 0 : i32
    %dma_wait3A_34 = tpu.memref_slice %arg16[%dma_wait3A_32, %dma_wait3A_33] : memref<10240x128xf32, #tpu.memory_space<vmem_shared>> -> memref<10240x128xf32, #tpu.memory_space<vmem_shared>>
    tpu.wait_indirect_dma semaphore(%arg14 : memref<!tpu.dma_semaphore, #tpu.memory_space<semaphore_mem>>) src(%arg8 : memref<80x128xf32, #tpu.memory_space<vmem>>) dst(%dma_wait3A_34 : memref<10240x128xf32, #tpu.memory_space<vmem_shared>>)
    %barrier3A_35 = arith.constant 0 : index
    tpu.barrier barrier_id(%barrier3A_35)
    %mul3A_36 = arith.constant 640 : i32
    %mul3A_37 = arith.muli %arg1, %mul3A_36 : i32
    %mul3A_38 = arith.constant 640 : i32
    %mul3A_39 = arith.muli %arg1, %mul3A_38 : i32
    "tpu.region"() ({
      %run_scoped3A = tpu.sem_alloc : memref<!tpu.dma_semaphore, #tpu.memory_space<semaphore_mem>>
      %dma_start3A_40 = arith.constant 0 : i32
      %dma_start3A_41 = tpu.memref_slice %arg5[%arg0, %mul3A_39, %dma_start3A_40] : memref<2x10240x128xf32, #tpu.memory_space<hbm>> -> memref<1x640x128xf32, #tpu.memory_space<hbm>>
      %dma_start3A_42 = tpu.memref_squeeze %dma_start3A_41 : memref<1x640x128xf32, #tpu.memory_space<hbm>> -> memref<640x128xf32, #tpu.memory_space<hbm>>
      %dma_start3A_43 = arith.constant 0 : i32
      %dma_start3A_44 = tpu.memref_slice %arg16[%mul3A_37, %dma_start3A_43] : memref<10240x128xf32, #tpu.memory_space<vmem_shared>> -> memref<640x128xf32, #tpu.memory_space<vmem_shared>>
      tpu.enqueue_dma source(%dma_start3A_44 : memref<640x128xf32, #tpu.memory_space<vmem_shared>>) target(%dma_start3A_42 : memref<640x128xf32, #tpu.memory_space<hbm>>) target_semaphore(%run_scoped3A : memref<!tpu.dma_semaphore, #tpu.memory_space<semaphore_mem>>)
      %dma_wait3A_45 = arith.constant 0 : i32
      %dma_wait3A_46 = tpu.memref_slice %arg5[%arg0, %mul3A_39, %dma_wait3A_45] : memref<2x10240x128xf32, #tpu.memory_space<hbm>> -> memref<1x640x128xf32, #tpu.memory_space<hbm>>
      %dma_wait3A_47 = tpu.memref_squeeze %dma_wait3A_46 : memref<1x640x128xf32, #tpu.memory_space<hbm>> -> memref<640x128xf32, #tpu.memory_space<hbm>>
      %dma_wait3A_48 = arith.constant 0 : i32
      %dma_wait3A_49 = tpu.memref_slice %arg16[%mul3A_37, %dma_wait3A_48] : memref<10240x128xf32, #tpu.memory_space<vmem_shared>> -> memref<640x128xf32, #tpu.memory_space<vmem_shared>>
      tpu.wait_dma2 semaphore(%run_scoped3A : memref<!tpu.dma_semaphore, #tpu.memory_space<semaphore_mem>>) src(%dma_wait3A_49 : memref<640x128xf32, #tpu.memory_space<vmem_shared>>) dst(%dma_wait3A_47 : memref<640x128xf32, #tpu.memory_space<hbm>>)
      tpu.yield
    }) : () -> ()
    return
  }
}

#map = affine_map<(d0, d1) -> (0, 0)>
#map1 = affine_map<(d0, d1) -> (0)>
#map2 = affine_map<(d0, d1) -> (0, 0, 0)>
module attributes {stable_mosaic.version = 14 : i64} {
  func.func @_scatter_sc_body(%arg0: i32, %arg1: i32, %arg2: memref<160000x256xf32, #tpu.memory_space<hbm>>, %arg3: memref<160000xi32, #tpu.memory_space<hbm>>, %arg4: memref<10240x128xf32, #tpu.memory_space<hbm>>, %arg5: memref<2x10240x128xf32, #tpu.memory_space<hbm>>, %arg6: memref<80xi32, #tpu.memory_space<vmem>>, %arg7: memref<80xi32, #tpu.memory_space<vmem>>, %arg8: memref<80x128xf32, #tpu.memory_space<vmem>>, %arg9: memref<80x128xf32, #tpu.memory_space<vmem>>, %arg10: memref<!tpu.dma_semaphore, #tpu.memory_space<semaphore_mem>>, %arg11: memref<!tpu.dma_semaphore, #tpu.memory_space<semaphore_mem>>, %arg12: memref<!tpu.dma_semaphore, #tpu.memory_space<semaphore_mem>>, %arg13: memref<!tpu.dma_semaphore, #tpu.memory_space<semaphore_mem>>, %arg14: memref<!tpu.dma_semaphore, #tpu.memory_space<semaphore_mem>>, %arg15: memref<!tpu.dma_semaphore, #tpu.memory_space<semaphore_mem>>, %arg16: memref<10240x128xf32, #tpu.memory_space<vmem_shared>>) attributes {dimension_semantics = [#tpu.dimension_semantics<core_parallel>, #tpu.dimension_semantics<subcore_parallel>], iteration_bounds = array<i64: 2, 16>, scalar_prefetch = 0 : i64, scratch_operands = 11 : i64, tpu.core_type = #tpu.core_type<sc_vector_subcore>, window_params = [{transform_indices = #map}, {transform_indices = #map1}, {transform_indices = #map}, {transform_indices = #map2}]} {
    %mul3A = arith.constant 640 : i32
    %mul3A_0 = arith.muli %arg1, %mul3A : i32
    %mul3A_1 = arith.constant 640 : i32
    %mul3A_2 = arith.muli %arg1, %mul3A_1 : i32
    "tpu.region"() ({
      %run_scoped3A = tpu.sem_alloc : memref<!tpu.dma_semaphore, #tpu.memory_space<semaphore_mem>>
      %dma_start3A_40 = arith.constant 0 : i32
      %dma_start3A_41 = tpu.memref_slice %arg16[%mul3A_2, %dma_start3A_40] : memref<10240x128xf32, #tpu.memory_space<vmem_shared>> -> memref<640x128xf32, #tpu.memory_space<vmem_shared>>
      %dma_start3A_42 = arith.constant 0 : i32
      %dma_start3A_43 = tpu.memref_slice %arg4[%mul3A_0, %dma_start3A_42] : memref<10240x128xf32, #tpu.memory_space<hbm>> -> memref<640x128xf32, #tpu.memory_space<hbm>>
      tpu.enqueue_dma source(%dma_start3A_43 : memref<640x128xf32, #tpu.memory_space<hbm>>) target(%dma_start3A_41 : memref<640x128xf32, #tpu.memory_space<vmem_shared>>) target_semaphore(%run_scoped3A : memref<!tpu.dma_semaphore, #tpu.memory_space<semaphore_mem>>)
      %dma_wait3A_44 = arith.constant 0 : i32
      %dma_wait3A_45 = tpu.memref_slice %arg16[%mul3A_2, %dma_wait3A_44] : memref<10240x128xf32, #tpu.memory_space<vmem_shared>> -> memref<640x128xf32, #tpu.memory_space<vmem_shared>>
      %dma_wait3A_46 = arith.constant 0 : i32
      %dma_wait3A_47 = tpu.memref_slice %arg4[%mul3A_0, %dma_wait3A_46] : memref<10240x128xf32, #tpu.memory_space<hbm>> -> memref<640x128xf32, #tpu.memory_space<hbm>>
      tpu.wait_dma2 semaphore(%run_scoped3A : memref<!tpu.dma_semaphore, #tpu.memory_space<semaphore_mem>>) src(%dma_wait3A_47 : memref<640x128xf32, #tpu.memory_space<hbm>>) dst(%dma_wait3A_45 : memref<640x128xf32, #tpu.memory_space<vmem_shared>>)
      tpu.yield
    }) : () -> ()
    %barrier3A = arith.constant 0 : index
    tpu.barrier barrier_id(%barrier3A)
    %mul3A_3 = arith.constant 10000 : i32
    %mul3A_4 = arith.muli %arg1, %mul3A_3 : i32
    %add3A = arith.constant 0 : i32
    %add3A_5 = arith.addi %mul3A_4, %add3A : i32
    %dma_start3A = tpu.memref_slice %arg3[%add3A_5] : memref<160000xi32, #tpu.memory_space<hbm>> -> memref<80xi32, #tpu.memory_space<hbm>>
    %dma_start3A_6 = tpu.memref_slice %arg3[%add3A_5] : memref<160000xi32, #tpu.memory_space<hbm>> -> memref<80xi32, #tpu.memory_space<hbm>>
    tpu.enqueue_dma source(%dma_start3A_6 : memref<80xi32, #tpu.memory_space<hbm>>) target(%arg6 : memref<80xi32, #tpu.memory_space<vmem>>) target_semaphore(%arg10 : memref<!tpu.dma_semaphore, #tpu.memory_space<semaphore_mem>>)
    %mul3A_7 = arith.constant 128 : i32
    %mul3A_8 = arith.muli %arg0, %mul3A_7 : i32
    %dma_start3A_9 = tpu.memref_slice %arg2[%add3A_5, %mul3A_8] : memref<160000x256xf32, #tpu.memory_space<hbm>> -> memref<80x128xf32, #tpu.memory_space<hbm>>
    %dma_start3A_10 = tpu.memref_slice %arg2[%add3A_5, %mul3A_8] : memref<160000x256xf32, #tpu.memory_space<hbm>> -> memref<80x128xf32, #tpu.memory_space<hbm>>
    tpu.enqueue_dma source(%dma_start3A_10 : memref<80x128xf32, #tpu.memory_space<hbm>>) target(%arg8 : memref<80x128xf32, #tpu.memory_space<vmem>>) target_semaphore(%arg12 : memref<!tpu.dma_semaphore, #tpu.memory_space<semaphore_mem>>)
    %scan3A = arith.constant 0 : i32
    %scan3A_11 = arith.constant 0 : i32
    %scan3A_12 = arith.constant 62 : i32
    %scan3A_13 = arith.addi %scan3A_11, %scan3A_12 : i32
    %scan3A_14 = arith.constant 1 : i32
    %scan3A_15 = scf.for %scan3A_40 = %scan3A_11 to %scan3A_13 step %scan3A_14 iter_args(%scan3A_41 = %scan3A) -> (i32)  : i32 {
      %mul3A_42 = arith.constant 2 : i32
      %mul3A_43 = arith.muli %mul3A_42, %scan3A_40 : i32
      %add3A_44 = arith.constant 1 : i32
      %add3A_45 = arith.addi %add3A_44, %mul3A_43 : i32
      %ge3A = arith.constant 2 : i32
      %ge3A_46 = arith.cmpi sge, %add3A_45, %ge3A : i32
      %convert_element_type3A = arith.extui %ge3A_46 : i1 to i32
      %cond3A = arith.constant 0 : i32
      %cond3A_47 = arith.cmpi ne, %convert_element_type3A, %cond3A : i32
      scf.if %cond3A_47 {
        %dma_wait3A_86 = arith.constant 0 : i32
        %dma_wait3A_87 = arith.constant 0 : i32
        %dma_wait3A_88 = tpu.memref_slice %arg16[%dma_wait3A_86, %dma_wait3A_87] : memref<10240x128xf32, #tpu.memory_space<vmem_shared>> -> memref<10240x128xf32, #tpu.memory_space<vmem_shared>>
        tpu.wait_indirect_dma semaphore(%arg15 : memref<!tpu.dma_semaphore, #tpu.memory_space<semaphore_mem>>) src(%arg9 : memref<80x128xf32, #tpu.memory_space<vmem>>) dst(%dma_wait3A_88 : memref<10240x128xf32, #tpu.memory_space<vmem_shared>>)
      } else {
      }
      %mul3A_48 = arith.constant 80 : i32
      %mul3A_49 = arith.muli %add3A_45, %mul3A_48 : i32
      %add3A_50 = arith.addi %mul3A_4, %mul3A_49 : i32
      %dma_start3A_51 = tpu.memref_slice %arg3[%add3A_50] : memref<160000xi32, #tpu.memory_space<hbm>> -> memref<80xi32, #tpu.memory_space<hbm>>
      %dma_start3A_52 = tpu.memref_slice %arg3[%add3A_50] : memref<160000xi32, #tpu.memory_space<hbm>> -> memref<80xi32, #tpu.memory_space<hbm>>
      tpu.enqueue_dma source(%dma_start3A_52 : memref<80xi32, #tpu.memory_space<hbm>>) target(%arg7 : memref<80xi32, #tpu.memory_space<vmem>>) target_semaphore(%arg11 : memref<!tpu.dma_semaphore, #tpu.memory_space<semaphore_mem>>)
      %mul3A_53 = arith.constant 128 : i32
      %mul3A_54 = arith.muli %arg0, %mul3A_53 : i32
      %dma_start3A_55 = tpu.memref_slice %arg2[%add3A_50, %mul3A_54] : memref<160000x256xf32, #tpu.memory_space<hbm>> -> memref<80x128xf32, #tpu.memory_space<hbm>>
      %dma_start3A_56 = tpu.memref_slice %arg2[%add3A_50, %mul3A_54] : memref<160000x256xf32, #tpu.memory_space<hbm>> -> memref<80x128xf32, #tpu.memory_space<hbm>>
      tpu.enqueue_dma source(%dma_start3A_56 : memref<80x128xf32, #tpu.memory_space<hbm>>) target(%arg9 : memref<80x128xf32, #tpu.memory_space<vmem>>) target_semaphore(%arg13 : memref<!tpu.dma_semaphore, #tpu.memory_space<semaphore_mem>>)
      %ge3A_57 = arith.constant 1 : i32
      %ge3A_58 = arith.cmpi sge, %add3A_45, %ge3A_57 : i32
      %convert_element_type3A_59 = arith.extui %ge3A_58 : i1 to i32
      %cond3A_60 = arith.constant 0 : i32
      %cond3A_61 = arith.cmpi ne, %convert_element_type3A_59, %cond3A_60 : i32
      scf.if %cond3A_61 {
        %dma_wait3A_86 = arith.constant 0 : i32
        %dma_wait3A_87 = tpu.memref_slice %arg3[%dma_wait3A_86] : memref<160000xi32, #tpu.memory_space<hbm>> -> memref<80xi32, #tpu.memory_space<hbm>>
        %dma_wait3A_88 = arith.constant 0 : i32
        %dma_wait3A_89 = tpu.memref_slice %arg3[%dma_wait3A_88] : memref<160000xi32, #tpu.memory_space<hbm>> -> memref<80xi32, #tpu.memory_space<hbm>>
        tpu.wait_dma2 semaphore(%arg10 : memref<!tpu.dma_semaphore, #tpu.memory_space<semaphore_mem>>) src(%dma_wait3A_89 : memref<80xi32, #tpu.memory_space<hbm>>) dst(%arg6 : memref<80xi32, #tpu.memory_space<vmem>>)
        %dma_wait3A_90 = arith.constant 0 : i32
        %dma_wait3A_91 = arith.constant 0 : i32
        %dma_wait3A_92 = tpu.memref_slice %arg2[%dma_wait3A_90, %dma_wait3A_91] : memref<160000x256xf32, #tpu.memory_space<hbm>> -> memref<80x128xf32, #tpu.memory_space<hbm>>
        %dma_wait3A_93 = arith.constant 0 : i32
        %dma_wait3A_94 = arith.constant 0 : i32
        %dma_wait3A_95 = tpu.memref_slice %arg2[%dma_wait3A_93, %dma_wait3A_94] : memref<160000x256xf32, #tpu.memory_space<hbm>> -> memref<80x128xf32, #tpu.memory_space<hbm>>
        tpu.wait_dma2 semaphore(%arg12 : memref<!tpu.dma_semaphore, #tpu.memory_space<semaphore_mem>>) src(%dma_wait3A_95 : memref<80x128xf32, #tpu.memory_space<hbm>>) dst(%arg8 : memref<80x128xf32, #tpu.memory_space<vmem>>)
        %sub3A = arith.constant 1 : i32
        %sub3A_96 = arith.subi %add3A_45, %sub3A : i32
        %dma_start3A_97 = arith.constant 0 : i32
        %dma_start3A_98 = arith.constant 0 : i32
        %dma_start3A_99 = tpu.memref_slice %arg16[%dma_start3A_97, %dma_start3A_98] : memref<10240x128xf32, #tpu.memory_space<vmem_shared>> -> memref<10240x128xf32, #tpu.memory_space<vmem_shared>>
        tpu.enqueue_indirect_dma source(%arg8 : memref<80x128xf32, #tpu.memory_space<vmem>>) target(%dma_start3A_99 : memref<10240x128xf32, #tpu.memory_space<vmem_shared>>) offsets(%arg6 : memref<80xi32, #tpu.memory_space<vmem>>) semaphore(%arg14 : memref<!tpu.dma_semaphore, #tpu.memory_space<semaphore_mem>>) {add = true}
      } else {
      }
      %mul3A_62 = arith.constant 2 : i32
      %mul3A_63 = arith.muli %mul3A_62, %scan3A_40 : i32
      %add3A_64 = arith.constant 2 : i32
      %add3A_65 = arith.addi %add3A_64, %mul3A_63 : i32
      %ge3A_66 = arith.constant 2 : i32
      %ge3A_67 = arith.cmpi sge, %add3A_65, %ge3A_66 : i32
      %convert_element_type3A_68 = arith.extui %ge3A_67 : i1 to i32
      %cond3A_69 = arith.constant 0 : i32
      %cond3A_70 = arith.cmpi ne, %convert_element_type3A_68, %cond3A_69 : i32
      scf.if %cond3A_70 {
        %dma_wait3A_86 = arith.constant 0 : i32
        %dma_wait3A_87 = arith.constant 0 : i32
        %dma_wait3A_88 = tpu.memref_slice %arg16[%dma_wait3A_86, %dma_wait3A_87] : memref<10240x128xf32, #tpu.memory_space<vmem_shared>> -> memref<10240x128xf32, #tpu.memory_space<vmem_shared>>
        tpu.wait_indirect_dma semaphore(%arg14 : memref<!tpu.dma_semaphore, #tpu.memory_space<semaphore_mem>>) src(%arg8 : memref<80x128xf32, #tpu.memory_space<vmem>>) dst(%dma_wait3A_88 : memref<10240x128xf32, #tpu.memory_space<vmem_shared>>)
      } else {
      }
      %mul3A_71 = arith.constant 80 : i32
      %mul3A_72 = arith.muli %add3A_65, %mul3A_71 : i32
      %add3A_73 = arith.addi %mul3A_4, %mul3A_72 : i32
      %dma_start3A_74 = tpu.memref_slice %arg3[%add3A_73] : memref<160000xi32, #tpu.memory_space<hbm>> -> memref<80xi32, #tpu.memory_space<hbm>>
      %dma_start3A_75 = tpu.memref_slice %arg3[%add3A_73] : memref<160000xi32, #tpu.memory_space<hbm>> -> memref<80xi32, #tpu.memory_space<hbm>>
      tpu.enqueue_dma source(%dma_start3A_75 : memref<80xi32, #tpu.memory_space<hbm>>) target(%arg6 : memref<80xi32, #tpu.memory_space<vmem>>) target_semaphore(%arg10 : memref<!tpu.dma_semaphore, #tpu.memory_space<semaphore_mem>>)
      %mul3A_76 = arith.constant 128 : i32
      %mul3A_77 = arith.muli %arg0, %mul3A_76 : i32
      %dma_start3A_78 = tpu.memref_slice %arg2[%add3A_73, %mul3A_77] : memref<160000x256xf32, #tpu.memory_space<hbm>> -> memref<80x128xf32, #tpu.memory_space<hbm>>
      %dma_start3A_79 = tpu.memref_slice %arg2[%add3A_73, %mul3A_77] : memref<160000x256xf32, #tpu.memory_space<hbm>> -> memref<80x128xf32, #tpu.memory_space<hbm>>
      tpu.enqueue_dma source(%dma_start3A_79 : memref<80x128xf32, #tpu.memory_space<hbm>>) target(%arg8 : memref<80x128xf32, #tpu.memory_space<vmem>>) target_semaphore(%arg12 : memref<!tpu.dma_semaphore, #tpu.memory_space<semaphore_mem>>)
      %ge3A_80 = arith.constant 1 : i32
      %ge3A_81 = arith.cmpi sge, %add3A_65, %ge3A_80 : i32
      %convert_element_type3A_82 = arith.extui %ge3A_81 : i1 to i32
      %cond3A_83 = arith.constant 0 : i32
      %cond3A_84 = arith.cmpi ne, %convert_element_type3A_82, %cond3A_83 : i32
      scf.if %cond3A_84 {
        %dma_wait3A_86 = arith.constant 0 : i32
        %dma_wait3A_87 = tpu.memref_slice %arg3[%dma_wait3A_86] : memref<160000xi32, #tpu.memory_space<hbm>> -> memref<80xi32, #tpu.memory_space<hbm>>
        %dma_wait3A_88 = arith.constant 0 : i32
        %dma_wait3A_89 = tpu.memref_slice %arg3[%dma_wait3A_88] : memref<160000xi32, #tpu.memory_space<hbm>> -> memref<80xi32, #tpu.memory_space<hbm>>
        tpu.wait_dma2 semaphore(%arg11 : memref<!tpu.dma_semaphore, #tpu.memory_space<semaphore_mem>>) src(%dma_wait3A_89 : memref<80xi32, #tpu.memory_space<hbm>>) dst(%arg7 : memref<80xi32, #tpu.memory_space<vmem>>)
        %dma_wait3A_90 = arith.constant 0 : i32
        %dma_wait3A_91 = arith.constant 0 : i32
        %dma_wait3A_92 = tpu.memref_slice %arg2[%dma_wait3A_90, %dma_wait3A_91] : memref<160000x256xf32, #tpu.memory_space<hbm>> -> memref<80x128xf32, #tpu.memory_space<hbm>>
        %dma_wait3A_93 = arith.constant 0 : i32
        %dma_wait3A_94 = arith.constant 0 : i32
        %dma_wait3A_95 = tpu.memref_slice %arg2[%dma_wait3A_93, %dma_wait3A_94] : memref<160000x256xf32, #tpu.memory_space<hbm>> -> memref<80x128xf32, #tpu.memory_space<hbm>>
        tpu.wait_dma2 semaphore(%arg13 : memref<!tpu.dma_semaphore, #tpu.memory_space<semaphore_mem>>) src(%dma_wait3A_95 : memref<80x128xf32, #tpu.memory_space<hbm>>) dst(%arg9 : memref<80x128xf32, #tpu.memory_space<vmem>>)
        %sub3A = arith.constant 1 : i32
        %sub3A_96 = arith.subi %add3A_65, %sub3A : i32
        %dma_start3A_97 = arith.constant 0 : i32
        %dma_start3A_98 = arith.constant 0 : i32
        %dma_start3A_99 = tpu.memref_slice %arg16[%dma_start3A_97, %dma_start3A_98] : memref<10240x128xf32, #tpu.memory_space<vmem_shared>> -> memref<10240x128xf32, #tpu.memory_space<vmem_shared>>
        tpu.enqueue_indirect_dma source(%arg9 : memref<80x128xf32, #tpu.memory_space<vmem>>) target(%dma_start3A_99 : memref<10240x128xf32, #tpu.memory_space<vmem_shared>>) offsets(%arg7 : memref<80xi32, #tpu.memory_space<vmem>>) semaphore(%arg15 : memref<!tpu.dma_semaphore, #tpu.memory_space<semaphore_mem>>) {add = true}
      } else {
      }
      %scan3A_85 = arith.constant 0 : i32
      scf.yield %scan3A_85 : i32
    }
    %scan3A_16 = arith.constant 62 : i32
    %dma_wait3A = arith.constant 0 : i32
    %dma_wait3A_17 = tpu.memref_slice %arg3[%dma_wait3A] : memref<160000xi32, #tpu.memory_space<hbm>> -> memref<80xi32, #tpu.memory_space<hbm>>
    %dma_wait3A_18 = arith.constant 0 : i32
    %dma_wait3A_19 = tpu.memref_slice %arg3[%dma_wait3A_18] : memref<160000xi32, #tpu.memory_space<hbm>> -> memref<80xi32, #tpu.memory_space<hbm>>
    tpu.wait_dma2 semaphore(%arg10 : memref<!tpu.dma_semaphore, #tpu.memory_space<semaphore_mem>>) src(%dma_wait3A_19 : memref<80xi32, #tpu.memory_space<hbm>>) dst(%arg6 : memref<80xi32, #tpu.memory_space<vmem>>)
    %dma_wait3A_20 = arith.constant 0 : i32
    %dma_wait3A_21 = arith.constant 0 : i32
    %dma_wait3A_22 = tpu.memref_slice %arg2[%dma_wait3A_20, %dma_wait3A_21] : memref<160000x256xf32, #tpu.memory_space<hbm>> -> memref<80x128xf32, #tpu.memory_space<hbm>>
    %dma_wait3A_23 = arith.constant 0 : i32
    %dma_wait3A_24 = arith.constant 0 : i32
    %dma_wait3A_25 = tpu.memref_slice %arg2[%dma_wait3A_23, %dma_wait3A_24] : memref<160000x256xf32, #tpu.memory_space<hbm>> -> memref<80x128xf32, #tpu.memory_space<hbm>>
    tpu.wait_dma2 semaphore(%arg12 : memref<!tpu.dma_semaphore, #tpu.memory_space<semaphore_mem>>) src(%dma_wait3A_25 : memref<80x128xf32, #tpu.memory_space<hbm>>) dst(%arg8 : memref<80x128xf32, #tpu.memory_space<vmem>>)
    %dma_start3A_26 = arith.constant 0 : i32
    %dma_start3A_27 = arith.constant 0 : i32
    %dma_start3A_28 = tpu.memref_slice %arg16[%dma_start3A_26, %dma_start3A_27] : memref<10240x128xf32, #tpu.memory_space<vmem_shared>> -> memref<10240x128xf32, #tpu.memory_space<vmem_shared>>
    tpu.enqueue_indirect_dma source(%arg8 : memref<80x128xf32, #tpu.memory_space<vmem>>) target(%dma_start3A_28 : memref<10240x128xf32, #tpu.memory_space<vmem_shared>>) offsets(%arg6 : memref<80xi32, #tpu.memory_space<vmem>>) semaphore(%arg14 : memref<!tpu.dma_semaphore, #tpu.memory_space<semaphore_mem>>) {add = true}
    %dma_wait3A_29 = arith.constant 0 : i32
    %dma_wait3A_30 = arith.constant 0 : i32
    %dma_wait3A_31 = tpu.memref_slice %arg16[%dma_wait3A_29, %dma_wait3A_30] : memref<10240x128xf32, #tpu.memory_space<vmem_shared>> -> memref<10240x128xf32, #tpu.memory_space<vmem_shared>>
    tpu.wait_indirect_dma semaphore(%arg15 : memref<!tpu.dma_semaphore, #tpu.memory_space<semaphore_mem>>) src(%arg9 : memref<80x128xf32, #tpu.memory_space<vmem>>) dst(%dma_wait3A_31 : memref<10240x128xf32, #tpu.memory_space<vmem_shared>>)
    %dma_wait3A_32 = arith.constant 0 : i32
    %dma_wait3A_33 = arith.constant 0 : i32
    %dma_wait3A_34 = tpu.memref_slice %arg16[%dma_wait3A_32, %dma_wait3A_33] : memref<10240x128xf32, #tpu.memory_space<vmem_shared>> -> memref<10240x128xf32, #tpu.memory_space<vmem_shared>>
    tpu.wait_indirect_dma semaphore(%arg14 : memref<!tpu.dma_semaphore, #tpu.memory_space<semaphore_mem>>) src(%arg8 : memref<80x128xf32, #tpu.memory_space<vmem>>) dst(%dma_wait3A_34 : memref<10240x128xf32, #tpu.memory_space<vmem_shared>>)
    %barrier3A_35 = arith.constant 0 : index
    tpu.barrier barrier_id(%barrier3A_35)
    %mul3A_36 = arith.constant 640 : i32
    %mul3A_37 = arith.muli %arg1, %mul3A_36 : i32
    %mul3A_38 = arith.constant 640 : i32
    %mul3A_39 = arith.muli %arg1, %mul3A_38 : i32
    "tpu.region"() ({
      %run_scoped3A = tpu.sem_alloc : memref<!tpu.dma_semaphore, #tpu.memory_space<semaphore_mem>>
      %dma_start3A_40 = arith.constant 0 : i32
      %dma_start3A_41 = tpu.memref_slice %arg5[%arg0, %mul3A_39, %dma_start3A_40] : memref<2x10240x128xf32, #tpu.memory_space<hbm>> -> memref<1x640x128xf32, #tpu.memory_space<hbm>>
      %dma_start3A_42 = tpu.memref_squeeze %dma_start3A_41 : memref<1x640x128xf32, #tpu.memory_space<hbm>> -> memref<640x128xf32, #tpu.memory_space<hbm>>
      %dma_start3A_43 = arith.constant 0 : i32
      %dma_start3A_44 = tpu.memref_slice %arg16[%mul3A_37, %dma_start3A_43] : memref<10240x128xf32, #tpu.memory_space<vmem_shared>> -> memref<640x128xf32, #tpu.memory_space<vmem_shared>>
      tpu.enqueue_dma source(%dma_start3A_44 : memref<640x128xf32, #tpu.memory_space<vmem_shared>>) target(%dma_start3A_42 : memref<640x128xf32, #tpu.memory_space<hbm>>) target_semaphore(%run_scoped3A : memref<!tpu.dma_semaphore, #tpu.memory_space<semaphore_mem>>)
      %dma_wait3A_45 = arith.constant 0 : i32
      %dma_wait3A_46 = tpu.memref_slice %arg5[%arg0, %mul3A_39, %dma_wait3A_45] : memref<2x10240x128xf32, #tpu.memory_space<hbm>> -> memref<1x640x128xf32, #tpu.memory_space<hbm>>
      %dma_wait3A_47 = tpu.memref_squeeze %dma_wait3A_46 : memref<1x640x128xf32, #tpu.memory_space<hbm>> -> memref<640x128xf32, #tpu.memory_space<hbm>>
      %dma_wait3A_48 = arith.constant 0 : i32
      %dma_wait3A_49 = tpu.memref_slice %arg16[%mul3A_37, %dma_wait3A_48] : memref<10240x128xf32, #tpu.memory_space<vmem_shared>> -> memref<640x128xf32, #tpu.memory_space<vmem_shared>>
      tpu.wait_dma2 semaphore(%run_scoped3A : memref<!tpu.dma_semaphore, #tpu.memory_space<semaphore_mem>>) src(%dma_wait3A_49 : memref<640x128xf32, #tpu.memory_space<vmem_shared>>) dst(%dma_wait3A_47 : memref<640x128xf32, #tpu.memory_space<hbm>>)
      tpu.yield
    }) : () -> ()
    return
  }
}

#map = affine_map<(d0, d1) -> (0, 0)>
#map1 = affine_map<(d0, d1) -> (0)>
module attributes {stable_mosaic.version = 14 : i64} {
  func.func @_gather_sc_body(%arg0: i32, %arg1: i32, %arg2: memref<10000x128xi32, #tpu.memory_space<hbm>>, %arg3: memref<10000x128xf32, #tpu.memory_space<hbm>>, %arg4: memref<160000xi32, #tpu.memory_space<hbm>>, %arg5: memref<160000xi32, #tpu.memory_space<hbm>>, %arg6: memref<160000x128xi32, #tpu.memory_space<hbm>>, %arg7: memref<160000x128xf32, #tpu.memory_space<hbm>>, %arg8: memref<5000xi32, #tpu.memory_space<vmem>>, %arg9: memref<5000xi32, #tpu.memory_space<vmem>>, %arg10: memref<40x128xi32, #tpu.memory_space<vmem>>, %arg11: memref<40x128xi32, #tpu.memory_space<vmem>>, %arg12: memref<40x128xf32, #tpu.memory_space<vmem>>, %arg13: memref<40x128xf32, #tpu.memory_space<vmem>>, %arg14: memref<!tpu.dma_semaphore, #tpu.memory_space<semaphore_mem>>, %arg15: memref<!tpu.dma_semaphore, #tpu.memory_space<semaphore_mem>>, %arg16: memref<!tpu.dma_semaphore, #tpu.memory_space<semaphore_mem>>, %arg17: memref<!tpu.dma_semaphore, #tpu.memory_space<semaphore_mem>>, %arg18: memref<!tpu.dma_semaphore, #tpu.memory_space<semaphore_mem>>, %arg19: memref<!tpu.dma_semaphore, #tpu.memory_space<semaphore_mem>>, %arg20: memref<!tpu.dma_semaphore, #tpu.memory_space<semaphore_mem>>, %arg21: memref<!tpu.dma_semaphore, #tpu.memory_space<semaphore_mem>>, %arg22: memref<10000x128xi32, #tpu.memory_space<vmem_shared>>) attributes {dimension_semantics = [#tpu.dimension_semantics<core_parallel>, #tpu.dimension_semantics<subcore_parallel>], iteration_bounds = array<i64: 2, 16>, scalar_prefetch = 0 : i64, scratch_operands = 15 : i64, tpu.core_type = #tpu.core_type<sc_vector_subcore>, window_params = [{transform_indices = #map}, {transform_indices = #map}, {transform_indices = #map1}, {transform_indices = #map1}, {transform_indices = #map}, {transform_indices = #map}]} {
    %mul3A = arith.constant 2 : i32
    %mul3A_0 = arith.muli %arg1, %mul3A : i32
    %add3A = arith.addi %mul3A_0, %arg0 : i32
    %mul3A_1 = arith.constant 5000 : i32
    %mul3A_2 = arith.muli %add3A, %mul3A_1 : i32
    %eq3A = arith.constant 0 : i32
    %eq3A_3 = arith.cmpi eq, %arg1, %eq3A : i32
    %convert_element_type3A = arith.extui %eq3A_3 : i1 to i32
    %cond3A = arith.constant 0 : i32
    %cond3A_4 = arith.cmpi ne, %convert_element_type3A, %cond3A : i32
    scf.if %cond3A_4 {
      "tpu.region"() ({
        %run_scoped3A = tpu.sem_alloc : memref<!tpu.dma_semaphore, #tpu.memory_space<semaphore_mem>>
        tpu.enqueue_dma source(%arg2 : memref<10000x128xi32, #tpu.memory_space<hbm>>) target(%arg22 : memref<10000x128xi32, #tpu.memory_space<vmem_shared>>) target_semaphore(%run_scoped3A : memref<!tpu.dma_semaphore, #tpu.memory_space<semaphore_mem>>)
        tpu.wait_dma2 semaphore(%run_scoped3A : memref<!tpu.dma_semaphore, #tpu.memory_space<semaphore_mem>>) src(%arg2 : memref<10000x128xi32, #tpu.memory_space<hbm>>) dst(%arg22 : memref<10000x128xi32, #tpu.memory_space<vmem_shared>>)
        tpu.yield
      }) : () -> ()
    } else {
    }
    "tpu.region"() ({
      %run_scoped3A = tpu.sem_alloc : memref<!tpu.dma_semaphore, #tpu.memory_space<semaphore_mem>>
      %dma_start3A_63 = tpu.memref_slice %arg4[%mul3A_2] : memref<160000xi32, #tpu.memory_space<hbm>> -> memref<5000xi32, #tpu.memory_space<hbm>>
      %dma_start3A_64 = tpu.memref_slice %arg4[%mul3A_2] : memref<160000xi32, #tpu.memory_space<hbm>> -> memref<5000xi32, #tpu.memory_space<hbm>>
      tpu.enqueue_dma source(%dma_start3A_64 : memref<5000xi32, #tpu.memory_space<hbm>>) target(%arg8 : memref<5000xi32, #tpu.memory_space<vmem>>) target_semaphore(%run_scoped3A : memref<!tpu.dma_semaphore, #tpu.memory_space<semaphore_mem>>)
      %dma_wait3A_65 = tpu.memref_slice %arg4[%mul3A_2] : memref<160000xi32, #tpu.memory_space<hbm>> -> memref<5000xi32, #tpu.memory_space<hbm>>
      %dma_wait3A_66 = tpu.memref_slice %arg4[%mul3A_2] : memref<160000xi32, #tpu.memory_space<hbm>> -> memref<5000xi32, #tpu.memory_space<hbm>>
      tpu.wait_dma2 semaphore(%run_scoped3A : memref<!tpu.dma_semaphore, #tpu.memory_space<semaphore_mem>>) src(%dma_wait3A_66 : memref<5000xi32, #tpu.memory_space<hbm>>) dst(%arg8 : memref<5000xi32, #tpu.memory_space<vmem>>)
      tpu.yield
    }) : () -> ()
    "tpu.region"() ({
      %run_scoped3A = tpu.sem_alloc : memref<!tpu.dma_semaphore, #tpu.memory_space<semaphore_mem>>
      %dma_start3A_63 = tpu.memref_slice %arg5[%mul3A_2] : memref<160000xi32, #tpu.memory_space<hbm>> -> memref<5000xi32, #tpu.memory_space<hbm>>
      %dma_start3A_64 = tpu.memref_slice %arg5[%mul3A_2] : memref<160000xi32, #tpu.memory_space<hbm>> -> memref<5000xi32, #tpu.memory_space<hbm>>
      tpu.enqueue_dma source(%dma_start3A_64 : memref<5000xi32, #tpu.memory_space<hbm>>) target(%arg9 : memref<5000xi32, #tpu.memory_space<vmem>>) target_semaphore(%run_scoped3A : memref<!tpu.dma_semaphore, #tpu.memory_space<semaphore_mem>>)
      %dma_wait3A_65 = tpu.memref_slice %arg5[%mul3A_2] : memref<160000xi32, #tpu.memory_space<hbm>> -> memref<5000xi32, #tpu.memory_space<hbm>>
      %dma_wait3A_66 = tpu.memref_slice %arg5[%mul3A_2] : memref<160000xi32, #tpu.memory_space<hbm>> -> memref<5000xi32, #tpu.memory_space<hbm>>
      tpu.wait_dma2 semaphore(%run_scoped3A : memref<!tpu.dma_semaphore, #tpu.memory_space<semaphore_mem>>) src(%dma_wait3A_66 : memref<5000xi32, #tpu.memory_space<hbm>>) dst(%arg9 : memref<5000xi32, #tpu.memory_space<vmem>>)
      tpu.yield
    }) : () -> ()
    %barrier3A = arith.constant 0 : index
    tpu.barrier barrier_id(%barrier3A)
    %dma_start3A = arith.constant 0 : i32
    %dma_start3A_5 = tpu.memref_slice %arg8[%dma_start3A] : memref<5000xi32, #tpu.memory_space<vmem>> -> memref<40xi32, #tpu.memory_space<vmem>>
    %dma_start3A_6 = arith.constant 0 : i32
    %dma_start3A_7 = arith.constant 0 : i32
    %dma_start3A_8 = tpu.memref_slice %arg22[%dma_start3A_6, %dma_start3A_7] : memref<10000x128xi32, #tpu.memory_space<vmem_shared>> -> memref<10000x128xi32, #tpu.memory_space<vmem_shared>>
    tpu.enqueue_indirect_dma source(%dma_start3A_8 : memref<10000x128xi32, #tpu.memory_space<vmem_shared>>) target(%arg10 : memref<40x128xi32, #tpu.memory_space<vmem>>) offsets(%dma_start3A_5 : memref<40xi32, #tpu.memory_space<vmem>>) semaphore(%arg14 : memref<!tpu.dma_semaphore, #tpu.memory_space<semaphore_mem>>)
    %dma_start3A_9 = arith.constant 0 : i32
    %dma_start3A_10 = tpu.memref_slice %arg9[%dma_start3A_9] : memref<5000xi32, #tpu.memory_space<vmem>> -> memref<40xi32, #tpu.memory_space<vmem>>
    %dma_start3A_11 = arith.constant 0 : i32
    %dma_start3A_12 = arith.constant 0 : i32
    %dma_start3A_13 = tpu.memref_slice %arg3[%dma_start3A_11, %dma_start3A_12] : memref<10000x128xf32, #tpu.memory_space<hbm>> -> memref<10000x128xf32, #tpu.memory_space<hbm>>
    tpu.enqueue_indirect_dma source(%dma_start3A_13 : memref<10000x128xf32, #tpu.memory_space<hbm>>) target(%arg12 : memref<40x128xf32, #tpu.memory_space<vmem>>) offsets(%dma_start3A_10 : memref<40xi32, #tpu.memory_space<vmem>>) semaphore(%arg16 : memref<!tpu.dma_semaphore, #tpu.memory_space<semaphore_mem>>)
    %scan3A = arith.constant 0 : i32
    %scan3A_14 = arith.constant 0 : i32
    %scan3A_15 = arith.constant 62 : i32
    %scan3A_16 = arith.addi %scan3A_14, %scan3A_15 : i32
    %scan3A_17 = arith.constant 1 : i32
    %scan3A_18 = scf.for %scan3A_63 = %scan3A_14 to %scan3A_16 step %scan3A_17 iter_args(%scan3A_64 = %scan3A) -> (i32)  : i32 {
      %mul3A_65 = arith.constant 2 : i32
      %mul3A_66 = arith.muli %mul3A_65, %scan3A_63 : i32
      %add3A_67 = arith.constant 1 : i32
      %add3A_68 = arith.addi %add3A_67, %mul3A_66 : i32
      %ge3A = arith.constant 2 : i32
      %ge3A_69 = arith.cmpi sge, %add3A_68, %ge3A : i32
      %convert_element_type3A_70 = arith.extui %ge3A_69 : i1 to i32
      %cond3A_71 = arith.constant 0 : i32
      %cond3A_72 = arith.cmpi ne, %convert_element_type3A_70, %cond3A_71 : i32
      scf.if %cond3A_72 {
        %dma_wait3A_113 = arith.constant 0 : i32
        %dma_wait3A_114 = arith.constant 0 : i32
        %dma_wait3A_115 = tpu.memref_slice %arg6[%dma_wait3A_113, %dma_wait3A_114] : memref<160000x128xi32, #tpu.memory_space<hbm>> -> memref<40x128xi32, #tpu.memory_space<hbm>>
        %dma_wait3A_116 = arith.constant 0 : i32
        %dma_wait3A_117 = arith.constant 0 : i32
        %dma_wait3A_118 = tpu.memref_slice %arg6[%dma_wait3A_116, %dma_wait3A_117] : memref<160000x128xi32, #tpu.memory_space<hbm>> -> memref<40x128xi32, #tpu.memory_space<hbm>>
        tpu.wait_dma2 semaphore(%arg19 : memref<!tpu.dma_semaphore, #tpu.memory_space<semaphore_mem>>) src(%arg11 : memref<40x128xi32, #tpu.memory_space<vmem>>) dst(%dma_wait3A_118 : memref<40x128xi32, #tpu.memory_space<hbm>>)
        %dma_wait3A_119 = arith.constant 0 : i32
        %dma_wait3A_120 = arith.constant 0 : i32
        %dma_wait3A_121 = tpu.memref_slice %arg7[%dma_wait3A_119, %dma_wait3A_120] : memref<160000x128xf32, #tpu.memory_space<hbm>> -> memref<40x128xf32, #tpu.memory_space<hbm>>
        %dma_wait3A_122 = arith.constant 0 : i32
        %dma_wait3A_123 = arith.constant 0 : i32
        %dma_wait3A_124 = tpu.memref_slice %arg7[%dma_wait3A_122, %dma_wait3A_123] : memref<160000x128xf32, #tpu.memory_space<hbm>> -> memref<40x128xf32, #tpu.memory_space<hbm>>
        tpu.wait_dma2 semaphore(%arg21 : memref<!tpu.dma_semaphore, #tpu.memory_space<semaphore_mem>>) src(%arg13 : memref<40x128xf32, #tpu.memory_space<vmem>>) dst(%dma_wait3A_124 : memref<40x128xf32, #tpu.memory_space<hbm>>)
      } else {
      }
      %mul3A_73 = arith.constant 40 : i32
      %mul3A_74 = arith.muli %add3A_68, %mul3A_73 : i32
      %dma_start3A_75 = tpu.memref_slice %arg8[%mul3A_74] : memref<5000xi32, #tpu.memory_space<vmem>> -> memref<40xi32, #tpu.memory_space<vmem>>
      %dma_start3A_76 = arith.constant 0 : i32
      %dma_start3A_77 = arith.constant 0 : i32
      %dma_start3A_78 = tpu.memref_slice %arg22[%dma_start3A_76, %dma_start3A_77] : memref<10000x128xi32, #tpu.memory_space<vmem_shared>> -> memref<10000x128xi32, #tpu.memory_space<vmem_shared>>
      tpu.enqueue_indirect_dma source(%dma_start3A_78 : memref<10000x128xi32, #tpu.memory_space<vmem_shared>>) target(%arg11 : memref<40x128xi32, #tpu.memory_space<vmem>>) offsets(%dma_start3A_75 : memref<40xi32, #tpu.memory_space<vmem>>) semaphore(%arg15 : memref<!tpu.dma_semaphore, #tpu.memory_space<semaphore_mem>>)
      %dma_start3A_79 = tpu.memref_slice %arg9[%mul3A_74] : memref<5000xi32, #tpu.memory_space<vmem>> -> memref<40xi32, #tpu.memory_space<vmem>>
      %dma_start3A_80 = arith.constant 0 : i32
      %dma_start3A_81 = arith.constant 0 : i32
      %dma_start3A_82 = tpu.memref_slice %arg3[%dma_start3A_80, %dma_start3A_81] : memref<10000x128xf32, #tpu.memory_space<hbm>> -> memref<10000x128xf32, #tpu.memory_space<hbm>>
      tpu.enqueue_indirect_dma source(%dma_start3A_82 : memref<10000x128xf32, #tpu.memory_space<hbm>>) target(%arg13 : memref<40x128xf32, #tpu.memory_space<vmem>>) offsets(%dma_start3A_79 : memref<40xi32, #tpu.memory_space<vmem>>) semaphore(%arg17 : memref<!tpu.dma_semaphore, #tpu.memory_space<semaphore_mem>>)
      %ge3A_83 = arith.constant 1 : i32
      %ge3A_84 = arith.cmpi sge, %add3A_68, %ge3A_83 : i32
      %convert_element_type3A_85 = arith.extui %ge3A_84 : i1 to i32
      %cond3A_86 = arith.constant 0 : i32
      %cond3A_87 = arith.cmpi ne, %convert_element_type3A_85, %cond3A_86 : i32
      scf.if %cond3A_87 {
        %dma_wait3A_113 = arith.constant 0 : i32
        %dma_wait3A_114 = tpu.memref_slice %arg8[%dma_wait3A_113] : memref<5000xi32, #tpu.memory_space<vmem>> -> memref<40xi32, #tpu.memory_space<vmem>>
        %dma_wait3A_115 = arith.constant 0 : i32
        %dma_wait3A_116 = arith.constant 0 : i32
        %dma_wait3A_117 = tpu.memref_slice %arg22[%dma_wait3A_115, %dma_wait3A_116] : memref<10000x128xi32, #tpu.memory_space<vmem_shared>> -> memref<10000x128xi32, #tpu.memory_space<vmem_shared>>
        tpu.wait_indirect_dma semaphore(%arg14 : memref<!tpu.dma_semaphore, #tpu.memory_space<semaphore_mem>>) src(%dma_wait3A_117 : memref<10000x128xi32, #tpu.memory_space<vmem_shared>>) dst(%arg10 : memref<40x128xi32, #tpu.memory_space<vmem>>)
        %dma_wait3A_118 = arith.constant 0 : i32
        %dma_wait3A_119 = tpu.memref_slice %arg9[%dma_wait3A_118] : memref<5000xi32, #tpu.memory_space<vmem>> -> memref<40xi32, #tpu.memory_space<vmem>>
        %dma_wait3A_120 = arith.constant 0 : i32
        %dma_wait3A_121 = arith.constant 0 : i32
        %dma_wait3A_122 = tpu.memref_slice %arg3[%dma_wait3A_120, %dma_wait3A_121] : memref<10000x128xf32, #tpu.memory_space<hbm>> -> memref<10000x128xf32, #tpu.memory_space<hbm>>
        tpu.wait_indirect_dma semaphore(%arg16 : memref<!tpu.dma_semaphore, #tpu.memory_space<semaphore_mem>>) src(%dma_wait3A_122 : memref<10000x128xf32, #tpu.memory_space<hbm>>) dst(%arg12 : memref<40x128xf32, #tpu.memory_space<vmem>>)
        %sub3A = arith.constant 1 : i32
        %sub3A_123 = arith.subi %add3A_68, %sub3A : i32
        %mul3A_124 = arith.constant 40 : i32
        %mul3A_125 = arith.muli %sub3A_123, %mul3A_124 : i32
        %add3A_126 = arith.addi %mul3A_2, %mul3A_125 : i32
        %dma_start3A_127 = arith.constant 0 : i32
        %dma_start3A_128 = tpu.memref_slice %arg6[%add3A_126, %dma_start3A_127] : memref<160000x128xi32, #tpu.memory_space<hbm>> -> memref<40x128xi32, #tpu.memory_space<hbm>>
        %dma_start3A_129 = arith.constant 0 : i32
        %dma_start3A_130 = tpu.memref_slice %arg6[%add3A_126, %dma_start3A_129] : memref<160000x128xi32, #tpu.memory_space<hbm>> -> memref<40x128xi32, #tpu.memory_space<hbm>>
        tpu.enqueue_dma source(%arg10 : memref<40x128xi32, #tpu.memory_space<vmem>>) target(%dma_start3A_130 : memref<40x128xi32, #tpu.memory_space<hbm>>) target_semaphore(%arg18 : memref<!tpu.dma_semaphore, #tpu.memory_space<semaphore_mem>>)
        %dma_start3A_131 = arith.constant 0 : i32
        %dma_start3A_132 = tpu.memref_slice %arg7[%add3A_126, %dma_start3A_131] : memref<160000x128xf32, #tpu.memory_space<hbm>> -> memref<40x128xf32, #tpu.memory_space<hbm>>
        %dma_start3A_133 = arith.constant 0 : i32
        %dma_start3A_134 = tpu.memref_slice %arg7[%add3A_126, %dma_start3A_133] : memref<160000x128xf32, #tpu.memory_space<hbm>> -> memref<40x128xf32, #tpu.memory_space<hbm>>
        tpu.enqueue_dma source(%arg12 : memref<40x128xf32, #tpu.memory_space<vmem>>) target(%dma_start3A_134 : memref<40x128xf32, #tpu.memory_space<hbm>>) target_semaphore(%arg20 : memref<!tpu.dma_semaphore, #tpu.memory_space<semaphore_mem>>)
      } else {
      }
      %mul3A_88 = arith.constant 2 : i32
      %mul3A_89 = arith.muli %mul3A_88, %scan3A_63 : i32
      %add3A_90 = arith.constant 2 : i32
      %add3A_91 = arith.addi %add3A_90, %mul3A_89 : i32
      %ge3A_92 = arith.constant 2 : i32
      %ge3A_93 = arith.cmpi sge, %add3A_91, %ge3A_92 : i32
      %convert_element_type3A_94 = arith.extui %ge3A_93 : i1 to i32
      %cond3A_95 = arith.constant 0 : i32
      %cond3A_96 = arith.cmpi ne, %convert_element_type3A_94, %cond3A_95 : i32
      scf.if %cond3A_96 {
        %dma_wait3A_113 = arith.constant 0 : i32
        %dma_wait3A_114 = arith.constant 0 : i32
        %dma_wait3A_115 = tpu.memref_slice %arg6[%dma_wait3A_113, %dma_wait3A_114] : memref<160000x128xi32, #tpu.memory_space<hbm>> -> memref<40x128xi32, #tpu.memory_space<hbm>>
        %dma_wait3A_116 = arith.constant 0 : i32
        %dma_wait3A_117 = arith.constant 0 : i32
        %dma_wait3A_118 = tpu.memref_slice %arg6[%dma_wait3A_116, %dma_wait3A_117] : memref<160000x128xi32, #tpu.memory_space<hbm>> -> memref<40x128xi32, #tpu.memory_space<hbm>>
        tpu.wait_dma2 semaphore(%arg18 : memref<!tpu.dma_semaphore, #tpu.memory_space<semaphore_mem>>) src(%arg10 : memref<40x128xi32, #tpu.memory_space<vmem>>) dst(%dma_wait3A_118 : memref<40x128xi32, #tpu.memory_space<hbm>>)
        %dma_wait3A_119 = arith.constant 0 : i32
        %dma_wait3A_120 = arith.constant 0 : i32
        %dma_wait3A_121 = tpu.memref_slice %arg7[%dma_wait3A_119, %dma_wait3A_120] : memref<160000x128xf32, #tpu.memory_space<hbm>> -> memref<40x128xf32, #tpu.memory_space<hbm>>
        %dma_wait3A_122 = arith.constant 0 : i32
        %dma_wait3A_123 = arith.constant 0 : i32
        %dma_wait3A_124 = tpu.memref_slice %arg7[%dma_wait3A_122, %dma_wait3A_123] : memref<160000x128xf32, #tpu.memory_space<hbm>> -> memref<40x128xf32, #tpu.memory_space<hbm>>
        tpu.wait_dma2 semaphore(%arg20 : memref<!tpu.dma_semaphore, #tpu.memory_space<semaphore_mem>>) src(%arg12 : memref<40x128xf32, #tpu.memory_space<vmem>>) dst(%dma_wait3A_124 : memref<40x128xf32, #tpu.memory_space<hbm>>)
      } else {
      }
      %mul3A_97 = arith.constant 40 : i32
      %mul3A_98 = arith.muli %add3A_91, %mul3A_97 : i32
      %dma_start3A_99 = tpu.memref_slice %arg8[%mul3A_98] : memref<5000xi32, #tpu.memory_space<vmem>> -> memref<40xi32, #tpu.memory_space<vmem>>
      %dma_start3A_100 = arith.constant 0 : i32
      %dma_start3A_101 = arith.constant 0 : i32
      %dma_start3A_102 = tpu.memref_slice %arg22[%dma_start3A_100, %dma_start3A_101] : memref<10000x128xi32, #tpu.memory_space<vmem_shared>> -> memref<10000x128xi32, #tpu.memory_space<vmem_shared>>
      tpu.enqueue_indirect_dma source(%dma_start3A_102 : memref<10000x128xi32, #tpu.memory_space<vmem_shared>>) target(%arg10 : memref<40x128xi32, #tpu.memory_space<vmem>>) offsets(%dma_start3A_99 : memref<40xi32, #tpu.memory_space<vmem>>) semaphore(%arg14 : memref<!tpu.dma_semaphore, #tpu.memory_space<semaphore_mem>>)
      %dma_start3A_103 = tpu.memref_slice %arg9[%mul3A_98] : memref<5000xi32, #tpu.memory_space<vmem>> -> memref<40xi32, #tpu.memory_space<vmem>>
      %dma_start3A_104 = arith.constant 0 : i32
      %dma_start3A_105 = arith.constant 0 : i32
      %dma_start3A_106 = tpu.memref_slice %arg3[%dma_start3A_104, %dma_start3A_105] : memref<10000x128xf32, #tpu.memory_space<hbm>> -> memref<10000x128xf32, #tpu.memory_space<hbm>>
      tpu.enqueue_indirect_dma source(%dma_start3A_106 : memref<10000x128xf32, #tpu.memory_space<hbm>>) target(%arg12 : memref<40x128xf32, #tpu.memory_space<vmem>>) offsets(%dma_start3A_103 : memref<40xi32, #tpu.memory_space<vmem>>) semaphore(%arg16 : memref<!tpu.dma_semaphore, #tpu.memory_space<semaphore_mem>>)
      %ge3A_107 = arith.constant 1 : i32
      %ge3A_108 = arith.cmpi sge, %add3A_91, %ge3A_107 : i32
      %convert_element_type3A_109 = arith.extui %ge3A_108 : i1 to i32
      %cond3A_110 = arith.constant 0 : i32
      %cond3A_111 = arith.cmpi ne, %convert_element_type3A_109, %cond3A_110 : i32
      scf.if %cond3A_111 {
        %dma_wait3A_113 = arith.constant 0 : i32
        %dma_wait3A_114 = tpu.memref_slice %arg8[%dma_wait3A_113] : memref<5000xi32, #tpu.memory_space<vmem>> -> memref<40xi32, #tpu.memory_space<vmem>>
        %dma_wait3A_115 = arith.constant 0 : i32
        %dma_wait3A_116 = arith.constant 0 : i32
        %dma_wait3A_117 = tpu.memref_slice %arg22[%dma_wait3A_115, %dma_wait3A_116] : memref<10000x128xi32, #tpu.memory_space<vmem_shared>> -> memref<10000x128xi32, #tpu.memory_space<vmem_shared>>
        tpu.wait_indirect_dma semaphore(%arg15 : memref<!tpu.dma_semaphore, #tpu.memory_space<semaphore_mem>>) src(%dma_wait3A_117 : memref<10000x128xi32, #tpu.memory_space<vmem_shared>>) dst(%arg11 : memref<40x128xi32, #tpu.memory_space<vmem>>)
        %dma_wait3A_118 = arith.constant 0 : i32
        %dma_wait3A_119 = tpu.memref_slice %arg9[%dma_wait3A_118] : memref<5000xi32, #tpu.memory_space<vmem>> -> memref<40xi32, #tpu.memory_space<vmem>>
        %dma_wait3A_120 = arith.constant 0 : i32
        %dma_wait3A_121 = arith.constant 0 : i32
        %dma_wait3A_122 = tpu.memref_slice %arg3[%dma_wait3A_120, %dma_wait3A_121] : memref<10000x128xf32, #tpu.memory_space<hbm>> -> memref<10000x128xf32, #tpu.memory_space<hbm>>
        tpu.wait_indirect_dma semaphore(%arg17 : memref<!tpu.dma_semaphore, #tpu.memory_space<semaphore_mem>>) src(%dma_wait3A_122 : memref<10000x128xf32, #tpu.memory_space<hbm>>) dst(%arg13 : memref<40x128xf32, #tpu.memory_space<vmem>>)
        %sub3A = arith.constant 1 : i32
        %sub3A_123 = arith.subi %add3A_91, %sub3A : i32
        %mul3A_124 = arith.constant 40 : i32
        %mul3A_125 = arith.muli %sub3A_123, %mul3A_124 : i32
        %add3A_126 = arith.addi %mul3A_2, %mul3A_125 : i32
        %dma_start3A_127 = arith.constant 0 : i32
        %dma_start3A_128 = tpu.memref_slice %arg6[%add3A_126, %dma_start3A_127] : memref<160000x128xi32, #tpu.memory_space<hbm>> -> memref<40x128xi32, #tpu.memory_space<hbm>>
        %dma_start3A_129 = arith.constant 0 : i32
        %dma_start3A_130 = tpu.memref_slice %arg6[%add3A_126, %dma_start3A_129] : memref<160000x128xi32, #tpu.memory_space<hbm>> -> memref<40x128xi32, #tpu.memory_space<hbm>>
        tpu.enqueue_dma source(%arg11 : memref<40x128xi32, #tpu.memory_space<vmem>>) target(%dma_start3A_130 : memref<40x128xi32, #tpu.memory_space<hbm>>) target_semaphore(%arg19 : memref<!tpu.dma_semaphore, #tpu.memory_space<semaphore_mem>>)
        %dma_start3A_131 = arith.constant 0 : i32
        %dma_start3A_132 = tpu.memref_slice %arg7[%add3A_126, %dma_start3A_131] : memref<160000x128xf32, #tpu.memory_space<hbm>> -> memref<40x128xf32, #tpu.memory_space<hbm>>
        %dma_start3A_133 = arith.constant 0 : i32
        %dma_start3A_134 = tpu.memref_slice %arg7[%add3A_126, %dma_start3A_133] : memref<160000x128xf32, #tpu.memory_space<hbm>> -> memref<40x128xf32, #tpu.memory_space<hbm>>
        tpu.enqueue_dma source(%arg13 : memref<40x128xf32, #tpu.memory_space<vmem>>) target(%dma_start3A_134 : memref<40x128xf32, #tpu.memory_space<hbm>>) target_semaphore(%arg21 : memref<!tpu.dma_semaphore, #tpu.memory_space<semaphore_mem>>)
      } else {
      }
      %scan3A_112 = arith.constant 0 : i32
      scf.yield %scan3A_112 : i32
    }
    %scan3A_19 = arith.constant 62 : i32
    %dma_wait3A = arith.constant 0 : i32
    %dma_wait3A_20 = tpu.memref_slice %arg8[%dma_wait3A] : memref<5000xi32, #tpu.memory_space<vmem>> -> memref<40xi32, #tpu.memory_space<vmem>>
    %dma_wait3A_21 = arith.constant 0 : i32
    %dma_wait3A_22 = arith.constant 0 : i32
    %dma_wait3A_23 = tpu.memref_slice %arg22[%dma_wait3A_21, %dma_wait3A_22] : memref<10000x128xi32, #tpu.memory_space<vmem_shared>> -> memref<10000x128xi32, #tpu.memory_space<vmem_shared>>
    tpu.wait_indirect_dma semaphore(%arg14 : memref<!tpu.dma_semaphore, #tpu.memory_space<semaphore_mem>>) src(%dma_wait3A_23 : memref<10000x128xi32, #tpu.memory_space<vmem_shared>>) dst(%arg10 : memref<40x128xi32, #tpu.memory_space<vmem>>)
    %dma_wait3A_24 = arith.constant 0 : i32
    %dma_wait3A_25 = tpu.memref_slice %arg9[%dma_wait3A_24] : memref<5000xi32, #tpu.memory_space<vmem>> -> memref<40xi32, #tpu.memory_space<vmem>>
    %dma_wait3A_26 = arith.constant 0 : i32
    %dma_wait3A_27 = arith.constant 0 : i32
    %dma_wait3A_28 = tpu.memref_slice %arg3[%dma_wait3A_26, %dma_wait3A_27] : memref<10000x128xf32, #tpu.memory_space<hbm>> -> memref<10000x128xf32, #tpu.memory_space<hbm>>
    tpu.wait_indirect_dma semaphore(%arg16 : memref<!tpu.dma_semaphore, #tpu.memory_space<semaphore_mem>>) src(%dma_wait3A_28 : memref<10000x128xf32, #tpu.memory_space<hbm>>) dst(%arg12 : memref<40x128xf32, #tpu.memory_space<vmem>>)
    %add3A_29 = arith.constant 4960 : i32
    %add3A_30 = arith.addi %mul3A_2, %add3A_29 : i32
    %dma_start3A_31 = arith.constant 0 : i32
    %dma_start3A_32 = tpu.memref_slice %arg6[%add3A_30, %dma_start3A_31] : memref<160000x128xi32, #tpu.memory_space<hbm>> -> memref<40x128xi32, #tpu.memory_space<hbm>>
    %dma_start3A_33 = arith.constant 0 : i32
    %dma_start3A_34 = tpu.memref_slice %arg6[%add3A_30, %dma_start3A_33] : memref<160000x128xi32, #tpu.memory_space<hbm>> -> memref<40x128xi32, #tpu.memory_space<hbm>>
    tpu.enqueue_dma source(%arg10 : memref<40x128xi32, #tpu.memory_space<vmem>>) target(%dma_start3A_34 : memref<40x128xi32, #tpu.memory_space<hbm>>) target_semaphore(%arg18 : memref<!tpu.dma_semaphore, #tpu.memory_space<semaphore_mem>>)
    %dma_start3A_35 = arith.constant 0 : i32
    %dma_start3A_36 = tpu.memref_slice %arg7[%add3A_30, %dma_start3A_35] : memref<160000x128xf32, #tpu.memory_space<hbm>> -> memref<40x128xf32, #tpu.memory_space<hbm>>
    %dma_start3A_37 = arith.constant 0 : i32
    %dma_start3A_38 = tpu.memref_slice %arg7[%add3A_30, %dma_start3A_37] : memref<160000x128xf32, #tpu.memory_space<hbm>> -> memref<40x128xf32, #tpu.memory_space<hbm>>
    tpu.enqueue_dma source(%arg12 : memref<40x128xf32, #tpu.memory_space<vmem>>) target(%dma_start3A_38 : memref<40x128xf32, #tpu.memory_space<hbm>>) target_semaphore(%arg20 : memref<!tpu.dma_semaphore, #tpu.memory_space<semaphore_mem>>)
    %dma_wait3A_39 = arith.constant 0 : i32
    %dma_wait3A_40 = arith.constant 0 : i32
    %dma_wait3A_41 = tpu.memref_slice %arg6[%dma_wait3A_39, %dma_wait3A_40] : memref<160000x128xi32, #tpu.memory_space<hbm>> -> memref<40x128xi32, #tpu.memory_space<hbm>>
    %dma_wait3A_42 = arith.constant 0 : i32
    %dma_wait3A_43 = arith.constant 0 : i32
    %dma_wait3A_44 = tpu.memref_slice %arg6[%dma_wait3A_42, %dma_wait3A_43] : memref<160000x128xi32, #tpu.memory_space<hbm>> -> memref<40x128xi32, #tpu.memory_space<hbm>>
    tpu.wait_dma2 semaphore(%arg19 : memref<!tpu.dma_semaphore, #tpu.memory_space<semaphore_mem>>) src(%arg11 : memref<40x128xi32, #tpu.memory_space<vmem>>) dst(%dma_wait3A_44 : memref<40x128xi32, #tpu.memory_space<hbm>>)
    %dma_wait3A_45 = arith.constant 0 : i32
    %dma_wait3A_46 = arith.constant 0 : i32
    %dma_wait3A_47 = tpu.memref_slice %arg7[%dma_wait3A_45, %dma_wait3A_46] : memref<160000x128xf32, #tpu.memory_space<hbm>> -> memref<40x128xf32, #tpu.memory_space<hbm>>
    %dma_wait3A_48 = arith.constant 0 : i32
    %dma_wait3A_49 = arith.constant 0 : i32
    %dma_wait3A_50 = tpu.memref_slice %arg7[%dma_wait3A_48, %dma_wait3A_49] : memref<160000x128xf32, #tpu.memory_space<hbm>> -> memref<40x128xf32, #tpu.memory_space<hbm>>
    tpu.wait_dma2 semaphore(%arg21 : memref<!tpu.dma_semaphore, #tpu.memory_space<semaphore_mem>>) src(%arg13 : memref<40x128xf32, #tpu.memory_space<vmem>>) dst(%dma_wait3A_50 : memref<40x128xf32, #tpu.memory_space<hbm>>)
    %dma_wait3A_51 = arith.constant 0 : i32
    %dma_wait3A_52 = arith.constant 0 : i32
    %dma_wait3A_53 = tpu.memref_slice %arg6[%dma_wait3A_51, %dma_wait3A_52] : memref<160000x128xi32, #tpu.memory_space<hbm>> -> memref<40x128xi32, #tpu.memory_space<hbm>>
    %dma_wait3A_54 = arith.constant 0 : i32
    %dma_wait3A_55 = arith.constant 0 : i32
    %dma_wait3A_56 = tpu.memref_slice %arg6[%dma_wait3A_54, %dma_wait3A_55] : memref<160000x128xi32, #tpu.memory_space<hbm>> -> memref<40x128xi32, #tpu.memory_space<hbm>>
    tpu.wait_dma2 semaphore(%arg18 : memref<!tpu.dma_semaphore, #tpu.memory_space<semaphore_mem>>) src(%arg10 : memref<40x128xi32, #tpu.memory_space<vmem>>) dst(%dma_wait3A_56 : memref<40x128xi32, #tpu.memory_space<hbm>>)
    %dma_wait3A_57 = arith.constant 0 : i32
    %dma_wait3A_58 = arith.constant 0 : i32
    %dma_wait3A_59 = tpu.memref_slice %arg7[%dma_wait3A_57, %dma_wait3A_58] : memref<160000x128xf32, #tpu.memory_space<hbm>> -> memref<40x128xf32, #tpu.memory_space<hbm>>
    %dma_wait3A_60 = arith.constant 0 : i32
    %dma_wait3A_61 = arith.constant 0 : i32
    %dma_wait3A_62 = tpu.memref_slice %arg7[%dma_wait3A_60, %dma_wait3A_61] : memref<160000x128xf32, #tpu.memory_space<hbm>> -> memref<40x128xf32, #tpu.memory_space<hbm>>
    tpu.wait_dma2 semaphore(%arg20 : memref<!tpu.dma_semaphore, #tpu.memory_space<semaphore_mem>>) src(%arg12 : memref<40x128xf32, #tpu.memory_space<vmem>>) dst(%dma_wait3A_62 : memref<40x128xf32, #tpu.memory_space<hbm>>)
    return
  }
}

#map = affine_map<(d0, d1) -> (0, 0)>
#map1 = affine_map<(d0, d1) -> (0)>
module attributes {stable_mosaic.version = 14 : i64} {
  func.func @_gather_sc_body(%arg0: i32, %arg1: i32, %arg2: memref<10000x128xi32, #tpu.memory_space<hbm>>, %arg3: memref<10000x128xf32, #tpu.memory_space<hbm>>, %arg4: memref<160000xi32, #tpu.memory_space<hbm>>, %arg5: memref<160000xi32, #tpu.memory_space<hbm>>, %arg6: memref<160000x128xi32, #tpu.memory_space<hbm>>, %arg7: memref<160000x128xf32, #tpu.memory_space<hbm>>, %arg8: memref<5000xi32, #tpu.memory_space<vmem>>, %arg9: memref<5000xi32, #tpu.memory_space<vmem>>, %arg10: memref<40x128xi32, #tpu.memory_space<vmem>>, %arg11: memref<40x128xi32, #tpu.memory_space<vmem>>, %arg12: memref<40x128xf32, #tpu.memory_space<vmem>>, %arg13: memref<40x128xf32, #tpu.memory_space<vmem>>, %arg14: memref<!tpu.dma_semaphore, #tpu.memory_space<semaphore_mem>>, %arg15: memref<!tpu.dma_semaphore, #tpu.memory_space<semaphore_mem>>, %arg16: memref<!tpu.dma_semaphore, #tpu.memory_space<semaphore_mem>>, %arg17: memref<!tpu.dma_semaphore, #tpu.memory_space<semaphore_mem>>, %arg18: memref<!tpu.dma_semaphore, #tpu.memory_space<semaphore_mem>>, %arg19: memref<!tpu.dma_semaphore, #tpu.memory_space<semaphore_mem>>, %arg20: memref<!tpu.dma_semaphore, #tpu.memory_space<semaphore_mem>>, %arg21: memref<!tpu.dma_semaphore, #tpu.memory_space<semaphore_mem>>, %arg22: memref<10000x128xi32, #tpu.memory_space<vmem_shared>>) attributes {dimension_semantics = [#tpu.dimension_semantics<core_parallel>, #tpu.dimension_semantics<subcore_parallel>], iteration_bounds = array<i64: 2, 16>, scalar_prefetch = 0 : i64, scratch_operands = 15 : i64, tpu.core_type = #tpu.core_type<sc_vector_subcore>, window_params = [{transform_indices = #map}, {transform_indices = #map}, {transform_indices = #map1}, {transform_indices = #map1}, {transform_indices = #map}, {transform_indices = #map}]} {
    %mul3A = arith.constant 2 : i32
    %mul3A_0 = arith.muli %arg1, %mul3A : i32
    %add3A = arith.addi %mul3A_0, %arg0 : i32
    %mul3A_1 = arith.constant 5000 : i32
    %mul3A_2 = arith.muli %add3A, %mul3A_1 : i32
    %eq3A = arith.constant 0 : i32
    %eq3A_3 = arith.cmpi eq, %arg1, %eq3A : i32
    %convert_element_type3A = arith.extui %eq3A_3 : i1 to i32
    %cond3A = arith.constant 0 : i32
    %cond3A_4 = arith.cmpi ne, %convert_element_type3A, %cond3A : i32
    scf.if %cond3A_4 {
      "tpu.region"() ({
        %run_scoped3A = tpu.sem_alloc : memref<!tpu.dma_semaphore, #tpu.memory_space<semaphore_mem>>
        tpu.enqueue_dma source(%arg2 : memref<10000x128xi32, #tpu.memory_space<hbm>>) target(%arg22 : memref<10000x128xi32, #tpu.memory_space<vmem_shared>>) target_semaphore(%run_scoped3A : memref<!tpu.dma_semaphore, #tpu.memory_space<semaphore_mem>>)
        tpu.wait_dma2 semaphore(%run_scoped3A : memref<!tpu.dma_semaphore, #tpu.memory_space<semaphore_mem>>) src(%arg2 : memref<10000x128xi32, #tpu.memory_space<hbm>>) dst(%arg22 : memref<10000x128xi32, #tpu.memory_space<vmem_shared>>)
        tpu.yield
      }) : () -> ()
    } else {
    }
    "tpu.region"() ({
      %run_scoped3A = tpu.sem_alloc : memref<!tpu.dma_semaphore, #tpu.memory_space<semaphore_mem>>
      %dma_start3A_63 = tpu.memref_slice %arg4[%mul3A_2] : memref<160000xi32, #tpu.memory_space<hbm>> -> memref<5000xi32, #tpu.memory_space<hbm>>
      %dma_start3A_64 = tpu.memref_slice %arg4[%mul3A_2] : memref<160000xi32, #tpu.memory_space<hbm>> -> memref<5000xi32, #tpu.memory_space<hbm>>
      tpu.enqueue_dma source(%dma_start3A_64 : memref<5000xi32, #tpu.memory_space<hbm>>) target(%arg8 : memref<5000xi32, #tpu.memory_space<vmem>>) target_semaphore(%run_scoped3A : memref<!tpu.dma_semaphore, #tpu.memory_space<semaphore_mem>>)
      %dma_wait3A_65 = tpu.memref_slice %arg4[%mul3A_2] : memref<160000xi32, #tpu.memory_space<hbm>> -> memref<5000xi32, #tpu.memory_space<hbm>>
      %dma_wait3A_66 = tpu.memref_slice %arg4[%mul3A_2] : memref<160000xi32, #tpu.memory_space<hbm>> -> memref<5000xi32, #tpu.memory_space<hbm>>
      tpu.wait_dma2 semaphore(%run_scoped3A : memref<!tpu.dma_semaphore, #tpu.memory_space<semaphore_mem>>) src(%dma_wait3A_66 : memref<5000xi32, #tpu.memory_space<hbm>>) dst(%arg8 : memref<5000xi32, #tpu.memory_space<vmem>>)
      tpu.yield
    }) : () -> ()
    "tpu.region"() ({
      %run_scoped3A = tpu.sem_alloc : memref<!tpu.dma_semaphore, #tpu.memory_space<semaphore_mem>>
      %dma_start3A_63 = tpu.memref_slice %arg5[%mul3A_2] : memref<160000xi32, #tpu.memory_space<hbm>> -> memref<5000xi32, #tpu.memory_space<hbm>>
      %dma_start3A_64 = tpu.memref_slice %arg5[%mul3A_2] : memref<160000xi32, #tpu.memory_space<hbm>> -> memref<5000xi32, #tpu.memory_space<hbm>>
      tpu.enqueue_dma source(%dma_start3A_64 : memref<5000xi32, #tpu.memory_space<hbm>>) target(%arg9 : memref<5000xi32, #tpu.memory_space<vmem>>) target_semaphore(%run_scoped3A : memref<!tpu.dma_semaphore, #tpu.memory_space<semaphore_mem>>)
      %dma_wait3A_65 = tpu.memref_slice %arg5[%mul3A_2] : memref<160000xi32, #tpu.memory_space<hbm>> -> memref<5000xi32, #tpu.memory_space<hbm>>
      %dma_wait3A_66 = tpu.memref_slice %arg5[%mul3A_2] : memref<160000xi32, #tpu.memory_space<hbm>> -> memref<5000xi32, #tpu.memory_space<hbm>>
      tpu.wait_dma2 semaphore(%run_scoped3A : memref<!tpu.dma_semaphore, #tpu.memory_space<semaphore_mem>>) src(%dma_wait3A_66 : memref<5000xi32, #tpu.memory_space<hbm>>) dst(%arg9 : memref<5000xi32, #tpu.memory_space<vmem>>)
      tpu.yield
    }) : () -> ()
    %barrier3A = arith.constant 0 : index
    tpu.barrier barrier_id(%barrier3A)
    %dma_start3A = arith.constant 0 : i32
    %dma_start3A_5 = tpu.memref_slice %arg8[%dma_start3A] : memref<5000xi32, #tpu.memory_space<vmem>> -> memref<40xi32, #tpu.memory_space<vmem>>
    %dma_start3A_6 = arith.constant 0 : i32
    %dma_start3A_7 = arith.constant 0 : i32
    %dma_start3A_8 = tpu.memref_slice %arg22[%dma_start3A_6, %dma_start3A_7] : memref<10000x128xi32, #tpu.memory_space<vmem_shared>> -> memref<10000x128xi32, #tpu.memory_space<vmem_shared>>
    tpu.enqueue_indirect_dma source(%dma_start3A_8 : memref<10000x128xi32, #tpu.memory_space<vmem_shared>>) target(%arg10 : memref<40x128xi32, #tpu.memory_space<vmem>>) offsets(%dma_start3A_5 : memref<40xi32, #tpu.memory_space<vmem>>) semaphore(%arg14 : memref<!tpu.dma_semaphore, #tpu.memory_space<semaphore_mem>>)
    %dma_start3A_9 = arith.constant 0 : i32
    %dma_start3A_10 = tpu.memref_slice %arg9[%dma_start3A_9] : memref<5000xi32, #tpu.memory_space<vmem>> -> memref<40xi32, #tpu.memory_space<vmem>>
    %dma_start3A_11 = arith.constant 0 : i32
    %dma_start3A_12 = arith.constant 0 : i32
    %dma_start3A_13 = tpu.memref_slice %arg3[%dma_start3A_11, %dma_start3A_12] : memref<10000x128xf32, #tpu.memory_space<hbm>> -> memref<10000x128xf32, #tpu.memory_space<hbm>>
    tpu.enqueue_indirect_dma source(%dma_start3A_13 : memref<10000x128xf32, #tpu.memory_space<hbm>>) target(%arg12 : memref<40x128xf32, #tpu.memory_space<vmem>>) offsets(%dma_start3A_10 : memref<40xi32, #tpu.memory_space<vmem>>) semaphore(%arg16 : memref<!tpu.dma_semaphore, #tpu.memory_space<semaphore_mem>>)
    %scan3A = arith.constant 0 : i32
    %scan3A_14 = arith.constant 0 : i32
    %scan3A_15 = arith.constant 62 : i32
    %scan3A_16 = arith.addi %scan3A_14, %scan3A_15 : i32
    %scan3A_17 = arith.constant 1 : i32
    %scan3A_18 = scf.for %scan3A_63 = %scan3A_14 to %scan3A_16 step %scan3A_17 iter_args(%scan3A_64 = %scan3A) -> (i32)  : i32 {
      %mul3A_65 = arith.constant 2 : i32
      %mul3A_66 = arith.muli %mul3A_65, %scan3A_63 : i32
      %add3A_67 = arith.constant 1 : i32
      %add3A_68 = arith.addi %add3A_67, %mul3A_66 : i32
      %ge3A = arith.constant 2 : i32
      %ge3A_69 = arith.cmpi sge, %add3A_68, %ge3A : i32
      %convert_element_type3A_70 = arith.extui %ge3A_69 : i1 to i32
      %cond3A_71 = arith.constant 0 : i32
      %cond3A_72 = arith.cmpi ne, %convert_element_type3A_70, %cond3A_71 : i32
      scf.if %cond3A_72 {
        %dma_wait3A_113 = arith.constant 0 : i32
        %dma_wait3A_114 = arith.constant 0 : i32
        %dma_wait3A_115 = tpu.memref_slice %arg6[%dma_wait3A_113, %dma_wait3A_114] : memref<160000x128xi32, #tpu.memory_space<hbm>> -> memref<40x128xi32, #tpu.memory_space<hbm>>
        %dma_wait3A_116 = arith.constant 0 : i32
        %dma_wait3A_117 = arith.constant 0 : i32
        %dma_wait3A_118 = tpu.memref_slice %arg6[%dma_wait3A_116, %dma_wait3A_117] : memref<160000x128xi32, #tpu.memory_space<hbm>> -> memref<40x128xi32, #tpu.memory_space<hbm>>
        tpu.wait_dma2 semaphore(%arg19 : memref<!tpu.dma_semaphore, #tpu.memory_space<semaphore_mem>>) src(%arg11 : memref<40x128xi32, #tpu.memory_space<vmem>>) dst(%dma_wait3A_118 : memref<40x128xi32, #tpu.memory_space<hbm>>)
        %dma_wait3A_119 = arith.constant 0 : i32
        %dma_wait3A_120 = arith.constant 0 : i32
        %dma_wait3A_121 = tpu.memref_slice %arg7[%dma_wait3A_119, %dma_wait3A_120] : memref<160000x128xf32, #tpu.memory_space<hbm>> -> memref<40x128xf32, #tpu.memory_space<hbm>>
        %dma_wait3A_122 = arith.constant 0 : i32
        %dma_wait3A_123 = arith.constant 0 : i32
        %dma_wait3A_124 = tpu.memref_slice %arg7[%dma_wait3A_122, %dma_wait3A_123] : memref<160000x128xf32, #tpu.memory_space<hbm>> -> memref<40x128xf32, #tpu.memory_space<hbm>>
        tpu.wait_dma2 semaphore(%arg21 : memref<!tpu.dma_semaphore, #tpu.memory_space<semaphore_mem>>) src(%arg13 : memref<40x128xf32, #tpu.memory_space<vmem>>) dst(%dma_wait3A_124 : memref<40x128xf32, #tpu.memory_space<hbm>>)
      } else {
      }
      %mul3A_73 = arith.constant 40 : i32
      %mul3A_74 = arith.muli %add3A_68, %mul3A_73 : i32
      %dma_start3A_75 = tpu.memref_slice %arg8[%mul3A_74] : memref<5000xi32, #tpu.memory_space<vmem>> -> memref<40xi32, #tpu.memory_space<vmem>>
      %dma_start3A_76 = arith.constant 0 : i32
      %dma_start3A_77 = arith.constant 0 : i32
      %dma_start3A_78 = tpu.memref_slice %arg22[%dma_start3A_76, %dma_start3A_77] : memref<10000x128xi32, #tpu.memory_space<vmem_shared>> -> memref<10000x128xi32, #tpu.memory_space<vmem_shared>>
      tpu.enqueue_indirect_dma source(%dma_start3A_78 : memref<10000x128xi32, #tpu.memory_space<vmem_shared>>) target(%arg11 : memref<40x128xi32, #tpu.memory_space<vmem>>) offsets(%dma_start3A_75 : memref<40xi32, #tpu.memory_space<vmem>>) semaphore(%arg15 : memref<!tpu.dma_semaphore, #tpu.memory_space<semaphore_mem>>)
      %dma_start3A_79 = tpu.memref_slice %arg9[%mul3A_74] : memref<5000xi32, #tpu.memory_space<vmem>> -> memref<40xi32, #tpu.memory_space<vmem>>
      %dma_start3A_80 = arith.constant 0 : i32
      %dma_start3A_81 = arith.constant 0 : i32
      %dma_start3A_82 = tpu.memref_slice %arg3[%dma_start3A_80, %dma_start3A_81] : memref<10000x128xf32, #tpu.memory_space<hbm>> -> memref<10000x128xf32, #tpu.memory_space<hbm>>
      tpu.enqueue_indirect_dma source(%dma_start3A_82 : memref<10000x128xf32, #tpu.memory_space<hbm>>) target(%arg13 : memref<40x128xf32, #tpu.memory_space<vmem>>) offsets(%dma_start3A_79 : memref<40xi32, #tpu.memory_space<vmem>>) semaphore(%arg17 : memref<!tpu.dma_semaphore, #tpu.memory_space<semaphore_mem>>)
      %ge3A_83 = arith.constant 1 : i32
      %ge3A_84 = arith.cmpi sge, %add3A_68, %ge3A_83 : i32
      %convert_element_type3A_85 = arith.extui %ge3A_84 : i1 to i32
      %cond3A_86 = arith.constant 0 : i32
      %cond3A_87 = arith.cmpi ne, %convert_element_type3A_85, %cond3A_86 : i32
      scf.if %cond3A_87 {
        %dma_wait3A_113 = arith.constant 0 : i32
        %dma_wait3A_114 = tpu.memref_slice %arg8[%dma_wait3A_113] : memref<5000xi32, #tpu.memory_space<vmem>> -> memref<40xi32, #tpu.memory_space<vmem>>
        %dma_wait3A_115 = arith.constant 0 : i32
        %dma_wait3A_116 = arith.constant 0 : i32
        %dma_wait3A_117 = tpu.memref_slice %arg22[%dma_wait3A_115, %dma_wait3A_116] : memref<10000x128xi32, #tpu.memory_space<vmem_shared>> -> memref<10000x128xi32, #tpu.memory_space<vmem_shared>>
        tpu.wait_indirect_dma semaphore(%arg14 : memref<!tpu.dma_semaphore, #tpu.memory_space<semaphore_mem>>) src(%dma_wait3A_117 : memref<10000x128xi32, #tpu.memory_space<vmem_shared>>) dst(%arg10 : memref<40x128xi32, #tpu.memory_space<vmem>>)
        %dma_wait3A_118 = arith.constant 0 : i32
        %dma_wait3A_119 = tpu.memref_slice %arg9[%dma_wait3A_118] : memref<5000xi32, #tpu.memory_space<vmem>> -> memref<40xi32, #tpu.memory_space<vmem>>
        %dma_wait3A_120 = arith.constant 0 : i32
        %dma_wait3A_121 = arith.constant 0 : i32
        %dma_wait3A_122 = tpu.memref_slice %arg3[%dma_wait3A_120, %dma_wait3A_121] : memref<10000x128xf32, #tpu.memory_space<hbm>> -> memref<10000x128xf32, #tpu.memory_space<hbm>>
        tpu.wait_indirect_dma semaphore(%arg16 : memref<!tpu.dma_semaphore, #tpu.memory_space<semaphore_mem>>) src(%dma_wait3A_122 : memref<10000x128xf32, #tpu.memory_space<hbm>>) dst(%arg12 : memref<40x128xf32, #tpu.memory_space<vmem>>)
        %sub3A = arith.constant 1 : i32
        %sub3A_123 = arith.subi %add3A_68, %sub3A : i32
        %mul3A_124 = arith.constant 40 : i32
        %mul3A_125 = arith.muli %sub3A_123, %mul3A_124 : i32
        %add3A_126 = arith.addi %mul3A_2, %mul3A_125 : i32
        %dma_start3A_127 = arith.constant 0 : i32
        %dma_start3A_128 = tpu.memref_slice %arg6[%add3A_126, %dma_start3A_127] : memref<160000x128xi32, #tpu.memory_space<hbm>> -> memref<40x128xi32, #tpu.memory_space<hbm>>
        %dma_start3A_129 = arith.constant 0 : i32
        %dma_start3A_130 = tpu.memref_slice %arg6[%add3A_126, %dma_start3A_129] : memref<160000x128xi32, #tpu.memory_space<hbm>> -> memref<40x128xi32, #tpu.memory_space<hbm>>
        tpu.enqueue_dma source(%arg10 : memref<40x128xi32, #tpu.memory_space<vmem>>) target(%dma_start3A_130 : memref<40x128xi32, #tpu.memory_space<hbm>>) target_semaphore(%arg18 : memref<!tpu.dma_semaphore, #tpu.memory_space<semaphore_mem>>)
        %dma_start3A_131 = arith.constant 0 : i32
        %dma_start3A_132 = tpu.memref_slice %arg7[%add3A_126, %dma_start3A_131] : memref<160000x128xf32, #tpu.memory_space<hbm>> -> memref<40x128xf32, #tpu.memory_space<hbm>>
        %dma_start3A_133 = arith.constant 0 : i32
        %dma_start3A_134 = tpu.memref_slice %arg7[%add3A_126, %dma_start3A_133] : memref<160000x128xf32, #tpu.memory_space<hbm>> -> memref<40x128xf32, #tpu.memory_space<hbm>>
        tpu.enqueue_dma source(%arg12 : memref<40x128xf32, #tpu.memory_space<vmem>>) target(%dma_start3A_134 : memref<40x128xf32, #tpu.memory_space<hbm>>) target_semaphore(%arg20 : memref<!tpu.dma_semaphore, #tpu.memory_space<semaphore_mem>>)
      } else {
      }
      %mul3A_88 = arith.constant 2 : i32
      %mul3A_89 = arith.muli %mul3A_88, %scan3A_63 : i32
      %add3A_90 = arith.constant 2 : i32
      %add3A_91 = arith.addi %add3A_90, %mul3A_89 : i32
      %ge3A_92 = arith.constant 2 : i32
      %ge3A_93 = arith.cmpi sge, %add3A_91, %ge3A_92 : i32
      %convert_element_type3A_94 = arith.extui %ge3A_93 : i1 to i32
      %cond3A_95 = arith.constant 0 : i32
      %cond3A_96 = arith.cmpi ne, %convert_element_type3A_94, %cond3A_95 : i32
      scf.if %cond3A_96 {
        %dma_wait3A_113 = arith.constant 0 : i32
        %dma_wait3A_114 = arith.constant 0 : i32
        %dma_wait3A_115 = tpu.memref_slice %arg6[%dma_wait3A_113, %dma_wait3A_114] : memref<160000x128xi32, #tpu.memory_space<hbm>> -> memref<40x128xi32, #tpu.memory_space<hbm>>
        %dma_wait3A_116 = arith.constant 0 : i32
        %dma_wait3A_117 = arith.constant 0 : i32
        %dma_wait3A_118 = tpu.memref_slice %arg6[%dma_wait3A_116, %dma_wait3A_117] : memref<160000x128xi32, #tpu.memory_space<hbm>> -> memref<40x128xi32, #tpu.memory_space<hbm>>
        tpu.wait_dma2 semaphore(%arg18 : memref<!tpu.dma_semaphore, #tpu.memory_space<semaphore_mem>>) src(%arg10 : memref<40x128xi32, #tpu.memory_space<vmem>>) dst(%dma_wait3A_118 : memref<40x128xi32, #tpu.memory_space<hbm>>)
        %dma_wait3A_119 = arith.constant 0 : i32
        %dma_wait3A_120 = arith.constant 0 : i32
        %dma_wait3A_121 = tpu.memref_slice %arg7[%dma_wait3A_119, %dma_wait3A_120] : memref<160000x128xf32, #tpu.memory_space<hbm>> -> memref<40x128xf32, #tpu.memory_space<hbm>>
        %dma_wait3A_122 = arith.constant 0 : i32
        %dma_wait3A_123 = arith.constant 0 : i32
        %dma_wait3A_124 = tpu.memref_slice %arg7[%dma_wait3A_122, %dma_wait3A_123] : memref<160000x128xf32, #tpu.memory_space<hbm>> -> memref<40x128xf32, #tpu.memory_space<hbm>>
        tpu.wait_dma2 semaphore(%arg20 : memref<!tpu.dma_semaphore, #tpu.memory_space<semaphore_mem>>) src(%arg12 : memref<40x128xf32, #tpu.memory_space<vmem>>) dst(%dma_wait3A_124 : memref<40x128xf32, #tpu.memory_space<hbm>>)
      } else {
      }
      %mul3A_97 = arith.constant 40 : i32
      %mul3A_98 = arith.muli %add3A_91, %mul3A_97 : i32
      %dma_start3A_99 = tpu.memref_slice %arg8[%mul3A_98] : memref<5000xi32, #tpu.memory_space<vmem>> -> memref<40xi32, #tpu.memory_space<vmem>>
      %dma_start3A_100 = arith.constant 0 : i32
      %dma_start3A_101 = arith.constant 0 : i32
      %dma_start3A_102 = tpu.memref_slice %arg22[%dma_start3A_100, %dma_start3A_101] : memref<10000x128xi32, #tpu.memory_space<vmem_shared>> -> memref<10000x128xi32, #tpu.memory_space<vmem_shared>>
      tpu.enqueue_indirect_dma source(%dma_start3A_102 : memref<10000x128xi32, #tpu.memory_space<vmem_shared>>) target(%arg10 : memref<40x128xi32, #tpu.memory_space<vmem>>) offsets(%dma_start3A_99 : memref<40xi32, #tpu.memory_space<vmem>>) semaphore(%arg14 : memref<!tpu.dma_semaphore, #tpu.memory_space<semaphore_mem>>)
      %dma_start3A_103 = tpu.memref_slice %arg9[%mul3A_98] : memref<5000xi32, #tpu.memory_space<vmem>> -> memref<40xi32, #tpu.memory_space<vmem>>
      %dma_start3A_104 = arith.constant 0 : i32
      %dma_start3A_105 = arith.constant 0 : i32
      %dma_start3A_106 = tpu.memref_slice %arg3[%dma_start3A_104, %dma_start3A_105] : memref<10000x128xf32, #tpu.memory_space<hbm>> -> memref<10000x128xf32, #tpu.memory_space<hbm>>
      tpu.enqueue_indirect_dma source(%dma_start3A_106 : memref<10000x128xf32, #tpu.memory_space<hbm>>) target(%arg12 : memref<40x128xf32, #tpu.memory_space<vmem>>) offsets(%dma_start3A_103 : memref<40xi32, #tpu.memory_space<vmem>>) semaphore(%arg16 : memref<!tpu.dma_semaphore, #tpu.memory_space<semaphore_mem>>)
      %ge3A_107 = arith.constant 1 : i32
      %ge3A_108 = arith.cmpi sge, %add3A_91, %ge3A_107 : i32
      %convert_element_type3A_109 = arith.extui %ge3A_108 : i1 to i32
      %cond3A_110 = arith.constant 0 : i32
      %cond3A_111 = arith.cmpi ne, %convert_element_type3A_109, %cond3A_110 : i32
      scf.if %cond3A_111 {
        %dma_wait3A_113 = arith.constant 0 : i32
        %dma_wait3A_114 = tpu.memref_slice %arg8[%dma_wait3A_113] : memref<5000xi32, #tpu.memory_space<vmem>> -> memref<40xi32, #tpu.memory_space<vmem>>
        %dma_wait3A_115 = arith.constant 0 : i32
        %dma_wait3A_116 = arith.constant 0 : i32
        %dma_wait3A_117 = tpu.memref_slice %arg22[%dma_wait3A_115, %dma_wait3A_116] : memref<10000x128xi32, #tpu.memory_space<vmem_shared>> -> memref<10000x128xi32, #tpu.memory_space<vmem_shared>>
        tpu.wait_indirect_dma semaphore(%arg15 : memref<!tpu.dma_semaphore, #tpu.memory_space<semaphore_mem>>) src(%dma_wait3A_117 : memref<10000x128xi32, #tpu.memory_space<vmem_shared>>) dst(%arg11 : memref<40x128xi32, #tpu.memory_space<vmem>>)
        %dma_wait3A_118 = arith.constant 0 : i32
        %dma_wait3A_119 = tpu.memref_slice %arg9[%dma_wait3A_118] : memref<5000xi32, #tpu.memory_space<vmem>> -> memref<40xi32, #tpu.memory_space<vmem>>
        %dma_wait3A_120 = arith.constant 0 : i32
        %dma_wait3A_121 = arith.constant 0 : i32
        %dma_wait3A_122 = tpu.memref_slice %arg3[%dma_wait3A_120, %dma_wait3A_121] : memref<10000x128xf32, #tpu.memory_space<hbm>> -> memref<10000x128xf32, #tpu.memory_space<hbm>>
        tpu.wait_indirect_dma semaphore(%arg17 : memref<!tpu.dma_semaphore, #tpu.memory_space<semaphore_mem>>) src(%dma_wait3A_122 : memref<10000x128xf32, #tpu.memory_space<hbm>>) dst(%arg13 : memref<40x128xf32, #tpu.memory_space<vmem>>)
        %sub3A = arith.constant 1 : i32
        %sub3A_123 = arith.subi %add3A_91, %sub3A : i32
        %mul3A_124 = arith.constant 40 : i32
        %mul3A_125 = arith.muli %sub3A_123, %mul3A_124 : i32
        %add3A_126 = arith.addi %mul3A_2, %mul3A_125 : i32
        %dma_start3A_127 = arith.constant 0 : i32
        %dma_start3A_128 = tpu.memref_slice %arg6[%add3A_126, %dma_start3A_127] : memref<160000x128xi32, #tpu.memory_space<hbm>> -> memref<40x128xi32, #tpu.memory_space<hbm>>
        %dma_start3A_129 = arith.constant 0 : i32
        %dma_start3A_130 = tpu.memref_slice %arg6[%add3A_126, %dma_start3A_129] : memref<160000x128xi32, #tpu.memory_space<hbm>> -> memref<40x128xi32, #tpu.memory_space<hbm>>
        tpu.enqueue_dma source(%arg11 : memref<40x128xi32, #tpu.memory_space<vmem>>) target(%dma_start3A_130 : memref<40x128xi32, #tpu.memory_space<hbm>>) target_semaphore(%arg19 : memref<!tpu.dma_semaphore, #tpu.memory_space<semaphore_mem>>)
        %dma_start3A_131 = arith.constant 0 : i32
        %dma_start3A_132 = tpu.memref_slice %arg7[%add3A_126, %dma_start3A_131] : memref<160000x128xf32, #tpu.memory_space<hbm>> -> memref<40x128xf32, #tpu.memory_space<hbm>>
        %dma_start3A_133 = arith.constant 0 : i32
        %dma_start3A_134 = tpu.memref_slice %arg7[%add3A_126, %dma_start3A_133] : memref<160000x128xf32, #tpu.memory_space<hbm>> -> memref<40x128xf32, #tpu.memory_space<hbm>>
        tpu.enqueue_dma source(%arg13 : memref<40x128xf32, #tpu.memory_space<vmem>>) target(%dma_start3A_134 : memref<40x128xf32, #tpu.memory_space<hbm>>) target_semaphore(%arg21 : memref<!tpu.dma_semaphore, #tpu.memory_space<semaphore_mem>>)
      } else {
      }
      %scan3A_112 = arith.constant 0 : i32
      scf.yield %scan3A_112 : i32
    }
    %scan3A_19 = arith.constant 62 : i32
    %dma_wait3A = arith.constant 0 : i32
    %dma_wait3A_20 = tpu.memref_slice %arg8[%dma_wait3A] : memref<5000xi32, #tpu.memory_space<vmem>> -> memref<40xi32, #tpu.memory_space<vmem>>
    %dma_wait3A_21 = arith.constant 0 : i32
    %dma_wait3A_22 = arith.constant 0 : i32
    %dma_wait3A_23 = tpu.memref_slice %arg22[%dma_wait3A_21, %dma_wait3A_22] : memref<10000x128xi32, #tpu.memory_space<vmem_shared>> -> memref<10000x128xi32, #tpu.memory_space<vmem_shared>>
    tpu.wait_indirect_dma semaphore(%arg14 : memref<!tpu.dma_semaphore, #tpu.memory_space<semaphore_mem>>) src(%dma_wait3A_23 : memref<10000x128xi32, #tpu.memory_space<vmem_shared>>) dst(%arg10 : memref<40x128xi32, #tpu.memory_space<vmem>>)
    %dma_wait3A_24 = arith.constant 0 : i32
    %dma_wait3A_25 = tpu.memref_slice %arg9[%dma_wait3A_24] : memref<5000xi32, #tpu.memory_space<vmem>> -> memref<40xi32, #tpu.memory_space<vmem>>
    %dma_wait3A_26 = arith.constant 0 : i32
    %dma_wait3A_27 = arith.constant 0 : i32
    %dma_wait3A_28 = tpu.memref_slice %arg3[%dma_wait3A_26, %dma_wait3A_27] : memref<10000x128xf32, #tpu.memory_space<hbm>> -> memref<10000x128xf32, #tpu.memory_space<hbm>>
    tpu.wait_indirect_dma semaphore(%arg16 : memref<!tpu.dma_semaphore, #tpu.memory_space<semaphore_mem>>) src(%dma_wait3A_28 : memref<10000x128xf32, #tpu.memory_space<hbm>>) dst(%arg12 : memref<40x128xf32, #tpu.memory_space<vmem>>)
    %add3A_29 = arith.constant 4960 : i32
    %add3A_30 = arith.addi %mul3A_2, %add3A_29 : i32
    %dma_start3A_31 = arith.constant 0 : i32
    %dma_start3A_32 = tpu.memref_slice %arg6[%add3A_30, %dma_start3A_31] : memref<160000x128xi32, #tpu.memory_space<hbm>> -> memref<40x128xi32, #tpu.memory_space<hbm>>
    %dma_start3A_33 = arith.constant 0 : i32
    %dma_start3A_34 = tpu.memref_slice %arg6[%add3A_30, %dma_start3A_33] : memref<160000x128xi32, #tpu.memory_space<hbm>> -> memref<40x128xi32, #tpu.memory_space<hbm>>
    tpu.enqueue_dma source(%arg10 : memref<40x128xi32, #tpu.memory_space<vmem>>) target(%dma_start3A_34 : memref<40x128xi32, #tpu.memory_space<hbm>>) target_semaphore(%arg18 : memref<!tpu.dma_semaphore, #tpu.memory_space<semaphore_mem>>)
    %dma_start3A_35 = arith.constant 0 : i32
    %dma_start3A_36 = tpu.memref_slice %arg7[%add3A_30, %dma_start3A_35] : memref<160000x128xf32, #tpu.memory_space<hbm>> -> memref<40x128xf32, #tpu.memory_space<hbm>>
    %dma_start3A_37 = arith.constant 0 : i32
    %dma_start3A_38 = tpu.memref_slice %arg7[%add3A_30, %dma_start3A_37] : memref<160000x128xf32, #tpu.memory_space<hbm>> -> memref<40x128xf32, #tpu.memory_space<hbm>>
    tpu.enqueue_dma source(%arg12 : memref<40x128xf32, #tpu.memory_space<vmem>>) target(%dma_start3A_38 : memref<40x128xf32, #tpu.memory_space<hbm>>) target_semaphore(%arg20 : memref<!tpu.dma_semaphore, #tpu.memory_space<semaphore_mem>>)
    %dma_wait3A_39 = arith.constant 0 : i32
    %dma_wait3A_40 = arith.constant 0 : i32
    %dma_wait3A_41 = tpu.memref_slice %arg6[%dma_wait3A_39, %dma_wait3A_40] : memref<160000x128xi32, #tpu.memory_space<hbm>> -> memref<40x128xi32, #tpu.memory_space<hbm>>
    %dma_wait3A_42 = arith.constant 0 : i32
    %dma_wait3A_43 = arith.constant 0 : i32
    %dma_wait3A_44 = tpu.memref_slice %arg6[%dma_wait3A_42, %dma_wait3A_43] : memref<160000x128xi32, #tpu.memory_space<hbm>> -> memref<40x128xi32, #tpu.memory_space<hbm>>
    tpu.wait_dma2 semaphore(%arg19 : memref<!tpu.dma_semaphore, #tpu.memory_space<semaphore_mem>>) src(%arg11 : memref<40x128xi32, #tpu.memory_space<vmem>>) dst(%dma_wait3A_44 : memref<40x128xi32, #tpu.memory_space<hbm>>)
    %dma_wait3A_45 = arith.constant 0 : i32
    %dma_wait3A_46 = arith.constant 0 : i32
    %dma_wait3A_47 = tpu.memref_slice %arg7[%dma_wait3A_45, %dma_wait3A_46] : memref<160000x128xf32, #tpu.memory_space<hbm>> -> memref<40x128xf32, #tpu.memory_space<hbm>>
    %dma_wait3A_48 = arith.constant 0 : i32
    %dma_wait3A_49 = arith.constant 0 : i32
    %dma_wait3A_50 = tpu.memref_slice %arg7[%dma_wait3A_48, %dma_wait3A_49] : memref<160000x128xf32, #tpu.memory_space<hbm>> -> memref<40x128xf32, #tpu.memory_space<hbm>>
    tpu.wait_dma2 semaphore(%arg21 : memref<!tpu.dma_semaphore, #tpu.memory_space<semaphore_mem>>) src(%arg13 : memref<40x128xf32, #tpu.memory_space<vmem>>) dst(%dma_wait3A_50 : memref<40x128xf32, #tpu.memory_space<hbm>>)
    %dma_wait3A_51 = arith.constant 0 : i32
    %dma_wait3A_52 = arith.constant 0 : i32
    %dma_wait3A_53 = tpu.memref_slice %arg6[%dma_wait3A_51, %dma_wait3A_52] : memref<160000x128xi32, #tpu.memory_space<hbm>> -> memref<40x128xi32, #tpu.memory_space<hbm>>
    %dma_wait3A_54 = arith.constant 0 : i32
    %dma_wait3A_55 = arith.constant 0 : i32
    %dma_wait3A_56 = tpu.memref_slice %arg6[%dma_wait3A_54, %dma_wait3A_55] : memref<160000x128xi32, #tpu.memory_space<hbm>> -> memref<40x128xi32, #tpu.memory_space<hbm>>
    tpu.wait_dma2 semaphore(%arg18 : memref<!tpu.dma_semaphore, #tpu.memory_space<semaphore_mem>>) src(%arg10 : memref<40x128xi32, #tpu.memory_space<vmem>>) dst(%dma_wait3A_56 : memref<40x128xi32, #tpu.memory_space<hbm>>)
    %dma_wait3A_57 = arith.constant 0 : i32
    %dma_wait3A_58 = arith.constant 0 : i32
    %dma_wait3A_59 = tpu.memref_slice %arg7[%dma_wait3A_57, %dma_wait3A_58] : memref<160000x128xf32, #tpu.memory_space<hbm>> -> memref<40x128xf32, #tpu.memory_space<hbm>>
    %dma_wait3A_60 = arith.constant 0 : i32
    %dma_wait3A_61 = arith.constant 0 : i32
    %dma_wait3A_62 = tpu.memref_slice %arg7[%dma_wait3A_60, %dma_wait3A_61] : memref<160000x128xf32, #tpu.memory_space<hbm>> -> memref<40x128xf32, #tpu.memory_space<hbm>>
    tpu.wait_dma2 semaphore(%arg20 : memref<!tpu.dma_semaphore, #tpu.memory_space<semaphore_mem>>) src(%arg12 : memref<40x128xf32, #tpu.memory_space<vmem>>) dst(%dma_wait3A_62 : memref<40x128xf32, #tpu.memory_space<hbm>>)
    return
  }
}

#map = affine_map<(d0, d1) -> (0, 0)>
#map1 = affine_map<(d0, d1) -> (0)>
#map2 = affine_map<(d0, d1) -> (0, 0, 0)>
module attributes {stable_mosaic.version = 14 : i64} {
  func.func @_scatter_sc_body(%arg0: i32, %arg1: i32, %arg2: memref<160000x256xf32, #tpu.memory_space<hbm>>, %arg3: memref<160000xi32, #tpu.memory_space<hbm>>, %arg4: memref<10240x128xf32, #tpu.memory_space<hbm>>, %arg5: memref<2x10240x128xf32, #tpu.memory_space<hbm>>, %arg6: memref<80xi32, #tpu.memory_space<vmem>>, %arg7: memref<80xi32, #tpu.memory_space<vmem>>, %arg8: memref<80x128xf32, #tpu.memory_space<vmem>>, %arg9: memref<80x128xf32, #tpu.memory_space<vmem>>, %arg10: memref<!tpu.dma_semaphore, #tpu.memory_space<semaphore_mem>>, %arg11: memref<!tpu.dma_semaphore, #tpu.memory_space<semaphore_mem>>, %arg12: memref<!tpu.dma_semaphore, #tpu.memory_space<semaphore_mem>>, %arg13: memref<!tpu.dma_semaphore, #tpu.memory_space<semaphore_mem>>, %arg14: memref<!tpu.dma_semaphore, #tpu.memory_space<semaphore_mem>>, %arg15: memref<!tpu.dma_semaphore, #tpu.memory_space<semaphore_mem>>, %arg16: memref<10240x128xf32, #tpu.memory_space<vmem_shared>>) attributes {dimension_semantics = [#tpu.dimension_semantics<core_parallel>, #tpu.dimension_semantics<subcore_parallel>], iteration_bounds = array<i64: 2, 16>, scalar_prefetch = 0 : i64, scratch_operands = 11 : i64, tpu.core_type = #tpu.core_type<sc_vector_subcore>, window_params = [{transform_indices = #map}, {transform_indices = #map1}, {transform_indices = #map}, {transform_indices = #map2}]} {
    %mul3A = arith.constant 640 : i32
    %mul3A_0 = arith.muli %arg1, %mul3A : i32
    %mul3A_1 = arith.constant 640 : i32
    %mul3A_2 = arith.muli %arg1, %mul3A_1 : i32
    "tpu.region"() ({
      %run_scoped3A = tpu.sem_alloc : memref<!tpu.dma_semaphore, #tpu.memory_space<semaphore_mem>>
      %dma_start3A_40 = arith.constant 0 : i32
      %dma_start3A_41 = tpu.memref_slice %arg16[%mul3A_2, %dma_start3A_40] : memref<10240x128xf32, #tpu.memory_space<vmem_shared>> -> memref<640x128xf32, #tpu.memory_space<vmem_shared>>
      %dma_start3A_42 = arith.constant 0 : i32
      %dma_start3A_43 = tpu.memref_slice %arg4[%mul3A_0, %dma_start3A_42] : memref<10240x128xf32, #tpu.memory_space<hbm>> -> memref<640x128xf32, #tpu.memory_space<hbm>>
      tpu.enqueue_dma source(%dma_start3A_43 : memref<640x128xf32, #tpu.memory_space<hbm>>) target(%dma_start3A_41 : memref<640x128xf32, #tpu.memory_space<vmem_shared>>) target_semaphore(%run_scoped3A : memref<!tpu.dma_semaphore, #tpu.memory_space<semaphore_mem>>)
      %dma_wait3A_44 = arith.constant 0 : i32
      %dma_wait3A_45 = tpu.memref_slice %arg16[%mul3A_2, %dma_wait3A_44] : memref<10240x128xf32, #tpu.memory_space<vmem_shared>> -> memref<640x128xf32, #tpu.memory_space<vmem_shared>>
      %dma_wait3A_46 = arith.constant 0 : i32
      %dma_wait3A_47 = tpu.memref_slice %arg4[%mul3A_0, %dma_wait3A_46] : memref<10240x128xf32, #tpu.memory_space<hbm>> -> memref<640x128xf32, #tpu.memory_space<hbm>>
      tpu.wait_dma2 semaphore(%run_scoped3A : memref<!tpu.dma_semaphore, #tpu.memory_space<semaphore_mem>>) src(%dma_wait3A_47 : memref<640x128xf32, #tpu.memory_space<hbm>>) dst(%dma_wait3A_45 : memref<640x128xf32, #tpu.memory_space<vmem_shared>>)
      tpu.yield
    }) : () -> ()
    %barrier3A = arith.constant 0 : index
    tpu.barrier barrier_id(%barrier3A)
    %mul3A_3 = arith.constant 10000 : i32
    %mul3A_4 = arith.muli %arg1, %mul3A_3 : i32
    %add3A = arith.constant 0 : i32
    %add3A_5 = arith.addi %mul3A_4, %add3A : i32
    %dma_start3A = tpu.memref_slice %arg3[%add3A_5] : memref<160000xi32, #tpu.memory_space<hbm>> -> memref<80xi32, #tpu.memory_space<hbm>>
    %dma_start3A_6 = tpu.memref_slice %arg3[%add3A_5] : memref<160000xi32, #tpu.memory_space<hbm>> -> memref<80xi32, #tpu.memory_space<hbm>>
    tpu.enqueue_dma source(%dma_start3A_6 : memref<80xi32, #tpu.memory_space<hbm>>) target(%arg6 : memref<80xi32, #tpu.memory_space<vmem>>) target_semaphore(%arg10 : memref<!tpu.dma_semaphore, #tpu.memory_space<semaphore_mem>>)
    %mul3A_7 = arith.constant 128 : i32
    %mul3A_8 = arith.muli %arg0, %mul3A_7 : i32
    %dma_start3A_9 = tpu.memref_slice %arg2[%add3A_5, %mul3A_8] : memref<160000x256xf32, #tpu.memory_space<hbm>> -> memref<80x128xf32, #tpu.memory_space<hbm>>
    %dma_start3A_10 = tpu.memref_slice %arg2[%add3A_5, %mul3A_8] : memref<160000x256xf32, #tpu.memory_space<hbm>> -> memref<80x128xf32, #tpu.memory_space<hbm>>
    tpu.enqueue_dma source(%dma_start3A_10 : memref<80x128xf32, #tpu.memory_space<hbm>>) target(%arg8 : memref<80x128xf32, #tpu.memory_space<vmem>>) target_semaphore(%arg12 : memref<!tpu.dma_semaphore, #tpu.memory_space<semaphore_mem>>)
    %scan3A = arith.constant 0 : i32
    %scan3A_11 = arith.constant 0 : i32
    %scan3A_12 = arith.constant 62 : i32
    %scan3A_13 = arith.addi %scan3A_11, %scan3A_12 : i32
    %scan3A_14 = arith.constant 1 : i32
    %scan3A_15 = scf.for %scan3A_40 = %scan3A_11 to %scan3A_13 step %scan3A_14 iter_args(%scan3A_41 = %scan3A) -> (i32)  : i32 {
      %mul3A_42 = arith.constant 2 : i32
      %mul3A_43 = arith.muli %mul3A_42, %scan3A_40 : i32
      %add3A_44 = arith.constant 1 : i32
      %add3A_45 = arith.addi %add3A_44, %mul3A_43 : i32
      %ge3A = arith.constant 2 : i32
      %ge3A_46 = arith.cmpi sge, %add3A_45, %ge3A : i32
      %convert_element_type3A = arith.extui %ge3A_46 : i1 to i32
      %cond3A = arith.constant 0 : i32
      %cond3A_47 = arith.cmpi ne, %convert_element_type3A, %cond3A : i32
      scf.if %cond3A_47 {
        %dma_wait3A_86 = arith.constant 0 : i32
        %dma_wait3A_87 = arith.constant 0 : i32
        %dma_wait3A_88 = tpu.memref_slice %arg16[%dma_wait3A_86, %dma_wait3A_87] : memref<10240x128xf32, #tpu.memory_space<vmem_shared>> -> memref<10240x128xf32, #tpu.memory_space<vmem_shared>>
        tpu.wait_indirect_dma semaphore(%arg15 : memref<!tpu.dma_semaphore, #tpu.memory_space<semaphore_mem>>) src(%arg9 : memref<80x128xf32, #tpu.memory_space<vmem>>) dst(%dma_wait3A_88 : memref<10240x128xf32, #tpu.memory_space<vmem_shared>>)
      } else {
      }
      %mul3A_48 = arith.constant 80 : i32
      %mul3A_49 = arith.muli %add3A_45, %mul3A_48 : i32
      %add3A_50 = arith.addi %mul3A_4, %mul3A_49 : i32
      %dma_start3A_51 = tpu.memref_slice %arg3[%add3A_50] : memref<160000xi32, #tpu.memory_space<hbm>> -> memref<80xi32, #tpu.memory_space<hbm>>
      %dma_start3A_52 = tpu.memref_slice %arg3[%add3A_50] : memref<160000xi32, #tpu.memory_space<hbm>> -> memref<80xi32, #tpu.memory_space<hbm>>
      tpu.enqueue_dma source(%dma_start3A_52 : memref<80xi32, #tpu.memory_space<hbm>>) target(%arg7 : memref<80xi32, #tpu.memory_space<vmem>>) target_semaphore(%arg11 : memref<!tpu.dma_semaphore, #tpu.memory_space<semaphore_mem>>)
      %mul3A_53 = arith.constant 128 : i32
      %mul3A_54 = arith.muli %arg0, %mul3A_53 : i32
      %dma_start3A_55 = tpu.memref_slice %arg2[%add3A_50, %mul3A_54] : memref<160000x256xf32, #tpu.memory_space<hbm>> -> memref<80x128xf32, #tpu.memory_space<hbm>>
      %dma_start3A_56 = tpu.memref_slice %arg2[%add3A_50, %mul3A_54] : memref<160000x256xf32, #tpu.memory_space<hbm>> -> memref<80x128xf32, #tpu.memory_space<hbm>>
      tpu.enqueue_dma source(%dma_start3A_56 : memref<80x128xf32, #tpu.memory_space<hbm>>) target(%arg9 : memref<80x128xf32, #tpu.memory_space<vmem>>) target_semaphore(%arg13 : memref<!tpu.dma_semaphore, #tpu.memory_space<semaphore_mem>>)
      %ge3A_57 = arith.constant 1 : i32
      %ge3A_58 = arith.cmpi sge, %add3A_45, %ge3A_57 : i32
      %convert_element_type3A_59 = arith.extui %ge3A_58 : i1 to i32
      %cond3A_60 = arith.constant 0 : i32
      %cond3A_61 = arith.cmpi ne, %convert_element_type3A_59, %cond3A_60 : i32
      scf.if %cond3A_61 {
        %dma_wait3A_86 = arith.constant 0 : i32
        %dma_wait3A_87 = tpu.memref_slice %arg3[%dma_wait3A_86] : memref<160000xi32, #tpu.memory_space<hbm>> -> memref<80xi32, #tpu.memory_space<hbm>>
        %dma_wait3A_88 = arith.constant 0 : i32
        %dma_wait3A_89 = tpu.memref_slice %arg3[%dma_wait3A_88] : memref<160000xi32, #tpu.memory_space<hbm>> -> memref<80xi32, #tpu.memory_space<hbm>>
        tpu.wait_dma2 semaphore(%arg10 : memref<!tpu.dma_semaphore, #tpu.memory_space<semaphore_mem>>) src(%dma_wait3A_89 : memref<80xi32, #tpu.memory_space<hbm>>) dst(%arg6 : memref<80xi32, #tpu.memory_space<vmem>>)
        %dma_wait3A_90 = arith.constant 0 : i32
        %dma_wait3A_91 = arith.constant 0 : i32
        %dma_wait3A_92 = tpu.memref_slice %arg2[%dma_wait3A_90, %dma_wait3A_91] : memref<160000x256xf32, #tpu.memory_space<hbm>> -> memref<80x128xf32, #tpu.memory_space<hbm>>
        %dma_wait3A_93 = arith.constant 0 : i32
        %dma_wait3A_94 = arith.constant 0 : i32
        %dma_wait3A_95 = tpu.memref_slice %arg2[%dma_wait3A_93, %dma_wait3A_94] : memref<160000x256xf32, #tpu.memory_space<hbm>> -> memref<80x128xf32, #tpu.memory_space<hbm>>
        tpu.wait_dma2 semaphore(%arg12 : memref<!tpu.dma_semaphore, #tpu.memory_space<semaphore_mem>>) src(%dma_wait3A_95 : memref<80x128xf32, #tpu.memory_space<hbm>>) dst(%arg8 : memref<80x128xf32, #tpu.memory_space<vmem>>)
        %sub3A = arith.constant 1 : i32
        %sub3A_96 = arith.subi %add3A_45, %sub3A : i32
        %dma_start3A_97 = arith.constant 0 : i32
        %dma_start3A_98 = arith.constant 0 : i32
        %dma_start3A_99 = tpu.memref_slice %arg16[%dma_start3A_97, %dma_start3A_98] : memref<10240x128xf32, #tpu.memory_space<vmem_shared>> -> memref<10240x128xf32, #tpu.memory_space<vmem_shared>>
        tpu.enqueue_indirect_dma source(%arg8 : memref<80x128xf32, #tpu.memory_space<vmem>>) target(%dma_start3A_99 : memref<10240x128xf32, #tpu.memory_space<vmem_shared>>) offsets(%arg6 : memref<80xi32, #tpu.memory_space<vmem>>) semaphore(%arg14 : memref<!tpu.dma_semaphore, #tpu.memory_space<semaphore_mem>>) {add = true}
      } else {
      }
      %mul3A_62 = arith.constant 2 : i32
      %mul3A_63 = arith.muli %mul3A_62, %scan3A_40 : i32
      %add3A_64 = arith.constant 2 : i32
      %add3A_65 = arith.addi %add3A_64, %mul3A_63 : i32
      %ge3A_66 = arith.constant 2 : i32
      %ge3A_67 = arith.cmpi sge, %add3A_65, %ge3A_66 : i32
      %convert_element_type3A_68 = arith.extui %ge3A_67 : i1 to i32
      %cond3A_69 = arith.constant 0 : i32
      %cond3A_70 = arith.cmpi ne, %convert_element_type3A_68, %cond3A_69 : i32
      scf.if %cond3A_70 {
        %dma_wait3A_86 = arith.constant 0 : i32
        %dma_wait3A_87 = arith.constant 0 : i32
        %dma_wait3A_88 = tpu.memref_slice %arg16[%dma_wait3A_86, %dma_wait3A_87] : memref<10240x128xf32, #tpu.memory_space<vmem_shared>> -> memref<10240x128xf32, #tpu.memory_space<vmem_shared>>
        tpu.wait_indirect_dma semaphore(%arg14 : memref<!tpu.dma_semaphore, #tpu.memory_space<semaphore_mem>>) src(%arg8 : memref<80x128xf32, #tpu.memory_space<vmem>>) dst(%dma_wait3A_88 : memref<10240x128xf32, #tpu.memory_space<vmem_shared>>)
      } else {
      }
      %mul3A_71 = arith.constant 80 : i32
      %mul3A_72 = arith.muli %add3A_65, %mul3A_71 : i32
      %add3A_73 = arith.addi %mul3A_4, %mul3A_72 : i32
      %dma_start3A_74 = tpu.memref_slice %arg3[%add3A_73] : memref<160000xi32, #tpu.memory_space<hbm>> -> memref<80xi32, #tpu.memory_space<hbm>>
      %dma_start3A_75 = tpu.memref_slice %arg3[%add3A_73] : memref<160000xi32, #tpu.memory_space<hbm>> -> memref<80xi32, #tpu.memory_space<hbm>>
      tpu.enqueue_dma source(%dma_start3A_75 : memref<80xi32, #tpu.memory_space<hbm>>) target(%arg6 : memref<80xi32, #tpu.memory_space<vmem>>) target_semaphore(%arg10 : memref<!tpu.dma_semaphore, #tpu.memory_space<semaphore_mem>>)
      %mul3A_76 = arith.constant 128 : i32
      %mul3A_77 = arith.muli %arg0, %mul3A_76 : i32
      %dma_start3A_78 = tpu.memref_slice %arg2[%add3A_73, %mul3A_77] : memref<160000x256xf32, #tpu.memory_space<hbm>> -> memref<80x128xf32, #tpu.memory_space<hbm>>
      %dma_start3A_79 = tpu.memref_slice %arg2[%add3A_73, %mul3A_77] : memref<160000x256xf32, #tpu.memory_space<hbm>> -> memref<80x128xf32, #tpu.memory_space<hbm>>
      tpu.enqueue_dma source(%dma_start3A_79 : memref<80x128xf32, #tpu.memory_space<hbm>>) target(%arg8 : memref<80x128xf32, #tpu.memory_space<vmem>>) target_semaphore(%arg12 : memref<!tpu.dma_semaphore, #tpu.memory_space<semaphore_mem>>)
      %ge3A_80 = arith.constant 1 : i32
      %ge3A_81 = arith.cmpi sge, %add3A_65, %ge3A_80 : i32
      %convert_element_type3A_82 = arith.extui %ge3A_81 : i1 to i32
      %cond3A_83 = arith.constant 0 : i32
      %cond3A_84 = arith.cmpi ne, %convert_element_type3A_82, %cond3A_83 : i32
      scf.if %cond3A_84 {
        %dma_wait3A_86 = arith.constant 0 : i32
        %dma_wait3A_87 = tpu.memref_slice %arg3[%dma_wait3A_86] : memref<160000xi32, #tpu.memory_space<hbm>> -> memref<80xi32, #tpu.memory_space<hbm>>
        %dma_wait3A_88 = arith.constant 0 : i32
        %dma_wait3A_89 = tpu.memref_slice %arg3[%dma_wait3A_88] : memref<160000xi32, #tpu.memory_space<hbm>> -> memref<80xi32, #tpu.memory_space<hbm>>
        tpu.wait_dma2 semaphore(%arg11 : memref<!tpu.dma_semaphore, #tpu.memory_space<semaphore_mem>>) src(%dma_wait3A_89 : memref<80xi32, #tpu.memory_space<hbm>>) dst(%arg7 : memref<80xi32, #tpu.memory_space<vmem>>)
        %dma_wait3A_90 = arith.constant 0 : i32
        %dma_wait3A_91 = arith.constant 0 : i32
        %dma_wait3A_92 = tpu.memref_slice %arg2[%dma_wait3A_90, %dma_wait3A_91] : memref<160000x256xf32, #tpu.memory_space<hbm>> -> memref<80x128xf32, #tpu.memory_space<hbm>>
        %dma_wait3A_93 = arith.constant 0 : i32
        %dma_wait3A_94 = arith.constant 0 : i32
        %dma_wait3A_95 = tpu.memref_slice %arg2[%dma_wait3A_93, %dma_wait3A_94] : memref<160000x256xf32, #tpu.memory_space<hbm>> -> memref<80x128xf32, #tpu.memory_space<hbm>>
        tpu.wait_dma2 semaphore(%arg13 : memref<!tpu.dma_semaphore, #tpu.memory_space<semaphore_mem>>) src(%dma_wait3A_95 : memref<80x128xf32, #tpu.memory_space<hbm>>) dst(%arg9 : memref<80x128xf32, #tpu.memory_space<vmem>>)
        %sub3A = arith.constant 1 : i32
        %sub3A_96 = arith.subi %add3A_65, %sub3A : i32
        %dma_start3A_97 = arith.constant 0 : i32
        %dma_start3A_98 = arith.constant 0 : i32
        %dma_start3A_99 = tpu.memref_slice %arg16[%dma_start3A_97, %dma_start3A_98] : memref<10240x128xf32, #tpu.memory_space<vmem_shared>> -> memref<10240x128xf32, #tpu.memory_space<vmem_shared>>
        tpu.enqueue_indirect_dma source(%arg9 : memref<80x128xf32, #tpu.memory_space<vmem>>) target(%dma_start3A_99 : memref<10240x128xf32, #tpu.memory_space<vmem_shared>>) offsets(%arg7 : memref<80xi32, #tpu.memory_space<vmem>>) semaphore(%arg15 : memref<!tpu.dma_semaphore, #tpu.memory_space<semaphore_mem>>) {add = true}
      } else {
      }
      %scan3A_85 = arith.constant 0 : i32
      scf.yield %scan3A_85 : i32
    }
    %scan3A_16 = arith.constant 62 : i32
    %dma_wait3A = arith.constant 0 : i32
    %dma_wait3A_17 = tpu.memref_slice %arg3[%dma_wait3A] : memref<160000xi32, #tpu.memory_space<hbm>> -> memref<80xi32, #tpu.memory_space<hbm>>
    %dma_wait3A_18 = arith.constant 0 : i32
    %dma_wait3A_19 = tpu.memref_slice %arg3[%dma_wait3A_18] : memref<160000xi32, #tpu.memory_space<hbm>> -> memref<80xi32, #tpu.memory_space<hbm>>
    tpu.wait_dma2 semaphore(%arg10 : memref<!tpu.dma_semaphore, #tpu.memory_space<semaphore_mem>>) src(%dma_wait3A_19 : memref<80xi32, #tpu.memory_space<hbm>>) dst(%arg6 : memref<80xi32, #tpu.memory_space<vmem>>)
    %dma_wait3A_20 = arith.constant 0 : i32
    %dma_wait3A_21 = arith.constant 0 : i32
    %dma_wait3A_22 = tpu.memref_slice %arg2[%dma_wait3A_20, %dma_wait3A_21] : memref<160000x256xf32, #tpu.memory_space<hbm>> -> memref<80x128xf32, #tpu.memory_space<hbm>>
    %dma_wait3A_23 = arith.constant 0 : i32
    %dma_wait3A_24 = arith.constant 0 : i32
    %dma_wait3A_25 = tpu.memref_slice %arg2[%dma_wait3A_23, %dma_wait3A_24] : memref<160000x256xf32, #tpu.memory_space<hbm>> -> memref<80x128xf32, #tpu.memory_space<hbm>>
    tpu.wait_dma2 semaphore(%arg12 : memref<!tpu.dma_semaphore, #tpu.memory_space<semaphore_mem>>) src(%dma_wait3A_25 : memref<80x128xf32, #tpu.memory_space<hbm>>) dst(%arg8 : memref<80x128xf32, #tpu.memory_space<vmem>>)
    %dma_start3A_26 = arith.constant 0 : i32
    %dma_start3A_27 = arith.constant 0 : i32
    %dma_start3A_28 = tpu.memref_slice %arg16[%dma_start3A_26, %dma_start3A_27] : memref<10240x128xf32, #tpu.memory_space<vmem_shared>> -> memref<10240x128xf32, #tpu.memory_space<vmem_shared>>
    tpu.enqueue_indirect_dma source(%arg8 : memref<80x128xf32, #tpu.memory_space<vmem>>) target(%dma_start3A_28 : memref<10240x128xf32, #tpu.memory_space<vmem_shared>>) offsets(%arg6 : memref<80xi32, #tpu.memory_space<vmem>>) semaphore(%arg14 : memref<!tpu.dma_semaphore, #tpu.memory_space<semaphore_mem>>) {add = true}
    %dma_wait3A_29 = arith.constant 0 : i32
    %dma_wait3A_30 = arith.constant 0 : i32
    %dma_wait3A_31 = tpu.memref_slice %arg16[%dma_wait3A_29, %dma_wait3A_30] : memref<10240x128xf32, #tpu.memory_space<vmem_shared>> -> memref<10240x128xf32, #tpu.memory_space<vmem_shared>>
    tpu.wait_indirect_dma semaphore(%arg15 : memref<!tpu.dma_semaphore, #tpu.memory_space<semaphore_mem>>) src(%arg9 : memref<80x128xf32, #tpu.memory_space<vmem>>) dst(%dma_wait3A_31 : memref<10240x128xf32, #tpu.memory_space<vmem_shared>>)
    %dma_wait3A_32 = arith.constant 0 : i32
    %dma_wait3A_33 = arith.constant 0 : i32
    %dma_wait3A_34 = tpu.memref_slice %arg16[%dma_wait3A_32, %dma_wait3A_33] : memref<10240x128xf32, #tpu.memory_space<vmem_shared>> -> memref<10240x128xf32, #tpu.memory_space<vmem_shared>>
    tpu.wait_indirect_dma semaphore(%arg14 : memref<!tpu.dma_semaphore, #tpu.memory_space<semaphore_mem>>) src(%arg8 : memref<80x128xf32, #tpu.memory_space<vmem>>) dst(%dma_wait3A_34 : memref<10240x128xf32, #tpu.memory_space<vmem_shared>>)
    %barrier3A_35 = arith.constant 0 : index
    tpu.barrier barrier_id(%barrier3A_35)
    %mul3A_36 = arith.constant 640 : i32
    %mul3A_37 = arith.muli %arg1, %mul3A_36 : i32
    %mul3A_38 = arith.constant 640 : i32
    %mul3A_39 = arith.muli %arg1, %mul3A_38 : i32
    "tpu.region"() ({
      %run_scoped3A = tpu.sem_alloc : memref<!tpu.dma_semaphore, #tpu.memory_space<semaphore_mem>>
      %dma_start3A_40 = arith.constant 0 : i32
      %dma_start3A_41 = tpu.memref_slice %arg5[%arg0, %mul3A_39, %dma_start3A_40] : memref<2x10240x128xf32, #tpu.memory_space<hbm>> -> memref<1x640x128xf32, #tpu.memory_space<hbm>>
      %dma_start3A_42 = tpu.memref_squeeze %dma_start3A_41 : memref<1x640x128xf32, #tpu.memory_space<hbm>> -> memref<640x128xf32, #tpu.memory_space<hbm>>
      %dma_start3A_43 = arith.constant 0 : i32
      %dma_start3A_44 = tpu.memref_slice %arg16[%mul3A_37, %dma_start3A_43] : memref<10240x128xf32, #tpu.memory_space<vmem_shared>> -> memref<640x128xf32, #tpu.memory_space<vmem_shared>>
      tpu.enqueue_dma source(%dma_start3A_44 : memref<640x128xf32, #tpu.memory_space<vmem_shared>>) target(%dma_start3A_42 : memref<640x128xf32, #tpu.memory_space<hbm>>) target_semaphore(%run_scoped3A : memref<!tpu.dma_semaphore, #tpu.memory_space<semaphore_mem>>)
      %dma_wait3A_45 = arith.constant 0 : i32
      %dma_wait3A_46 = tpu.memref_slice %arg5[%arg0, %mul3A_39, %dma_wait3A_45] : memref<2x10240x128xf32, #tpu.memory_space<hbm>> -> memref<1x640x128xf32, #tpu.memory_space<hbm>>
      %dma_wait3A_47 = tpu.memref_squeeze %dma_wait3A_46 : memref<1x640x128xf32, #tpu.memory_space<hbm>> -> memref<640x128xf32, #tpu.memory_space<hbm>>
      %dma_wait3A_48 = arith.constant 0 : i32
      %dma_wait3A_49 = tpu.memref_slice %arg16[%mul3A_37, %dma_wait3A_48] : memref<10240x128xf32, #tpu.memory_space<vmem_shared>> -> memref<640x128xf32, #tpu.memory_space<vmem_shared>>
      tpu.wait_dma2 semaphore(%run_scoped3A : memref<!tpu.dma_semaphore, #tpu.memory_space<semaphore_mem>>) src(%dma_wait3A_49 : memref<640x128xf32, #tpu.memory_space<vmem_shared>>) dst(%dma_wait3A_47 : memref<640x128xf32, #tpu.memory_space<hbm>>)
      tpu.yield
    }) : () -> ()
    return
  }
}

#map = affine_map<(d0, d1) -> (0, 0)>
#map1 = affine_map<(d0, d1) -> (0)>
#map2 = affine_map<(d0, d1) -> (0, 0, 0)>
module attributes {stable_mosaic.version = 14 : i64} {
  func.func @_scatter_sc_body(%arg0: i32, %arg1: i32, %arg2: memref<160000x256xf32, #tpu.memory_space<hbm>>, %arg3: memref<160000xi32, #tpu.memory_space<hbm>>, %arg4: memref<10240x128xf32, #tpu.memory_space<hbm>>, %arg5: memref<2x10240x128xf32, #tpu.memory_space<hbm>>, %arg6: memref<80xi32, #tpu.memory_space<vmem>>, %arg7: memref<80xi32, #tpu.memory_space<vmem>>, %arg8: memref<80x128xf32, #tpu.memory_space<vmem>>, %arg9: memref<80x128xf32, #tpu.memory_space<vmem>>, %arg10: memref<!tpu.dma_semaphore, #tpu.memory_space<semaphore_mem>>, %arg11: memref<!tpu.dma_semaphore, #tpu.memory_space<semaphore_mem>>, %arg12: memref<!tpu.dma_semaphore, #tpu.memory_space<semaphore_mem>>, %arg13: memref<!tpu.dma_semaphore, #tpu.memory_space<semaphore_mem>>, %arg14: memref<!tpu.dma_semaphore, #tpu.memory_space<semaphore_mem>>, %arg15: memref<!tpu.dma_semaphore, #tpu.memory_space<semaphore_mem>>, %arg16: memref<10240x128xf32, #tpu.memory_space<vmem_shared>>) attributes {dimension_semantics = [#tpu.dimension_semantics<core_parallel>, #tpu.dimension_semantics<subcore_parallel>], iteration_bounds = array<i64: 2, 16>, scalar_prefetch = 0 : i64, scratch_operands = 11 : i64, tpu.core_type = #tpu.core_type<sc_vector_subcore>, window_params = [{transform_indices = #map}, {transform_indices = #map1}, {transform_indices = #map}, {transform_indices = #map2}]} {
    %mul3A = arith.constant 640 : i32
    %mul3A_0 = arith.muli %arg1, %mul3A : i32
    %mul3A_1 = arith.constant 640 : i32
    %mul3A_2 = arith.muli %arg1, %mul3A_1 : i32
    "tpu.region"() ({
      %run_scoped3A = tpu.sem_alloc : memref<!tpu.dma_semaphore, #tpu.memory_space<semaphore_mem>>
      %dma_start3A_40 = arith.constant 0 : i32
      %dma_start3A_41 = tpu.memref_slice %arg16[%mul3A_2, %dma_start3A_40] : memref<10240x128xf32, #tpu.memory_space<vmem_shared>> -> memref<640x128xf32, #tpu.memory_space<vmem_shared>>
      %dma_start3A_42 = arith.constant 0 : i32
      %dma_start3A_43 = tpu.memref_slice %arg4[%mul3A_0, %dma_start3A_42] : memref<10240x128xf32, #tpu.memory_space<hbm>> -> memref<640x128xf32, #tpu.memory_space<hbm>>
      tpu.enqueue_dma source(%dma_start3A_43 : memref<640x128xf32, #tpu.memory_space<hbm>>) target(%dma_start3A_41 : memref<640x128xf32, #tpu.memory_space<vmem_shared>>) target_semaphore(%run_scoped3A : memref<!tpu.dma_semaphore, #tpu.memory_space<semaphore_mem>>)
      %dma_wait3A_44 = arith.constant 0 : i32
      %dma_wait3A_45 = tpu.memref_slice %arg16[%mul3A_2, %dma_wait3A_44] : memref<10240x128xf32, #tpu.memory_space<vmem_shared>> -> memref<640x128xf32, #tpu.memory_space<vmem_shared>>
      %dma_wait3A_46 = arith.constant 0 : i32
      %dma_wait3A_47 = tpu.memref_slice %arg4[%mul3A_0, %dma_wait3A_46] : memref<10240x128xf32, #tpu.memory_space<hbm>> -> memref<640x128xf32, #tpu.memory_space<hbm>>
      tpu.wait_dma2 semaphore(%run_scoped3A : memref<!tpu.dma_semaphore, #tpu.memory_space<semaphore_mem>>) src(%dma_wait3A_47 : memref<640x128xf32, #tpu.memory_space<hbm>>) dst(%dma_wait3A_45 : memref<640x128xf32, #tpu.memory_space<vmem_shared>>)
      tpu.yield
    }) : () -> ()
    %barrier3A = arith.constant 0 : index
    tpu.barrier barrier_id(%barrier3A)
    %mul3A_3 = arith.constant 10000 : i32
    %mul3A_4 = arith.muli %arg1, %mul3A_3 : i32
    %add3A = arith.constant 0 : i32
    %add3A_5 = arith.addi %mul3A_4, %add3A : i32
    %dma_start3A = tpu.memref_slice %arg3[%add3A_5] : memref<160000xi32, #tpu.memory_space<hbm>> -> memref<80xi32, #tpu.memory_space<hbm>>
    %dma_start3A_6 = tpu.memref_slice %arg3[%add3A_5] : memref<160000xi32, #tpu.memory_space<hbm>> -> memref<80xi32, #tpu.memory_space<hbm>>
    tpu.enqueue_dma source(%dma_start3A_6 : memref<80xi32, #tpu.memory_space<hbm>>) target(%arg6 : memref<80xi32, #tpu.memory_space<vmem>>) target_semaphore(%arg10 : memref<!tpu.dma_semaphore, #tpu.memory_space<semaphore_mem>>)
    %mul3A_7 = arith.constant 128 : i32
    %mul3A_8 = arith.muli %arg0, %mul3A_7 : i32
    %dma_start3A_9 = tpu.memref_slice %arg2[%add3A_5, %mul3A_8] : memref<160000x256xf32, #tpu.memory_space<hbm>> -> memref<80x128xf32, #tpu.memory_space<hbm>>
    %dma_start3A_10 = tpu.memref_slice %arg2[%add3A_5, %mul3A_8] : memref<160000x256xf32, #tpu.memory_space<hbm>> -> memref<80x128xf32, #tpu.memory_space<hbm>>
    tpu.enqueue_dma source(%dma_start3A_10 : memref<80x128xf32, #tpu.memory_space<hbm>>) target(%arg8 : memref<80x128xf32, #tpu.memory_space<vmem>>) target_semaphore(%arg12 : memref<!tpu.dma_semaphore, #tpu.memory_space<semaphore_mem>>)
    %scan3A = arith.constant 0 : i32
    %scan3A_11 = arith.constant 0 : i32
    %scan3A_12 = arith.constant 62 : i32
    %scan3A_13 = arith.addi %scan3A_11, %scan3A_12 : i32
    %scan3A_14 = arith.constant 1 : i32
    %scan3A_15 = scf.for %scan3A_40 = %scan3A_11 to %scan3A_13 step %scan3A_14 iter_args(%scan3A_41 = %scan3A) -> (i32)  : i32 {
      %mul3A_42 = arith.constant 2 : i32
      %mul3A_43 = arith.muli %mul3A_42, %scan3A_40 : i32
      %add3A_44 = arith.constant 1 : i32
      %add3A_45 = arith.addi %add3A_44, %mul3A_43 : i32
      %ge3A = arith.constant 2 : i32
      %ge3A_46 = arith.cmpi sge, %add3A_45, %ge3A : i32
      %convert_element_type3A = arith.extui %ge3A_46 : i1 to i32
      %cond3A = arith.constant 0 : i32
      %cond3A_47 = arith.cmpi ne, %convert_element_type3A, %cond3A : i32
      scf.if %cond3A_47 {
        %dma_wait3A_86 = arith.constant 0 : i32
        %dma_wait3A_87 = arith.constant 0 : i32
        %dma_wait3A_88 = tpu.memref_slice %arg16[%dma_wait3A_86, %dma_wait3A_87] : memref<10240x128xf32, #tpu.memory_space<vmem_shared>> -> memref<10240x128xf32, #tpu.memory_space<vmem_shared>>
        tpu.wait_indirect_dma semaphore(%arg15 : memref<!tpu.dma_semaphore, #tpu.memory_space<semaphore_mem>>) src(%arg9 : memref<80x128xf32, #tpu.memory_space<vmem>>) dst(%dma_wait3A_88 : memref<10240x128xf32, #tpu.memory_space<vmem_shared>>)
      } else {
      }
      %mul3A_48 = arith.constant 80 : i32
      %mul3A_49 = arith.muli %add3A_45, %mul3A_48 : i32
      %add3A_50 = arith.addi %mul3A_4, %mul3A_49 : i32
      %dma_start3A_51 = tpu.memref_slice %arg3[%add3A_50] : memref<160000xi32, #tpu.memory_space<hbm>> -> memref<80xi32, #tpu.memory_space<hbm>>
      %dma_start3A_52 = tpu.memref_slice %arg3[%add3A_50] : memref<160000xi32, #tpu.memory_space<hbm>> -> memref<80xi32, #tpu.memory_space<hbm>>
      tpu.enqueue_dma source(%dma_start3A_52 : memref<80xi32, #tpu.memory_space<hbm>>) target(%arg7 : memref<80xi32, #tpu.memory_space<vmem>>) target_semaphore(%arg11 : memref<!tpu.dma_semaphore, #tpu.memory_space<semaphore_mem>>)
      %mul3A_53 = arith.constant 128 : i32
      %mul3A_54 = arith.muli %arg0, %mul3A_53 : i32
      %dma_start3A_55 = tpu.memref_slice %arg2[%add3A_50, %mul3A_54] : memref<160000x256xf32, #tpu.memory_space<hbm>> -> memref<80x128xf32, #tpu.memory_space<hbm>>
      %dma_start3A_56 = tpu.memref_slice %arg2[%add3A_50, %mul3A_54] : memref<160000x256xf32, #tpu.memory_space<hbm>> -> memref<80x128xf32, #tpu.memory_space<hbm>>
      tpu.enqueue_dma source(%dma_start3A_56 : memref<80x128xf32, #tpu.memory_space<hbm>>) target(%arg9 : memref<80x128xf32, #tpu.memory_space<vmem>>) target_semaphore(%arg13 : memref<!tpu.dma_semaphore, #tpu.memory_space<semaphore_mem>>)
      %ge3A_57 = arith.constant 1 : i32
      %ge3A_58 = arith.cmpi sge, %add3A_45, %ge3A_57 : i32
      %convert_element_type3A_59 = arith.extui %ge3A_58 : i1 to i32
      %cond3A_60 = arith.constant 0 : i32
      %cond3A_61 = arith.cmpi ne, %convert_element_type3A_59, %cond3A_60 : i32
      scf.if %cond3A_61 {
        %dma_wait3A_86 = arith.constant 0 : i32
        %dma_wait3A_87 = tpu.memref_slice %arg3[%dma_wait3A_86] : memref<160000xi32, #tpu.memory_space<hbm>> -> memref<80xi32, #tpu.memory_space<hbm>>
        %dma_wait3A_88 = arith.constant 0 : i32
        %dma_wait3A_89 = tpu.memref_slice %arg3[%dma_wait3A_88] : memref<160000xi32, #tpu.memory_space<hbm>> -> memref<80xi32, #tpu.memory_space<hbm>>
        tpu.wait_dma2 semaphore(%arg10 : memref<!tpu.dma_semaphore, #tpu.memory_space<semaphore_mem>>) src(%dma_wait3A_89 : memref<80xi32, #tpu.memory_space<hbm>>) dst(%arg6 : memref<80xi32, #tpu.memory_space<vmem>>)
        %dma_wait3A_90 = arith.constant 0 : i32
        %dma_wait3A_91 = arith.constant 0 : i32
        %dma_wait3A_92 = tpu.memref_slice %arg2[%dma_wait3A_90, %dma_wait3A_91] : memref<160000x256xf32, #tpu.memory_space<hbm>> -> memref<80x128xf32, #tpu.memory_space<hbm>>
        %dma_wait3A_93 = arith.constant 0 : i32
        %dma_wait3A_94 = arith.constant 0 : i32
        %dma_wait3A_95 = tpu.memref_slice %arg2[%dma_wait3A_93, %dma_wait3A_94] : memref<160000x256xf32, #tpu.memory_space<hbm>> -> memref<80x128xf32, #tpu.memory_space<hbm>>
        tpu.wait_dma2 semaphore(%arg12 : memref<!tpu.dma_semaphore, #tpu.memory_space<semaphore_mem>>) src(%dma_wait3A_95 : memref<80x128xf32, #tpu.memory_space<hbm>>) dst(%arg8 : memref<80x128xf32, #tpu.memory_space<vmem>>)
        %sub3A = arith.constant 1 : i32
        %sub3A_96 = arith.subi %add3A_45, %sub3A : i32
        %dma_start3A_97 = arith.constant 0 : i32
        %dma_start3A_98 = arith.constant 0 : i32
        %dma_start3A_99 = tpu.memref_slice %arg16[%dma_start3A_97, %dma_start3A_98] : memref<10240x128xf32, #tpu.memory_space<vmem_shared>> -> memref<10240x128xf32, #tpu.memory_space<vmem_shared>>
        tpu.enqueue_indirect_dma source(%arg8 : memref<80x128xf32, #tpu.memory_space<vmem>>) target(%dma_start3A_99 : memref<10240x128xf32, #tpu.memory_space<vmem_shared>>) offsets(%arg6 : memref<80xi32, #tpu.memory_space<vmem>>) semaphore(%arg14 : memref<!tpu.dma_semaphore, #tpu.memory_space<semaphore_mem>>) {add = true}
      } else {
      }
      %mul3A_62 = arith.constant 2 : i32
      %mul3A_63 = arith.muli %mul3A_62, %scan3A_40 : i32
      %add3A_64 = arith.constant 2 : i32
      %add3A_65 = arith.addi %add3A_64, %mul3A_63 : i32
      %ge3A_66 = arith.constant 2 : i32
      %ge3A_67 = arith.cmpi sge, %add3A_65, %ge3A_66 : i32
      %convert_element_type3A_68 = arith.extui %ge3A_67 : i1 to i32
      %cond3A_69 = arith.constant 0 : i32
      %cond3A_70 = arith.cmpi ne, %convert_element_type3A_68, %cond3A_69 : i32
      scf.if %cond3A_70 {
        %dma_wait3A_86 = arith.constant 0 : i32
        %dma_wait3A_87 = arith.constant 0 : i32
        %dma_wait3A_88 = tpu.memref_slice %arg16[%dma_wait3A_86, %dma_wait3A_87] : memref<10240x128xf32, #tpu.memory_space<vmem_shared>> -> memref<10240x128xf32, #tpu.memory_space<vmem_shared>>
        tpu.wait_indirect_dma semaphore(%arg14 : memref<!tpu.dma_semaphore, #tpu.memory_space<semaphore_mem>>) src(%arg8 : memref<80x128xf32, #tpu.memory_space<vmem>>) dst(%dma_wait3A_88 : memref<10240x128xf32, #tpu.memory_space<vmem_shared>>)
      } else {
      }
      %mul3A_71 = arith.constant 80 : i32
      %mul3A_72 = arith.muli %add3A_65, %mul3A_71 : i32
      %add3A_73 = arith.addi %mul3A_4, %mul3A_72 : i32
      %dma_start3A_74 = tpu.memref_slice %arg3[%add3A_73] : memref<160000xi32, #tpu.memory_space<hbm>> -> memref<80xi32, #tpu.memory_space<hbm>>
      %dma_start3A_75 = tpu.memref_slice %arg3[%add3A_73] : memref<160000xi32, #tpu.memory_space<hbm>> -> memref<80xi32, #tpu.memory_space<hbm>>
      tpu.enqueue_dma source(%dma_start3A_75 : memref<80xi32, #tpu.memory_space<hbm>>) target(%arg6 : memref<80xi32, #tpu.memory_space<vmem>>) target_semaphore(%arg10 : memref<!tpu.dma_semaphore, #tpu.memory_space<semaphore_mem>>)
      %mul3A_76 = arith.constant 128 : i32
      %mul3A_77 = arith.muli %arg0, %mul3A_76 : i32
      %dma_start3A_78 = tpu.memref_slice %arg2[%add3A_73, %mul3A_77] : memref<160000x256xf32, #tpu.memory_space<hbm>> -> memref<80x128xf32, #tpu.memory_space<hbm>>
      %dma_start3A_79 = tpu.memref_slice %arg2[%add3A_73, %mul3A_77] : memref<160000x256xf32, #tpu.memory_space<hbm>> -> memref<80x128xf32, #tpu.memory_space<hbm>>
      tpu.enqueue_dma source(%dma_start3A_79 : memref<80x128xf32, #tpu.memory_space<hbm>>) target(%arg8 : memref<80x128xf32, #tpu.memory_space<vmem>>) target_semaphore(%arg12 : memref<!tpu.dma_semaphore, #tpu.memory_space<semaphore_mem>>)
      %ge3A_80 = arith.constant 1 : i32
      %ge3A_81 = arith.cmpi sge, %add3A_65, %ge3A_80 : i32
      %convert_element_type3A_82 = arith.extui %ge3A_81 : i1 to i32
      %cond3A_83 = arith.constant 0 : i32
      %cond3A_84 = arith.cmpi ne, %convert_element_type3A_82, %cond3A_83 : i32
      scf.if %cond3A_84 {
        %dma_wait3A_86 = arith.constant 0 : i32
        %dma_wait3A_87 = tpu.memref_slice %arg3[%dma_wait3A_86] : memref<160000xi32, #tpu.memory_space<hbm>> -> memref<80xi32, #tpu.memory_space<hbm>>
        %dma_wait3A_88 = arith.constant 0 : i32
        %dma_wait3A_89 = tpu.memref_slice %arg3[%dma_wait3A_88] : memref<160000xi32, #tpu.memory_space<hbm>> -> memref<80xi32, #tpu.memory_space<hbm>>
        tpu.wait_dma2 semaphore(%arg11 : memref<!tpu.dma_semaphore, #tpu.memory_space<semaphore_mem>>) src(%dma_wait3A_89 : memref<80xi32, #tpu.memory_space<hbm>>) dst(%arg7 : memref<80xi32, #tpu.memory_space<vmem>>)
        %dma_wait3A_90 = arith.constant 0 : i32
        %dma_wait3A_91 = arith.constant 0 : i32
        %dma_wait3A_92 = tpu.memref_slice %arg2[%dma_wait3A_90, %dma_wait3A_91] : memref<160000x256xf32, #tpu.memory_space<hbm>> -> memref<80x128xf32, #tpu.memory_space<hbm>>
        %dma_wait3A_93 = arith.constant 0 : i32
        %dma_wait3A_94 = arith.constant 0 : i32
        %dma_wait3A_95 = tpu.memref_slice %arg2[%dma_wait3A_93, %dma_wait3A_94] : memref<160000x256xf32, #tpu.memory_space<hbm>> -> memref<80x128xf32, #tpu.memory_space<hbm>>
        tpu.wait_dma2 semaphore(%arg13 : memref<!tpu.dma_semaphore, #tpu.memory_space<semaphore_mem>>) src(%dma_wait3A_95 : memref<80x128xf32, #tpu.memory_space<hbm>>) dst(%arg9 : memref<80x128xf32, #tpu.memory_space<vmem>>)
        %sub3A = arith.constant 1 : i32
        %sub3A_96 = arith.subi %add3A_65, %sub3A : i32
        %dma_start3A_97 = arith.constant 0 : i32
        %dma_start3A_98 = arith.constant 0 : i32
        %dma_start3A_99 = tpu.memref_slice %arg16[%dma_start3A_97, %dma_start3A_98] : memref<10240x128xf32, #tpu.memory_space<vmem_shared>> -> memref<10240x128xf32, #tpu.memory_space<vmem_shared>>
        tpu.enqueue_indirect_dma source(%arg9 : memref<80x128xf32, #tpu.memory_space<vmem>>) target(%dma_start3A_99 : memref<10240x128xf32, #tpu.memory_space<vmem_shared>>) offsets(%arg7 : memref<80xi32, #tpu.memory_space<vmem>>) semaphore(%arg15 : memref<!tpu.dma_semaphore, #tpu.memory_space<semaphore_mem>>) {add = true}
      } else {
      }
      %scan3A_85 = arith.constant 0 : i32
      scf.yield %scan3A_85 : i32
    }
    %scan3A_16 = arith.constant 62 : i32
    %dma_wait3A = arith.constant 0 : i32
    %dma_wait3A_17 = tpu.memref_slice %arg3[%dma_wait3A] : memref<160000xi32, #tpu.memory_space<hbm>> -> memref<80xi32, #tpu.memory_space<hbm>>
    %dma_wait3A_18 = arith.constant 0 : i32
    %dma_wait3A_19 = tpu.memref_slice %arg3[%dma_wait3A_18] : memref<160000xi32, #tpu.memory_space<hbm>> -> memref<80xi32, #tpu.memory_space<hbm>>
    tpu.wait_dma2 semaphore(%arg10 : memref<!tpu.dma_semaphore, #tpu.memory_space<semaphore_mem>>) src(%dma_wait3A_19 : memref<80xi32, #tpu.memory_space<hbm>>) dst(%arg6 : memref<80xi32, #tpu.memory_space<vmem>>)
    %dma_wait3A_20 = arith.constant 0 : i32
    %dma_wait3A_21 = arith.constant 0 : i32
    %dma_wait3A_22 = tpu.memref_slice %arg2[%dma_wait3A_20, %dma_wait3A_21] : memref<160000x256xf32, #tpu.memory_space<hbm>> -> memref<80x128xf32, #tpu.memory_space<hbm>>
    %dma_wait3A_23 = arith.constant 0 : i32
    %dma_wait3A_24 = arith.constant 0 : i32
    %dma_wait3A_25 = tpu.memref_slice %arg2[%dma_wait3A_23, %dma_wait3A_24] : memref<160000x256xf32, #tpu.memory_space<hbm>> -> memref<80x128xf32, #tpu.memory_space<hbm>>
    tpu.wait_dma2 semaphore(%arg12 : memref<!tpu.dma_semaphore, #tpu.memory_space<semaphore_mem>>) src(%dma_wait3A_25 : memref<80x128xf32, #tpu.memory_space<hbm>>) dst(%arg8 : memref<80x128xf32, #tpu.memory_space<vmem>>)
    %dma_start3A_26 = arith.constant 0 : i32
    %dma_start3A_27 = arith.constant 0 : i32
    %dma_start3A_28 = tpu.memref_slice %arg16[%dma_start3A_26, %dma_start3A_27] : memref<10240x128xf32, #tpu.memory_space<vmem_shared>> -> memref<10240x128xf32, #tpu.memory_space<vmem_shared>>
    tpu.enqueue_indirect_dma source(%arg8 : memref<80x128xf32, #tpu.memory_space<vmem>>) target(%dma_start3A_28 : memref<10240x128xf32, #tpu.memory_space<vmem_shared>>) offsets(%arg6 : memref<80xi32, #tpu.memory_space<vmem>>) semaphore(%arg14 : memref<!tpu.dma_semaphore, #tpu.memory_space<semaphore_mem>>) {add = true}
    %dma_wait3A_29 = arith.constant 0 : i32
    %dma_wait3A_30 = arith.constant 0 : i32
    %dma_wait3A_31 = tpu.memref_slice %arg16[%dma_wait3A_29, %dma_wait3A_30] : memref<10240x128xf32, #tpu.memory_space<vmem_shared>> -> memref<10240x128xf32, #tpu.memory_space<vmem_shared>>
    tpu.wait_indirect_dma semaphore(%arg15 : memref<!tpu.dma_semaphore, #tpu.memory_space<semaphore_mem>>) src(%arg9 : memref<80x128xf32, #tpu.memory_space<vmem>>) dst(%dma_wait3A_31 : memref<10240x128xf32, #tpu.memory_space<vmem_shared>>)
    %dma_wait3A_32 = arith.constant 0 : i32
    %dma_wait3A_33 = arith.constant 0 : i32
    %dma_wait3A_34 = tpu.memref_slice %arg16[%dma_wait3A_32, %dma_wait3A_33] : memref<10240x128xf32, #tpu.memory_space<vmem_shared>> -> memref<10240x128xf32, #tpu.memory_space<vmem_shared>>
    tpu.wait_indirect_dma semaphore(%arg14 : memref<!tpu.dma_semaphore, #tpu.memory_space<semaphore_mem>>) src(%arg8 : memref<80x128xf32, #tpu.memory_space<vmem>>) dst(%dma_wait3A_34 : memref<10240x128xf32, #tpu.memory_space<vmem_shared>>)
    %barrier3A_35 = arith.constant 0 : index
    tpu.barrier barrier_id(%barrier3A_35)
    %mul3A_36 = arith.constant 640 : i32
    %mul3A_37 = arith.muli %arg1, %mul3A_36 : i32
    %mul3A_38 = arith.constant 640 : i32
    %mul3A_39 = arith.muli %arg1, %mul3A_38 : i32
    "tpu.region"() ({
      %run_scoped3A = tpu.sem_alloc : memref<!tpu.dma_semaphore, #tpu.memory_space<semaphore_mem>>
      %dma_start3A_40 = arith.constant 0 : i32
      %dma_start3A_41 = tpu.memref_slice %arg5[%arg0, %mul3A_39, %dma_start3A_40] : memref<2x10240x128xf32, #tpu.memory_space<hbm>> -> memref<1x640x128xf32, #tpu.memory_space<hbm>>
      %dma_start3A_42 = tpu.memref_squeeze %dma_start3A_41 : memref<1x640x128xf32, #tpu.memory_space<hbm>> -> memref<640x128xf32, #tpu.memory_space<hbm>>
      %dma_start3A_43 = arith.constant 0 : i32
      %dma_start3A_44 = tpu.memref_slice %arg16[%mul3A_37, %dma_start3A_43] : memref<10240x128xf32, #tpu.memory_space<vmem_shared>> -> memref<640x128xf32, #tpu.memory_space<vmem_shared>>
      tpu.enqueue_dma source(%dma_start3A_44 : memref<640x128xf32, #tpu.memory_space<vmem_shared>>) target(%dma_start3A_42 : memref<640x128xf32, #tpu.memory_space<hbm>>) target_semaphore(%run_scoped3A : memref<!tpu.dma_semaphore, #tpu.memory_space<semaphore_mem>>)
      %dma_wait3A_45 = arith.constant 0 : i32
      %dma_wait3A_46 = tpu.memref_slice %arg5[%arg0, %mul3A_39, %dma_wait3A_45] : memref<2x10240x128xf32, #tpu.memory_space<hbm>> -> memref<1x640x128xf32, #tpu.memory_space<hbm>>
      %dma_wait3A_47 = tpu.memref_squeeze %dma_wait3A_46 : memref<1x640x128xf32, #tpu.memory_space<hbm>> -> memref<640x128xf32, #tpu.memory_space<hbm>>
      %dma_wait3A_48 = arith.constant 0 : i32
      %dma_wait3A_49 = tpu.memref_slice %arg16[%mul3A_37, %dma_wait3A_48] : memref<10240x128xf32, #tpu.memory_space<vmem_shared>> -> memref<640x128xf32, #tpu.memory_space<vmem_shared>>
      tpu.wait_dma2 semaphore(%run_scoped3A : memref<!tpu.dma_semaphore, #tpu.memory_space<semaphore_mem>>) src(%dma_wait3A_49 : memref<640x128xf32, #tpu.memory_space<vmem_shared>>) dst(%dma_wait3A_47 : memref<640x128xf32, #tpu.memory_space<hbm>>)
      tpu.yield
    }) : () -> ()
    return
  }
}

module attributes {stable_mosaic.version = 14 : i64} {
  func.func @_prep_body(%arg0: i32, %arg1: memref<2000x128xf32, #tpu.memory_space<vmem>>, %arg2: memref<128x128xf32, #tpu.memory_space<vmem>>, %arg3: memref<1x128xf32, #tpu.memory_space<vmem>>, %arg4: memref<128x128xf32, #tpu.memory_space<vmem>>, %arg5: memref<1x128xf32, #tpu.memory_space<vmem>>, %arg6: memref<128x128xf32, #tpu.memory_space<vmem>>, %arg7: memref<1x128xf32, #tpu.memory_space<vmem>>, %arg8: memref<128x128xf32, #tpu.memory_space<vmem>>, %arg9: memref<1x128xf32, #tpu.memory_space<vmem>>, %arg10: memref<128x128xf32, #tpu.memory_space<vmem>>, %arg11: memref<1x128xf32, #tpu.memory_space<vmem>>, %arg12: memref<16x128xf32, #tpu.memory_space<vmem>>, %arg13: memref<1x128xf32, #tpu.memory_space<vmem>>, %arg14: memref<128x128xf32, #tpu.memory_space<vmem>>, %arg15: memref<1x128xf32, #tpu.memory_space<vmem>>, %arg16: memref<2000x128xf32, #tpu.memory_space<vmem>>, %arg17: memref<2000x128xf32, #tpu.memory_space<vmem>>, %arg18: memref<2000x128xi32, #tpu.memory_space<vmem>>, %arg19: memref<2000x128xf32, #tpu.memory_space<vmem>>, %arg20: memref<16x128xf32, #tpu.memory_space<vmem>>, %arg21: memref<8x128xf32, #tpu.memory_space<vmem>>) attributes {dimension_semantics = [#tpu.dimension_semantics<arbitrary>], iteration_bounds = array<i64: 5>, scalar_prefetch = 0 : i64, scratch_operands = 0 : i64, tpu.core_type = #tpu.core_type<tc>, window_params = [{transform_indices = @transform_0, window_bounds = array<i64: 2000, 128>}, {pipeline_mode = #tpu.pipeline_mode<synchronous>, transform_indices = @transform_1, window_bounds = array<i64: 128, 128>}, {pipeline_mode = #tpu.pipeline_mode<synchronous>, transform_indices = @transform_2, window_bounds = array<i64: 1, 128>}, {pipeline_mode = #tpu.pipeline_mode<synchronous>, transform_indices = @transform_3, window_bounds = array<i64: 128, 128>}, {pipeline_mode = #tpu.pipeline_mode<synchronous>, transform_indices = @transform_4, window_bounds = array<i64: 1, 128>}, {pipeline_mode = #tpu.pipeline_mode<synchronous>, transform_indices = @transform_5, window_bounds = array<i64: 128, 128>}, {pipeline_mode = #tpu.pipeline_mode<synchronous>, transform_indices = @transform_6, window_bounds = array<i64: 1, 128>}, {pipeline_mode = #tpu.pipeline_mode<synchronous>, transform_indices = @transform_7, window_bounds = array<i64: 128, 128>}, {pipeline_mode = #tpu.pipeline_mode<synchronous>, transform_indices = @transform_8, window_bounds = array<i64: 1, 128>}, {pipeline_mode = #tpu.pipeline_mode<synchronous>, transform_indices = @transform_9, window_bounds = array<i64: 128, 128>}, {pipeline_mode = #tpu.pipeline_mode<synchronous>, transform_indices = @transform_10, window_bounds = array<i64: 1, 128>}, {pipeline_mode = #tpu.pipeline_mode<synchronous>, transform_indices = @transform_11, window_bounds = array<i64: 16, 128>}, {pipeline_mode = #tpu.pipeline_mode<synchronous>, transform_indices = @transform_12, window_bounds = array<i64: 1, 128>}, {pipeline_mode = #tpu.pipeline_mode<synchronous>, transform_indices = @transform_13, window_bounds = array<i64: 128, 128>}, {pipeline_mode = #tpu.pipeline_mode<synchronous>, transform_indices = @transform_14, window_bounds = array<i64: 1, 128>}, {transform_indices = @transform_15, window_bounds = array<i64: 2000, 128>}, {transform_indices = @transform_16, window_bounds = array<i64: 2000, 128>}, {transform_indices = @transform_17, window_bounds = array<i64: 2000, 128>}, {transform_indices = @transform_18, window_bounds = array<i64: 2000, 128>}, {pipeline_mode = #tpu.pipeline_mode<synchronous>, transform_indices = @transform_19, window_bounds = array<i64: 16, 128>}, {pipeline_mode = #tpu.pipeline_mode<synchronous>, transform_indices = @transform_20, window_bounds = array<i64: 8, 128>}]} {
    %get3A = arith.constant 0 : index
    %get3A_0 = arith.constant 0 : index
    %get3A_1 = vector.load %arg1[%get3A, %get3A_0] : memref<2000x128xf32, #tpu.memory_space<vmem>>, vector<2000x128xf32>
    %get3A_2 = arith.constant 0 : index
    %get3A_3 = arith.constant 0 : index
    %get3A_4 = vector.load %arg2[%get3A_2, %get3A_3] : memref<128x128xf32, #tpu.memory_space<vmem>>, vector<128x128xf32>
    %dot_general3A = arith.constant dense<0.000000e+00> : vector<2000x128xf32>
    %dot_general3A_5 = tpu.matmul %get3A_1, %get3A_4, %dot_general3A {dimension_numbers = #tpu.dot_dimension_numbers<[1], [0], [0], [1], [0, 0, 1, 1], [], []>, precision = #tpu.contract_precision<fp32>, transpose_lhs_hint = false} : vector<2000x128xf32>, vector<128x128xf32>, vector<2000x128xf32> -> vector<2000x128xf32>
    %get3A_6 = arith.constant 0 : index
    %get3A_7 = arith.constant 0 : index
    %get3A_8 = vector.load %arg3[%get3A_6, %get3A_7] : memref<1x128xf32, #tpu.memory_space<vmem>>, vector<1x128xf32>
    %add3A = vector.broadcast %get3A_8 : vector<1x128xf32> to vector<2000x128xf32>
    %add3A_9 = arith.addf %dot_general3A_5, %add3A : vector<2000x128xf32>
    %swap3A = arith.constant 0 : index
    %swap3A_10 = arith.constant 0 : index
    %swap3A_11 = vector.load %arg16[%swap3A, %swap3A_10] : memref<2000x128xf32, #tpu.memory_space<vmem>>, vector<2000x128xf32>
    tpu.vector_store %arg16[%swap3A, %swap3A_10], %add3A_9 {strides = array<i32>} : memref<2000x128xf32, #tpu.memory_space<vmem>>, vector<2000x128xf32>,
    %get3A_12 = arith.constant 0 : index
    %get3A_13 = arith.constant 0 : index
    %get3A_14 = vector.load %arg4[%get3A_12, %get3A_13] : memref<128x128xf32, #tpu.memory_space<vmem>>, vector<128x128xf32>
    %dot_general3A_15 = arith.constant dense<0.000000e+00> : vector<2000x128xf32>
    %dot_general3A_16 = tpu.matmul %add3A_9, %get3A_14, %dot_general3A_15 {dimension_numbers = #tpu.dot_dimension_numbers<[1], [0], [0], [1], [0, 0, 1, 1], [], []>, precision = #tpu.contract_precision<fp32>, transpose_lhs_hint = false} : vector<2000x128xf32>, vector<128x128xf32>, vector<2000x128xf32> -> vector<2000x128xf32>
    %get3A_17 = arith.constant 0 : index
    %get3A_18 = arith.constant 0 : index
    %get3A_19 = vector.load %arg5[%get3A_17, %get3A_18] : memref<1x128xf32, #tpu.memory_space<vmem>>, vector<1x128xf32>
    %add3A_20 = vector.broadcast %get3A_19 : vector<1x128xf32> to vector<2000x128xf32>
    %add3A_21 = arith.addf %dot_general3A_16, %add3A_20 : vector<2000x128xf32>
    %swap3A_22 = arith.constant 0 : index
    %swap3A_23 = arith.constant 0 : index
    %swap3A_24 = vector.load %arg17[%swap3A_22, %swap3A_23] : memref<2000x128xf32, #tpu.memory_space<vmem>>, vector<2000x128xf32>
    tpu.vector_store %arg17[%swap3A_22, %swap3A_23], %add3A_21 {strides = array<i32>} : memref<2000x128xf32, #tpu.memory_space<vmem>>, vector<2000x128xf32>,
    %get3A_25 = arith.constant 0 : index
    %get3A_26 = arith.constant 0 : index
    %get3A_27 = vector.load %arg8[%get3A_25, %get3A_26] : memref<128x128xf32, #tpu.memory_space<vmem>>, vector<128x128xf32>
    %dot_general3A_28 = arith.constant dense<0.000000e+00> : vector<2000x128xf32>
    %dot_general3A_29 = tpu.matmul %add3A_9, %get3A_27, %dot_general3A_28 {dimension_numbers = #tpu.dot_dimension_numbers<[1], [0], [0], [1], [0, 0, 1, 1], [], []>, precision = #tpu.contract_precision<fp32>, transpose_lhs_hint = false} : vector<2000x128xf32>, vector<128x128xf32>, vector<2000x128xf32> -> vector<2000x128xf32>
    %get3A_30 = arith.constant 0 : index
    %get3A_31 = arith.constant 0 : index
    %get3A_32 = vector.load %arg9[%get3A_30, %get3A_31] : memref<1x128xf32, #tpu.memory_space<vmem>>, vector<1x128xf32>
    %add3A_33 = vector.broadcast %get3A_32 : vector<1x128xf32> to vector<2000x128xf32>
    %add3A_34 = arith.addf %dot_general3A_29, %add3A_33 : vector<2000x128xf32>
    %get3A_35 = arith.constant 0 : index
    %get3A_36 = arith.constant 0 : index
    %get3A_37 = vector.load %arg6[%get3A_35, %get3A_36] : memref<128x128xf32, #tpu.memory_space<vmem>>, vector<128x128xf32>
    %dot_general3A_38 = arith.constant dense<0.000000e+00> : vector<2000x128xf32>
    %dot_general3A_39 = tpu.matmul %add3A_9, %get3A_37, %dot_general3A_38 {dimension_numbers = #tpu.dot_dimension_numbers<[1], [0], [0], [1], [0, 0, 1, 1], [], []>, precision = #tpu.contract_precision<fp32>, transpose_lhs_hint = false} : vector<2000x128xf32>, vector<128x128xf32>, vector<2000x128xf32> -> vector<2000x128xf32>
    %get3A_40 = arith.constant 0 : index
    %get3A_41 = arith.constant 0 : index
    %get3A_42 = vector.load %arg7[%get3A_40, %get3A_41] : memref<1x128xf32, #tpu.memory_space<vmem>>, vector<1x128xf32>
    %add3A_43 = vector.broadcast %get3A_42 : vector<1x128xf32> to vector<2000x128xf32>
    %add3A_44 = arith.addf %dot_general3A_39, %add3A_43 : vector<2000x128xf32>
    %bitcast3A = tpu.bitcast %add3A_34 : vector<2000x128xf32> -> vector<2000x128xi32>
    %add3A_45 = arith.constant 32767 : i32
    %add3A_46 = vector.broadcast %add3A_45 : i32 to vector<2000x128xi32>
    %add3A_47 = arith.addi %bitcast3A, %add3A_46 : vector<2000x128xi32>
    %shift_right_logical3A = arith.constant 16 : i32
    %shift_right_logical3A_48 = vector.broadcast %shift_right_logical3A : i32 to vector<2000x128xi32>
    %shift_right_logical3A_49 = arith.shrui %bitcast3A, %shift_right_logical3A_48 : vector<2000x128xi32>
    %and3A = arith.constant 1 : i32
    %and3A_50 = vector.broadcast %and3A : i32 to vector<2000x128xi32>
    %and3A_51 = arith.andi %shift_right_logical3A_49, %and3A_50 : vector<2000x128xi32>
    %add3A_52 = arith.addi %add3A_47, %and3A_51 : vector<2000x128xi32>
    %shift_right_logical3A_53 = arith.constant 16 : i32
    %shift_right_logical3A_54 = vector.broadcast %shift_right_logical3A_53 : i32 to vector<2000x128xi32>
    %shift_right_logical3A_55 = arith.shrui %add3A_52, %shift_right_logical3A_54 : vector<2000x128xi32>
    %bitcast3A_56 = tpu.bitcast %add3A_44 : vector<2000x128xf32> -> vector<2000x128xi32>
    %add3A_57 = arith.constant 32767 : i32
    %add3A_58 = vector.broadcast %add3A_57 : i32 to vector<2000x128xi32>
    %add3A_59 = arith.addi %bitcast3A_56, %add3A_58 : vector<2000x128xi32>
    %shift_right_logical3A_60 = arith.constant 16 : i32
    %shift_right_logical3A_61 = vector.broadcast %shift_right_logical3A_60 : i32 to vector<2000x128xi32>
    %shift_right_logical3A_62 = arith.shrui %bitcast3A_56, %shift_right_logical3A_61 : vector<2000x128xi32>
    %and3A_63 = arith.constant 1 : i32
    %and3A_64 = vector.broadcast %and3A_63 : i32 to vector<2000x128xi32>
    %and3A_65 = arith.andi %shift_right_logical3A_62, %and3A_64 : vector<2000x128xi32>
    %add3A_66 = arith.addi %add3A_59, %and3A_65 : vector<2000x128xi32>
    %shift_right_logical3A_67 = arith.constant 16 : i32
    %shift_right_logical3A_68 = vector.broadcast %shift_right_logical3A_67 : i32 to vector<2000x128xi32>
    %shift_right_logical3A_69 = arith.shrui %add3A_66, %shift_right_logical3A_68 : vector<2000x128xi32>
    %shift_left3A = arith.constant 16 : i32
    %shift_left3A_70 = vector.broadcast %shift_left3A : i32 to vector<2000x128xi32>
    %shift_left3A_71 = arith.shli %shift_right_logical3A_69, %shift_left3A_70 : vector<2000x128xi32>
    %or3A = arith.ori %shift_right_logical3A_55, %shift_left3A_71 : vector<2000x128xi32>
    %swap3A_72 = arith.constant 0 : index
    %swap3A_73 = arith.constant 0 : index
    %swap3A_74 = vector.load %arg18[%swap3A_72, %swap3A_73] : memref<2000x128xi32, #tpu.memory_space<vmem>>, vector<2000x128xi32>
    tpu.vector_store %arg18[%swap3A_72, %swap3A_73], %or3A {strides = array<i32>} : memref<2000x128xi32, #tpu.memory_space<vmem>>, vector<2000x128xi32>,
    %get3A_75 = arith.constant 0 : index
    %get3A_76 = arith.constant 0 : index
    %get3A_77 = vector.load %arg10[%get3A_75, %get3A_76] : memref<128x128xf32, #tpu.memory_space<vmem>>, vector<128x128xf32>
    %dot_general3A_78 = arith.constant dense<0.000000e+00> : vector<2000x128xf32>
    %dot_general3A_79 = tpu.matmul %add3A_9, %get3A_77, %dot_general3A_78 {dimension_numbers = #tpu.dot_dimension_numbers<[1], [0], [0], [1], [0, 0, 1, 1], [], []>, precision = #tpu.contract_precision<fp32>, transpose_lhs_hint = false} : vector<2000x128xf32>, vector<128x128xf32>, vector<2000x128xf32> -> vector<2000x128xf32>
    %get3A_80 = arith.constant 0 : index
    %get3A_81 = arith.constant 0 : index
    %get3A_82 = vector.load %arg11[%get3A_80, %get3A_81] : memref<1x128xf32, #tpu.memory_space<vmem>>, vector<1x128xf32>
    %add3A_83 = vector.broadcast %get3A_82 : vector<1x128xf32> to vector<2000x128xf32>
    %add3A_84 = arith.addf %dot_general3A_79, %add3A_83 : vector<2000x128xf32>
    %swap3A_85 = arith.constant 0 : index
    %swap3A_86 = arith.constant 0 : index
    %swap3A_87 = vector.load %arg19[%swap3A_85, %swap3A_86] : memref<2000x128xf32, #tpu.memory_space<vmem>>, vector<2000x128xf32>
    tpu.vector_store %arg19[%swap3A_85, %swap3A_86], %add3A_84 {strides = array<i32>} : memref<2000x128xf32, #tpu.memory_space<vmem>>, vector<2000x128xf32>,
    %get3A_88 = arith.constant 0 : index
    %get3A_89 = arith.constant 0 : index
    %get3A_90 = vector.load %arg12[%get3A_88, %get3A_89] : memref<16x128xf32, #tpu.memory_space<vmem>>, vector<16x128xf32>
    %get3A_91 = arith.constant 0 : index
    %get3A_92 = arith.constant 0 : index
    %get3A_93 = vector.load %arg14[%get3A_91, %get3A_92] : memref<128x128xf32, #tpu.memory_space<vmem>>, vector<128x128xf32>
    %dot_general3A_94 = arith.constant dense<0.000000e+00> : vector<16x128xf32>
    %dot_general3A_95 = tpu.matmul %get3A_90, %get3A_93, %dot_general3A_94 {dimension_numbers = #tpu.dot_dimension_numbers<[1], [0], [0], [1], [0, 0, 1, 1], [], []>, precision = #tpu.contract_precision<fp32>, transpose_lhs_hint = false} : vector<16x128xf32>, vector<128x128xf32>, vector<16x128xf32> -> vector<16x128xf32>
    %swap3A_96 = arith.constant 0 : index
    %swap3A_97 = arith.constant 0 : index
    %swap3A_98 = vector.load %arg20[%swap3A_96, %swap3A_97] : memref<16x128xf32, #tpu.memory_space<vmem>>, vector<16x128xf32>
    tpu.vector_store %arg20[%swap3A_96, %swap3A_97], %dot_general3A_95 {strides = array<i32>} : memref<16x128xf32, #tpu.memory_space<vmem>>, vector<16x128xf32>,
    %get3A_99 = arith.constant 0 : index
    %get3A_100 = arith.constant 0 : index
    %get3A_101 = vector.load %arg13[%get3A_99, %get3A_100] : memref<1x128xf32, #tpu.memory_space<vmem>>, vector<1x128xf32>
    %get3A_102 = arith.constant 0 : index
    %get3A_103 = arith.constant 0 : index
    %get3A_104 = vector.load %arg14[%get3A_102, %get3A_103] : memref<128x128xf32, #tpu.memory_space<vmem>>, vector<128x128xf32>
    %dot_general3A_105 = arith.constant dense<0.000000e+00> : vector<1x128xf32>
    %dot_general3A_106 = tpu.matmul %get3A_101, %get3A_104, %dot_general3A_105 {dimension_numbers = #tpu.dot_dimension_numbers<[1], [0], [0], [1], [0, 0, 1, 1], [], []>, precision = #tpu.contract_precision<fp32>, transpose_lhs_hint = false} : vector<1x128xf32>, vector<128x128xf32>, vector<1x128xf32> -> vector<1x128xf32>
    %get3A_107 = arith.constant 0 : index
    %get3A_108 = arith.constant 0 : index
    %get3A_109 = vector.load %arg15[%get3A_107, %get3A_108] : memref<1x128xf32, #tpu.memory_space<vmem>>, vector<1x128xf32>
    %add3A_110 = arith.addf %dot_general3A_106, %get3A_109 : vector<1x128xf32>
    %broadcast_in_dim3A = vector.shape_cast %add3A_110 : vector<1x128xf32> to vector<1x128xf32>
    %broadcast_in_dim3A_111 = vector.broadcast %broadcast_in_dim3A : vector<1x128xf32> to vector<8x128xf32>
    %swap3A_112 = arith.constant 0 : index
    %swap3A_113 = arith.constant 0 : index
    %swap3A_114 = vector.load %arg21[%swap3A_112, %swap3A_113] : memref<8x128xf32, #tpu.memory_space<vmem>>, vector<8x128xf32>
    tpu.vector_store %arg21[%swap3A_112, %swap3A_113], %broadcast_in_dim3A_111 {strides = array<i32>} : memref<8x128xf32, #tpu.memory_space<vmem>>, vector<8x128xf32>,
    return
  }
  func.func @transform_0(%arg0: i32) -> (i32, i32) {
    %c0_i32 = arith.constant 0 : i32
    %c0_i32_0 = arith.constant 0 : i32
    return %arg0, %c0_i32 : i32, i32
  }
  func.func @transform_1(%arg0: i32) -> (i32, i32) {
    %c0_i32 = arith.constant 0 : i32
    %c0_i32_0 = arith.constant 0 : i32
    %c0_i32_1 = arith.constant 0 : i32
    return %c0_i32, %c0_i32_0 : i32, i32
  }
  func.func @transform_2(%arg0: i32) -> (i32, i32) {
    %c0_i32 = arith.constant 0 : i32
    %c0_i32_0 = arith.constant 0 : i32
    %c0_i32_1 = arith.constant 0 : i32
    return %c0_i32, %c0_i32_0 : i32, i32
  }
  func.func @transform_3(%arg0: i32) -> (i32, i32) {
    %c0_i32 = arith.constant 0 : i32
    %c0_i32_0 = arith.constant 0 : i32
    %c0_i32_1 = arith.constant 0 : i32
    return %c0_i32, %c0_i32_0 : i32, i32
  }
  func.func @transform_4(%arg0: i32) -> (i32, i32) {
    %c0_i32 = arith.constant 0 : i32
    %c0_i32_0 = arith.constant 0 : i32
    %c0_i32_1 = arith.constant 0 : i32
    return %c0_i32, %c0_i32_0 : i32, i32
  }
  func.func @transform_5(%arg0: i32) -> (i32, i32) {
    %c0_i32 = arith.constant 0 : i32
    %c0_i32_0 = arith.constant 0 : i32
    %c0_i32_1 = arith.constant 0 : i32
    return %c0_i32, %c0_i32_0 : i32, i32
  }
  func.func @transform_6(%arg0: i32) -> (i32, i32) {
    %c0_i32 = arith.constant 0 : i32
    %c0_i32_0 = arith.constant 0 : i32
    %c0_i32_1 = arith.constant 0 : i32
    return %c0_i32, %c0_i32_0 : i32, i32
  }
  func.func @transform_7(%arg0: i32) -> (i32, i32) {
    %c0_i32 = arith.constant 0 : i32
    %c0_i32_0 = arith.constant 0 : i32
    %c0_i32_1 = arith.constant 0 : i32
    return %c0_i32, %c0_i32_0 : i32, i32
  }
  func.func @transform_8(%arg0: i32) -> (i32, i32) {
    %c0_i32 = arith.constant 0 : i32
    %c0_i32_0 = arith.constant 0 : i32
    %c0_i32_1 = arith.constant 0 : i32
    return %c0_i32, %c0_i32_0 : i32, i32
  }
  func.func @transform_9(%arg0: i32) -> (i32, i32) {
    %c0_i32 = arith.constant 0 : i32
    %c0_i32_0 = arith.constant 0 : i32
    %c0_i32_1 = arith.constant 0 : i32
    return %c0_i32, %c0_i32_0 : i32, i32
  }
  func.func @transform_10(%arg0: i32) -> (i32, i32) {
    %c0_i32 = arith.constant 0 : i32
    %c0_i32_0 = arith.constant 0 : i32
    %c0_i32_1 = arith.constant 0 : i32
    return %c0_i32, %c0_i32_0 : i32, i32
  }
  func.func @transform_11(%arg0: i32) -> (i32, i32) {
    %c0_i32 = arith.constant 0 : i32
    %c0_i32_0 = arith.constant 0 : i32
    %c0_i32_1 = arith.constant 0 : i32
    return %c0_i32, %c0_i32_0 : i32, i32
  }
  func.func @transform_12(%arg0: i32) -> (i32, i32) {
    %c0_i32 = arith.constant 0 : i32
    %c0_i32_0 = arith.constant 0 : i32
    %c0_i32_1 = arith.constant 0 : i32
    return %c0_i32, %c0_i32_0 : i32, i32
  }
  func.func @transform_13(%arg0: i32) -> (i32, i32) {
    %c0_i32 = arith.constant 0 : i32
    %c0_i32_0 = arith.constant 0 : i32
    %c0_i32_1 = arith.constant 0 : i32
    return %c0_i32, %c0_i32_0 : i32, i32
  }
  func.func @transform_14(%arg0: i32) -> (i32, i32) {
    %c0_i32 = arith.constant 0 : i32
    %c0_i32_0 = arith.constant 0 : i32
    %c0_i32_1 = arith.constant 0 : i32
    return %c0_i32, %c0_i32_0 : i32, i32
  }
  func.func @transform_15(%arg0: i32) -> (i32, i32) {
    %c0_i32 = arith.constant 0 : i32
    %c0_i32_0 = arith.constant 0 : i32
    return %arg0, %c0_i32 : i32, i32
  }
  func.func @transform_16(%arg0: i32) -> (i32, i32) {
    %c0_i32 = arith.constant 0 : i32
    %c0_i32_0 = arith.constant 0 : i32
    return %arg0, %c0_i32 : i32, i32
  }
  func.func @transform_17(%arg0: i32) -> (i32, i32) {
    %c0_i32 = arith.constant 0 : i32
    %c0_i32_0 = arith.constant 0 : i32
    return %arg0, %c0_i32 : i32, i32
  }
  func.func @transform_18(%arg0: i32) -> (i32, i32) {
    %c0_i32 = arith.constant 0 : i32
    %c0_i32_0 = arith.constant 0 : i32
    return %arg0, %c0_i32 : i32, i32
  }
  func.func @transform_19(%arg0: i32) -> (i32, i32) {
    %c0_i32 = arith.constant 0 : i32
    %c0_i32_0 = arith.constant 0 : i32
    %c0_i32_1 = arith.constant 0 : i32
    return %c0_i32, %c0_i32_0 : i32, i32
  }
  func.func @transform_20(%arg0: i32) -> (i32, i32) {
    %c0_i32 = arith.constant 0 : i32
    %c0_i32_0 = arith.constant 0 : i32
    %c0_i32_1 = arith.constant 0 : i32
    return %c0_i32, %c0_i32_0 : i32, i32
  }
}

module attributes {stable_mosaic.version = 14 : i64} {
  func.func @_edge1_body(%arg0: i32, %arg1: memref<2000x16xf32, #tpu.memory_space<vmem>>, %arg2: memref<2000x128xi32, #tpu.memory_space<vmem>>, %arg3: memref<2000x128xf32, #tpu.memory_space<vmem>>, %arg4: memref<16x128xf32, #tpu.memory_space<vmem>>, %arg5: memref<8x128xf32, #tpu.memory_space<vmem>>, %arg6: memref<2000x128xf32, #tpu.memory_space<vmem>>, %arg7: memref<2000x256xf32, #tpu.memory_space<vmem>>, %arg8: memref<8x128xf32, #tpu.memory_space<vmem>>, %arg9: memref<8x128xf32, #tpu.memory_space<vmem>>) attributes {dimension_semantics = [#tpu.dimension_semantics<arbitrary>], iteration_bounds = array<i64: 80>, scalar_prefetch = 0 : i64, scratch_operands = 1 : i64, tpu.core_type = #tpu.core_type<tc>, window_params = [{transform_indices = @transform_0, window_bounds = array<i64: 2000, 16>}, {transform_indices = @transform_1, window_bounds = array<i64: 2000, 128>}, {transform_indices = @transform_2, window_bounds = array<i64: 2000, 128>}, {pipeline_mode = #tpu.pipeline_mode<synchronous>, transform_indices = @transform_3, window_bounds = array<i64: 16, 128>}, {pipeline_mode = #tpu.pipeline_mode<synchronous>, transform_indices = @transform_4, window_bounds = array<i64: 8, 128>}, {transform_indices = @transform_5, window_bounds = array<i64: 2000, 128>}, {transform_indices = @transform_6, window_bounds = array<i64: 2000, 256>}, {pipeline_mode = #tpu.pipeline_mode<synchronous>, transform_indices = @transform_7, window_bounds = array<i64: 8, 128>}]} {
    %eq3A = arith.constant 0 : i32
    %eq3A_0 = arith.cmpi eq, %arg0, %eq3A : i32
    %convert_element_type3A = arith.extui %eq3A_0 : i1 to i32
    %cond3A = arith.constant 0 : i32
    %cond3A_1 = arith.cmpi ne, %convert_element_type3A, %cond3A : i32
    scf.if %cond3A_1 {
      %broadcast_in_dim3A_67 = arith.constant 0.000000e+00 : f32
      %broadcast_in_dim3A_68 = vector.broadcast %broadcast_in_dim3A_67 : f32 to vector<8x128xf32>
      %swap3A_69 = arith.constant 0 : index
      %swap3A_70 = arith.constant 0 : index
      %swap3A_71 = vector.load %arg9[%swap3A_69, %swap3A_70] : memref<8x128xf32, #tpu.memory_space<vmem>>, vector<8x128xf32>
      tpu.vector_store %arg9[%swap3A_69, %swap3A_70], %broadcast_in_dim3A_68 {strides = array<i32>} : memref<8x128xf32, #tpu.memory_space<vmem>>, vector<8x128xf32>,
    } else {
    }
    %get3A = arith.constant 0 : index
    %get3A_2 = arith.constant 0 : index
    %get3A_3 = vector.load %arg1[%get3A, %get3A_2] : memref<2000x16xf32, #tpu.memory_space<vmem>>, vector<2000x16xf32>
    %get3A_4 = arith.constant 0 : index
    %get3A_5 = arith.constant 0 : index
    %get3A_6 = vector.load %arg4[%get3A_4, %get3A_5] : memref<16x128xf32, #tpu.memory_space<vmem>>, vector<16x128xf32>
    %dot_general3A = arith.constant dense<0.000000e+00> : vector<2000x128xf32>
    %dot_general3A_7 = tpu.matmul %get3A_3, %get3A_6, %dot_general3A {dimension_numbers = #tpu.dot_dimension_numbers<[1], [0], [0], [1], [0, 0, 1, 1], [], []>, precision = #tpu.contract_precision<fp32>, transpose_lhs_hint = false} : vector<2000x16xf32>, vector<16x128xf32>, vector<2000x128xf32> -> vector<2000x128xf32>
    %get3A_8 = arith.constant 0 : index
    %get3A_9 = arith.constant 0 : index
    %get3A_10 = vector.load %arg5[%get3A_8, %get3A_9] : memref<8x128xf32, #tpu.memory_space<vmem>>, vector<1x128xf32>
    %add3A = vector.broadcast %get3A_10 : vector<1x128xf32> to vector<2000x128xf32>
    %add3A_11 = arith.addf %dot_general3A_7, %add3A : vector<2000x128xf32>
    %get3A_12 = arith.constant 0 : index
    %get3A_13 = arith.constant 0 : index
    %get3A_14 = vector.load %arg2[%get3A_12, %get3A_13] : memref<2000x128xi32, #tpu.memory_space<vmem>>, vector<2000x128xi32>
    %shift_right_logical3A = arith.constant 16 : i32
    %shift_right_logical3A_15 = vector.broadcast %shift_right_logical3A : i32 to vector<2000x128xi32>
    %shift_right_logical3A_16 = arith.shrui %get3A_14, %shift_right_logical3A_15 : vector<2000x128xi32>
    %shift_left3A = arith.constant 16 : i32
    %shift_left3A_17 = vector.broadcast %shift_left3A : i32 to vector<2000x128xi32>
    %shift_left3A_18 = arith.shli %shift_right_logical3A_16, %shift_left3A_17 : vector<2000x128xi32>
    %shift_left3A_19 = arith.constant 16 : i32
    %shift_left3A_20 = vector.broadcast %shift_left3A_19 : i32 to vector<2000x128xi32>
    %shift_left3A_21 = arith.shli %get3A_14, %shift_left3A_20 : vector<2000x128xi32>
    %bitcast3A = tpu.bitcast %shift_left3A_21 : vector<2000x128xi32> -> vector<2000x128xf32>
    %bitcast3A_22 = tpu.bitcast %shift_left3A_18 : vector<2000x128xi32> -> vector<2000x128xf32>
    %add3A_23 = arith.addf %add3A_11, %bitcast3A : vector<2000x128xf32>
    %get3A_24 = arith.constant 0 : index
    %get3A_25 = arith.constant 0 : index
    %get3A_26 = vector.load %arg3[%get3A_24, %get3A_25] : memref<2000x128xf32, #tpu.memory_space<vmem>>, vector<2000x128xf32>
    %add3A_27 = arith.addf %add3A_23, %get3A_26 : vector<2000x128xf32>
    %swap3A = arith.constant 0 : index
    %swap3A_28 = arith.constant 0 : index
    %swap3A_29 = vector.load %arg6[%swap3A, %swap3A_28] : memref<2000x128xf32, #tpu.memory_space<vmem>>, vector<2000x128xf32>
    tpu.vector_store %arg6[%swap3A, %swap3A_28], %add3A_27 {strides = array<i32>} : memref<2000x128xf32, #tpu.memory_space<vmem>>, vector<2000x128xf32>,
    %neg3A = arith.constant 0.000000e+00 : f32
    %neg3A_30 = vector.broadcast %neg3A : f32 to vector<2000x128xf32>
    %neg3A_31 = arith.subf %neg3A_30, %add3A_27 : vector<2000x128xf32>
    %exp3A = math.exp %neg3A_31 : vector<2000x128xf32>
    %add3A_32 = arith.constant 1.000000e+00 : f32
    %add3A_33 = vector.broadcast %add3A_32 : f32 to vector<2000x128xf32>
    %add3A_34 = arith.addf %add3A_33, %exp3A : vector<2000x128xf32>
    %div3A = arith.constant 1.000000e+00 : f32
    %div3A_35 = vector.broadcast %div3A : f32 to vector<2000x128xf32>
    %div3A_36 = arith.divf %div3A_35, %add3A_34 : vector<2000x128xf32>
    %swap3A_37 = arith.constant 0 : index
    %swap3A_38 = arith.constant 128 : index
    %swap3A_39 = vector.load %arg7[%swap3A_37, %swap3A_38] : memref<2000x256xf32, #tpu.memory_space<vmem>>, vector<2000x128xf32>
    tpu.vector_store %arg7[%swap3A_37, %swap3A_38], %div3A_36 {strides = array<i32>} : memref<2000x256xf32, #tpu.memory_space<vmem>>, vector<2000x128xf32>,
    %mul3A = arith.mulf %div3A_36, %bitcast3A_22 : vector<2000x128xf32>
    %swap3A_40 = arith.constant 0 : index
    %swap3A_41 = arith.constant 0 : index
    %swap3A_42 = vector.load %arg7[%swap3A_40, %swap3A_41] : memref<2000x256xf32, #tpu.memory_space<vmem>>, vector<2000x128xf32>
    tpu.vector_store %arg7[%swap3A_40, %swap3A_41], %mul3A {strides = array<i32>} : memref<2000x256xf32, #tpu.memory_space<vmem>>, vector<2000x128xf32>,
    %get3A_43 = arith.constant 0 : index
    %get3A_44 = arith.constant 0 : index
    %get3A_45 = vector.load %arg9[%get3A_43, %get3A_44] : memref<8x128xf32, #tpu.memory_space<vmem>>, vector<1x128xf32>
    %reduce_sum3A = arith.constant dense<0.000000e+00> : vector<128xf32>
    %reduce_sum3A_46 = vector.multi_reduction <add>, %add3A_27, %reduce_sum3A [0] : vector<2000x128xf32> to vector<128xf32>
    %broadcast_in_dim3A = vector.shape_cast %reduce_sum3A_46 : vector<128xf32> to vector<1x128xf32>
    %add3A_47 = arith.addf %get3A_45, %broadcast_in_dim3A : vector<1x128xf32>
    %swap3A_48 = arith.constant 0 : index
    %swap3A_49 = arith.constant 0 : index
    %swap3A_50 = vector.load %arg9[%swap3A_48, %swap3A_49] : memref<8x128xf32, #tpu.memory_space<vmem>>, vector<1x128xf32>
    tpu.vector_store %arg9[%swap3A_48, %swap3A_49], %add3A_47 {strides = array<i32>} : memref<8x128xf32, #tpu.memory_space<vmem>>, vector<1x128xf32>,
    %get3A_51 = arith.constant 1 : index
    %get3A_52 = arith.constant 0 : index
    %get3A_53 = vector.load %arg9[%get3A_51, %get3A_52] : memref<8x128xf32, #tpu.memory_space<vmem>>, vector<1x128xf32>
    %mul3A_54 = arith.mulf %add3A_27, %add3A_27 : vector<2000x128xf32>
    %reduce_sum3A_55 = arith.constant dense<0.000000e+00> : vector<128xf32>
    %reduce_sum3A_56 = vector.multi_reduction <add>, %mul3A_54, %reduce_sum3A_55 [0] : vector<2000x128xf32> to vector<128xf32>
    %broadcast_in_dim3A_57 = vector.shape_cast %reduce_sum3A_56 : vector<128xf32> to vector<1x128xf32>
    %add3A_58 = arith.addf %get3A_53, %broadcast_in_dim3A_57 : vector<1x128xf32>
    %swap3A_59 = arith.constant 1 : index
    %swap3A_60 = arith.constant 0 : index
    %swap3A_61 = vector.load %arg9[%swap3A_59, %swap3A_60] : memref<8x128xf32, #tpu.memory_space<vmem>>, vector<1x128xf32>
    tpu.vector_store %arg9[%swap3A_59, %swap3A_60], %add3A_58 {strides = array<i32>} : memref<8x128xf32, #tpu.memory_space<vmem>>, vector<1x128xf32>,
    %eq3A_62 = arith.constant 79 : i32
    %eq3A_63 = arith.cmpi eq, %arg0, %eq3A_62 : i32
    %convert_element_type3A_64 = arith.extui %eq3A_63 : i1 to i32
    %cond3A_65 = arith.constant 0 : i32
    %cond3A_66 = arith.cmpi ne, %convert_element_type3A_64, %cond3A_65 : i32
    scf.if %cond3A_66 {
      %get3A_67 = arith.constant 0 : index
      %get3A_68 = arith.constant 0 : index
      %get3A_69 = vector.load %arg9[%get3A_67, %get3A_68] : memref<8x128xf32, #tpu.memory_space<vmem>>, vector<8x128xf32>
      %swap3A_70 = arith.constant 0 : index
      %swap3A_71 = arith.constant 0 : index
      %swap3A_72 = vector.load %arg8[%swap3A_70, %swap3A_71] : memref<8x128xf32, #tpu.memory_space<vmem>>, vector<8x128xf32>
      tpu.vector_store %arg8[%swap3A_70, %swap3A_71], %get3A_69 {strides = array<i32>} : memref<8x128xf32, #tpu.memory_space<vmem>>, vector<8x128xf32>,
    } else {
    }
    return
  }
  func.func @transform_0(%arg0: i32) -> (i32, i32) {
    %c0_i32 = arith.constant 0 : i32
    %c0_i32_0 = arith.constant 0 : i32
    return %arg0, %c0_i32 : i32, i32
  }
  func.func @transform_1(%arg0: i32) -> (i32, i32) {
    %c0_i32 = arith.constant 0 : i32
    %c0_i32_0 = arith.constant 0 : i32
    return %arg0, %c0_i32 : i32, i32
  }
  func.func @transform_2(%arg0: i32) -> (i32, i32) {
    %c0_i32 = arith.constant 0 : i32
    %c0_i32_0 = arith.constant 0 : i32
    return %arg0, %c0_i32 : i32, i32
  }
  func.func @transform_3(%arg0: i32) -> (i32, i32) {
    %c0_i32 = arith.constant 0 : i32
    %c0_i32_0 = arith.constant 0 : i32
    %c0_i32_1 = arith.constant 0 : i32
    return %c0_i32, %c0_i32_0 : i32, i32
  }
  func.func @transform_4(%arg0: i32) -> (i32, i32) {
    %c0_i32 = arith.constant 0 : i32
    %c0_i32_0 = arith.constant 0 : i32
    %c0_i32_1 = arith.constant 0 : i32
    return %c0_i32, %c0_i32_0 : i32, i32
  }
  func.func @transform_5(%arg0: i32) -> (i32, i32) {
    %c0_i32 = arith.constant 0 : i32
    %c0_i32_0 = arith.constant 0 : i32
    return %arg0, %c0_i32 : i32, i32
  }
  func.func @transform_6(%arg0: i32) -> (i32, i32) {
    %c0_i32 = arith.constant 0 : i32
    %c0_i32_0 = arith.constant 0 : i32
    return %arg0, %c0_i32 : i32, i32
  }
  func.func @transform_7(%arg0: i32) -> (i32, i32) {
    %c0_i32 = arith.constant 0 : i32
    %c0_i32_0 = arith.constant 0 : i32
    %c0_i32_1 = arith.constant 0 : i32
    return %c0_i32, %c0_i32_0 : i32, i32
  }
}

module attributes {stable_mosaic.version = 14 : i64} {
  func.func @_nodea_body(%arg0: i32, %arg1: memref<2000x128xf32, #tpu.memory_space<vmem>>, %arg2: memref<2000x128xf32, #tpu.memory_space<vmem>>, %arg3: memref<2000x128xf32, #tpu.memory_space<vmem>>, %arg4: memref<2000x128xf32, #tpu.memory_space<vmem>>, %arg5: memref<2000x128xf32, #tpu.memory_space<vmem>>, %arg6: memref<2000x128xf32, #tpu.memory_space<vmem>>, %arg7: memref<8x128xf32, #tpu.memory_space<vmem>>, %arg8: memref<8x128xf32, #tpu.memory_space<vmem>>) attributes {dimension_semantics = [#tpu.dimension_semantics<arbitrary>], iteration_bounds = array<i64: 5>, scalar_prefetch = 0 : i64, scratch_operands = 1 : i64, tpu.core_type = #tpu.core_type<tc>, window_params = [{transform_indices = @transform_0, window_bounds = array<i64: 2000, 128>}, {transform_indices = @transform_1, window_bounds = array<i64: 2000, 128>}, {transform_indices = @transform_2, window_bounds = array<i64: 2000, 128>}, {transform_indices = @transform_3, window_bounds = array<i64: 2000, 128>}, {transform_indices = @transform_4, window_bounds = array<i64: 2000, 128>}, {transform_indices = @transform_5, window_bounds = array<i64: 2000, 128>}, {pipeline_mode = #tpu.pipeline_mode<synchronous>, transform_indices = @transform_6, window_bounds = array<i64: 8, 128>}]} {
    %eq3A = arith.constant 0 : i32
    %eq3A_0 = arith.cmpi eq, %arg0, %eq3A : i32
    %convert_element_type3A = arith.extui %eq3A_0 : i1 to i32
    %cond3A = arith.constant 0 : i32
    %cond3A_1 = arith.cmpi ne, %convert_element_type3A, %cond3A : i32
    scf.if %cond3A_1 {
      %broadcast_in_dim3A_46 = arith.constant 0.000000e+00 : f32
      %broadcast_in_dim3A_47 = vector.broadcast %broadcast_in_dim3A_46 : f32 to vector<8x128xf32>
      %swap3A_48 = arith.constant 0 : index
      %swap3A_49 = arith.constant 0 : index
      %swap3A_50 = vector.load %arg8[%swap3A_48, %swap3A_49] : memref<8x128xf32, #tpu.memory_space<vmem>>, vector<8x128xf32>
      tpu.vector_store %arg8[%swap3A_48, %swap3A_49], %broadcast_in_dim3A_47 {strides = array<i32>} : memref<8x128xf32, #tpu.memory_space<vmem>>, vector<8x128xf32>,
    } else {
    }
    %get3A = arith.constant 0 : index
    %get3A_2 = arith.constant 0 : index
    %get3A_3 = vector.load %arg2[%get3A, %get3A_2] : memref<2000x128xf32, #tpu.memory_space<vmem>>, vector<2000x128xf32>
    %get3A_4 = arith.constant 0 : index
    %get3A_5 = arith.constant 0 : index
    %get3A_6 = vector.load %arg4[%get3A_4, %get3A_5] : memref<2000x128xf32, #tpu.memory_space<vmem>>, vector<2000x128xf32>
    %add3A = arith.addf %get3A_3, %get3A_6 : vector<2000x128xf32>
    %get3A_7 = arith.constant 0 : index
    %get3A_8 = arith.constant 0 : index
    %get3A_9 = vector.load %arg3[%get3A_7, %get3A_8] : memref<2000x128xf32, #tpu.memory_space<vmem>>, vector<2000x128xf32>
    %get3A_10 = arith.constant 0 : index
    %get3A_11 = arith.constant 0 : index
    %get3A_12 = vector.load %arg5[%get3A_10, %get3A_11] : memref<2000x128xf32, #tpu.memory_space<vmem>>, vector<2000x128xf32>
    %add3A_13 = arith.addf %get3A_9, %get3A_12 : vector<2000x128xf32>
    %get3A_14 = arith.constant 0 : index
    %get3A_15 = arith.constant 0 : index
    %get3A_16 = vector.load %arg1[%get3A_14, %get3A_15] : memref<2000x128xf32, #tpu.memory_space<vmem>>, vector<2000x128xf32>
    %add3A_17 = arith.constant 9.99999997E-7 : f32
    %add3A_18 = vector.broadcast %add3A_17 : f32 to vector<2000x128xf32>
    %add3A_19 = arith.addf %add3A_13, %add3A_18 : vector<2000x128xf32>
    %div3A = arith.divf %add3A, %add3A_19 : vector<2000x128xf32>
    %add3A_20 = arith.addf %get3A_16, %div3A : vector<2000x128xf32>
    %swap3A = arith.constant 0 : index
    %swap3A_21 = arith.constant 0 : index
    %swap3A_22 = vector.load %arg6[%swap3A, %swap3A_21] : memref<2000x128xf32, #tpu.memory_space<vmem>>, vector<2000x128xf32>
    tpu.vector_store %arg6[%swap3A, %swap3A_21], %add3A_20 {strides = array<i32>} : memref<2000x128xf32, #tpu.memory_space<vmem>>, vector<2000x128xf32>,
    %get3A_23 = arith.constant 0 : index
    %get3A_24 = arith.constant 0 : index
    %get3A_25 = vector.load %arg8[%get3A_23, %get3A_24] : memref<8x128xf32, #tpu.memory_space<vmem>>, vector<1x128xf32>
    %reduce_sum3A = arith.constant dense<0.000000e+00> : vector<128xf32>
    %reduce_sum3A_26 = vector.multi_reduction <add>, %add3A_20, %reduce_sum3A [0] : vector<2000x128xf32> to vector<128xf32>
    %broadcast_in_dim3A = vector.shape_cast %reduce_sum3A_26 : vector<128xf32> to vector<1x128xf32>
    %add3A_27 = arith.addf %get3A_25, %broadcast_in_dim3A : vector<1x128xf32>
    %swap3A_28 = arith.constant 0 : index
    %swap3A_29 = arith.constant 0 : index
    %swap3A_30 = vector.load %arg8[%swap3A_28, %swap3A_29] : memref<8x128xf32, #tpu.memory_space<vmem>>, vector<1x128xf32>
    tpu.vector_store %arg8[%swap3A_28, %swap3A_29], %add3A_27 {strides = array<i32>} : memref<8x128xf32, #tpu.memory_space<vmem>>, vector<1x128xf32>,
    %get3A_31 = arith.constant 1 : index
    %get3A_32 = arith.constant 0 : index
    %get3A_33 = vector.load %arg8[%get3A_31, %get3A_32] : memref<8x128xf32, #tpu.memory_space<vmem>>, vector<1x128xf32>
    %mul3A = arith.mulf %add3A_20, %add3A_20 : vector<2000x128xf32>
    %reduce_sum3A_34 = arith.constant dense<0.000000e+00> : vector<128xf32>
    %reduce_sum3A_35 = vector.multi_reduction <add>, %mul3A, %reduce_sum3A_34 [0] : vector<2000x128xf32> to vector<128xf32>
    %broadcast_in_dim3A_36 = vector.shape_cast %reduce_sum3A_35 : vector<128xf32> to vector<1x128xf32>
    %add3A_37 = arith.addf %get3A_33, %broadcast_in_dim3A_36 : vector<1x128xf32>
    %swap3A_38 = arith.constant 1 : index
    %swap3A_39 = arith.constant 0 : index
    %swap3A_40 = vector.load %arg8[%swap3A_38, %swap3A_39] : memref<8x128xf32, #tpu.memory_space<vmem>>, vector<1x128xf32>
    tpu.vector_store %arg8[%swap3A_38, %swap3A_39], %add3A_37 {strides = array<i32>} : memref<8x128xf32, #tpu.memory_space<vmem>>, vector<1x128xf32>,
    %eq3A_41 = arith.constant 4 : i32
    %eq3A_42 = arith.cmpi eq, %arg0, %eq3A_41 : i32
    %convert_element_type3A_43 = arith.extui %eq3A_42 : i1 to i32
    %cond3A_44 = arith.constant 0 : i32
    %cond3A_45 = arith.cmpi ne, %convert_element_type3A_43, %cond3A_44 : i32
    scf.if %cond3A_45 {
      %get3A_46 = arith.constant 0 : index
      %get3A_47 = arith.constant 0 : index
      %get3A_48 = vector.load %arg8[%get3A_46, %get3A_47] : memref<8x128xf32, #tpu.memory_space<vmem>>, vector<8x128xf32>
      %swap3A_49 = arith.constant 0 : index
      %swap3A_50 = arith.constant 0 : index
      %swap3A_51 = vector.load %arg7[%swap3A_49, %swap3A_50] : memref<8x128xf32, #tpu.memory_space<vmem>>, vector<8x128xf32>
      tpu.vector_store %arg7[%swap3A_49, %swap3A_50], %get3A_48 {strides = array<i32>} : memref<8x128xf32, #tpu.memory_space<vmem>>, vector<8x128xf32>,
    } else {
    }
    return
  }
  func.func @transform_0(%arg0: i32) -> (i32, i32) {
    %c0_i32 = arith.constant 0 : i32
    %c0_i32_0 = arith.constant 0 : i32
    return %arg0, %c0_i32 : i32, i32
  }
  func.func @transform_1(%arg0: i32) -> (i32, i32) {
    %c0_i32 = arith.constant 0 : i32
    %c0_i32_0 = arith.constant 0 : i32
    return %arg0, %c0_i32 : i32, i32
  }
  func.func @transform_2(%arg0: i32) -> (i32, i32) {
    %c0_i32 = arith.constant 0 : i32
    %c0_i32_0 = arith.constant 0 : i32
    return %arg0, %c0_i32 : i32, i32
  }
  func.func @transform_3(%arg0: i32) -> (i32, i32) {
    %c0_i32 = arith.constant 0 : i32
    %c0_i32_0 = arith.constant 0 : i32
    return %arg0, %c0_i32 : i32, i32
  }
  func.func @transform_4(%arg0: i32) -> (i32, i32) {
    %c0_i32 = arith.constant 0 : i32
    %c0_i32_0 = arith.constant 0 : i32
    return %arg0, %c0_i32 : i32, i32
  }
  func.func @transform_5(%arg0: i32) -> (i32, i32) {
    %c0_i32 = arith.constant 0 : i32
    %c0_i32_0 = arith.constant 0 : i32
    return %arg0, %c0_i32 : i32, i32
  }
  func.func @transform_6(%arg0: i32) -> (i32, i32) {
    %c0_i32 = arith.constant 0 : i32
    %c0_i32_0 = arith.constant 0 : i32
    %c0_i32_1 = arith.constant 0 : i32
    return %c0_i32, %c0_i32_0 : i32, i32
  }
}

module attributes {stable_mosaic.version = 14 : i64} {
  func.func @_nodeb_body(%arg0: i32, %arg1: memref<2000x128xf32, #tpu.memory_space<vmem>>, %arg2: memref<2000x128xf32, #tpu.memory_space<vmem>>, %arg3: memref<8x128xf32, #tpu.memory_space<vmem>>, %arg4: memref<1x128xf32, #tpu.memory_space<vmem>>, %arg5: memref<1x128xf32, #tpu.memory_space<vmem>>, %arg6: memref<128x128xf32, #tpu.memory_space<vmem>>, %arg7: memref<1x128xf32, #tpu.memory_space<vmem>>, %arg8: memref<128x128xf32, #tpu.memory_space<vmem>>, %arg9: memref<1x128xf32, #tpu.memory_space<vmem>>, %arg10: memref<128x128xf32, #tpu.memory_space<vmem>>, %arg11: memref<1x128xf32, #tpu.memory_space<vmem>>, %arg12: memref<128x128xf32, #tpu.memory_space<vmem>>, %arg13: memref<1x128xf32, #tpu.memory_space<vmem>>, %arg14: memref<2000x128xf32, #tpu.memory_space<vmem>>, %arg15: memref<2000x128xf32, #tpu.memory_space<vmem>>, %arg16: memref<2000x128xi32, #tpu.memory_space<vmem>>, %arg17: memref<2000x128xf32, #tpu.memory_space<vmem>>) attributes {dimension_semantics = [#tpu.dimension_semantics<arbitrary>], iteration_bounds = array<i64: 5>, scalar_prefetch = 0 : i64, scratch_operands = 0 : i64, tpu.core_type = #tpu.core_type<tc>, window_params = [{transform_indices = @transform_0, window_bounds = array<i64: 2000, 128>}, {transform_indices = @transform_1, window_bounds = array<i64: 2000, 128>}, {pipeline_mode = #tpu.pipeline_mode<synchronous>, transform_indices = @transform_2, window_bounds = array<i64: 8, 128>}, {pipeline_mode = #tpu.pipeline_mode<synchronous>, transform_indices = @transform_3, window_bounds = array<i64: 1, 128>}, {pipeline_mode = #tpu.pipeline_mode<synchronous>, transform_indices = @transform_4, window_bounds = array<i64: 1, 128>}, {pipeline_mode = #tpu.pipeline_mode<synchronous>, transform_indices = @transform_5, window_bounds = array<i64: 128, 128>}, {pipeline_mode = #tpu.pipeline_mode<synchronous>, transform_indices = @transform_6, window_bounds = array<i64: 1, 128>}, {pipeline_mode = #tpu.pipeline_mode<synchronous>, transform_indices = @transform_7, window_bounds = array<i64: 128, 128>}, {pipeline_mode = #tpu.pipeline_mode<synchronous>, transform_indices = @transform_8, window_bounds = array<i64: 1, 128>}, {pipeline_mode = #tpu.pipeline_mode<synchronous>, transform_indices = @transform_9, window_bounds = array<i64: 128, 128>}, {pipeline_mode = #tpu.pipeline_mode<synchronous>, transform_indices = @transform_10, window_bounds = array<i64: 1, 128>}, {pipeline_mode = #tpu.pipeline_mode<synchronous>, transform_indices = @transform_11, window_bounds = array<i64: 128, 128>}, {pipeline_mode = #tpu.pipeline_mode<synchronous>, transform_indices = @transform_12, window_bounds = array<i64: 1, 128>}, {transform_indices = @transform_13, window_bounds = array<i64: 2000, 128>}, {transform_indices = @transform_14, window_bounds = array<i64: 2000, 128>}, {transform_indices = @transform_15, window_bounds = array<i64: 2000, 128>}, {transform_indices = @transform_16, window_bounds = array<i64: 2000, 128>}]} {
    %get3A = arith.constant 0 : index
    %get3A_0 = arith.constant 0 : index
    %get3A_1 = vector.load %arg3[%get3A, %get3A_0] : memref<8x128xf32, #tpu.memory_space<vmem>>, vector<1x128xf32>
    %get3A_2 = arith.constant 1 : index
    %get3A_3 = arith.constant 0 : index
    %get3A_4 = vector.load %arg3[%get3A_2, %get3A_3] : memref<8x128xf32, #tpu.memory_space<vmem>>, vector<1x128xf32>
    %div3A = arith.constant 1.000000e+04 : f32
    %div3A_5 = vector.broadcast %div3A : f32 to vector<1x128xf32>
    %div3A_6 = arith.divf %get3A_1, %div3A_5 : vector<1x128xf32>
    %div3A_7 = arith.constant 1.000000e+04 : f32
    %div3A_8 = vector.broadcast %div3A_7 : f32 to vector<1x128xf32>
    %div3A_9 = arith.divf %get3A_4, %div3A_8 : vector<1x128xf32>
    %mul3A = arith.mulf %div3A_6, %div3A_6 : vector<1x128xf32>
    %sub3A = arith.subf %div3A_9, %mul3A : vector<1x128xf32>
    %add3A = arith.constant 9.99999974E-6 : f32
    %add3A_10 = vector.broadcast %add3A : f32 to vector<1x128xf32>
    %add3A_11 = arith.addf %sub3A, %add3A_10 : vector<1x128xf32>
    %rsqrt3A = math.rsqrt %add3A_11 : vector<1x128xf32>
    %get3A_12 = arith.constant 0 : index
    %get3A_13 = arith.constant 0 : index
    %get3A_14 = vector.load %arg1[%get3A_12, %get3A_13] : memref<2000x128xf32, #tpu.memory_space<vmem>>, vector<2000x128xf32>
    %sub3A_15 = vector.broadcast %div3A_6 : vector<1x128xf32> to vector<2000x128xf32>
    %sub3A_16 = arith.subf %get3A_14, %sub3A_15 : vector<2000x128xf32>
    %mul3A_17 = vector.broadcast %rsqrt3A : vector<1x128xf32> to vector<2000x128xf32>
    %mul3A_18 = arith.mulf %sub3A_16, %mul3A_17 : vector<2000x128xf32>
    %get3A_19 = arith.constant 0 : index
    %get3A_20 = arith.constant 0 : index
    %get3A_21 = vector.load %arg4[%get3A_19, %get3A_20] : memref<1x128xf32, #tpu.memory_space<vmem>>, vector<1x128xf32>
    %mul3A_22 = vector.broadcast %get3A_21 : vector<1x128xf32> to vector<2000x128xf32>
    %mul3A_23 = arith.mulf %mul3A_18, %mul3A_22 : vector<2000x128xf32>
    %get3A_24 = arith.constant 0 : index
    %get3A_25 = arith.constant 0 : index
    %get3A_26 = vector.load %arg5[%get3A_24, %get3A_25] : memref<1x128xf32, #tpu.memory_space<vmem>>, vector<1x128xf32>
    %add3A_27 = vector.broadcast %get3A_26 : vector<1x128xf32> to vector<2000x128xf32>
    %add3A_28 = arith.addf %mul3A_23, %add3A_27 : vector<2000x128xf32>
    %max3A = arith.constant 0.000000e+00 : f32
    %max3A_29 = vector.broadcast %max3A : f32 to vector<2000x128xf32>
    %max3A_30 = arith.maximumf %add3A_28, %max3A_29 : vector<2000x128xf32>
    %get3A_31 = arith.constant 0 : index
    %get3A_32 = arith.constant 0 : index
    %get3A_33 = vector.load %arg2[%get3A_31, %get3A_32] : memref<2000x128xf32, #tpu.memory_space<vmem>>, vector<2000x128xf32>
    %add3A_34 = arith.addf %max3A_30, %get3A_33 : vector<2000x128xf32>
    %swap3A = arith.constant 0 : index
    %swap3A_35 = arith.constant 0 : index
    %swap3A_36 = vector.load %arg14[%swap3A, %swap3A_35] : memref<2000x128xf32, #tpu.memory_space<vmem>>, vector<2000x128xf32>
    tpu.vector_store %arg14[%swap3A, %swap3A_35], %add3A_34 {strides = array<i32>} : memref<2000x128xf32, #tpu.memory_space<vmem>>, vector<2000x128xf32>,
    %get3A_37 = arith.constant 0 : index
    %get3A_38 = arith.constant 0 : index
    %get3A_39 = vector.load %arg6[%get3A_37, %get3A_38] : memref<128x128xf32, #tpu.memory_space<vmem>>, vector<128x128xf32>
    %dot_general3A = arith.constant dense<0.000000e+00> : vector<2000x128xf32>
    %dot_general3A_40 = tpu.matmul %add3A_34, %get3A_39, %dot_general3A {dimension_numbers = #tpu.dot_dimension_numbers<[1], [0], [0], [1], [0, 0, 1, 1], [], []>, precision = #tpu.contract_precision<fp32>, transpose_lhs_hint = false} : vector<2000x128xf32>, vector<128x128xf32>, vector<2000x128xf32> -> vector<2000x128xf32>
    %get3A_41 = arith.constant 0 : index
    %get3A_42 = arith.constant 0 : index
    %get3A_43 = vector.load %arg7[%get3A_41, %get3A_42] : memref<1x128xf32, #tpu.memory_space<vmem>>, vector<1x128xf32>
    %add3A_44 = vector.broadcast %get3A_43 : vector<1x128xf32> to vector<2000x128xf32>
    %add3A_45 = arith.addf %dot_general3A_40, %add3A_44 : vector<2000x128xf32>
    %swap3A_46 = arith.constant 0 : index
    %swap3A_47 = arith.constant 0 : index
    %swap3A_48 = vector.load %arg15[%swap3A_46, %swap3A_47] : memref<2000x128xf32, #tpu.memory_space<vmem>>, vector<2000x128xf32>
    tpu.vector_store %arg15[%swap3A_46, %swap3A_47], %add3A_45 {strides = array<i32>} : memref<2000x128xf32, #tpu.memory_space<vmem>>, vector<2000x128xf32>,
    %get3A_49 = arith.constant 0 : index
    %get3A_50 = arith.constant 0 : index
    %get3A_51 = vector.load %arg10[%get3A_49, %get3A_50] : memref<128x128xf32, #tpu.memory_space<vmem>>, vector<128x128xf32>
    %dot_general3A_52 = arith.constant dense<0.000000e+00> : vector<2000x128xf32>
    %dot_general3A_53 = tpu.matmul %add3A_34, %get3A_51, %dot_general3A_52 {dimension_numbers = #tpu.dot_dimension_numbers<[1], [0], [0], [1], [0, 0, 1, 1], [], []>, precision = #tpu.contract_precision<fp32>, transpose_lhs_hint = false} : vector<2000x128xf32>, vector<128x128xf32>, vector<2000x128xf32> -> vector<2000x128xf32>
    %get3A_54 = arith.constant 0 : index
    %get3A_55 = arith.constant 0 : index
    %get3A_56 = vector.load %arg11[%get3A_54, %get3A_55] : memref<1x128xf32, #tpu.memory_space<vmem>>, vector<1x128xf32>
    %add3A_57 = vector.broadcast %get3A_56 : vector<1x128xf32> to vector<2000x128xf32>
    %add3A_58 = arith.addf %dot_general3A_53, %add3A_57 : vector<2000x128xf32>
    %get3A_59 = arith.constant 0 : index
    %get3A_60 = arith.constant 0 : index
    %get3A_61 = vector.load %arg8[%get3A_59, %get3A_60] : memref<128x128xf32, #tpu.memory_space<vmem>>, vector<128x128xf32>
    %dot_general3A_62 = arith.constant dense<0.000000e+00> : vector<2000x128xf32>
    %dot_general3A_63 = tpu.matmul %add3A_34, %get3A_61, %dot_general3A_62 {dimension_numbers = #tpu.dot_dimension_numbers<[1], [0], [0], [1], [0, 0, 1, 1], [], []>, precision = #tpu.contract_precision<fp32>, transpose_lhs_hint = false} : vector<2000x128xf32>, vector<128x128xf32>, vector<2000x128xf32> -> vector<2000x128xf32>
    %get3A_64 = arith.constant 0 : index
    %get3A_65 = arith.constant 0 : index
    %get3A_66 = vector.load %arg9[%get3A_64, %get3A_65] : memref<1x128xf32, #tpu.memory_space<vmem>>, vector<1x128xf32>
    %add3A_67 = vector.broadcast %get3A_66 : vector<1x128xf32> to vector<2000x128xf32>
    %add3A_68 = arith.addf %dot_general3A_63, %add3A_67 : vector<2000x128xf32>
    %bitcast3A = tpu.bitcast %add3A_58 : vector<2000x128xf32> -> vector<2000x128xi32>
    %add3A_69 = arith.constant 32767 : i32
    %add3A_70 = vector.broadcast %add3A_69 : i32 to vector<2000x128xi32>
    %add3A_71 = arith.addi %bitcast3A, %add3A_70 : vector<2000x128xi32>
    %shift_right_logical3A = arith.constant 16 : i32
    %shift_right_logical3A_72 = vector.broadcast %shift_right_logical3A : i32 to vector<2000x128xi32>
    %shift_right_logical3A_73 = arith.shrui %bitcast3A, %shift_right_logical3A_72 : vector<2000x128xi32>
    %and3A = arith.constant 1 : i32
    %and3A_74 = vector.broadcast %and3A : i32 to vector<2000x128xi32>
    %and3A_75 = arith.andi %shift_right_logical3A_73, %and3A_74 : vector<2000x128xi32>
    %add3A_76 = arith.addi %add3A_71, %and3A_75 : vector<2000x128xi32>
    %shift_right_logical3A_77 = arith.constant 16 : i32
    %shift_right_logical3A_78 = vector.broadcast %shift_right_logical3A_77 : i32 to vector<2000x128xi32>
    %shift_right_logical3A_79 = arith.shrui %add3A_76, %shift_right_logical3A_78 : vector<2000x128xi32>
    %bitcast3A_80 = tpu.bitcast %add3A_68 : vector<2000x128xf32> -> vector<2000x128xi32>
    %add3A_81 = arith.constant 32767 : i32
    %add3A_82 = vector.broadcast %add3A_81 : i32 to vector<2000x128xi32>
    %add3A_83 = arith.addi %bitcast3A_80, %add3A_82 : vector<2000x128xi32>
    %shift_right_logical3A_84 = arith.constant 16 : i32
    %shift_right_logical3A_85 = vector.broadcast %shift_right_logical3A_84 : i32 to vector<2000x128xi32>
    %shift_right_logical3A_86 = arith.shrui %bitcast3A_80, %shift_right_logical3A_85 : vector<2000x128xi32>
    %and3A_87 = arith.constant 1 : i32
    %and3A_88 = vector.broadcast %and3A_87 : i32 to vector<2000x128xi32>
    %and3A_89 = arith.andi %shift_right_logical3A_86, %and3A_88 : vector<2000x128xi32>
    %add3A_90 = arith.addi %add3A_83, %and3A_89 : vector<2000x128xi32>
    %shift_right_logical3A_91 = arith.constant 16 : i32
    %shift_right_logical3A_92 = vector.broadcast %shift_right_logical3A_91 : i32 to vector<2000x128xi32>
    %shift_right_logical3A_93 = arith.shrui %add3A_90, %shift_right_logical3A_92 : vector<2000x128xi32>
    %shift_left3A = arith.constant 16 : i32
    %shift_left3A_94 = vector.broadcast %shift_left3A : i32 to vector<2000x128xi32>
    %shift_left3A_95 = arith.shli %shift_right_logical3A_93, %shift_left3A_94 : vector<2000x128xi32>
    %or3A = arith.ori %shift_right_logical3A_79, %shift_left3A_95 : vector<2000x128xi32>
    %swap3A_96 = arith.constant 0 : index
    %swap3A_97 = arith.constant 0 : index
    %swap3A_98 = vector.load %arg16[%swap3A_96, %swap3A_97] : memref<2000x128xi32, #tpu.memory_space<vmem>>, vector<2000x128xi32>
    tpu.vector_store %arg16[%swap3A_96, %swap3A_97], %or3A {strides = array<i32>} : memref<2000x128xi32, #tpu.memory_space<vmem>>, vector<2000x128xi32>,
    %get3A_99 = arith.constant 0 : index
    %get3A_100 = arith.constant 0 : index
    %get3A_101 = vector.load %arg12[%get3A_99, %get3A_100] : memref<128x128xf32, #tpu.memory_space<vmem>>, vector<128x128xf32>
    %dot_general3A_102 = arith.constant dense<0.000000e+00> : vector<2000x128xf32>
    %dot_general3A_103 = tpu.matmul %add3A_34, %get3A_101, %dot_general3A_102 {dimension_numbers = #tpu.dot_dimension_numbers<[1], [0], [0], [1], [0, 0, 1, 1], [], []>, precision = #tpu.contract_precision<fp32>, transpose_lhs_hint = false} : vector<2000x128xf32>, vector<128x128xf32>, vector<2000x128xf32> -> vector<2000x128xf32>
    %get3A_104 = arith.constant 0 : index
    %get3A_105 = arith.constant 0 : index
    %get3A_106 = vector.load %arg13[%get3A_104, %get3A_105] : memref<1x128xf32, #tpu.memory_space<vmem>>, vector<1x128xf32>
    %add3A_107 = vector.broadcast %get3A_106 : vector<1x128xf32> to vector<2000x128xf32>
    %add3A_108 = arith.addf %dot_general3A_103, %add3A_107 : vector<2000x128xf32>
    %swap3A_109 = arith.constant 0 : index
    %swap3A_110 = arith.constant 0 : index
    %swap3A_111 = vector.load %arg17[%swap3A_109, %swap3A_110] : memref<2000x128xf32, #tpu.memory_space<vmem>>, vector<2000x128xf32>
    tpu.vector_store %arg17[%swap3A_109, %swap3A_110], %add3A_108 {strides = array<i32>} : memref<2000x128xf32, #tpu.memory_space<vmem>>, vector<2000x128xf32>,
    return
  }
  func.func @transform_0(%arg0: i32) -> (i32, i32) {
    %c0_i32 = arith.constant 0 : i32
    %c0_i32_0 = arith.constant 0 : i32
    return %arg0, %c0_i32 : i32, i32
  }
  func.func @transform_1(%arg0: i32) -> (i32, i32) {
    %c0_i32 = arith.constant 0 : i32
    %c0_i32_0 = arith.constant 0 : i32
    return %arg0, %c0_i32 : i32, i32
  }
  func.func @transform_2(%arg0: i32) -> (i32, i32) {
    %c0_i32 = arith.constant 0 : i32
    %c0_i32_0 = arith.constant 0 : i32
    %c0_i32_1 = arith.constant 0 : i32
    return %c0_i32, %c0_i32_0 : i32, i32
  }
  func.func @transform_3(%arg0: i32) -> (i32, i32) {
    %c0_i32 = arith.constant 0 : i32
    %c0_i32_0 = arith.constant 0 : i32
    %c0_i32_1 = arith.constant 0 : i32
    return %c0_i32, %c0_i32_0 : i32, i32
  }
  func.func @transform_4(%arg0: i32) -> (i32, i32) {
    %c0_i32 = arith.constant 0 : i32
    %c0_i32_0 = arith.constant 0 : i32
    %c0_i32_1 = arith.constant 0 : i32
    return %c0_i32, %c0_i32_0 : i32, i32
  }
  func.func @transform_5(%arg0: i32) -> (i32, i32) {
    %c0_i32 = arith.constant 0 : i32
    %c0_i32_0 = arith.constant 0 : i32
    %c0_i32_1 = arith.constant 0 : i32
    return %c0_i32, %c0_i32_0 : i32, i32
  }
  func.func @transform_6(%arg0: i32) -> (i32, i32) {
    %c0_i32 = arith.constant 0 : i32
    %c0_i32_0 = arith.constant 0 : i32
    %c0_i32_1 = arith.constant 0 : i32
    return %c0_i32, %c0_i32_0 : i32, i32
  }
  func.func @transform_7(%arg0: i32) -> (i32, i32) {
    %c0_i32 = arith.constant 0 : i32
    %c0_i32_0 = arith.constant 0 : i32
    %c0_i32_1 = arith.constant 0 : i32
    return %c0_i32, %c0_i32_0 : i32, i32
  }
  func.func @transform_8(%arg0: i32) -> (i32, i32) {
    %c0_i32 = arith.constant 0 : i32
    %c0_i32_0 = arith.constant 0 : i32
    %c0_i32_1 = arith.constant 0 : i32
    return %c0_i32, %c0_i32_0 : i32, i32
  }
  func.func @transform_9(%arg0: i32) -> (i32, i32) {
    %c0_i32 = arith.constant 0 : i32
    %c0_i32_0 = arith.constant 0 : i32
    %c0_i32_1 = arith.constant 0 : i32
    return %c0_i32, %c0_i32_0 : i32, i32
  }
  func.func @transform_10(%arg0: i32) -> (i32, i32) {
    %c0_i32 = arith.constant 0 : i32
    %c0_i32_0 = arith.constant 0 : i32
    %c0_i32_1 = arith.constant 0 : i32
    return %c0_i32, %c0_i32_0 : i32, i32
  }
  func.func @transform_11(%arg0: i32) -> (i32, i32) {
    %c0_i32 = arith.constant 0 : i32
    %c0_i32_0 = arith.constant 0 : i32
    %c0_i32_1 = arith.constant 0 : i32
    return %c0_i32, %c0_i32_0 : i32, i32
  }
  func.func @transform_12(%arg0: i32) -> (i32, i32) {
    %c0_i32 = arith.constant 0 : i32
    %c0_i32_0 = arith.constant 0 : i32
    %c0_i32_1 = arith.constant 0 : i32
    return %c0_i32, %c0_i32_0 : i32, i32
  }
  func.func @transform_13(%arg0: i32) -> (i32, i32) {
    %c0_i32 = arith.constant 0 : i32
    %c0_i32_0 = arith.constant 0 : i32
    return %arg0, %c0_i32 : i32, i32
  }
  func.func @transform_14(%arg0: i32) -> (i32, i32) {
    %c0_i32 = arith.constant 0 : i32
    %c0_i32_0 = arith.constant 0 : i32
    return %arg0, %c0_i32 : i32, i32
  }
  func.func @transform_15(%arg0: i32) -> (i32, i32) {
    %c0_i32 = arith.constant 0 : i32
    %c0_i32_0 = arith.constant 0 : i32
    return %arg0, %c0_i32 : i32, i32
  }
  func.func @transform_16(%arg0: i32) -> (i32, i32) {
    %c0_i32 = arith.constant 0 : i32
    %c0_i32_0 = arith.constant 0 : i32
    return %arg0, %c0_i32 : i32, i32
  }
}

module attributes {stable_mosaic.version = 14 : i64} {
  func.func @_edge2_body(%arg0: i32, %arg1: memref<2000x128xf32, #tpu.memory_space<vmem>>, %arg2: memref<2000x16xf32, #tpu.memory_space<vmem>>, %arg3: memref<2000x128xi32, #tpu.memory_space<vmem>>, %arg4: memref<2000x128xf32, #tpu.memory_space<vmem>>, %arg5: memref<8x128xf32, #tpu.memory_space<vmem>>, %arg6: memref<8x128xf32, #tpu.memory_space<vmem>>, %arg7: memref<1x128xf32, #tpu.memory_space<vmem>>, %arg8: memref<1x128xf32, #tpu.memory_space<vmem>>, %arg9: memref<16x128xf32, #tpu.memory_space<vmem>>, %arg10: memref<1x128xf32, #tpu.memory_space<vmem>>, %arg11: memref<128x128xf32, #tpu.memory_space<vmem>>, %arg12: memref<1x128xf32, #tpu.memory_space<vmem>>, %arg13: memref<2000x256xf32, #tpu.memory_space<vmem>>) attributes {dimension_semantics = [#tpu.dimension_semantics<arbitrary>], iteration_bounds = array<i64: 80>, scalar_prefetch = 0 : i64, scratch_operands = 0 : i64, tpu.core_type = #tpu.core_type<tc>, window_params = [{transform_indices = @transform_0, window_bounds = array<i64: 2000, 128>}, {transform_indices = @transform_1, window_bounds = array<i64: 2000, 16>}, {transform_indices = @transform_2, window_bounds = array<i64: 2000, 128>}, {transform_indices = @transform_3, window_bounds = array<i64: 2000, 128>}, {pipeline_mode = #tpu.pipeline_mode<synchronous>, transform_indices = @transform_4, window_bounds = array<i64: 8, 128>}, {pipeline_mode = #tpu.pipeline_mode<synchronous>, transform_indices = @transform_5, window_bounds = array<i64: 8, 128>}, {pipeline_mode = #tpu.pipeline_mode<synchronous>, transform_indices = @transform_6, window_bounds = array<i64: 1, 128>}, {pipeline_mode = #tpu.pipeline_mode<synchronous>, transform_indices = @transform_7, window_bounds = array<i64: 1, 128>}, {pipeline_mode = #tpu.pipeline_mode<synchronous>, transform_indices = @transform_8, window_bounds = array<i64: 16, 128>}, {pipeline_mode = #tpu.pipeline_mode<synchronous>, transform_indices = @transform_9, window_bounds = array<i64: 1, 128>}, {pipeline_mode = #tpu.pipeline_mode<synchronous>, transform_indices = @transform_10, window_bounds = array<i64: 128, 128>}, {pipeline_mode = #tpu.pipeline_mode<synchronous>, transform_indices = @transform_11, window_bounds = array<i64: 1, 128>}, {transform_indices = @transform_12, window_bounds = array<i64: 2000, 256>}]} {
    %get3A = arith.constant 0 : index
    %get3A_0 = arith.constant 0 : index
    %get3A_1 = vector.load %arg5[%get3A, %get3A_0] : memref<8x128xf32, #tpu.memory_space<vmem>>, vector<1x128xf32>
    %get3A_2 = arith.constant 0 : index
    %get3A_3 = arith.constant 0 : index
    %get3A_4 = vector.load %arg6[%get3A_2, %get3A_3] : memref<8x128xf32, #tpu.memory_space<vmem>>, vector<1x128xf32>
    %add3A = arith.addf %get3A_1, %get3A_4 : vector<1x128xf32>
    %get3A_5 = arith.constant 1 : index
    %get3A_6 = arith.constant 0 : index
    %get3A_7 = vector.load %arg5[%get3A_5, %get3A_6] : memref<8x128xf32, #tpu.memory_space<vmem>>, vector<1x128xf32>
    %get3A_8 = arith.constant 1 : index
    %get3A_9 = arith.constant 0 : index
    %get3A_10 = vector.load %arg6[%get3A_8, %get3A_9] : memref<8x128xf32, #tpu.memory_space<vmem>>, vector<1x128xf32>
    %add3A_11 = arith.addf %get3A_7, %get3A_10 : vector<1x128xf32>
    %div3A = arith.constant 3.200000e+05 : f32
    %div3A_12 = vector.broadcast %div3A : f32 to vector<1x128xf32>
    %div3A_13 = arith.divf %add3A, %div3A_12 : vector<1x128xf32>
    %div3A_14 = arith.constant 3.200000e+05 : f32
    %div3A_15 = vector.broadcast %div3A_14 : f32 to vector<1x128xf32>
    %div3A_16 = arith.divf %add3A_11, %div3A_15 : vector<1x128xf32>
    %mul3A = arith.mulf %div3A_13, %div3A_13 : vector<1x128xf32>
    %sub3A = arith.subf %div3A_16, %mul3A : vector<1x128xf32>
    %add3A_17 = arith.constant 9.99999974E-6 : f32
    %add3A_18 = vector.broadcast %add3A_17 : f32 to vector<1x128xf32>
    %add3A_19 = arith.addf %sub3A, %add3A_18 : vector<1x128xf32>
    %rsqrt3A = math.rsqrt %add3A_19 : vector<1x128xf32>
    %get3A_20 = arith.constant 0 : index
    %get3A_21 = arith.constant 0 : index
    %get3A_22 = vector.load %arg1[%get3A_20, %get3A_21] : memref<2000x128xf32, #tpu.memory_space<vmem>>, vector<2000x128xf32>
    %sub3A_23 = vector.broadcast %div3A_13 : vector<1x128xf32> to vector<2000x128xf32>
    %sub3A_24 = arith.subf %get3A_22, %sub3A_23 : vector<2000x128xf32>
    %mul3A_25 = vector.broadcast %rsqrt3A : vector<1x128xf32> to vector<2000x128xf32>
    %mul3A_26 = arith.mulf %sub3A_24, %mul3A_25 : vector<2000x128xf32>
    %get3A_27 = arith.constant 0 : index
    %get3A_28 = arith.constant 0 : index
    %get3A_29 = vector.load %arg7[%get3A_27, %get3A_28] : memref<1x128xf32, #tpu.memory_space<vmem>>, vector<1x128xf32>
    %mul3A_30 = vector.broadcast %get3A_29 : vector<1x128xf32> to vector<2000x128xf32>
    %mul3A_31 = arith.mulf %mul3A_26, %mul3A_30 : vector<2000x128xf32>
    %get3A_32 = arith.constant 0 : index
    %get3A_33 = arith.constant 0 : index
    %get3A_34 = vector.load %arg8[%get3A_32, %get3A_33] : memref<1x128xf32, #tpu.memory_space<vmem>>, vector<1x128xf32>
    %add3A_35 = vector.broadcast %get3A_34 : vector<1x128xf32> to vector<2000x128xf32>
    %add3A_36 = arith.addf %mul3A_31, %add3A_35 : vector<2000x128xf32>
    %max3A = arith.constant 0.000000e+00 : f32
    %max3A_37 = vector.broadcast %max3A : f32 to vector<2000x128xf32>
    %max3A_38 = arith.maximumf %add3A_36, %max3A_37 : vector<2000x128xf32>
    %get3A_39 = arith.constant 0 : index
    %get3A_40 = arith.constant 0 : index
    %get3A_41 = vector.load %arg2[%get3A_39, %get3A_40] : memref<2000x16xf32, #tpu.memory_space<vmem>>, vector<2000x16xf32>
    %get3A_42 = arith.constant 0 : index
    %get3A_43 = arith.constant 0 : index
    %get3A_44 = vector.load %arg9[%get3A_42, %get3A_43] : memref<16x128xf32, #tpu.memory_space<vmem>>, vector<16x128xf32>
    %dot_general3A = arith.constant dense<0.000000e+00> : vector<2000x128xf32>
    %dot_general3A_45 = tpu.matmul %get3A_41, %get3A_44, %dot_general3A {dimension_numbers = #tpu.dot_dimension_numbers<[1], [0], [0], [1], [0, 0, 1, 1], [], []>, precision = #tpu.contract_precision<fp32>, transpose_lhs_hint = false} : vector<2000x16xf32>, vector<16x128xf32>, vector<2000x128xf32> -> vector<2000x128xf32>
    %get3A_46 = arith.constant 0 : index
    %get3A_47 = arith.constant 0 : index
    %get3A_48 = vector.load %arg10[%get3A_46, %get3A_47] : memref<1x128xf32, #tpu.memory_space<vmem>>, vector<1x128xf32>
    %add3A_49 = vector.broadcast %get3A_48 : vector<1x128xf32> to vector<2000x128xf32>
    %add3A_50 = arith.addf %dot_general3A_45, %add3A_49 : vector<2000x128xf32>
    %add3A_51 = arith.addf %max3A_38, %add3A_50 : vector<2000x128xf32>
    %get3A_52 = arith.constant 0 : index
    %get3A_53 = arith.constant 0 : index
    %get3A_54 = vector.load %arg11[%get3A_52, %get3A_53] : memref<128x128xf32, #tpu.memory_space<vmem>>, vector<128x128xf32>
    %dot_general3A_55 = arith.constant dense<0.000000e+00> : vector<2000x128xf32>
    %dot_general3A_56 = tpu.matmul %add3A_51, %get3A_54, %dot_general3A_55 {dimension_numbers = #tpu.dot_dimension_numbers<[1], [0], [0], [1], [0, 0, 1, 1], [], []>, precision = #tpu.contract_precision<fp32>, transpose_lhs_hint = false} : vector<2000x128xf32>, vector<128x128xf32>, vector<2000x128xf32> -> vector<2000x128xf32>
    %get3A_57 = arith.constant 0 : index
    %get3A_58 = arith.constant 0 : index
    %get3A_59 = vector.load %arg12[%get3A_57, %get3A_58] : memref<1x128xf32, #tpu.memory_space<vmem>>, vector<1x128xf32>
    %add3A_60 = vector.broadcast %get3A_59 : vector<1x128xf32> to vector<2000x128xf32>
    %add3A_61 = arith.addf %dot_general3A_56, %add3A_60 : vector<2000x128xf32>
    %get3A_62 = arith.constant 0 : index
    %get3A_63 = arith.constant 0 : index
    %get3A_64 = vector.load %arg3[%get3A_62, %get3A_63] : memref<2000x128xi32, #tpu.memory_space<vmem>>, vector<2000x128xi32>
    %shift_right_logical3A = arith.constant 16 : i32
    %shift_right_logical3A_65 = vector.broadcast %shift_right_logical3A : i32 to vector<2000x128xi32>
    %shift_right_logical3A_66 = arith.shrui %get3A_64, %shift_right_logical3A_65 : vector<2000x128xi32>
    %shift_left3A = arith.constant 16 : i32
    %shift_left3A_67 = vector.broadcast %shift_left3A : i32 to vector<2000x128xi32>
    %shift_left3A_68 = arith.shli %shift_right_logical3A_66, %shift_left3A_67 : vector<2000x128xi32>
    %shift_left3A_69 = arith.constant 16 : i32
    %shift_left3A_70 = vector.broadcast %shift_left3A_69 : i32 to vector<2000x128xi32>
    %shift_left3A_71 = arith.shli %get3A_64, %shift_left3A_70 : vector<2000x128xi32>
    %bitcast3A = tpu.bitcast %shift_left3A_71 : vector<2000x128xi32> -> vector<2000x128xf32>
    %bitcast3A_72 = tpu.bitcast %shift_left3A_68 : vector<2000x128xi32> -> vector<2000x128xf32>
    %add3A_73 = arith.addf %add3A_61, %bitcast3A : vector<2000x128xf32>
    %get3A_74 = arith.constant 0 : index
    %get3A_75 = arith.constant 0 : index
    %get3A_76 = vector.load %arg4[%get3A_74, %get3A_75] : memref<2000x128xf32, #tpu.memory_space<vmem>>, vector<2000x128xf32>
    %add3A_77 = arith.addf %add3A_73, %get3A_76 : vector<2000x128xf32>
    %neg3A = arith.constant 0.000000e+00 : f32
    %neg3A_78 = vector.broadcast %neg3A : f32 to vector<2000x128xf32>
    %neg3A_79 = arith.subf %neg3A_78, %add3A_77 : vector<2000x128xf32>
    %exp3A = math.exp %neg3A_79 : vector<2000x128xf32>
    %add3A_80 = arith.constant 1.000000e+00 : f32
    %add3A_81 = vector.broadcast %add3A_80 : f32 to vector<2000x128xf32>
    %add3A_82 = arith.addf %add3A_81, %exp3A : vector<2000x128xf32>
    %div3A_83 = arith.constant 1.000000e+00 : f32
    %div3A_84 = vector.broadcast %div3A_83 : f32 to vector<2000x128xf32>
    %div3A_85 = arith.divf %div3A_84, %add3A_82 : vector<2000x128xf32>
    %swap3A = arith.constant 0 : index
    %swap3A_86 = arith.constant 128 : index
    %swap3A_87 = vector.load %arg13[%swap3A, %swap3A_86] : memref<2000x256xf32, #tpu.memory_space<vmem>>, vector<2000x128xf32>
    tpu.vector_store %arg13[%swap3A, %swap3A_86], %div3A_85 {strides = array<i32>} : memref<2000x256xf32, #tpu.memory_space<vmem>>, vector<2000x128xf32>,
    %mul3A_88 = arith.mulf %div3A_85, %bitcast3A_72 : vector<2000x128xf32>
    %swap3A_89 = arith.constant 0 : index
    %swap3A_90 = arith.constant 0 : index
    %swap3A_91 = vector.load %arg13[%swap3A_89, %swap3A_90] : memref<2000x256xf32, #tpu.memory_space<vmem>>, vector<2000x128xf32>
    tpu.vector_store %arg13[%swap3A_89, %swap3A_90], %mul3A_88 {strides = array<i32>} : memref<2000x256xf32, #tpu.memory_space<vmem>>, vector<2000x128xf32>,
    return
  }
  func.func @transform_0(%arg0: i32) -> (i32, i32) {
    %c0_i32 = arith.constant 0 : i32
    %c0_i32_0 = arith.constant 0 : i32
    return %arg0, %c0_i32 : i32, i32
  }
  func.func @transform_1(%arg0: i32) -> (i32, i32) {
    %c0_i32 = arith.constant 0 : i32
    %c0_i32_0 = arith.constant 0 : i32
    return %arg0, %c0_i32 : i32, i32
  }
  func.func @transform_2(%arg0: i32) -> (i32, i32) {
    %c0_i32 = arith.constant 0 : i32
    %c0_i32_0 = arith.constant 0 : i32
    return %arg0, %c0_i32 : i32, i32
  }
  func.func @transform_3(%arg0: i32) -> (i32, i32) {
    %c0_i32 = arith.constant 0 : i32
    %c0_i32_0 = arith.constant 0 : i32
    return %arg0, %c0_i32 : i32, i32
  }
  func.func @transform_4(%arg0: i32) -> (i32, i32) {
    %c0_i32 = arith.constant 0 : i32
    %c0_i32_0 = arith.constant 0 : i32
    %c0_i32_1 = arith.constant 0 : i32
    return %c0_i32, %c0_i32_0 : i32, i32
  }
  func.func @transform_5(%arg0: i32) -> (i32, i32) {
    %c0_i32 = arith.constant 0 : i32
    %c0_i32_0 = arith.constant 0 : i32
    %c0_i32_1 = arith.constant 0 : i32
    return %c0_i32, %c0_i32_0 : i32, i32
  }
  func.func @transform_6(%arg0: i32) -> (i32, i32) {
    %c0_i32 = arith.constant 0 : i32
    %c0_i32_0 = arith.constant 0 : i32
    %c0_i32_1 = arith.constant 0 : i32
    return %c0_i32, %c0_i32_0 : i32, i32
  }
  func.func @transform_7(%arg0: i32) -> (i32, i32) {
    %c0_i32 = arith.constant 0 : i32
    %c0_i32_0 = arith.constant 0 : i32
    %c0_i32_1 = arith.constant 0 : i32
    return %c0_i32, %c0_i32_0 : i32, i32
  }
  func.func @transform_8(%arg0: i32) -> (i32, i32) {
    %c0_i32 = arith.constant 0 : i32
    %c0_i32_0 = arith.constant 0 : i32
    %c0_i32_1 = arith.constant 0 : i32
    return %c0_i32, %c0_i32_0 : i32, i32
  }
  func.func @transform_9(%arg0: i32) -> (i32, i32) {
    %c0_i32 = arith.constant 0 : i32
    %c0_i32_0 = arith.constant 0 : i32
    %c0_i32_1 = arith.constant 0 : i32
    return %c0_i32, %c0_i32_0 : i32, i32
  }
  func.func @transform_10(%arg0: i32) -> (i32, i32) {
    %c0_i32 = arith.constant 0 : i32
    %c0_i32_0 = arith.constant 0 : i32
    %c0_i32_1 = arith.constant 0 : i32
    return %c0_i32, %c0_i32_0 : i32, i32
  }
  func.func @transform_11(%arg0: i32) -> (i32, i32) {
    %c0_i32 = arith.constant 0 : i32
    %c0_i32_0 = arith.constant 0 : i32
    %c0_i32_1 = arith.constant 0 : i32
    return %c0_i32, %c0_i32_0 : i32, i32
  }
  func.func @transform_12(%arg0: i32) -> (i32, i32) {
    %c0_i32 = arith.constant 0 : i32
    %c0_i32_0 = arith.constant 0 : i32
    return %arg0, %c0_i32 : i32, i32
  }
}

module attributes {stable_mosaic.version = 14 : i64} {
  func.func @_nodeb_final_body(%arg0: i32, %arg1: memref<2000x128xf32, #tpu.memory_space<vmem>>, %arg2: memref<2000x128xf32, #tpu.memory_space<vmem>>, %arg3: memref<8x128xf32, #tpu.memory_space<vmem>>, %arg4: memref<1x128xf32, #tpu.memory_space<vmem>>, %arg5: memref<1x128xf32, #tpu.memory_space<vmem>>, %arg6: memref<2000x128xf32, #tpu.memory_space<vmem>>) attributes {dimension_semantics = [#tpu.dimension_semantics<arbitrary>], iteration_bounds = array<i64: 5>, scalar_prefetch = 0 : i64, scratch_operands = 0 : i64, tpu.core_type = #tpu.core_type<tc>, window_params = [{transform_indices = @transform_0, window_bounds = array<i64: 2000, 128>}, {transform_indices = @transform_1, window_bounds = array<i64: 2000, 128>}, {pipeline_mode = #tpu.pipeline_mode<synchronous>, transform_indices = @transform_2, window_bounds = array<i64: 8, 128>}, {pipeline_mode = #tpu.pipeline_mode<synchronous>, transform_indices = @transform_3, window_bounds = array<i64: 1, 128>}, {pipeline_mode = #tpu.pipeline_mode<synchronous>, transform_indices = @transform_4, window_bounds = array<i64: 1, 128>}, {transform_indices = @transform_5, window_bounds = array<i64: 2000, 128>}]} {
    %get3A = arith.constant 0 : index
    %get3A_0 = arith.constant 0 : index
    %get3A_1 = vector.load %arg3[%get3A, %get3A_0] : memref<8x128xf32, #tpu.memory_space<vmem>>, vector<1x128xf32>
    %get3A_2 = arith.constant 1 : index
    %get3A_3 = arith.constant 0 : index
    %get3A_4 = vector.load %arg3[%get3A_2, %get3A_3] : memref<8x128xf32, #tpu.memory_space<vmem>>, vector<1x128xf32>
    %div3A = arith.constant 1.000000e+04 : f32
    %div3A_5 = vector.broadcast %div3A : f32 to vector<1x128xf32>
    %div3A_6 = arith.divf %get3A_1, %div3A_5 : vector<1x128xf32>
    %div3A_7 = arith.constant 1.000000e+04 : f32
    %div3A_8 = vector.broadcast %div3A_7 : f32 to vector<1x128xf32>
    %div3A_9 = arith.divf %get3A_4, %div3A_8 : vector<1x128xf32>
    %mul3A = arith.mulf %div3A_6, %div3A_6 : vector<1x128xf32>
    %sub3A = arith.subf %div3A_9, %mul3A : vector<1x128xf32>
    %add3A = arith.constant 9.99999974E-6 : f32
    %add3A_10 = vector.broadcast %add3A : f32 to vector<1x128xf32>
    %add3A_11 = arith.addf %sub3A, %add3A_10 : vector<1x128xf32>
    %rsqrt3A = math.rsqrt %add3A_11 : vector<1x128xf32>
    %get3A_12 = arith.constant 0 : index
    %get3A_13 = arith.constant 0 : index
    %get3A_14 = vector.load %arg1[%get3A_12, %get3A_13] : memref<2000x128xf32, #tpu.memory_space<vmem>>, vector<2000x128xf32>
    %sub3A_15 = vector.broadcast %div3A_6 : vector<1x128xf32> to vector<2000x128xf32>
    %sub3A_16 = arith.subf %get3A_14, %sub3A_15 : vector<2000x128xf32>
    %mul3A_17 = vector.broadcast %rsqrt3A : vector<1x128xf32> to vector<2000x128xf32>
    %mul3A_18 = arith.mulf %sub3A_16, %mul3A_17 : vector<2000x128xf32>
    %get3A_19 = arith.constant 0 : index
    %get3A_20 = arith.constant 0 : index
    %get3A_21 = vector.load %arg4[%get3A_19, %get3A_20] : memref<1x128xf32, #tpu.memory_space<vmem>>, vector<1x128xf32>
    %mul3A_22 = vector.broadcast %get3A_21 : vector<1x128xf32> to vector<2000x128xf32>
    %mul3A_23 = arith.mulf %mul3A_18, %mul3A_22 : vector<2000x128xf32>
    %get3A_24 = arith.constant 0 : index
    %get3A_25 = arith.constant 0 : index
    %get3A_26 = vector.load %arg5[%get3A_24, %get3A_25] : memref<1x128xf32, #tpu.memory_space<vmem>>, vector<1x128xf32>
    %add3A_27 = vector.broadcast %get3A_26 : vector<1x128xf32> to vector<2000x128xf32>
    %add3A_28 = arith.addf %mul3A_23, %add3A_27 : vector<2000x128xf32>
    %max3A = arith.constant 0.000000e+00 : f32
    %max3A_29 = vector.broadcast %max3A : f32 to vector<2000x128xf32>
    %max3A_30 = arith.maximumf %add3A_28, %max3A_29 : vector<2000x128xf32>
    %get3A_31 = arith.constant 0 : index
    %get3A_32 = arith.constant 0 : index
    %get3A_33 = vector.load %arg2[%get3A_31, %get3A_32] : memref<2000x128xf32, #tpu.memory_space<vmem>>, vector<2000x128xf32>
    %add3A_34 = arith.addf %max3A_30, %get3A_33 : vector<2000x128xf32>
    %swap3A = arith.constant 0 : index
    %swap3A_35 = arith.constant 0 : index
    %swap3A_36 = vector.load %arg6[%swap3A, %swap3A_35] : memref<2000x128xf32, #tpu.memory_space<vmem>>, vector<2000x128xf32>
    tpu.vector_store %arg6[%swap3A, %swap3A_35], %add3A_34 {strides = array<i32>} : memref<2000x128xf32, #tpu.memory_space<vmem>>, vector<2000x128xf32>,
    return
  }
  func.func @transform_0(%arg0: i32) -> (i32, i32) {
    %c0_i32 = arith.constant 0 : i32
    %c0_i32_0 = arith.constant 0 : i32
    return %arg0, %c0_i32 : i32, i32
  }
  func.func @transform_1(%arg0: i32) -> (i32, i32) {
    %c0_i32 = arith.constant 0 : i32
    %c0_i32_0 = arith.constant 0 : i32
    return %arg0, %c0_i32 : i32, i32
  }
  func.func @transform_2(%arg0: i32) -> (i32, i32) {
    %c0_i32 = arith.constant 0 : i32
    %c0_i32_0 = arith.constant 0 : i32
    %c0_i32_1 = arith.constant 0 : i32
    return %c0_i32, %c0_i32_0 : i32, i32
  }
  func.func @transform_3(%arg0: i32) -> (i32, i32) {
    %c0_i32 = arith.constant 0 : i32
    %c0_i32_0 = arith.constant 0 : i32
    %c0_i32_1 = arith.constant 0 : i32
    return %c0_i32, %c0_i32_0 : i32, i32
  }
  func.func @transform_4(%arg0: i32) -> (i32, i32) {
    %c0_i32 = arith.constant 0 : i32
    %c0_i32_0 = arith.constant 0 : i32
    %c0_i32_1 = arith.constant 0 : i32
    return %c0_i32, %c0_i32_0 : i32, i32
  }
  func.func @transform_5(%arg0: i32) -> (i32, i32) {
    %c0_i32 = arith.constant 0 : i32
    %c0_i32_0 = arith.constant 0 : i32
    return %arg0, %c0_i32 : i32, i32
  }
}

</mosaic_0001>

<sc_bundles>
// kernel: kernel.19.cloned.1.call-start
scs
__scs_entry_jumppad:
0x0: {  	(pc) =	sbr.rel $0x88, $3  }
0x1: {  	(tag) =	ssettag $0x0;
	lr =	simm.s32 $0x1  }
0x2: {  	[smem:$0x3F80] =	sst lr;
	_ =	strace $0xD0000000  }
0x3: {  	_ = 	snop  }
0x4: {  	_ = 	snop  }
0x5: {  	_ = 	snop  }
0x6: {  	_ = 	snop  }
0x7: {  	_ = 	snop  }
__scs_overlays_trampoline_lowered:
0x8: {  	[smem:$0x3F8F] =	sst s0  }
0x9: {  	[smem:$0x3F90] =	sst s1  }
0xa: {  	[smem:$0x3F91] =	sst s2  }
0xb: {  	[smem:$0x3F92] =	sst s3  }
0xc: {  	[smem:$0x3F93] =	sst s4  }
0xd: {  	[smem:$0x3F94] =	sst s5  }
0xe: {  	[smem:$0x3F95] =	sst s6  }
0xf: {  	[smem:$0x3F96] =	sst s7  }
0x10: {  	[smem:$0x3F97] =	sst s8  }
0x11: {  	[smem:$0x3F98] =	sst s9;
	s0 =	simm.s32 @!p0 $0x0  }
0x12: {  	s1 =	sld [smem:$0x3F7E];
	s0 =	simm.s32 @p0 $0x1  }
0x13: {  	[smem:$0x3F99] =	sst s0;
	s0 =	simm.s32 @!p1 $0x0  }
0x14: {  	s2 =	sld [smem:$0x3F7D];
	s0 =	simm.s32 @p1 $0x1  }
0x15: {  	[smem:$0x3F9A] =	sst s0;
	s0 =	simm.s32 @!p2 $0x0  }
0x16: {  	s3 =	sld [smem:$0x3FDB];
	s0 =	simm.s32 @p2 $0x1  }
0x17: {  	s4 =	simm.s32 $0x1BF5;
	[smem:$0x3F9C] =	sst s0  }
0x18: {  	s0 =	sld [smem:$0x3F7F];
	_ =	swait.ge [sflag:s4], $0x0  }
0x19: {  	s7 =	sld [smem:$0x3F80]  }
0x1a: {  	s8 =	sadd.s32 $0xFFFFE003, lr  }
0x1b: {  	s9 =	sadd.s32 $0xFFFFFEF7, lr;
	s5 =	simm.s32 $0xFFFFFFFF;
	p2 =	slt.u32 s8, $0xFFFFF086  }
0x1c: {  	p1 =	slt.u32 s9, $0xF7A;
	s5 =	simm.s32 @!p2 $0x0  }
0x1d: {  	s5 =	simm.s32 @p1 $0x1;
	p0 =	seq.s32 s7, s2  }
0x1e: {  	s7 =	smul.u32 @!p0 $0xF7A, s2;
	p2 =	seq.s32 @!p0 s5, $0x0  }
0x1f: {  	s9 =	smul.u32 $0xF7A, s1;
	s8 =	simm.s32 @!p0 $0x1BF5;
	p2 =	por !p2, p0  }
0x20: {  	[sflag:s8] =	ssyncset.s32 @!p0 $0xFFFFF086;
	s6 =	sadd.s32 @!p0 s3, s7;
	s7 =	simm.s32 @!p0 $0x108  }
0x21: {  	s3 =	sadd.s32 s3, s9;
	s6 =	sadd.s32 @!p0 $0x88, s6;
	s7 =	simm.s32 @p2 $0x1082  }
0x22: {  	[simem:s7], [sflag:s8] =	dma.local @!p0 [hbm:s6], $0xF7A  }
0x23: {  	s9 =	sor.u32 $0xD0000000, s2;
	s6 =	simm.s32 $0x108;
	_ =	swait.ge @!p0 [sflag:s8], $0x0  }
0x24: {  	s3 =	sadd.s32 $0x88, s3;
	s6 =	simm.s32 @!p1 $0x1082;
	[sflag:s4] =	ssyncset.s32 $0xFFFFF086  }
0x25: {  	[simem:s6], [sflag:s4] =	dma.local [hbm:s3], $0xF7A  }
0x26: {  	[smem:$0x3F80] =	sst s1;
	(tag) =	ssettag s2;
	_ =	strace s9  }
0x27: {  	s1 =	sld [smem:$0x3F90]  }
0x28: {  	s2 =	sld [smem:$0x3F91]  }
0x29: {  	s4 =	sld [smem:$0x3F93]  }
0x2a: {  	p0 =	seq.s32 s5, $0x0;
	s5 =	sld [smem:$0x3F94]  }
0x2b: {  	s6 =	sld [smem:$0x3F95]  }
0x2c: {  	s7 =	sld [smem:$0x3F96]  }
0x2d: {  	s3 =	simm.s32 $0x108;
	s8 =	sld [smem:$0x3F97]  }
0x2e: {  	s3 =	simm.s32 @!p0 $0x1082;
	s9 =	sld [smem:$0x3F98]  }
0x2f: {  	lr =	sadd.s32 s0, s3;
	s0 =	sld [smem:$0x3F8F]  }
0x30: {  	s3 =	sld [smem:$0x3F92]  }
0x31: {  	[smem:$0x3F9B] =	sst s10  }
0x32: {  	s10 =	sld [smem:$0x3F99];
	_ =	sdelay $0x3  }
0x33: {  	p0 =	seq.s32 s10, $0x1;
	s10 =	sld [smem:$0x3F9B];
	_ =	sdelay $0x3  }
0x34: {  	[smem:$0x3F9B] =	sst s10  }
0x35: {  	s10 =	sld [smem:$0x3F9A];
	_ =	sdelay $0x3  }
0x36: {  	p1 =	seq.s32 s10, $0x1;
	s10 =	sld [smem:$0x3F9B];
	_ =	sdelay $0x3  }
0x37: {  	[smem:$0x3F9B] =	sst s10  }
0x38: {  	s10 =	sld [smem:$0x3F9C]  }
0x39: {  	_ = 	snop;
	(pc) =	sbr.ind lr, $3  }
0x3a: {  	_ = 	snop  }
0x3b: {  	_ = 	snop  }
0x3c: {  	p2 =	seq.s32 s10, $0x1;
	s10 =	sld [smem:$0x3F9B]  }
0x3d: {  	_ =	shalt  }
0x3e: {  	_ =	shalt  }
0x3f: {  	_ =	shalt  }
0x40: {  	_ =	shalt  }
0x41: {  	_ =	shalt  }
0x42: {  	_ =	shalt  }
0x43: {  	_ =	shalt  }
0x44: {  	_ =	shalt  }
0x45: {  	_ =	shalt  }
0x46: {  	_ =	shalt  }
0x47: {  	_ =	shalt  }
0x48: {  	_ =	shalt  }
0x49: {  	_ =	shalt  }
0x4a: {  	_ =	shalt  }
0x4b: {  	_ =	shalt  }
0x4c: {  	_ =	shalt  }
0x4d: {  	_ =	shalt  }
0x4e: {  	_ =	shalt  }
0x4f: {  	_ =	shalt  }
0x50: {  	_ =	shalt  }
0x51: {  	_ =	shalt  }
0x52: {  	_ =	shalt  }
0x53: {  	_ =	shalt  }
0x54: {  	_ =	shalt  }
0x55: {  	_ =	shalt  }
0x56: {  	_ =	shalt  }
0x57: {  	_ =	shalt  }
0x58: {  	_ =	shalt  }
0x59: {  	_ =	shalt  }
0x5a: {  	_ =	shalt  }
0x5b: {  	_ =	shalt  }
0x5c: {  	_ =	shalt  }
0x5d: {  	_ =	shalt  }
0x5e: {  	_ =	shalt  }
0x5f: {  	_ =	shalt  }
0x60: {  	_ =	shalt  }
0x61: {  	_ =	shalt  }
0x62: {  	_ =	shalt  }
0x63: {  	_ =	shalt  }
0x64: {  	_ =	shalt  }
0x65: {  	_ =	shalt  }
0x66: {  	_ =	shalt  }
0x67: {  	_ =	shalt  }
0x68: {  	_ =	shalt  }
0x69: {  	_ =	shalt  }
0x6a: {  	_ =	shalt  }
0x6b: {  	_ =	shalt  }
0x6c: {  	_ =	shalt  }
0x6d: {  	_ =	shalt  }
0x6e: {  	_ =	shalt  }
0x6f: {  	_ =	shalt  }
0x70: {  	_ =	shalt  }
0x71: {  	_ =	shalt  }
0x72: {  	_ =	shalt  }
0x73: {  	_ =	shalt  }
0x74: {  	_ =	shalt  }
0x75: {  	_ =	shalt  }
0x76: {  	_ =	shalt  }
0x77: {  	_ =	shalt  }
0x78: {  	_ =	shalt  }
0x79: {  	_ =	shalt  }
0x7a: {  	_ =	shalt  }
0x7b: {  	_ =	shalt  }
0x7c: {  	_ =	shalt  }
0x7d: {  	_ =	shalt  }
0x7e: {  	_ =	shalt  }
0x7f: {  	_ =	shalt  }
0x80: {  	_ =	shalt  }
0x81: {  	_ =	shalt  }
0x82: {  	_ =	shalt  }
0x83: {  	_ =	shalt  }
0x84: {  	_ =	shalt  }
0x85: {  	_ =	shalt  }
0x86: {  	_ =	shalt  }
0x87: {  	_ =	shalt  }
.Lfunc_end0:
.L_simem_size_0:
called_computation_lowered:
.L_overlay_start_0:
0x88: {  	s2 =	sld [smem:$0x3FD9]  }
0x89: {  	s3 =	sld [smem:$0x3FFE];
	_ =	sdelay $0x1  }
0x8a: {  	s1 =	srdreg.scid  }
0x8b: {  	s0 =	sand.u32 $0x1, s1  }
0x8c: {  	s17 =	sshll.u32 s0, $0xA;
	s2 =	sadd.s32 s3, s2  }
0x8d: {  	s2 =	sadd.s32 s2, s17  }
0x8e: {  	[smem:$0x3FA7] =	sst s2  }
0x8f: {  	_ = 	snop  }
0x90: {  	(tm) =	ssettm $0x1  }
0x91: {  	s18 =	sld [smem:$0x3FFB];
	_ =	sdelay $0x3  }
0x92: {  	_ =	strace s18  }
0x93: {  	s2 =	sld [smem:$0x3FFC];
	_ =	sdelay $0x3  }
0x94: {  	_ =	strace s2  }
0x95: {  	s2 =	sld [smem:$0x3FFD];
	_ =	sdelay $0x3  }
0x96: {  	_ =	strace s2  }
0x97: {  	_ =	strace $0x8FFFFFFF  }
0x98: {  	s19 =	sld [smem:$0x3FDB];
	_ =	sdelay $0x1  }
0x99: {  	s20 =	simm.s32 $_scs_section_size  }
0x9a: {  	s4 =	simm.s32 $_size__tile_overlayer_lowered;
	s5 =	simm.s32 $_tile_overlayer_lowered  }
0x9b: {  	s6 =	simm.s32 $0x1BFF;
	s21 =	sshll.u32 s5, $0x1;
	s3 =	sadd.s32 s20, s19  }
0x9c: {  	s22 =	simm.s32 $0x0;
	s4 =	sshll.u32 s4, $0x1;
	s5 =	sadd.s32 s21, s3  }
0x9d: {  	[timem:s22], [sflag:s6] =	dma.local [hbm:s5], s4  }
0x9e: {  	_ =	swait.ge [sflag:s6], s4  }
0x9f: {  	s4 =	ssub.s32 $0x0, s4;
	[sflag:s6] =	ssyncset.done $0x0  }
0xa0: {  	[sflag:s6] =	ssyncadd.s32 s4;
	_ =	sdelay $0x1  }
0xa1: {  	s23 =	simm.s32 $0x1B8B  }
0xa2: {  	_ =	swait.ge [sflag:s23], $0x1  }
0xa3: {  	[sflag:s23] =	ssyncset.done $0x0  }
0xa4: {  	[sflag:s23] =	ssyncadd.s32 $0xFFFFFFFF  }
0xa5: {  	s4 =	sld [smem:$0x0]  }
0xa6: {  	s5 =	sand.u32 $0xFFFFFFFE, s1  }
0xa7: {  	p0 =	sne.s32 s1, s5  }
0xa8: {  	s5 =	sshll.u32 @p0 s5, $0xE  }
0xa9: {  	s5 =	sadd.s32 @p0 $0x11B8D, s5;
	s6 =	sshll.u32 @p0 s4, $0x11  }
0xaa: {  	s5 =	sor.u32 @p0 s6, s5  }
0xab: {  	[sflag:s5] =	ssyncadd.remote.s32 @p0 $0x1;
	_ =	sdelay $0x1  }
0xac: {  	s5 =	simm.s32 @p0 $0x1B8D  }
0xad: {  	_ =	swait.eq @p0 [sflag:s5], $0x1  }
0xae: {  	[sflag:s5] =	ssyncadd.s32 @p0 $0xFFFFFFFF  }
0xaf: {  	s6 =	sshll.u32 @!p0 s1, $0xE  }
0xb0: {  	s6 =	sor.u32 @!p0 $0x4000, s6;
	s5 =	simm.s32 @!p0 $0x1B8D  }
0xb1: {  	s4 =	sshll.u32 @!p0 s4, $0x11;
	s6 =	sadd.s32 @!p0 $0x11B8D, s6;
	_ =	swait.eq @!p0 [sflag:s5], $0x1  }
0xb2: {  	s4 =	sor.u32 @!p0 s4, s6;
	[sflag:s5] =	ssyncadd.s32 @!p0 $0xFFFFFFFF  }
0xb3: {  	s25 =	simm.s32 $0x1B8E;
	s24 =	sld [smem:$0x3FFE];
	[sflag:s4] =	ssyncadd.remote.s32 @!p0 $0x1  }
0xb4: {  	s26 =	simm.s32 $execute0_lowered;
	[smem:$0x3FD2] =	sst s25  }
0xb5: {  	s5 =	sshll.u32 s26, $0x1;
	_ =	strace $0x80000049;
	[dreg:$0x1] =	wrdreg $0xFFFFFFFF  }
0xb6: {  	s28 =	simm.s32 $_size_execute0_lowered;
	s3 =	sadd.s32 s3, s5;
	[dreg:$0x0] =	wrdreg $0x0  }
0xb7: {  	s5 =	sshll.u32 s28, $0x1;
	[dreg:$0x2] =	wrdreg s3  }
0xb8: {  	[dreg:$0x3] =	wrdreg s5  }
0xb9: {  	[dreg:$0x4] =	wrdreg $0xC0  }
0xba: {  	_ =	task [dreg:s22], $0x5FFFF  }
0xbb: {  	[dreg:$0x1] =	wrdreg $0xFFFFFFFF  }
0xbc: {  	[dreg:$0x0] =	wrdreg $0x60  }
0xbd: {  	[dreg:$0x2] =	wrdreg s24  }
0xbe: {  	[dreg:$0x3] =	wrdreg $0x78000  }
0xbf: {  	[dreg:$0x4] =	wrdreg $0x9  }
0xc0: {  	_ =	task.clear_ibuf [dreg:s22], $0x5FFFF;
	_ =	strace $0x90000049  }
0xc1: {  	s29 =	simm.s32 $0x9;
	_ =	strace $0x8000004B  }
0xc2: {  	_ =	swait.ge [sflag:s29], $0x1  }
0xc3: {  	[sflag:s29] =	ssyncadd.s32 $0xFFFFFFFF  }
0xc4: {  	_ =	strace $0x9000004B  }
0xc5: {  	_ =	sfence  }
0xc6: {  	s30 =	sld [smem:$0x0];
	_ =	sdelay $0x2  }
0xc7: {  	s31 =	sshll.u32 s1, $0xD;
	s1 =	sshrl.u32 s1, $0x2  }
0xc8: {  	s4 =	sand.u32 $0x4000, s31;
	s1 =	sadd.s32 s1, s30  }
0xc9: {  	s0 =	sor.u32 s4, s0;
	s1 =	sshll.u32 s1, $0x11  }
0xca: {  	s0 =	sor.u32 s1, s0  }
0xcb: {  	s0 =	sadd.s32 $0x8F2B, s0  }
0xcc: {  	[sflag:s0] =	ssyncadd.remote.s32 $0x1  }
0xcd: {  	_ =	sfence.sel $0xFFFF  }
0xce: {  	[dreg:$0x0] =	wrdreg $0xFFFFFFFF;
	(pc) =	sbr.abs _section_cstart, $3  }
0xcf: {  	[dreg:$0x1] =	wrdreg $0xFFFFFFFF  }
0xd0: {  	_ =	task.clear_ibuf [dreg:s22], $0x2FFFF;
	_ =	strace $0x9FFFFFFF  }
0xd1: {  	(tm) =	ssettm $0x7FFFFFFF  }
tec
execute0_lowered:
.L_overlay_start_1:
0x0: {  	(tag) =	ssettag $0x1  }
0x1: {  	s0 =	rddreg [dreg:$0x0];
	s2 =	srdreg.scid  }
0x2: {  	s3 =	stileid.u32;
	s1 =	rddreg [dreg:$0x1];
	s18 =	simm.s32 $0x9  }
0x3: {  	s28 =	simm.s32 $0x3;
	s29 =	simm.s32 $0x5;
	s30 =	simm.s32 $0x7  }
0x4: {  	s31 =	simm.s32 $0x4;
	s5 =	sand.u32 $0x1, s2;
	s4 =	sshll.u32 s3, $0x1  }
0x5: {  	s2 =	simm.s32 $0x0;
	s19 =	sadd.s32 $0x17200, s0;
	s15 =	sadd.s32 $0x578C00, s0  }
0x6: {  	s25 =	smul.u32 $0x27100, s3;
	p0 =	sne.s32 s3, $0x0;
	s3 =	simm.s32 $0x8  }
0x7: {  	s6 =	sor.u32 s5, s4;
	[smem:$0x7FF] =	sst s2;
	s4 =	sadd.s32 $0x3E400, s0  }
0x8: {  	s8 =	ssub.s32 $0x2, s5;
	s14 =	smul.u32 $0x13880, s5;
	s17 =	sshrl.u32 @!p0 s1, $0x3  }
0x9: {  	s5 =	simm.s32 $0x0;
	s7 =	smul.u32 $0x1388, s6;
	_ =	strace $0x8000004A  }
0xa: {  	[dreg:$0x3] =	wrdreg s19;
	s9 =	smul.u32 $0x9C400, s6;
	s10 =	sshrl.u32 s8, $0x1  }
0xb: {  	s6 =	smul.u32 $0x13880, s6;
	s19 =	simm.s32 $0x1400;
	s8 =	ssub.s32 s8, s10  }
0xc: {  	s7 =	sshrl.u32 s7, $0x3;
	s9 =	sshrl.u32 s9, $0x3;
	s22 =	smax.u32 s8, $0x1  }
0xd: {  	s23 =	sadd.s32 s15, s6;
	s24 =	sadd.s32 $0x280, s6;
	s7 =	sadd.s32 s7, s0  }
0xe: {  	s0 =	sadd.s32 $0x7E9C00, s0;
	s21 =	sadd.s32 $0x13600, s9;
	[dreg:$0x8] =	wrdreg s22  }
0xf: {  	[dreg:$0x9] =	wrdreg s23;
	s26 =	sadd.s32 s15, s24;
	s22 =	simm.s32 $0x5000  }
0x10: {  	s23 =	simm.s32 $0x3C00;
	s20 =	sadd.s32 $0x56EC00, s7;
	s7 =	sadd.s32 $0x573C00, s7  }
0x11: {  	s9 =	sadd.s32 s15, s21;
	s6 =	sadd.s32 s0, s6;
	[dreg:$0xb] =	wrdreg s26  }
0x12: {  	s13 =	sadd.s32 s0, s24;
	s15 =	sadd.s32 s25, s15;
	[dreg:$0x4] =	wrdreg s20  }
0x13: {  	s16 =	sadd.s32 s25, s0;
	s25 =	simm.s32 $0x6400;
	[dreg:$0x5] =	wrdreg s7  }
0x14: {  	s26 =	simm.s32 $0x1;
	s24 =	simm.s32 $0x2;
	[dreg:$0x6] =	wrdreg s9  }
0x15: {  	s7 =	sadd.s32 s0, s21;
	[dreg:$0xa] =	wrdreg s6;
	s20 =	simm.s32 $0x28  }
0x16: {  	s21 =	simm.s32 $0x2800;
	s0 =	simm.s32 $0x6;
	[dreg:$0x7] =	wrdreg s7  }
.LBB2_1:
0x17: {  	s6 =	simm.s32 @!p0 $0x1C09;
	s7 =	rddreg [dreg:$0x3]  }
0x18: {  	[spmem:s17], [sflag:s6] =	dma.local @!p0 [hbm:s7], $0x27100  }
0x19: {  	s6 =	simm.s32 @!p0 $0x9  }
0x1a: {  	_ =	swait.ge @!p0 [sflag:s6], $0x27100  }
0x1b: {  	[sflag:s6] =	ssyncset.done @!p0 $0x0  }
0x1c: {  	s11 =	rddreg [dreg:$0x4];
	[sflag:s6] =	ssyncadd.s32 @!p0 $0xFFFD8F00  }
0x1d: {  	[tilespmem:s2], [sflag:$0x9] =	stream.linear.gather [hbm4b:s11+s2], $0x1388, $0x38;
	[tilespmem:$0x1B080] =	vst v63  }
0x1e: {  	_ =	swait.ge [sflag:s18], $0x1388  }
0x1f: {  	[sflag:s18] =	ssyncset.done $0x0  }
0x20: {  	s12 =	rddreg [dreg:$0x5];
	[sflag:s18] =	ssyncadd.s32 $0xFFFFEC78  }
0x21: {  	[tilespmem:s19], [sflag:$0x9] =	stream.linear.gather [hbm4b:s12+s2], $0x1388, $0x38;
	[tilespmem:$0x1B080] =	vst v63  }
0x22: {  	_ =	swait.ge [sflag:s18], $0x1388  }
0x23: {  	[sflag:s18] =	ssyncset.done $0x0  }
0x24: {  	[sflag:s18] =	ssyncadd.s32 $0xFFFFEC78  }
0x25: {  	[bflag:$0x0] =	sbarrier.arrive $0xFFFF  }
0x26: {  	[tilespmem:s21], [sflag:$0x1] =	stream.indirect.gather [spmem:s1], $0x80, s2, s20, $0xb8;
	[tilespmem:$0x1B080] =	vst v63  }
0x27: {  	_ = 	snop  }
0x28: {  	[tilespmem:s22], [sflag:$0x3] =	stream.indirect.gather [hbm4b:s4+s20], $0x80, s19, s20, $0xb8;
	[tilespmem:$0x1B080] =	vst v63  }
0x29: {  	_ = 	snop  }
0x2a: {  	[tilespmem:s23], [sflag:$0x2] =	stream.indirect.gather [spmem:s1], $0x80, s20, s20, $0xb8;
	[tilespmem:$0x1B080] =	vst v63  }
0x2b: {  	s7 =	simm.s32 $0x1428  }
0x2c: {  	[tilespmem:s25], [sflag:$0x4] =	stream.indirect.gather [hbm4b:s4+s20], $0x80, s7, s20, $0xb8;
	[tilespmem:$0x1B080] =	vst v63  }
0x2d: {  	_ =	swait.ge [sflag:s26], $0x1400  }
0x2e: {  	[sflag:s26] =	ssyncset.done $0x0  }
0x2f: {  	[sflag:s26] =	ssyncadd.s32 $0xFFFFEC00  }
0x30: {  	_ =	swait.ge [sflag:s28], $0x1400  }
0x31: {  	[sflag:s28] =	ssyncset.done $0x0  }
0x32: {  	s8 =	rddreg [dreg:$0x9];
	[sflag:s28] =	ssyncadd.s32 $0xFFFFEC00  }
0x33: {  	[hbm4b:s8+s2] =	stream.linear.scatter [tilespmem:s21], [sflag:$0x5], $0x1400, $0x38;
	[tilespmem:$0x1B080] =	vst v63  }
0x34: {  	s9 =	rddreg [dreg:$0xa]  }
0x35: {  	[hbm4b:s9+s2] =	stream.linear.scatter [tilespmem:s22], [sflag:$0x7], $0x1400, $0x38;
	[tilespmem:$0x1B080] =	vst v63  }
0x36: {  	_ =	swait.ge [sflag:s29], $0x1400  }
0x37: {  	[sflag:s29] =	ssyncset.done $0x0  }
0x38: {  	[sflag:s29] =	ssyncadd.s32 $0xFFFFEC00  }
0x39: {  	_ =	swait.ge [sflag:s30], $0x1400  }
0x3a: {  	[sflag:s30] =	ssyncset.done $0x0  }
0x3b: {  	s10 =	simm.s32 $0x50;
	[sflag:s30] =	ssyncadd.s32 $0xFFFFEC00  }
0x3c: {  	[tilespmem:s21], [sflag:$0x1] =	stream.indirect.gather [spmem:s1], $0x80, s10, s20, $0xb8;
	[tilespmem:$0x1B080] =	vst v63  }
0x3d: {  	s11 =	simm.s32 $0x1450  }
0x3e: {  	[tilespmem:s22], [sflag:$0x3] =	stream.indirect.gather [hbm4b:s4+s20], $0x80, s11, s20, $0xb8;
	[tilespmem:$0x1B080] =	vst v63  }
0x3f: {  	_ =	swait.ge [sflag:s24], $0x1400  }
0x40: {  	[sflag:s24] =	ssyncset.done $0x0  }
0x41: {  	[sflag:s24] =	ssyncadd.s32 $0xFFFFEC00  }
0x42: {  	_ =	swait.ge [sflag:s31], $0x1400  }
0x43: {  	[sflag:s31] =	ssyncset.done $0x0  }
0x44: {  	s12 =	rddreg [dreg:$0xb];
	[sflag:s31] =	ssyncadd.s32 $0xFFFFEC00  }
0x45: {  	[hbm4b:s12+s2] =	stream.linear.scatter [tilespmem:s23], [sflag:$0x6], $0x1400, $0x38;
	[tilespmem:$0x1B080] =	vst v63  }
0x46: {  	_ = 	snop  }
0x47: {  	[hbm4b:s13+s2] =	stream.linear.scatter [tilespmem:s25], [sflag:$0x8], $0x1400, $0x38;
	[tilespmem:$0x1B080] =	vst v63  }
0x48: {  	_ =	swait.ge [sflag:s0], $0x1400  }
0x49: {  	[sflag:s0] =	ssyncset.done $0x0  }
0x4a: {  	[sflag:s0] =	ssyncadd.s32 $0xFFFFEC00  }
0x4b: {  	_ =	swait.ge [sflag:s3], $0x1400  }
0x4c: {  	[sflag:s3] =	ssyncset.done $0x0  }
0x4d: {  	s7 =	simm.s32 $0x78;
	[sflag:s3] =	ssyncadd.s32 $0xFFFFEC00  }
0x4e: {  	[tilespmem:s23], [sflag:$0x2] =	stream.indirect.gather [spmem:s1], $0x80, s7, s20, $0xb8;
	[tilespmem:$0x1B080] =	vst v63  }
0x4f: {  	s8 =	simm.s32 $0x1478  }
0x50: {  	[tilespmem:s25], [sflag:$0x4] =	stream.indirect.gather [hbm4b:s4+s20], $0x80, s8, s20, $0xb8;
	[tilespmem:$0x1B080] =	vst v63  }
0x51: {  	_ =	swait.ge [sflag:s26], $0x1400  }
0x52: {  	[sflag:s26] =	ssyncset.done $0x0  }
0x53: {  	[sflag:s26] =	ssyncadd.s32 $0xFFFFEC00  }
0x54: {  	_ =	swait.ge [sflag:s28], $0x1400  }
0x55: {  	s6 =	sadd.s32 s15, s14;
	[sflag:s28] =	ssyncset.done $0x0  }
0x56: {  	s9 =	sadd.s32 $0x500, s6;
	s8 =	sadd.s32 s16, s14;
	[sflag:s28] =	ssyncadd.s32 $0xFFFFEC00  }
0x57: {  	[hbm4b:s9+s2] =	stream.linear.scatter [tilespmem:s21], [sflag:$0x5], $0x1400, $0x38;
	[tilespmem:$0x1B080] =	vst v63  }
0x58: {  	s10 =	sadd.s32 $0x500, s8  }
0x59: {  	[hbm4b:s10+s2] =	stream.linear.scatter [tilespmem:s22], [sflag:$0x7], $0x1400, $0x38;
	[tilespmem:$0x1B080] =	vst v63  }
0x5a: {  	_ =	swait.ge [sflag:s29], $0x1400  }
0x5b: {  	[sflag:s29] =	ssyncset.done $0x0  }
0x5c: {  	[sflag:s29] =	ssyncadd.s32 $0xFFFFEC00  }
0x5d: {  	_ =	swait.ge [sflag:s30], $0x1400  }
0x5e: {  	[sflag:s30] =	ssyncset.done $0x0  }
0x5f: {  	s11 =	simm.s32 $0xA0;
	[sflag:s30] =	ssyncadd.s32 $0xFFFFEC00  }
0x60: {  	[tilespmem:s21], [sflag:$0x1] =	stream.indirect.gather [spmem:s1], $0x80, s11, s20, $0xb8;
	[tilespmem:$0x1B080] =	vst v63  }
0x61: {  	s12 =	simm.s32 $0x14A0  }
0x62: {  	[tilespmem:s22], [sflag:$0x3] =	stream.indirect.gather [hbm4b:s4+s20], $0x80, s12, s20, $0xb8;
	[tilespmem:$0x1B080] =	vst v63  }
0x63: {  	_ =	swait.ge [sflag:s24], $0x1400  }
0x64: {  	[sflag:s24] =	ssyncset.done $0x0  }
0x65: {  	[sflag:s24] =	ssyncadd.s32 $0xFFFFEC00  }
0x66: {  	_ =	swait.ge [sflag:s31], $0x1400  }
0x67: {  	[sflag:s31] =	ssyncset.done $0x0  }
0x68: {  	s6 =	sadd.s32 $0x780, s6;
	s7 =	sadd.s32 $0x500, s15;
	[sflag:s31] =	ssyncadd.s32 $0xFFFFEC00  }
0x69: {  	[hbm4b:s6+s2] =	stream.linear.scatter [tilespmem:s23], [sflag:$0x6], $0x1400, $0x38;
	[tilespmem:$0x1B080] =	vst v63  }
0x6a: {  	s9 =	sadd.s32 $0x780, s8;
	s8 =	sadd.s32 $0x500, s16;
	s6 =	simm.s32 $0x140  }
.LBB2_2:
0x6b: {  	[hbm4b:s9+s2] =	stream.linear.scatter [tilespmem:s25], [sflag:$0x8], $0x1400, $0x38;
	[tilespmem:$0x1B080] =	vst v63  }
0x6c: {  	s9 =	smov.u32 s6  }
0x6d: {  	p1 =	sne.s32 s6, $0x4B00;
	s6 =	sadd.s32 $0x140, s6;
	_ =	swait.ge [sflag:s0], $0x1400  }
0x6e: {  	[sflag:s0] =	ssyncset.done $0x0  }
0x6f: {  	[sflag:s0] =	ssyncadd.s32 $0xFFFFEC00  }
0x70: {  	_ =	swait.ge [sflag:s3], $0x1400  }
0x71: {  	s9 =	sshra.s32 s9, $0x2;
	[sflag:s3] =	ssyncset.done $0x0  }
0x72: {  	s10 =	sadd.s32 $0x78, s9;
	[sflag:s3] =	ssyncadd.s32 $0xFFFFEC00  }
0x73: {  	[tilespmem:s23], [sflag:$0x2] =	stream.indirect.gather [spmem:s1], $0x80, s10, s20, $0xb8;
	[tilespmem:$0x1B080] =	vst v63  }
0x74: {  	s10 =	sadd.s32 $0x1478, s9  }
0x75: {  	[tilespmem:s25], [sflag:$0x4] =	stream.indirect.gather [hbm4b:s4+s20], $0x80, s10, s20, $0xb8;
	[tilespmem:$0x1B080] =	vst v63  }
0x76: {  	_ =	swait.ge [sflag:s26], $0x1400  }
0x77: {  	[sflag:s26] =	ssyncset.done $0x0  }
0x78: {  	[sflag:s26] =	ssyncadd.s32 $0xFFFFEC00  }
0x79: {  	_ =	swait.ge [sflag:s28], $0x1400  }
0x7a: {  	s10 =	sadd.s32 s7, s14;
	[sflag:s28] =	ssyncset.done $0x0  }
0x7b: {  	s12 =	sadd.s32 s8, s14;
	s11 =	sadd.s32 $0x500, s10;
	[sflag:s28] =	ssyncadd.s32 $0xFFFFEC00  }
0x7c: {  	[hbm4b:s11+s2] =	stream.linear.scatter [tilespmem:s21], [sflag:$0x5], $0x1400, $0x38;
	[tilespmem:$0x1B080] =	vst v63  }
0x7d: {  	s11 =	sadd.s32 $0x500, s12  }
0x7e: {  	[hbm4b:s11+s2] =	stream.linear.scatter [tilespmem:s22], [sflag:$0x7], $0x1400, $0x38;
	[tilespmem:$0x1B080] =	vst v63  }
0x7f: {  	_ =	swait.ge [sflag:s29], $0x1400  }
0x80: {  	[sflag:s29] =	ssyncset.done $0x0  }
0x81: {  	[sflag:s29] =	ssyncadd.s32 $0xFFFFEC00  }
0x82: {  	_ =	swait.ge [sflag:s30], $0x1400  }
0x83: {  	[sflag:s30] =	ssyncset.done $0x0  }
0x84: {  	s11 =	sadd.s32 $0xA0, s9;
	[sflag:s30] =	ssyncadd.s32 $0xFFFFEC00  }
0x85: {  	[tilespmem:s21], [sflag:$0x1] =	stream.indirect.gather [spmem:s1], $0x80, s11, s20, $0xb8;
	[tilespmem:$0x1B080] =	vst v63  }
0x86: {  	s9 =	sadd.s32 $0x14A0, s9  }
0x87: {  	[tilespmem:s22], [sflag:$0x3] =	stream.indirect.gather [hbm4b:s4+s20], $0x80, s9, s20, $0xb8;
	[tilespmem:$0x1B080] =	vst v63  }
0x88: {  	_ =	swait.ge [sflag:s24], $0x1400  }
0x89: {  	[sflag:s24] =	ssyncset.done $0x0  }
0x8a: {  	[sflag:s24] =	ssyncadd.s32 $0xFFFFEC00  }
.Ltmp0:
0x8b: {  	_ =	swait.ge [sflag:s31], $0x1400;
	(pc) =	sbr.rel @p1 .LBB2_2-.Ltmp0, $4  }
0x8c: {  	[sflag:s31] =	ssyncset.done $0x0  }
0x8d: {  	s9 =	sadd.s32 $0x780, s10;
	[sflag:s31] =	ssyncadd.s32 $0xFFFFEC00  }
0x8e: {  	[hbm4b:s9+s2] =	stream.linear.scatter [tilespmem:s23], [sflag:$0x6], $0x1400, $0x38;
	[tilespmem:$0x1B080] =	vst v63  }
0x8f: {  	s8 =	sadd.s32 $0x500, s8;
	s7 =	sadd.s32 $0x500, s7;
	s9 =	sadd.s32 $0x780, s12  }
0x90: {  	[hbm4b:s9+s2] =	stream.linear.scatter [tilespmem:s25], [sflag:$0x8], $0x1400, $0x38;
	[tilespmem:$0x1B080] =	vst v63  }
0x91: {  	_ =	swait.ge [sflag:s26], $0x1400  }
0x92: {  	[sflag:s26] =	ssyncset.done $0x0  }
0x93: {  	[sflag:s26] =	ssyncadd.s32 $0xFFFFEC00  }
0x94: {  	_ =	swait.ge [sflag:s28], $0x1400  }
0x95: {  	[sflag:s28] =	ssyncset.done $0x0  }
0x96: {  	s6 =	rddreg [dreg:$0x6];
	[sflag:s28] =	ssyncadd.s32 $0xFFFFEC00  }
0x97: {  	[hbm4b:s6+s2] =	stream.linear.scatter [tilespmem:s21], [sflag:$0x5], $0x1400, $0x38;
	[tilespmem:$0x1B080] =	vst v63  }
0x98: {  	s11 =	rddreg [dreg:$0x7]  }
0x99: {  	[hbm4b:s11+s2] =	stream.linear.scatter [tilespmem:s22], [sflag:$0x7], $0x1400, $0x38;
	[tilespmem:$0x1B080] =	vst v63  }
0x9a: {  	_ =	swait.ge [sflag:s0], $0x1400  }
0x9b: {  	[sflag:s0] =	ssyncset.done $0x0  }
0x9c: {  	[sflag:s0] =	ssyncadd.s32 $0xFFFFEC00  }
0x9d: {  	_ =	swait.ge [sflag:s3], $0x1400  }
0x9e: {  	[sflag:s3] =	ssyncset.done $0x0  }
0x9f: {  	[sflag:s3] =	ssyncadd.s32 $0xFFFFEC00  }
0xa0: {  	_ =	swait.ge [sflag:s29], $0x1400  }
0xa1: {  	[sflag:s29] =	ssyncset.done $0x0  }
0xa2: {  	[sflag:s29] =	ssyncadd.s32 $0xFFFFEC00  }
0xa3: {  	_ =	swait.ge [sflag:s30], $0x1400  }
0xa4: {  	s5 =	sadd.s32 $0x1, s5;
	s12 =	rddreg [dreg:$0x8]  }
0xa5: {  	p1 =	sne.s32 s5, s12  }
.Ltmp1:
0xa6: {  	_ = 	snop;
	(pc) =	sbr.rel @p1 .LBB2_1-.Ltmp1, $3  }
0xa7: {  	_ =	sdelay $0x1  }
0xa8: {  	[sflag:s30] =	ssyncset.done $0x0  }
0xa9: {  	[sflag:s30] =	ssyncadd.s32 $0xFFFFEC00  }
0xaa: {  	_ =	sfence.sel $0x180000  }
0xab: {  	[bflag:$0x0] =	sbarrier.arrive $0xFFFF  }
0xac: {  	_ =	strace $0x9000004A  }
0xad: {  	[bflag:$0x2] =	sbarrier.arrive $0xFFFF  }
0xae: {  	s0 =	rddreg [dreg:$0x2]  }
0xaf: {  	s0 =	sadd.s32 @!p0 $0x100000, s0  }
0xb0: {  	[sflag:s0] =	ssyncadd.tile.s32 @!p0 $0x1;
	_ =	shalt  }
.Lfunc_end2:
_tile_overlayer_lowered:
.L_overlay_start_2:
0xb1: {  	(tag) =	ssettag $0x2  }
0xb2: {  	s0 =	rddreg [dreg:$0x0];
	s2 =	stileid.u32  }
0xb3: {  	s1 =	rddreg [dreg:$0x1];
	p0 =	sne.s32 s2, $0x0  }
0xb4: {  	s3 =	rddreg [dreg:$0x2];
	[bflag:$0x3] =	sbarrier.arrive $0xFFFF;
	s2 =	simm.s32 @!p0 $0x1C09  }
0xb5: {  	[timem:s3], [sflag:s2] =	dma.local @!p0 [hbm:s0], s1  }
0xb6: {  	s0 =	simm.s32 @!p0 $0x9  }
0xb7: {  	_ =	swait.ge @!p0 [sflag:s0], s1  }
0xb8: {  	s1 =	ssub.s32 @!p0 $0x0, s1;
	[sflag:s0] =	ssyncset.done @!p0 $0x0  }
0xb9: {  	[sflag:s0] =	ssyncadd.s32 @!p0 s1  }
0xba: {  	[bflag:$0x3] =	sbarrier.arrive $0xFFFF  }
0xbb: {  	_ =	shalt  }

// kernel: kernel.22.cloned.1.call-start
scs
__scs_entry_jumppad:
0x0: {  	(pc) =	sbr.rel $0x88, $3  }
0x1: {  	(tag) =	ssettag $0x0;
	lr =	simm.s32 $0x1  }
0x2: {  	[smem:$0x3F80] =	sst lr;
	_ =	strace $0xD0000000  }
0x3: {  	_ = 	snop  }
0x4: {  	_ = 	snop  }
0x5: {  	_ = 	snop  }
0x6: {  	_ = 	snop  }
0x7: {  	_ = 	snop  }
__scs_overlays_trampoline_lowered:
0x8: {  	[smem:$0x3F8F] =	sst s0  }
0x9: {  	[smem:$0x3F90] =	sst s1  }
0xa: {  	[smem:$0x3F91] =	sst s2  }
0xb: {  	[smem:$0x3F92] =	sst s3  }
0xc: {  	[smem:$0x3F93] =	sst s4  }
0xd: {  	[smem:$0x3F94] =	sst s5  }
0xe: {  	[smem:$0x3F95] =	sst s6  }
0xf: {  	[smem:$0x3F96] =	sst s7  }
0x10: {  	[smem:$0x3F97] =	sst s8  }
0x11: {  	[smem:$0x3F98] =	sst s9;
	s0 =	simm.s32 @!p0 $0x0  }
0x12: {  	s1 =	sld [smem:$0x3F7E];
	s0 =	simm.s32 @p0 $0x1  }
0x13: {  	[smem:$0x3F99] =	sst s0;
	s0 =	simm.s32 @!p1 $0x0  }
0x14: {  	s2 =	sld [smem:$0x3F7D];
	s0 =	simm.s32 @p1 $0x1  }
0x15: {  	[smem:$0x3F9A] =	sst s0;
	s0 =	simm.s32 @!p2 $0x0  }
0x16: {  	s3 =	sld [smem:$0x3FDB];
	s0 =	simm.s32 @p2 $0x1  }
0x17: {  	s4 =	simm.s32 $0x1BF5;
	[smem:$0x3F9C] =	sst s0  }
0x18: {  	s0 =	sld [smem:$0x3F7F];
	_ =	swait.ge [sflag:s4], $0x0  }
0x19: {  	s7 =	sld [smem:$0x3F80]  }
0x1a: {  	s8 =	sadd.s32 $0xFFFFE003, lr  }
0x1b: {  	s9 =	sadd.s32 $0xFFFFFEF7, lr;
	s5 =	simm.s32 $0xFFFFFFFF;
	p2 =	slt.u32 s8, $0xFFFFF086  }
0x1c: {  	p1 =	slt.u32 s9, $0xF7A;
	s5 =	simm.s32 @!p2 $0x0  }
0x1d: {  	s5 =	simm.s32 @p1 $0x1;
	p0 =	seq.s32 s7, s2  }
0x1e: {  	s7 =	smul.u32 @!p0 $0xF7A, s2;
	p2 =	seq.s32 @!p0 s5, $0x0  }
0x1f: {  	s9 =	smul.u32 $0xF7A, s1;
	s8 =	simm.s32 @!p0 $0x1BF5;
	p2 =	por !p2, p0  }
0x20: {  	[sflag:s8] =	ssyncset.s32 @!p0 $0xFFFFF086;
	s6 =	sadd.s32 @!p0 s3, s7;
	s7 =	simm.s32 @!p0 $0x108  }
0x21: {  	s3 =	sadd.s32 s3, s9;
	s6 =	sadd.s32 @!p0 $0x88, s6;
	s7 =	simm.s32 @p2 $0x1082  }
0x22: {  	[simem:s7], [sflag:s8] =	dma.local @!p0 [hbm:s6], $0xF7A  }
0x23: {  	s9 =	sor.u32 $0xD0000000, s2;
	s6 =	simm.s32 $0x108;
	_ =	swait.ge @!p0 [sflag:s8], $0x0  }
0x24: {  	s3 =	sadd.s32 $0x88, s3;
	s6 =	simm.s32 @!p1 $0x1082;
	[sflag:s4] =	ssyncset.s32 $0xFFFFF086  }
0x25: {  	[simem:s6], [sflag:s4] =	dma.local [hbm:s3], $0xF7A  }
0x26: {  	[smem:$0x3F80] =	sst s1;
	(tag) =	ssettag s2;
	_ =	strace s9  }
0x27: {  	s1 =	sld [smem:$0x3F90]  }
0x28: {  	s2 =	sld [smem:$0x3F91]  }
0x29: {  	s4 =	sld [smem:$0x3F93]  }
0x2a: {  	p0 =	seq.s32 s5, $0x0;
	s5 =	sld [smem:$0x3F94]  }
0x2b: {  	s6 =	sld [smem:$0x3F95]  }
0x2c: {  	s7 =	sld [smem:$0x3F96]  }
0x2d: {  	s3 =	simm.s32 $0x108;
	s8 =	sld [smem:$0x3F97]  }
0x2e: {  	s3 =	simm.s32 @!p0 $0x1082;
	s9 =	sld [smem:$0x3F98]  }
0x2f: {  	lr =	sadd.s32 s0, s3;
	s0 =	sld [smem:$0x3F8F]  }
0x30: {  	s3 =	sld [smem:$0x3F92]  }
0x31: {  	[smem:$0x3F9B] =	sst s10  }
0x32: {  	s10 =	sld [smem:$0x3F99];
	_ =	sdelay $0x3  }
0x33: {  	p0 =	seq.s32 s10, $0x1;
	s10 =	sld [smem:$0x3F9B];
	_ =	sdelay $0x3  }
0x34: {  	[smem:$0x3F9B] =	sst s10  }
0x35: {  	s10 =	sld [smem:$0x3F9A];
	_ =	sdelay $0x3  }
0x36: {  	p1 =	seq.s32 s10, $0x1;
	s10 =	sld [smem:$0x3F9B];
	_ =	sdelay $0x3  }
0x37: {  	[smem:$0x3F9B] =	sst s10  }
0x38: {  	s10 =	sld [smem:$0x3F9C]  }
0x39: {  	_ = 	snop;
	(pc) =	sbr.ind lr, $3  }
0x3a: {  	_ = 	snop  }
0x3b: {  	_ = 	snop  }
0x3c: {  	p2 =	seq.s32 s10, $0x1;
	s10 =	sld [smem:$0x3F9B]  }
0x3d: {  	_ =	shalt  }
0x3e: {  	_ =	shalt  }
0x3f: {  	_ =	shalt  }
0x40: {  	_ =	shalt  }
0x41: {  	_ =	shalt  }
0x42: {  	_ =	shalt  }
0x43: {  	_ =	shalt  }
0x44: {  	_ =	shalt  }
0x45: {  	_ =	shalt  }
0x46: {  	_ =	shalt  }
0x47: {  	_ =	shalt  }
0x48: {  	_ =	shalt  }
0x49: {  	_ =	shalt  }
0x4a: {  	_ =	shalt  }
0x4b: {  	_ =	shalt  }
0x4c: {  	_ =	shalt  }
0x4d: {  	_ =	shalt  }
0x4e: {  	_ =	shalt  }
0x4f: {  	_ =	shalt  }
0x50: {  	_ =	shalt  }
0x51: {  	_ =	shalt  }
0x52: {  	_ =	shalt  }
0x53: {  	_ =	shalt  }
0x54: {  	_ =	shalt  }
0x55: {  	_ =	shalt  }
0x56: {  	_ =	shalt  }
0x57: {  	_ =	shalt  }
0x58: {  	_ =	shalt  }
0x59: {  	_ =	shalt  }
0x5a: {  	_ =	shalt  }
0x5b: {  	_ =	shalt  }
0x5c: {  	_ =	shalt  }
0x5d: {  	_ =	shalt  }
0x5e: {  	_ =	shalt  }
0x5f: {  	_ =	shalt  }
0x60: {  	_ =	shalt  }
0x61: {  	_ =	shalt  }
0x62: {  	_ =	shalt  }
0x63: {  	_ =	shalt  }
0x64: {  	_ =	shalt  }
0x65: {  	_ =	shalt  }
0x66: {  	_ =	shalt  }
0x67: {  	_ =	shalt  }
0x68: {  	_ =	shalt  }
0x69: {  	_ =	shalt  }
0x6a: {  	_ =	shalt  }
0x6b: {  	_ =	shalt  }
0x6c: {  	_ =	shalt  }
0x6d: {  	_ =	shalt  }
0x6e: {  	_ =	shalt  }
0x6f: {  	_ =	shalt  }
0x70: {  	_ =	shalt  }
0x71: {  	_ =	shalt  }
0x72: {  	_ =	shalt  }
0x73: {  	_ =	shalt  }
0x74: {  	_ =	shalt  }
0x75: {  	_ =	shalt  }
0x76: {  	_ =	shalt  }
0x77: {  	_ =	shalt  }
0x78: {  	_ =	shalt  }
0x79: {  	_ =	shalt  }
0x7a: {  	_ =	shalt  }
0x7b: {  	_ =	shalt  }
0x7c: {  	_ =	shalt  }
0x7d: {  	_ =	shalt  }
0x7e: {  	_ =	shalt  }
0x7f: {  	_ =	shalt  }
0x80: {  	_ =	shalt  }
0x81: {  	_ =	shalt  }
0x82: {  	_ =	shalt  }
0x83: {  	_ =	shalt  }
0x84: {  	_ =	shalt  }
0x85: {  	_ =	shalt  }
0x86: {  	_ =	shalt  }
0x87: {  	_ =	shalt  }
.Lfunc_end0:
.L_simem_size_0:
called_computation.1_lowered:
.L_overlay_start_0:
0x88: {  	s2 =	sld [smem:$0x3FD9]  }
0x89: {  	s3 =	sld [smem:$0x3FFE];
	_ =	sdelay $0x1  }
0x8a: {  	s1 =	srdreg.scid  }
0x8b: {  	s0 =	sand.u32 $0x1, s1  }
0x8c: {  	s16 =	sshll.u32 s0, $0xA;
	s2 =	sadd.s32 s3, s2  }
0x8d: {  	s2 =	sadd.s32 s2, s16  }
0x8e: {  	[smem:$0x3FA7] =	sst s2  }
0x8f: {  	_ = 	snop  }
0x90: {  	(tm) =	ssettm $0x1  }
0x91: {  	s17 =	sld [smem:$0x3FFB];
	_ =	sdelay $0x3  }
0x92: {  	_ =	strace s17  }
0x93: {  	s2 =	sld [smem:$0x3FFC];
	_ =	sdelay $0x3  }
0x94: {  	_ =	strace s2  }
0x95: {  	s2 =	sld [smem:$0x3FFD];
	_ =	sdelay $0x3  }
0x96: {  	_ =	strace s2  }
0x97: {  	_ =	strace $0x8FFFFFFF  }
0x98: {  	s18 =	sld [smem:$0x3FDB];
	_ =	sdelay $0x1  }
0x99: {  	s19 =	simm.s32 $_scs_section_size  }
0x9a: {  	s4 =	simm.s32 $_size__tile_overlayer_lowered;
	s5 =	simm.s32 $_tile_overlayer_lowered  }
0x9b: {  	s22 =	simm.s32 $0x1BFF;
	s21 =	sshll.u32 s5, $0x1;
	s2 =	sadd.s32 s19, s18  }
0x9c: {  	s6 =	simm.s32 $0x0;
	s20 =	sshll.u32 s4, $0x1;
	s4 =	sadd.s32 s21, s2  }
0x9d: {  	[timem:s6], [sflag:s22] =	dma.local [hbm:s4], s20  }
0x9e: {  	_ =	swait.ge [sflag:s22], s20  }
0x9f: {  	s3 =	ssub.s32 $0x0, s20;
	[sflag:s22] =	ssyncset.done $0x0  }
0xa0: {  	[sflag:s22] =	ssyncadd.s32 s3;
	_ =	sdelay $0x1  }
0xa1: {  	s23 =	simm.s32 $0x1B8B  }
0xa2: {  	_ =	swait.ge [sflag:s23], $0x1  }
0xa3: {  	[sflag:s23] =	ssyncset.done $0x0  }
0xa4: {  	s25 =	simm.s32 $0x1B8E;
	s24 =	sld [smem:$0x3FFE];
	[sflag:s23] =	ssyncadd.s32 $0xFFFFFFFF  }
0xa5: {  	s26 =	simm.s32 $execute0_lowered;
	[smem:$0x3FD2] =	sst s25  }
0xa6: {  	s4 =	sshll.u32 s26, $0x1;
	_ =	strace $0x80000046;
	[dreg:$0x1] =	wrdreg $0xFFFFFFFF  }
0xa7: {  	s28 =	simm.s32 $_size_execute0_lowered;
	s2 =	sadd.s32 s2, s4;
	[dreg:$0x0] =	wrdreg $0x0  }
0xa8: {  	s4 =	sshll.u32 s28, $0x1;
	[dreg:$0x2] =	wrdreg s2  }
0xa9: {  	[dreg:$0x3] =	wrdreg s4  }
0xaa: {  	[dreg:$0x4] =	wrdreg $0xC0  }
0xab: {  	_ =	task [dreg:s6], $0x5FFFF  }
0xac: {  	[dreg:$0x1] =	wrdreg $0xFFFFFFFF  }
0xad: {  	[dreg:$0x0] =	wrdreg $0x60  }
0xae: {  	[dreg:$0x2] =	wrdreg s24  }
0xaf: {  	[dreg:$0x3] =	wrdreg $0x78000  }
0xb0: {  	[dreg:$0x4] =	wrdreg $0xA  }
0xb1: {  	_ =	task.clear_ibuf [dreg:s6], $0x5FFFF;
	_ =	strace $0x90000046  }
0xb2: {  	s29 =	simm.s32 $0xA;
	_ =	strace $0x80000048  }
0xb3: {  	_ =	swait.ge [sflag:s29], $0x1  }
0xb4: {  	[sflag:s29] =	ssyncadd.s32 $0xFFFFFFFF  }
0xb5: {  	_ =	strace $0x90000048  }
0xb6: {  	_ =	sfence  }
0xb7: {  	s30 =	sld [smem:$0x0];
	_ =	sdelay $0x2  }
0xb8: {  	s31 =	sshll.u32 s1, $0xD;
	s1 =	sshrl.u32 s1, $0x2  }
0xb9: {  	s3 =	sand.u32 $0x4000, s31;
	s1 =	sadd.s32 s1, s30  }
0xba: {  	s0 =	sor.u32 s3, s0;
	s1 =	sshll.u32 s1, $0x11  }
0xbb: {  	s0 =	sor.u32 s1, s0  }
0xbc: {  	s0 =	sadd.s32 $0x8F2B, s0  }
0xbd: {  	[sflag:s0] =	ssyncadd.remote.s32 $0x1  }
0xbe: {  	_ =	sfence.sel $0xFFFF  }
0xbf: {  	[dreg:$0x0] =	wrdreg $0xFFFFFFFF;
	(pc) =	sbr.abs _section_cstart, $3  }
0xc0: {  	[dreg:$0x1] =	wrdreg $0xFFFFFFFF  }
0xc1: {  	_ =	task.clear_ibuf [dreg:s6], $0x2FFFF;
	_ =	strace $0x9FFFFFFF  }
0xc2: {  	(tm) =	ssettm $0x7FFFFFFF  }
0xc3: {  	_ =	shalt  }
tec
execute0_lowered:
.L_overlay_start_1:
0x0: {  	(tag) =	ssettag $0x1  }
0x1: {  	s0 =	rddreg [dreg:$0x0];
	s2 =	srdreg.scid  }
0x2: {  	s3 =	stileid.u32;
	s1 =	rddreg [dreg:$0x1];
	s18 =	simm.s32 $0x9  }
0x3: {  	s28 =	simm.s32 $0x3;
	s29 =	simm.s32 $0x5;
	s30 =	simm.s32 $0x7  }
0x4: {  	s31 =	simm.s32 $0x4;
	s5 =	sand.u32 $0x1, s2;
	s4 =	sshll.u32 s3, $0x1  }
0x5: {  	s2 =	simm.s32 $0x0;
	s19 =	sadd.s32 $0x17200, s0;
	s15 =	sadd.s32 $0x8CC00, s0  }
0x6: {  	s25 =	smul.u32 $0x27100, s3;
	p0 =	sne.s32 s3, $0x0;
	s3 =	simm.s32 $0x8  }
0x7: {  	s6 =	sor.u32 s5, s4;
	[smem:$0x7FF] =	sst s2;
	s4 =	sadd.s32 $0x3E400, s0  }
0x8: {  	s8 =	ssub.s32 $0x2, s5;
	s14 =	smul.u32 $0x13880, s5;
	s17 =	sshrl.u32 @!p0 s1, $0x3  }
0x9: {  	s5 =	simm.s32 $0x0;
	s7 =	smul.u32 $0x1388, s6;
	_ =	strace $0x80000047  }
0xa: {  	[dreg:$0x3] =	wrdreg s19;
	s9 =	smul.u32 $0x9C400, s6;
	s10 =	sshrl.u32 s8, $0x1  }
0xb: {  	s6 =	smul.u32 $0x13880, s6;
	s19 =	simm.s32 $0x1400;
	s8 =	ssub.s32 s8, s10  }
0xc: {  	s7 =	sshrl.u32 s7, $0x3;
	s9 =	sshrl.u32 s9, $0x3;
	s22 =	smax.u32 s8, $0x1  }
0xd: {  	s23 =	sadd.s32 s15, s6;
	s24 =	sadd.s32 $0x280, s6;
	s7 =	sadd.s32 s7, s0  }
0xe: {  	s0 =	sadd.s32 $0x2FDC00, s0;
	s21 =	sadd.s32 $0x13600, s9;
	[dreg:$0x8] =	wrdreg s22  }
0xf: {  	[dreg:$0x9] =	wrdreg s23;
	s26 =	sadd.s32 s15, s24;
	s22 =	simm.s32 $0x5000  }
0x10: {  	s23 =	simm.s32 $0x3C00;
	s20 =	sadd.s32 $0x12200, s7;
	s7 =	sadd.s32 $0xD200, s7  }
0x11: {  	s9 =	sadd.s32 s15, s21;
	s6 =	sadd.s32 s0, s6;
	[dreg:$0xb] =	wrdreg s26  }
0x12: {  	s13 =	sadd.s32 s0, s24;
	s15 =	sadd.s32 s25, s15;
	[dreg:$0x4] =	wrdreg s20  }
0x13: {  	s16 =	sadd.s32 s25, s0;
	s25 =	simm.s32 $0x6400;
	[dreg:$0x5] =	wrdreg s7  }
0x14: {  	s26 =	simm.s32 $0x1;
	s24 =	simm.s32 $0x2;
	[dreg:$0x6] =	wrdreg s9  }
0x15: {  	s7 =	sadd.s32 s0, s21;
	[dreg:$0xa] =	wrdreg s6;
	s20 =	simm.s32 $0x28  }
0x16: {  	s21 =	simm.s32 $0x2800;
	s0 =	simm.s32 $0x6;
	[dreg:$0x7] =	wrdreg s7  }
.LBB2_1:
0x17: {  	s6 =	simm.s32 @!p0 $0x1C09;
	s7 =	rddreg [dreg:$0x3]  }
0x18: {  	[spmem:s17], [sflag:s6] =	dma.local @!p0 [hbm:s7], $0x27100  }
0x19: {  	s6 =	simm.s32 @!p0 $0x9  }
0x1a: {  	_ =	swait.ge @!p0 [sflag:s6], $0x27100  }
0x1b: {  	[sflag:s6] =	ssyncset.done @!p0 $0x0  }
0x1c: {  	s11 =	rddreg [dreg:$0x4];
	[sflag:s6] =	ssyncadd.s32 @!p0 $0xFFFD8F00  }
0x1d: {  	[tilespmem:s2], [sflag:$0x9] =	stream.linear.gather [hbm4b:s11+s2], $0x1388, $0x38;
	[tilespmem:$0x1B080] =	vst v63  }
0x1e: {  	_ =	swait.ge [sflag:s18], $0x1388  }
0x1f: {  	[sflag:s18] =	ssyncset.done $0x0  }
0x20: {  	s12 =	rddreg [dreg:$0x5];
	[sflag:s18] =	ssyncadd.s32 $0xFFFFEC78  }
0x21: {  	[tilespmem:s19], [sflag:$0x9] =	stream.linear.gather [hbm4b:s12+s2], $0x1388, $0x38;
	[tilespmem:$0x1B080] =	vst v63  }
0x22: {  	_ =	swait.ge [sflag:s18], $0x1388  }
0x23: {  	[sflag:s18] =	ssyncset.done $0x0  }
0x24: {  	[sflag:s18] =	ssyncadd.s32 $0xFFFFEC78  }
0x25: {  	[bflag:$0x0] =	sbarrier.arrive $0xFFFF  }
0x26: {  	[tilespmem:s21], [sflag:$0x1] =	stream.indirect.gather [spmem:s1], $0x80, s2, s20, $0xb8;
	[tilespmem:$0x1B080] =	vst v63  }
0x27: {  	_ = 	snop  }
0x28: {  	[tilespmem:s22], [sflag:$0x3] =	stream.indirect.gather [hbm4b:s4+s20], $0x80, s19, s20, $0xb8;
	[tilespmem:$0x1B080] =	vst v63  }
0x29: {  	_ = 	snop  }
0x2a: {  	[tilespmem:s23], [sflag:$0x2] =	stream.indirect.gather [spmem:s1], $0x80, s20, s20, $0xb8;
	[tilespmem:$0x1B080] =	vst v63  }
0x2b: {  	s7 =	simm.s32 $0x1428  }
0x2c: {  	[tilespmem:s25], [sflag:$0x4] =	stream.indirect.gather [hbm4b:s4+s20], $0x80, s7, s20, $0xb8;
	[tilespmem:$0x1B080] =	vst v63  }
0x2d: {  	_ =	swait.ge [sflag:s26], $0x1400  }
0x2e: {  	[sflag:s26] =	ssyncset.done $0x0  }
0x2f: {  	[sflag:s26] =	ssyncadd.s32 $0xFFFFEC00  }
0x30: {  	_ =	swait.ge [sflag:s28], $0x1400  }
0x31: {  	[sflag:s28] =	ssyncset.done $0x0  }
0x32: {  	s8 =	rddreg [dreg:$0x9];
	[sflag:s28] =	ssyncadd.s32 $0xFFFFEC00  }
0x33: {  	[hbm4b:s8+s2] =	stream.linear.scatter [tilespmem:s21], [sflag:$0x5], $0x1400, $0x38;
	[tilespmem:$0x1B080] =	vst v63  }
0x34: {  	s9 =	rddreg [dreg:$0xa]  }
0x35: {  	[hbm4b:s9+s2] =	stream.linear.scatter [tilespmem:s22], [sflag:$0x7], $0x1400, $0x38;
	[tilespmem:$0x1B080] =	vst v63  }
0x36: {  	_ =	swait.ge [sflag:s29], $0x1400  }
0x37: {  	[sflag:s29] =	ssyncset.done $0x0  }
0x38: {  	[sflag:s29] =	ssyncadd.s32 $0xFFFFEC00  }
0x39: {  	_ =	swait.ge [sflag:s30], $0x1400  }
0x3a: {  	[sflag:s30] =	ssyncset.done $0x0  }
0x3b: {  	s10 =	simm.s32 $0x50;
	[sflag:s30] =	ssyncadd.s32 $0xFFFFEC00  }
0x3c: {  	[tilespmem:s21], [sflag:$0x1] =	stream.indirect.gather [spmem:s1], $0x80, s10, s20, $0xb8;
	[tilespmem:$0x1B080] =	vst v63  }
0x3d: {  	s11 =	simm.s32 $0x1450  }
0x3e: {  	[tilespmem:s22], [sflag:$0x3] =	stream.indirect.gather [hbm4b:s4+s20], $0x80, s11, s20, $0xb8;
	[tilespmem:$0x1B080] =	vst v63  }
0x3f: {  	_ =	swait.ge [sflag:s24], $0x1400  }
0x40: {  	[sflag:s24] =	ssyncset.done $0x0  }
0x41: {  	[sflag:s24] =	ssyncadd.s32 $0xFFFFEC00  }
0x42: {  	_ =	swait.ge [sflag:s31], $0x1400  }
0x43: {  	[sflag:s31] =	ssyncset.done $0x0  }
0x44: {  	s12 =	rddreg [dreg:$0xb];
	[sflag:s31] =	ssyncadd.s32 $0xFFFFEC00  }
0x45: {  	[hbm4b:s12+s2] =	stream.linear.scatter [tilespmem:s23], [sflag:$0x6], $0x1400, $0x38;
	[tilespmem:$0x1B080] =	vst v63  }
0x46: {  	_ = 	snop  }
0x47: {  	[hbm4b:s13+s2] =	stream.linear.scatter [tilespmem:s25], [sflag:$0x8], $0x1400, $0x38;
	[tilespmem:$0x1B080] =	vst v63  }
0x48: {  	_ =	swait.ge [sflag:s0], $0x1400  }
0x49: {  	[sflag:s0] =	ssyncset.done $0x0  }
0x4a: {  	[sflag:s0] =	ssyncadd.s32 $0xFFFFEC00  }
0x4b: {  	_ =	swait.ge [sflag:s3], $0x1400  }
0x4c: {  	[sflag:s3] =	ssyncset.done $0x0  }
0x4d: {  	s7 =	simm.s32 $0x78;
	[sflag:s3] =	ssyncadd.s32 $0xFFFFEC00  }
0x4e: {  	[tilespmem:s23], [sflag:$0x2] =	stream.indirect.gather [spmem:s1], $0x80, s7, s20, $0xb8;
	[tilespmem:$0x1B080] =	vst v63  }
0x4f: {  	s8 =	simm.s32 $0x1478  }
0x50: {  	[tilespmem:s25], [sflag:$0x4] =	stream.indirect.gather [hbm4b:s4+s20], $0x80, s8, s20, $0xb8;
	[tilespmem:$0x1B080] =	vst v63  }
0x51: {  	_ =	swait.ge [sflag:s26], $0x1400  }
0x52: {  	[sflag:s26] =	ssyncset.done $0x0  }
0x53: {  	[sflag:s26] =	ssyncadd.s32 $0xFFFFEC00  }
0x54: {  	_ =	swait.ge [sflag:s28], $0x1400  }
0x55: {  	s6 =	sadd.s32 s15, s14;
	[sflag:s28] =	ssyncset.done $0x0  }
0x56: {  	s9 =	sadd.s32 $0x500, s6;
	s8 =	sadd.s32 s16, s14;
	[sflag:s28] =	ssyncadd.s32 $0xFFFFEC00  }
0x57: {  	[hbm4b:s9+s2] =	stream.linear.scatter [tilespmem:s21], [sflag:$0x5], $0x1400, $0x38;
	[tilespmem:$0x1B080] =	vst v63  }
0x58: {  	s10 =	sadd.s32 $0x500, s8  }
0x59: {  	[hbm4b:s10+s2] =	stream.linear.scatter [tilespmem:s22], [sflag:$0x7], $0x1400, $0x38;
	[tilespmem:$0x1B080] =	vst v63  }
0x5a: {  	_ =	swait.ge [sflag:s29], $0x1400  }
0x5b: {  	[sflag:s29] =	ssyncset.done $0x0  }
0x5c: {  	[sflag:s29] =	ssyncadd.s32 $0xFFFFEC00  }
0x5d: {  	_ =	swait.ge [sflag:s30], $0x1400  }
0x5e: {  	[sflag:s30] =	ssyncset.done $0x0  }
0x5f: {  	s11 =	simm.s32 $0xA0;
	[sflag:s30] =	ssyncadd.s32 $0xFFFFEC00  }
0x60: {  	[tilespmem:s21], [sflag:$0x1] =	stream.indirect.gather [spmem:s1], $0x80, s11, s20, $0xb8;
	[tilespmem:$0x1B080] =	vst v63  }
0x61: {  	s12 =	simm.s32 $0x14A0  }
0x62: {  	[tilespmem:s22], [sflag:$0x3] =	stream.indirect.gather [hbm4b:s4+s20], $0x80, s12, s20, $0xb8;
	[tilespmem:$0x1B080] =	vst v63  }
0x63: {  	_ =	swait.ge [sflag:s24], $0x1400  }
0x64: {  	[sflag:s24] =	ssyncset.done $0x0  }
0x65: {  	[sflag:s24] =	ssyncadd.s32 $0xFFFFEC00  }
0x66: {  	_ =	swait.ge [sflag:s31], $0x1400  }
0x67: {  	[sflag:s31] =	ssyncset.done $0x0  }
0x68: {  	s6 =	sadd.s32 $0x780, s6;
	s7 =	sadd.s32 $0x500, s15;
	[sflag:s31] =	ssyncadd.s32 $0xFFFFEC00  }
0x69: {  	[hbm4b:s6+s2] =	stream.linear.scatter [tilespmem:s23], [sflag:$0x6], $0x1400, $0x38;
	[tilespmem:$0x1B080] =	vst v63  }
0x6a: {  	s9 =	sadd.s32 $0x780, s8;
	s8 =	sadd.s32 $0x500, s16;
	s6 =	simm.s32 $0x140  }
.LBB2_2:
0x6b: {  	[hbm4b:s9+s2] =	stream.linear.scatter [tilespmem:s25], [sflag:$0x8], $0x1400, $0x38;
	[tilespmem:$0x1B080] =	vst v63  }
0x6c: {  	s9 =	smov.u32 s6  }
0x6d: {  	p1 =	sne.s32 s6, $0x4B00;
	s6 =	sadd.s32 $0x140, s6;
	_ =	swait.ge [sflag:s0], $0x1400  }
0x6e: {  	[sflag:s0] =	ssyncset.done $0x0  }
0x6f: {  	[sflag:s0] =	ssyncadd.s32 $0xFFFFEC00  }
0x70: {  	_ =	swait.ge [sflag:s3], $0x1400  }
0x71: {  	s9 =	sshra.s32 s9, $0x2;
	[sflag:s3] =	ssyncset.done $0x0  }
0x72: {  	s10 =	sadd.s32 $0x78, s9;
	[sflag:s3] =	ssyncadd.s32 $0xFFFFEC00  }
0x73: {  	[tilespmem:s23], [sflag:$0x2] =	stream.indirect.gather [spmem:s1], $0x80, s10, s20, $0xb8;
	[tilespmem:$0x1B080] =	vst v63  }
0x74: {  	s10 =	sadd.s32 $0x1478, s9  }
0x75: {  	[tilespmem:s25], [sflag:$0x4] =	stream.indirect.gather [hbm4b:s4+s20], $0x80, s10, s20, $0xb8;
	[tilespmem:$0x1B080] =	vst v63  }
0x76: {  	_ =	swait.ge [sflag:s26], $0x1400  }
0x77: {  	[sflag:s26] =	ssyncset.done $0x0  }
0x78: {  	[sflag:s26] =	ssyncadd.s32 $0xFFFFEC00  }
0x79: {  	_ =	swait.ge [sflag:s28], $0x1400  }
0x7a: {  	s10 =	sadd.s32 s7, s14;
	[sflag:s28] =	ssyncset.done $0x0  }
0x7b: {  	s12 =	sadd.s32 s8, s14;
	s11 =	sadd.s32 $0x500, s10;
	[sflag:s28] =	ssyncadd.s32 $0xFFFFEC00  }
0x7c: {  	[hbm4b:s11+s2] =	stream.linear.scatter [tilespmem:s21], [sflag:$0x5], $0x1400, $0x38;
	[tilespmem:$0x1B080] =	vst v63  }
0x7d: {  	s11 =	sadd.s32 $0x500, s12  }
0x7e: {  	[hbm4b:s11+s2] =	stream.linear.scatter [tilespmem:s22], [sflag:$0x7], $0x1400, $0x38;
	[tilespmem:$0x1B080] =	vst v63  }
0x7f: {  	_ =	swait.ge [sflag:s29], $0x1400  }
0x80: {  	[sflag:s29] =	ssyncset.done $0x0  }
0x81: {  	[sflag:s29] =	ssyncadd.s32 $0xFFFFEC00  }
0x82: {  	_ =	swait.ge [sflag:s30], $0x1400  }
0x83: {  	[sflag:s30] =	ssyncset.done $0x0  }
0x84: {  	s11 =	sadd.s32 $0xA0, s9;
	[sflag:s30] =	ssyncadd.s32 $0xFFFFEC00  }
0x85: {  	[tilespmem:s21], [sflag:$0x1] =	stream.indirect.gather [spmem:s1], $0x80, s11, s20, $0xb8;
	[tilespmem:$0x1B080] =	vst v63  }
0x86: {  	s9 =	sadd.s32 $0x14A0, s9  }
0x87: {  	[tilespmem:s22], [sflag:$0x3] =	stream.indirect.gather [hbm4b:s4+s20], $0x80, s9, s20, $0xb8;
	[tilespmem:$0x1B080] =	vst v63  }
0x88: {  	_ =	swait.ge [sflag:s24], $0x1400  }
0x89: {  	[sflag:s24] =	ssyncset.done $0x0  }
0x8a: {  	[sflag:s24] =	ssyncadd.s32 $0xFFFFEC00  }
.Ltmp0:
0x8b: {  	_ =	swait.ge [sflag:s31], $0x1400;
	(pc) =	sbr.rel @p1 .LBB2_2-.Ltmp0, $4  }
0x8c: {  	[sflag:s31] =	ssyncset.done $0x0  }
0x8d: {  	s9 =	sadd.s32 $0x780, s10;
	[sflag:s31] =	ssyncadd.s32 $0xFFFFEC00  }
0x8e: {  	[hbm4b:s9+s2] =	stream.linear.scatter [tilespmem:s23], [sflag:$0x6], $0x1400, $0x38;
	[tilespmem:$0x1B080] =	vst v63  }
0x8f: {  	s8 =	sadd.s32 $0x500, s8;
	s7 =	sadd.s32 $0x500, s7;
	s9 =	sadd.s32 $0x780, s12  }
0x90: {  	[hbm4b:s9+s2] =	stream.linear.scatter [tilespmem:s25], [sflag:$0x8], $0x1400, $0x38;
	[tilespmem:$0x1B080] =	vst v63  }
0x91: {  	_ =	swait.ge [sflag:s26], $0x1400  }
0x92: {  	[sflag:s26] =	ssyncset.done $0x0  }
0x93: {  	[sflag:s26] =	ssyncadd.s32 $0xFFFFEC00  }
0x94: {  	_ =	swait.ge [sflag:s28], $0x1400  }
0x95: {  	[sflag:s28] =	ssyncset.done $0x0  }
0x96: {  	s6 =	rddreg [dreg:$0x6];
	[sflag:s28] =	ssyncadd.s32 $0xFFFFEC00  }
0x97: {  	[hbm4b:s6+s2] =	stream.linear.scatter [tilespmem:s21], [sflag:$0x5], $0x1400, $0x38;
	[tilespmem:$0x1B080] =	vst v63  }
0x98: {  	s11 =	rddreg [dreg:$0x7]  }
0x99: {  	[hbm4b:s11+s2] =	stream.linear.scatter [tilespmem:s22], [sflag:$0x7], $0x1400, $0x38;
	[tilespmem:$0x1B080] =	vst v63  }
0x9a: {  	_ =	swait.ge [sflag:s0], $0x1400  }
0x9b: {  	[sflag:s0] =	ssyncset.done $0x0  }
0x9c: {  	[sflag:s0] =	ssyncadd.s32 $0xFFFFEC00  }
0x9d: {  	_ =	swait.ge [sflag:s3], $0x1400  }
0x9e: {  	[sflag:s3] =	ssyncset.done $0x0  }
0x9f: {  	[sflag:s3] =	ssyncadd.s32 $0xFFFFEC00  }
0xa0: {  	_ =	swait.ge [sflag:s29], $0x1400  }
0xa1: {  	[sflag:s29] =	ssyncset.done $0x0  }
0xa2: {  	[sflag:s29] =	ssyncadd.s32 $0xFFFFEC00  }
0xa3: {  	_ =	swait.ge [sflag:s30], $0x1400  }
0xa4: {  	s5 =	sadd.s32 $0x1, s5;
	s12 =	rddreg [dreg:$0x8]  }
0xa5: {  	p1 =	sne.s32 s5, s12  }
.Ltmp1:
0xa6: {  	_ = 	snop;
	(pc) =	sbr.rel @p1 .LBB2_1-.Ltmp1, $3  }
0xa7: {  	_ =	sdelay $0x1  }
0xa8: {  	[sflag:s30] =	ssyncset.done $0x0  }
0xa9: {  	[sflag:s30] =	ssyncadd.s32 $0xFFFFEC00  }
0xaa: {  	_ =	sfence.sel $0x180000  }
0xab: {  	[bflag:$0x0] =	sbarrier.arrive $0xFFFF  }
0xac: {  	_ =	strace $0x90000047  }
0xad: {  	[bflag:$0x2] =	sbarrier.arrive $0xFFFF  }
0xae: {  	s0 =	rddreg [dreg:$0x2]  }
0xaf: {  	s0 =	sadd.s32 @!p0 $0x100000, s0  }
0xb0: {  	[sflag:s0] =	ssyncadd.tile.s32 @!p0 $0x1;
	_ =	shalt  }
.Lfunc_end2:
_tile_overlayer_lowered:
.L_overlay_start_2:
0xb1: {  	(tag) =	ssettag $0x2  }
0xb2: {  	s0 =	rddreg [dreg:$0x0];
	s2 =	stileid.u32  }
0xb3: {  	s1 =	rddreg [dreg:$0x1];
	p0 =	sne.s32 s2, $0x0  }
0xb4: {  	s3 =	rddreg [dreg:$0x2];
	[bflag:$0x3] =	sbarrier.arrive $0xFFFF;
	s2 =	simm.s32 @!p0 $0x1C09  }
0xb5: {  	[timem:s3], [sflag:s2] =	dma.local @!p0 [hbm:s0], s1  }
0xb6: {  	s0 =	simm.s32 @!p0 $0x9  }
0xb7: {  	_ =	swait.ge @!p0 [sflag:s0], s1  }
0xb8: {  	s1 =	ssub.s32 @!p0 $0x0, s1;
	[sflag:s0] =	ssyncset.done @!p0 $0x0  }
0xb9: {  	[sflag:s0] =	ssyncadd.s32 @!p0 s1  }
0xba: {  	[bflag:$0x3] =	sbarrier.arrive $0xFFFF  }
0xbb: {  	_ =	shalt  }

// kernel: kernel.25.cloned.1.call-start
scs
__scs_entry_jumppad:
0x0: {  	(pc) =	sbr.rel $0x88, $3  }
0x1: {  	(tag) =	ssettag $0x0;
	lr =	simm.s32 $0x1  }
0x2: {  	[smem:$0x3F80] =	sst lr;
	_ =	strace $0xD0000000  }
0x3: {  	_ = 	snop  }
0x4: {  	_ = 	snop  }
0x5: {  	_ = 	snop  }
0x6: {  	_ = 	snop  }
0x7: {  	_ = 	snop  }
__scs_overlays_trampoline_lowered:
0x8: {  	[smem:$0x3F8F] =	sst s0  }
0x9: {  	[smem:$0x3F90] =	sst s1  }
0xa: {  	[smem:$0x3F91] =	sst s2  }
0xb: {  	[smem:$0x3F92] =	sst s3  }
0xc: {  	[smem:$0x3F93] =	sst s4  }
0xd: {  	[smem:$0x3F94] =	sst s5  }
0xe: {  	[smem:$0x3F95] =	sst s6  }
0xf: {  	[smem:$0x3F96] =	sst s7  }
0x10: {  	[smem:$0x3F97] =	sst s8  }
0x11: {  	[smem:$0x3F98] =	sst s9;
	s0 =	simm.s32 @!p0 $0x0  }
0x12: {  	s1 =	sld [smem:$0x3F7E];
	s0 =	simm.s32 @p0 $0x1  }
0x13: {  	[smem:$0x3F99] =	sst s0;
	s0 =	simm.s32 @!p1 $0x0  }
0x14: {  	s2 =	sld [smem:$0x3F7D];
	s0 =	simm.s32 @p1 $0x1  }
0x15: {  	[smem:$0x3F9A] =	sst s0;
	s0 =	simm.s32 @!p2 $0x0  }
0x16: {  	s3 =	sld [smem:$0x3FDB];
	s0 =	simm.s32 @p2 $0x1  }
0x17: {  	s4 =	simm.s32 $0x1BF5;
	[smem:$0x3F9C] =	sst s0  }
0x18: {  	s0 =	sld [smem:$0x3F7F];
	_ =	swait.ge [sflag:s4], $0x0  }
0x19: {  	s7 =	sld [smem:$0x3F80]  }
0x1a: {  	s8 =	sadd.s32 $0xFFFFE003, lr  }
0x1b: {  	s9 =	sadd.s32 $0xFFFFFEF7, lr;
	s5 =	simm.s32 $0xFFFFFFFF;
	p2 =	slt.u32 s8, $0xFFFFF086  }
0x1c: {  	p1 =	slt.u32 s9, $0xF7A;
	s5 =	simm.s32 @!p2 $0x0  }
0x1d: {  	s5 =	simm.s32 @p1 $0x1;
	p0 =	seq.s32 s7, s2  }
0x1e: {  	s7 =	smul.u32 @!p0 $0xF7A, s2;
	p2 =	seq.s32 @!p0 s5, $0x0  }
0x1f: {  	s9 =	smul.u32 $0xF7A, s1;
	s8 =	simm.s32 @!p0 $0x1BF5;
	p2 =	por !p2, p0  }
0x20: {  	[sflag:s8] =	ssyncset.s32 @!p0 $0xFFFFF086;
	s6 =	sadd.s32 @!p0 s3, s7;
	s7 =	simm.s32 @!p0 $0x108  }
0x21: {  	s3 =	sadd.s32 s3, s9;
	s6 =	sadd.s32 @!p0 $0x88, s6;
	s7 =	simm.s32 @p2 $0x1082  }
0x22: {  	[simem:s7], [sflag:s8] =	dma.local @!p0 [hbm:s6], $0xF7A  }
0x23: {  	s9 =	sor.u32 $0xD0000000, s2;
	s6 =	simm.s32 $0x108;
	_ =	swait.ge @!p0 [sflag:s8], $0x0  }
0x24: {  	s3 =	sadd.s32 $0x88, s3;
	s6 =	simm.s32 @!p1 $0x1082;
	[sflag:s4] =	ssyncset.s32 $0xFFFFF086  }
0x25: {  	[simem:s6], [sflag:s4] =	dma.local [hbm:s3], $0xF7A  }
0x26: {  	[smem:$0x3F80] =	sst s1;
	(tag) =	ssettag s2;
	_ =	strace s9  }
0x27: {  	s1 =	sld [smem:$0x3F90]  }
0x28: {  	s2 =	sld [smem:$0x3F91]  }
0x29: {  	s4 =	sld [smem:$0x3F93]  }
0x2a: {  	p0 =	seq.s32 s5, $0x0;
	s5 =	sld [smem:$0x3F94]  }
0x2b: {  	s6 =	sld [smem:$0x3F95]  }
0x2c: {  	s7 =	sld [smem:$0x3F96]  }
0x2d: {  	s3 =	simm.s32 $0x108;
	s8 =	sld [smem:$0x3F97]  }
0x2e: {  	s3 =	simm.s32 @!p0 $0x1082;
	s9 =	sld [smem:$0x3F98]  }
0x2f: {  	lr =	sadd.s32 s0, s3;
	s0 =	sld [smem:$0x3F8F]  }
0x30: {  	s3 =	sld [smem:$0x3F92]  }
0x31: {  	[smem:$0x3F9B] =	sst s10  }
0x32: {  	s10 =	sld [smem:$0x3F99];
	_ =	sdelay $0x3  }
0x33: {  	p0 =	seq.s32 s10, $0x1;
	s10 =	sld [smem:$0x3F9B];
	_ =	sdelay $0x3  }
0x34: {  	[smem:$0x3F9B] =	sst s10  }
0x35: {  	s10 =	sld [smem:$0x3F9A];
	_ =	sdelay $0x3  }
0x36: {  	p1 =	seq.s32 s10, $0x1;
	s10 =	sld [smem:$0x3F9B];
	_ =	sdelay $0x3  }
0x37: {  	[smem:$0x3F9B] =	sst s10  }
0x38: {  	s10 =	sld [smem:$0x3F9C]  }
0x39: {  	_ = 	snop;
	(pc) =	sbr.ind lr, $3  }
0x3a: {  	_ = 	snop  }
0x3b: {  	_ = 	snop  }
0x3c: {  	p2 =	seq.s32 s10, $0x1;
	s10 =	sld [smem:$0x3F9B]  }
0x3d: {  	_ =	shalt  }
0x3e: {  	_ =	shalt  }
0x3f: {  	_ =	shalt  }
0x40: {  	_ =	shalt  }
0x41: {  	_ =	shalt  }
0x42: {  	_ =	shalt  }
0x43: {  	_ =	shalt  }
0x44: {  	_ =	shalt  }
0x45: {  	_ =	shalt  }
0x46: {  	_ =	shalt  }
0x47: {  	_ =	shalt  }
0x48: {  	_ =	shalt  }
0x49: {  	_ =	shalt  }
0x4a: {  	_ =	shalt  }
0x4b: {  	_ =	shalt  }
0x4c: {  	_ =	shalt  }
0x4d: {  	_ =	shalt  }
0x4e: {  	_ =	shalt  }
0x4f: {  	_ =	shalt  }
0x50: {  	_ =	shalt  }
0x51: {  	_ =	shalt  }
0x52: {  	_ =	shalt  }
0x53: {  	_ =	shalt  }
0x54: {  	_ =	shalt  }
0x55: {  	_ =	shalt  }
0x56: {  	_ =	shalt  }
0x57: {  	_ =	shalt  }
0x58: {  	_ =	shalt  }
0x59: {  	_ =	shalt  }
0x5a: {  	_ =	shalt  }
0x5b: {  	_ =	shalt  }
0x5c: {  	_ =	shalt  }
0x5d: {  	_ =	shalt  }
0x5e: {  	_ =	shalt  }
0x5f: {  	_ =	shalt  }
0x60: {  	_ =	shalt  }
0x61: {  	_ =	shalt  }
0x62: {  	_ =	shalt  }
0x63: {  	_ =	shalt  }
0x64: {  	_ =	shalt  }
0x65: {  	_ =	shalt  }
0x66: {  	_ =	shalt  }
0x67: {  	_ =	shalt  }
0x68: {  	_ =	shalt  }
0x69: {  	_ =	shalt  }
0x6a: {  	_ =	shalt  }
0x6b: {  	_ =	shalt  }
0x6c: {  	_ =	shalt  }
0x6d: {  	_ =	shalt  }
0x6e: {  	_ =	shalt  }
0x6f: {  	_ =	shalt  }
0x70: {  	_ =	shalt  }
0x71: {  	_ =	shalt  }
0x72: {  	_ =	shalt  }
0x73: {  	_ =	shalt  }
0x74: {  	_ =	shalt  }
0x75: {  	_ =	shalt  }
0x76: {  	_ =	shalt  }
0x77: {  	_ =	shalt  }
0x78: {  	_ =	shalt  }
0x79: {  	_ =	shalt  }
0x7a: {  	_ =	shalt  }
0x7b: {  	_ =	shalt  }
0x7c: {  	_ =	shalt  }
0x7d: {  	_ =	shalt  }
0x7e: {  	_ =	shalt  }
0x7f: {  	_ =	shalt  }
0x80: {  	_ =	shalt  }
0x81: {  	_ =	shalt  }
0x82: {  	_ =	shalt  }
0x83: {  	_ =	shalt  }
0x84: {  	_ =	shalt  }
0x85: {  	_ =	shalt  }
0x86: {  	_ =	shalt  }
0x87: {  	_ =	shalt  }
.Lfunc_end0:
.L_simem_size_0:
called_computation.2_lowered:
.L_overlay_start_0:
0x88: {  	s2 =	sld [smem:$0x3FD9]  }
0x89: {  	s3 =	sld [smem:$0x3FFE];
	_ =	sdelay $0x1  }
0x8a: {  	s1 =	srdreg.scid  }
0x8b: {  	s0 =	sand.u32 $0x1, s1  }
0x8c: {  	s17 =	sshll.u32 s0, $0xA;
	s2 =	sadd.s32 s3, s2  }
0x8d: {  	s2 =	sadd.s32 s2, s17  }
0x8e: {  	[smem:$0x3FA7] =	sst s2  }
0x8f: {  	_ = 	snop  }
0x90: {  	(tm) =	ssettm $0x1  }
0x91: {  	s18 =	sld [smem:$0x3FFB];
	_ =	sdelay $0x3  }
0x92: {  	_ =	strace s18  }
0x93: {  	s2 =	sld [smem:$0x3FFC];
	_ =	sdelay $0x3  }
0x94: {  	_ =	strace s2  }
0x95: {  	s2 =	sld [smem:$0x3FFD];
	_ =	sdelay $0x3  }
0x96: {  	_ =	strace s2  }
0x97: {  	_ =	strace $0x8FFFFFFF  }
0x98: {  	s19 =	sld [smem:$0x3FDB];
	_ =	sdelay $0x1  }
0x99: {  	s20 =	simm.s32 $_scs_section_size  }
0x9a: {  	s4 =	simm.s32 $_size__tile_overlayer_lowered;
	s5 =	simm.s32 $_tile_overlayer_lowered  }
0x9b: {  	s6 =	simm.s32 $0x1BFF;
	s21 =	sshll.u32 s5, $0x1;
	s3 =	sadd.s32 s20, s19  }
0x9c: {  	s22 =	simm.s32 $0x0;
	s4 =	sshll.u32 s4, $0x1;
	s5 =	sadd.s32 s21, s3  }
0x9d: {  	[timem:s22], [sflag:s6] =	dma.local [hbm:s5], s4  }
0x9e: {  	_ =	swait.ge [sflag:s6], s4  }
0x9f: {  	s4 =	ssub.s32 $0x0, s4;
	[sflag:s6] =	ssyncset.done $0x0  }
0xa0: {  	[sflag:s6] =	ssyncadd.s32 s4;
	_ =	sdelay $0x1  }
0xa1: {  	s23 =	simm.s32 $0x1B8B  }
0xa2: {  	_ =	swait.ge [sflag:s23], $0x1  }
0xa3: {  	[sflag:s23] =	ssyncset.done $0x0  }
0xa4: {  	[sflag:s23] =	ssyncadd.s32 $0xFFFFFFFF  }
0xa5: {  	s4 =	sld [smem:$0x0]  }
0xa6: {  	s5 =	sand.u32 $0xFFFFFFFE, s1  }
0xa7: {  	p0 =	sne.s32 s1, s5  }
0xa8: {  	s5 =	sshll.u32 @p0 s5, $0xE  }
0xa9: {  	s5 =	sadd.s32 @p0 $0x11B8D, s5;
	s6 =	sshll.u32 @p0 s4, $0x11  }
0xaa: {  	s5 =	sor.u32 @p0 s6, s5  }
0xab: {  	[sflag:s5] =	ssyncadd.remote.s32 @p0 $0x1;
	_ =	sdelay $0x1  }
0xac: {  	s5 =	simm.s32 @p0 $0x1B8D  }
0xad: {  	_ =	swait.eq @p0 [sflag:s5], $0x1  }
0xae: {  	[sflag:s5] =	ssyncadd.s32 @p0 $0xFFFFFFFF  }
0xaf: {  	s6 =	sshll.u32 @!p0 s1, $0xE  }
0xb0: {  	s6 =	sor.u32 @!p0 $0x4000, s6;
	s5 =	simm.s32 @!p0 $0x1B8D  }
0xb1: {  	s4 =	sshll.u32 @!p0 s4, $0x11;
	s6 =	sadd.s32 @!p0 $0x11B8D, s6;
	_ =	swait.eq @!p0 [sflag:s5], $0x1  }
0xb2: {  	s4 =	sor.u32 @!p0 s4, s6;
	[sflag:s5] =	ssyncadd.s32 @!p0 $0xFFFFFFFF  }
0xb3: {  	s25 =	simm.s32 $0x1B8E;
	s24 =	sld [smem:$0x3FFE];
	[sflag:s4] =	ssyncadd.remote.s32 @!p0 $0x1  }
0xb4: {  	s26 =	simm.s32 $execute0_lowered;
	[smem:$0x3FD2] =	sst s25  }
0xb5: {  	s5 =	sshll.u32 s26, $0x1;
	_ =	strace $0x8000004F;
	[dreg:$0x1] =	wrdreg $0xFFFFFFFF  }
0xb6: {  	s28 =	simm.s32 $_size_execute0_lowered;
	s3 =	sadd.s32 s3, s5;
	[dreg:$0x0] =	wrdreg $0x0  }
0xb7: {  	s5 =	sshll.u32 s28, $0x1;
	[dreg:$0x2] =	wrdreg s3  }
0xb8: {  	[dreg:$0x3] =	wrdreg s5  }
0xb9: {  	[dreg:$0x4] =	wrdreg $0xC0  }
0xba: {  	_ =	task [dreg:s22], $0x5FFFF  }
0xbb: {  	[dreg:$0x1] =	wrdreg $0xFFFFFFFF  }
0xbc: {  	[dreg:$0x0] =	wrdreg $0x60  }
0xbd: {  	[dreg:$0x2] =	wrdreg s24  }
0xbe: {  	[dreg:$0x3] =	wrdreg $0x51000  }
0xbf: {  	[dreg:$0x4] =	wrdreg $0x9  }
0xc0: {  	_ =	task.clear_ibuf [dreg:s22], $0x5FFFF;
	_ =	strace $0x9000004F  }
0xc1: {  	s29 =	simm.s32 $0x9;
	_ =	strace $0x80000051  }
0xc2: {  	_ =	swait.ge [sflag:s29], $0x1  }
0xc3: {  	[sflag:s29] =	ssyncadd.s32 $0xFFFFFFFF  }
0xc4: {  	_ =	strace $0x90000051  }
0xc5: {  	_ =	sfence  }
0xc6: {  	s30 =	sld [smem:$0x0];
	_ =	sdelay $0x2  }
0xc7: {  	s31 =	sshll.u32 s1, $0xD;
	s1 =	sshrl.u32 s1, $0x2  }
0xc8: {  	s4 =	sand.u32 $0x4000, s31;
	s1 =	sadd.s32 s1, s30  }
0xc9: {  	s0 =	sor.u32 s4, s0;
	s1 =	sshll.u32 s1, $0x11  }
0xca: {  	s0 =	sor.u32 s1, s0  }
0xcb: {  	s0 =	sadd.s32 $0x8F2B, s0  }
0xcc: {  	[sflag:s0] =	ssyncadd.remote.s32 $0x1  }
0xcd: {  	_ =	sfence.sel $0xFFFF  }
0xce: {  	[dreg:$0x0] =	wrdreg $0xFFFFFFFF;
	(pc) =	sbr.abs _section_cstart, $3  }
0xcf: {  	[dreg:$0x1] =	wrdreg $0xFFFFFFFF  }
0xd0: {  	_ =	task.clear_ibuf [dreg:s22], $0x2FFFF;
	_ =	strace $0x9FFFFFFF  }
0xd1: {  	(tm) =	ssettm $0x7FFFFFFF  }
tec
execute0_lowered:
.L_overlay_start_1:
0x0: {  	(tag) =	ssettag $0x1  }
0x1: {  	s0 =	rddreg [dreg:$0x0]  }
0x2: {  	s2 =	rddreg [dreg:$0x1]  }
0x3: {  	s13 =	stileid.u32;
	s1 =	srdreg.scid;
	s3 =	simm.s32 $0x0  }
0x4: {  	s28 =	simm.s32 $0x5;
	s29 =	simm.s32 $0x2;
	s4 =	smul.u32 $0x14000, s13  }
0x5: {  	s30 =	simm.s32 $0x4;
	s31 =	simm.s32 $0x6;
	s7 =	smul.u32 $0x50000, s13  }
0x6: {  	s1 =	sand.u32 $0x1, s1;
	s16 =	sadd.s32 $0x146CE00, s0;
	s9 =	smul.u32 $0x271000, s13  }
0x7: {  	[smem:$0x7FF] =	sst s3;
	s14 =	sadd.s32 $0x573C00, s0;
	s24 =	smul.u32 $0x4E2, s13  }
0x8: {  	s11 =	sshll.u32 s13, $0x6;
	s5 =	smul.u32 $0x140000, s1;
	_ =	strace $0x80000050  }
0x9: {  	s25 =	ssub.s32 $0x2, s1;
	s1 =	sshll.u32 s1, $0xA;
	s6 =	sshrl.u32 s4, $0x3  }
0xa: {  	s26 =	sshrl.u32 s25, $0x1;
	s8 =	sshrl.u32 s7, $0x2;
	s15 =	sor.u32 s1, s9  }
0xb: {  	s4 =	sadd.s32 s4, s5;
	s6 =	sadd.s32 s6, s0;
	s17 =	sadd.s32 s8, s2  }
0xc: {  	s8 =	smul.u32 $0x2710, s13;
	s5 =	sor.u32 $0x1C07, s11;
	s7 =	sshrl.u32 s15, $0x3  }
0xd: {  	s4 =	sshrl.u32 s4, $0x3;
	s10 =	sadd.s32 $0x8CE00, s6;
	s18 =	sadd.s32 s16, s7  }
0xe: {  	s17 =	sshrl.u32 s17, $0x3;
	s0 =	sadd.s32 s4, s0;
	[dreg:$0x3] =	wrdreg s10  }
0xf: {  	s4 =	ssub.s32 s25, s26;
	s12 =	sshrl.u32 s8, $0x3;
	[dreg:$0x5] =	wrdreg s18  }
0x10: {  	s10 =	sadd.s32 $0x50, s8;
	s25 =	sadd.s32 $0x14000, s15;
	s26 =	sadd.s32 $0xF000, s15  }
0x11: {  	s18 =	simm.s32 $0x7;
	s6 =	sadd.s32 s14, s12;
	s12 =	sadd.s32 $0xA0, s8  }
0x12: {  	s8 =	sadd.s32 $0x375E00, s0;
	s19 =	sshll.u32 s10, $0x8;
	s9 =	smax.u32 s4, $0x1  }
0x13: {  	s20 =	sshrl.u32 s10, $0x3;
	s4 =	sshrl.u32 s26, $0x3;
	s26 =	simm.s32 $0x50  }
0x14: {  	[dreg:$0x4] =	wrdreg s6;
	s0 =	sor.u32 s1, s19;
	s10 =	sadd.s32 s14, s20  }
0x15: {  	s21 =	sshll.u32 s12, $0x8;
	s22 =	sshrl.u32 s12, $0x3;
	s19 =	simm.s32 $0x400  }
0x16: {  	s20 =	simm.s32 $0x800;
	s0 =	sshrl.u32 s0, $0x3;
	s1 =	sor.u32 s1, s21  }
0x17: {  	s12 =	sadd.s32 s14, s22;
	s21 =	simm.s32 $0x100;
	s22 =	simm.s32 $0x80  }
0x18: {  	s11 =	sadd.s32 s16, s0;
	s23 =	sshrl.u32 s1, $0x3;
	s0 =	sshrl.u32 s25, $0x3  }
0x19: {  	s1 =	sadd.s32 s24, s14;
	s24 =	simm.s32 $0x1;
	s25 =	simm.s32 $0x3  }
0x1a: {  	s13 =	sadd.s32 s16, s23;
	s14 =	sadd.s32 s0, s16;
	s15 =	sadd.s32 $0x28, s1  }
0x1b: {  	s16 =	sadd.s32 s4, s16;
	s23 =	simm.s32 $0x2900;
	s0 =	simm.s32 $0x0  }
.LBB2_1:
0x1c: {  	s1 =	rddreg [dreg:$0x3]  }
0x1d: {  	[spmem:s17], [sflag:s5] =	dma.local [hbm:s1], $0x2800  }
0x1e: {  	_ =	swait.ge [sflag:s18], $0x2800  }
0x1f: {  	[sflag:s18] =	ssyncset.done $0x0  }
0x20: {  	[sflag:s18] =	ssyncadd.s32 $0xFFFFD800  }
0x21: {  	[bflag:$0x0] =	sbarrier.arrive $0xFFFF  }
0x22: {  	s6 =	rddreg [dreg:$0x4]  }
0x23: {  	[tilespmem:s3], [sflag:$0x1] =	stream.linear.gather [hbm4b:s6+s3], $0x50, $0x38;
	[tilespmem:$0x19100] =	vst v63  }
0x24: {  	s7 =	rddreg [dreg:$0x5]  }
0x25: {  	[tilespmem:s21], [sflag:$0x3] =	stream.strided.gather [hbm4b:s7+s19], $0x2800, s20, s19, $0x38;
	[tilespmem:$0x19100] =	vst v63  }
0x26: {  	_ = 	snop  }
0x27: {  	[tilespmem:s22], [sflag:$0x2] =	stream.linear.gather [hbm4b:s10+s3], $0x50, $0x38;
	[tilespmem:$0x19100] =	vst v63  }
0x28: {  	_ = 	snop  }
0x29: {  	[tilespmem:s23], [sflag:$0x4] =	stream.strided.gather [hbm4b:s11+s19], $0x2800, s20, s19, $0x38;
	[tilespmem:$0x19100] =	vst v63  }
0x2a: {  	_ =	swait.ge [sflag:s24], $0x50  }
0x2b: {  	[sflag:s24] =	ssyncset.done $0x0  }
0x2c: {  	[sflag:s24] =	ssyncadd.s32 $0xFFFFFFB0  }
0x2d: {  	_ =	swait.ge [sflag:s25], $0x2800  }
0x2e: {  	[sflag:s25] =	ssyncset.done $0x0  }
0x2f: {  	[sflag:s25] =	ssyncadd.s32 $0xFFFFD800  }
0x30: {  	[spmem:s2] =	stream.indirect.scatter.add.f32 [tilespmem:s21], [sflag:$0x5], $0x80, s3, s26, $0xb8;
	[tilespmem:$0x19100] =	vst v63  }
0x31: {  	_ =	swait.ge [sflag:s28], $0x2800  }
0x32: {  	[sflag:s28] =	ssyncset.done $0x0  }
0x33: {  	[sflag:s28] =	ssyncadd.s32 $0xFFFFD800  }
0x34: {  	[tilespmem:s3], [sflag:$0x1] =	stream.linear.gather [hbm4b:s12+s3], $0x50, $0x38;
	[tilespmem:$0x19100] =	vst v63  }
0x35: {  	_ = 	snop  }
0x36: {  	[tilespmem:s21], [sflag:$0x3] =	stream.strided.gather [hbm4b:s13+s19], $0x2800, s20, s19, $0x38;
	[tilespmem:$0x19100] =	vst v63  }
0x37: {  	_ =	swait.ge [sflag:s29], $0x50  }
0x38: {  	[sflag:s29] =	ssyncset.done $0x0  }
0x39: {  	[sflag:s29] =	ssyncadd.s32 $0xFFFFFFB0  }
0x3a: {  	_ =	swait.ge [sflag:s30], $0x2800  }
0x3b: {  	[sflag:s30] =	ssyncset.done $0x0  }
0x3c: {  	[sflag:s30] =	ssyncadd.s32 $0xFFFFD800  }
0x3d: {  	[spmem:s2] =	stream.indirect.scatter.add.f32 [tilespmem:s23], [sflag:$0x6], $0x80, s22, s26, $0xb8;
	[tilespmem:$0x19100] =	vst v63  }
0x3e: {  	_ =	swait.ge [sflag:s31], $0x2800  }
0x3f: {  	[sflag:s31] =	ssyncset.done $0x0  }
0x40: {  	s4 =	sadd.s32 $0xFFFFFFF6, s15;
	[sflag:s31] =	ssyncadd.s32 $0xFFFFD800  }
0x41: {  	[tilespmem:s22], [sflag:$0x2] =	stream.linear.gather [hbm4b:s4+s3], $0x50, $0x38;
	[tilespmem:$0x19100] =	vst v63  }
0x42: {  	s6 =	sadd.s32 $0x0, s16  }
0x43: {  	[tilespmem:s23], [sflag:$0x4] =	stream.strided.gather [hbm4b:s6+s19], $0x2800, s20, s19, $0x38;
	[tilespmem:$0x19100] =	vst v63  }
0x44: {  	_ =	swait.ge [sflag:s24], $0x50  }
0x45: {  	[sflag:s24] =	ssyncset.done $0x0  }
0x46: {  	[sflag:s24] =	ssyncadd.s32 $0xFFFFFFB0  }
0x47: {  	_ =	swait.ge [sflag:s25], $0x2800  }
0x48: {  	[sflag:s25] =	ssyncset.done $0x0  }
0x49: {  	[sflag:s25] =	ssyncadd.s32 $0xFFFFD800  }
0x4a: {  	[spmem:s2] =	stream.indirect.scatter.add.f32 [tilespmem:s21], [sflag:$0x5], $0x80, s3, s26, $0xb8;
	[tilespmem:$0x19100] =	vst v63  }
0x4b: {  	_ =	swait.ge [sflag:s28], $0x2800  }
0x4c: {  	[sflag:s28] =	ssyncset.done $0x0  }
0x4d: {  	[sflag:s28] =	ssyncadd.s32 $0xFFFFD800  }
0x4e: {  	[tilespmem:s3], [sflag:$0x1] =	stream.linear.gather [hbm4b:s15+s3], $0x50, $0x38;
	[tilespmem:$0x19100] =	vst v63  }
0x4f: {  	s7 =	sadd.s32 $0x0, s14  }
0x50: {  	[tilespmem:s21], [sflag:$0x3] =	stream.strided.gather [hbm4b:s7+s19], $0x2800, s20, s19, $0x38;
	[tilespmem:$0x19100] =	vst v63  }
0x51: {  	_ =	swait.ge [sflag:s29], $0x50  }
0x52: {  	[sflag:s29] =	ssyncset.done $0x0  }
0x53: {  	[sflag:s29] =	ssyncadd.s32 $0xFFFFFFB0  }
0x54: {  	_ =	swait.ge [sflag:s30], $0x2800  }
0x55: {  	[sflag:s30] =	ssyncset.done $0x0  }
0x56: {  	s1 =	simm.s32 $0x1400;
	s4 =	sadd.s32 $0x14, s15;
	[sflag:s30] =	ssyncadd.s32 $0xFFFFD800  }
.LBB2_2:
0x57: {  	[spmem:s2] =	stream.indirect.scatter.add.f32 [tilespmem:s23], [sflag:$0x6], $0x80, s22, s26, $0xb8;
	[tilespmem:$0x19100] =	vst v63  }
0x58: {  	s6 =	smov.u32 s1  }
0x59: {  	p0 =	sne.s32 s1, $0x4B000;
	s1 =	sadd.s32 $0x1400, s1;
	_ =	swait.ge [sflag:s31], $0x2800  }
0x5a: {  	[sflag:s31] =	ssyncset.done $0x0  }
0x5b: {  	s7 =	sadd.s32 $0xFFFFFFF6, s4;
	[sflag:s31] =	ssyncadd.s32 $0xFFFFD800  }
0x5c: {  	[tilespmem:s22], [sflag:$0x2] =	stream.linear.gather [hbm4b:s7+s3], $0x50, $0x38;
	[tilespmem:$0x19100] =	vst v63  }
0x5d: {  	s7 =	sadd.s32 s6, s16  }
0x5e: {  	[tilespmem:s23], [sflag:$0x4] =	stream.strided.gather [hbm4b:s7+s19], $0x2800, s20, s19, $0x38;
	[tilespmem:$0x19100] =	vst v63  }
0x5f: {  	_ =	swait.ge [sflag:s24], $0x50  }
0x60: {  	[sflag:s24] =	ssyncset.done $0x0  }
0x61: {  	[sflag:s24] =	ssyncadd.s32 $0xFFFFFFB0  }
0x62: {  	_ =	swait.ge [sflag:s25], $0x2800  }
0x63: {  	[sflag:s25] =	ssyncset.done $0x0  }
0x64: {  	[sflag:s25] =	ssyncadd.s32 $0xFFFFD800  }
0x65: {  	[spmem:s2] =	stream.indirect.scatter.add.f32 [tilespmem:s21], [sflag:$0x5], $0x80, s3, s26, $0xb8;
	[tilespmem:$0x19100] =	vst v63  }
0x66: {  	_ =	swait.ge [sflag:s28], $0x2800  }
0x67: {  	[sflag:s28] =	ssyncset.done $0x0  }
0x68: {  	[sflag:s28] =	ssyncadd.s32 $0xFFFFD800  }
0x69: {  	[tilespmem:s3], [sflag:$0x1] =	stream.linear.gather [hbm4b:s4+s3], $0x50, $0x38;
	[tilespmem:$0x19100] =	vst v63  }
0x6a: {  	s6 =	sadd.s32 s6, s14  }
0x6b: {  	[tilespmem:s21], [sflag:$0x3] =	stream.strided.gather [hbm4b:s6+s19], $0x2800, s20, s19, $0x38;
	[tilespmem:$0x19100] =	vst v63  }
0x6c: {  	_ =	swait.ge [sflag:s29], $0x50  }
.Ltmp0:
0x6d: {  	[sflag:s29] =	ssyncset.done $0x0;
	(pc) =	sbr.rel @p0 .LBB2_2-.Ltmp0, $4  }
0x6e: {  	[sflag:s29] =	ssyncadd.s32 $0xFFFFFFB0  }
0x6f: {  	_ =	swait.ge [sflag:s30], $0x2800  }
0x70: {  	[sflag:s30] =	ssyncset.done $0x0  }
0x71: {  	s4 =	sadd.s32 $0x14, s4;
	[sflag:s30] =	ssyncadd.s32 $0xFFFFD800  }
0x72: {  	[spmem:s2] =	stream.indirect.scatter.add.f32 [tilespmem:s23], [sflag:$0x6], $0x80, s22, s26, $0xb8;
	[tilespmem:$0x19100] =	vst v63  }
0x73: {  	_ =	swait.ge [sflag:s24], $0x50  }
0x74: {  	[sflag:s24] =	ssyncset.done $0x0  }
0x75: {  	[sflag:s24] =	ssyncadd.s32 $0xFFFFFFB0  }
0x76: {  	_ =	swait.ge [sflag:s25], $0x2800  }
0x77: {  	[sflag:s25] =	ssyncset.done $0x0  }
0x78: {  	[sflag:s25] =	ssyncadd.s32 $0xFFFFD800  }
0x79: {  	[spmem:s2] =	stream.indirect.scatter.add.f32 [tilespmem:s21], [sflag:$0x5], $0x80, s3, s26, $0xb8;
	[tilespmem:$0x19100] =	vst v63  }
0x7a: {  	_ =	swait.ge [sflag:s31], $0x2800  }
0x7b: {  	[sflag:s31] =	ssyncset.done $0x0  }
0x7c: {  	[sflag:s31] =	ssyncadd.s32 $0xFFFFD800  }
0x7d: {  	_ =	swait.ge [sflag:s28], $0x2800  }
0x7e: {  	s0 =	sadd.s32 $0x1, s0;
	[sflag:s28] =	ssyncset.done $0x0  }
0x7f: {  	p0 =	sne.s32 s0, s9;
	[sflag:s28] =	ssyncadd.s32 $0xFFFFD800  }
.Ltmp1:
0x80: {  	[bflag:$0x0] =	sbarrier.arrive $0xFFFF;
	(pc) =	sbr.rel @p0 .LBB2_1-.Ltmp1, $4  }
0x81: {  	[hbm:s8], [sflag:s5] =	dma.local [spmem:s17], $0x2800  }
0x82: {  	_ =	swait.ge [sflag:s18], $0x2800  }
0x83: {  	[sflag:s18] =	ssyncset.done $0x0  }
0x84: {  	[sflag:s18] =	ssyncadd.s32 $0xFFFFD800  }
0x85: {  	_ =	sfence.sel $0x180000  }
0x86: {  	[bflag:$0x0] =	sbarrier.arrive $0xFFFF  }
0x87: {  	_ =	strace $0x90000050  }
0x88: {  	s0 =	stileid.u32;
	[bflag:$0x2] =	sbarrier.arrive $0xFFFF  }
0x89: {  	p0 =	sne.s32 s0, $0x0;
	s0 =	rddreg [dreg:$0x2]  }
0x8a: {  	s0 =	sadd.s32 @!p0 $0x100000, s0  }
0x8b: {  	[sflag:s0] =	ssyncadd.tile.s32 @!p0 $0x1;
	_ =	shalt  }
.Lfunc_end2:
_tile_overlayer_lowered:
.L_overlay_start_2:
0x8c: {  	(tag) =	ssettag $0x2  }
0x8d: {  	s0 =	rddreg [dreg:$0x0];
	s2 =	stileid.u32  }
0x8e: {  	s1 =	rddreg [dreg:$0x1];
	p0 =	sne.s32 s2, $0x0  }
0x8f: {  	s3 =	rddreg [dreg:$0x2];
	[bflag:$0x3] =	sbarrier.arrive $0xFFFF;
	s2 =	simm.s32 @!p0 $0x1C07  }
0x90: {  	[timem:s3], [sflag:s2] =	dma.local @!p0 [hbm:s0], s1  }
0x91: {  	s0 =	simm.s32 @!p0 $0x7  }
0x92: {  	_ =	swait.ge @!p0 [sflag:s0], s1  }
0x93: {  	s1 =	ssub.s32 @!p0 $0x0, s1;
	[sflag:s0] =	ssyncset.done @!p0 $0x0  }
0x94: {  	[sflag:s0] =	ssyncadd.s32 @!p0 s1  }
0x95: {  	[bflag:$0x3] =	sbarrier.arrive $0xFFFF  }
0x96: {  	_ =	shalt  }

// kernel: kernel.28.cloned.1.call-start
scs
__scs_entry_jumppad:
0x0: {  	(pc) =	sbr.rel $0x88, $3  }
0x1: {  	(tag) =	ssettag $0x0;
	lr =	simm.s32 $0x1  }
0x2: {  	[smem:$0x3F80] =	sst lr;
	_ =	strace $0xD0000000  }
0x3: {  	_ = 	snop  }
0x4: {  	_ = 	snop  }
0x5: {  	_ = 	snop  }
0x6: {  	_ = 	snop  }
0x7: {  	_ = 	snop  }
__scs_overlays_trampoline_lowered:
0x8: {  	[smem:$0x3F8F] =	sst s0  }
0x9: {  	[smem:$0x3F90] =	sst s1  }
0xa: {  	[smem:$0x3F91] =	sst s2  }
0xb: {  	[smem:$0x3F92] =	sst s3  }
0xc: {  	[smem:$0x3F93] =	sst s4  }
0xd: {  	[smem:$0x3F94] =	sst s5  }
0xe: {  	[smem:$0x3F95] =	sst s6  }
0xf: {  	[smem:$0x3F96] =	sst s7  }
0x10: {  	[smem:$0x3F97] =	sst s8  }
0x11: {  	[smem:$0x3F98] =	sst s9;
	s0 =	simm.s32 @!p0 $0x0  }
0x12: {  	s1 =	sld [smem:$0x3F7E];
	s0 =	simm.s32 @p0 $0x1  }
0x13: {  	[smem:$0x3F99] =	sst s0;
	s0 =	simm.s32 @!p1 $0x0  }
0x14: {  	s2 =	sld [smem:$0x3F7D];
	s0 =	simm.s32 @p1 $0x1  }
0x15: {  	[smem:$0x3F9A] =	sst s0;
	s0 =	simm.s32 @!p2 $0x0  }
0x16: {  	s3 =	sld [smem:$0x3FDB];
	s0 =	simm.s32 @p2 $0x1  }
0x17: {  	s4 =	simm.s32 $0x1BF5;
	[smem:$0x3F9C] =	sst s0  }
0x18: {  	s0 =	sld [smem:$0x3F7F];
	_ =	swait.ge [sflag:s4], $0x0  }
0x19: {  	s7 =	sld [smem:$0x3F80]  }
0x1a: {  	s8 =	sadd.s32 $0xFFFFE003, lr  }
0x1b: {  	s9 =	sadd.s32 $0xFFFFFEF7, lr;
	s5 =	simm.s32 $0xFFFFFFFF;
	p2 =	slt.u32 s8, $0xFFFFF086  }
0x1c: {  	p1 =	slt.u32 s9, $0xF7A;
	s5 =	simm.s32 @!p2 $0x0  }
0x1d: {  	s5 =	simm.s32 @p1 $0x1;
	p0 =	seq.s32 s7, s2  }
0x1e: {  	s7 =	smul.u32 @!p0 $0xF7A, s2;
	p2 =	seq.s32 @!p0 s5, $0x0  }
0x1f: {  	s9 =	smul.u32 $0xF7A, s1;
	s8 =	simm.s32 @!p0 $0x1BF5;
	p2 =	por !p2, p0  }
0x20: {  	[sflag:s8] =	ssyncset.s32 @!p0 $0xFFFFF086;
	s6 =	sadd.s32 @!p0 s3, s7;
	s7 =	simm.s32 @!p0 $0x108  }
0x21: {  	s3 =	sadd.s32 s3, s9;
	s6 =	sadd.s32 @!p0 $0x88, s6;
	s7 =	simm.s32 @p2 $0x1082  }
0x22: {  	[simem:s7], [sflag:s8] =	dma.local @!p0 [hbm:s6], $0xF7A  }
0x23: {  	s9 =	sor.u32 $0xD0000000, s2;
	s6 =	simm.s32 $0x108;
	_ =	swait.ge @!p0 [sflag:s8], $0x0  }
0x24: {  	s3 =	sadd.s32 $0x88, s3;
	s6 =	simm.s32 @!p1 $0x1082;
	[sflag:s4] =	ssyncset.s32 $0xFFFFF086  }
0x25: {  	[simem:s6], [sflag:s4] =	dma.local [hbm:s3], $0xF7A  }
0x26: {  	[smem:$0x3F80] =	sst s1;
	(tag) =	ssettag s2;
	_ =	strace s9  }
0x27: {  	s1 =	sld [smem:$0x3F90]  }
0x28: {  	s2 =	sld [smem:$0x3F91]  }
0x29: {  	s4 =	sld [smem:$0x3F93]  }
0x2a: {  	p0 =	seq.s32 s5, $0x0;
	s5 =	sld [smem:$0x3F94]  }
0x2b: {  	s6 =	sld [smem:$0x3F95]  }
0x2c: {  	s7 =	sld [smem:$0x3F96]  }
0x2d: {  	s3 =	simm.s32 $0x108;
	s8 =	sld [smem:$0x3F97]  }
0x2e: {  	s3 =	simm.s32 @!p0 $0x1082;
	s9 =	sld [smem:$0x3F98]  }
0x2f: {  	lr =	sadd.s32 s0, s3;
	s0 =	sld [smem:$0x3F8F]  }
0x30: {  	s3 =	sld [smem:$0x3F92]  }
0x31: {  	[smem:$0x3F9B] =	sst s10  }
0x32: {  	s10 =	sld [smem:$0x3F99];
	_ =	sdelay $0x3  }
0x33: {  	p0 =	seq.s32 s10, $0x1;
	s10 =	sld [smem:$0x3F9B];
	_ =	sdelay $0x3  }
0x34: {  	[smem:$0x3F9B] =	sst s10  }
0x35: {  	s10 =	sld [smem:$0x3F9A];
	_ =	sdelay $0x3  }
0x36: {  	p1 =	seq.s32 s10, $0x1;
	s10 =	sld [smem:$0x3F9B];
	_ =	sdelay $0x3  }
0x37: {  	[smem:$0x3F9B] =	sst s10  }
0x38: {  	s10 =	sld [smem:$0x3F9C]  }
0x39: {  	_ = 	snop;
	(pc) =	sbr.ind lr, $3  }
0x3a: {  	_ = 	snop  }
0x3b: {  	_ = 	snop  }
0x3c: {  	p2 =	seq.s32 s10, $0x1;
	s10 =	sld [smem:$0x3F9B]  }
0x3d: {  	_ =	shalt  }
0x3e: {  	_ =	shalt  }
0x3f: {  	_ =	shalt  }
0x40: {  	_ =	shalt  }
0x41: {  	_ =	shalt  }
0x42: {  	_ =	shalt  }
0x43: {  	_ =	shalt  }
0x44: {  	_ =	shalt  }
0x45: {  	_ =	shalt  }
0x46: {  	_ =	shalt  }
0x47: {  	_ =	shalt  }
0x48: {  	_ =	shalt  }
0x49: {  	_ =	shalt  }
0x4a: {  	_ =	shalt  }
0x4b: {  	_ =	shalt  }
0x4c: {  	_ =	shalt  }
0x4d: {  	_ =	shalt  }
0x4e: {  	_ =	shalt  }
0x4f: {  	_ =	shalt  }
0x50: {  	_ =	shalt  }
0x51: {  	_ =	shalt  }
0x52: {  	_ =	shalt  }
0x53: {  	_ =	shalt  }
0x54: {  	_ =	shalt  }
0x55: {  	_ =	shalt  }
0x56: {  	_ =	shalt  }
0x57: {  	_ =	shalt  }
0x58: {  	_ =	shalt  }
0x59: {  	_ =	shalt  }
0x5a: {  	_ =	shalt  }
0x5b: {  	_ =	shalt  }
0x5c: {  	_ =	shalt  }
0x5d: {  	_ =	shalt  }
0x5e: {  	_ =	shalt  }
0x5f: {  	_ =	shalt  }
0x60: {  	_ =	shalt  }
0x61: {  	_ =	shalt  }
0x62: {  	_ =	shalt  }
0x63: {  	_ =	shalt  }
0x64: {  	_ =	shalt  }
0x65: {  	_ =	shalt  }
0x66: {  	_ =	shalt  }
0x67: {  	_ =	shalt  }
0x68: {  	_ =	shalt  }
0x69: {  	_ =	shalt  }
0x6a: {  	_ =	shalt  }
0x6b: {  	_ =	shalt  }
0x6c: {  	_ =	shalt  }
0x6d: {  	_ =	shalt  }
0x6e: {  	_ =	shalt  }
0x6f: {  	_ =	shalt  }
0x70: {  	_ =	shalt  }
0x71: {  	_ =	shalt  }
0x72: {  	_ =	shalt  }
0x73: {  	_ =	shalt  }
0x74: {  	_ =	shalt  }
0x75: {  	_ =	shalt  }
0x76: {  	_ =	shalt  }
0x77: {  	_ =	shalt  }
0x78: {  	_ =	shalt  }
0x79: {  	_ =	shalt  }
0x7a: {  	_ =	shalt  }
0x7b: {  	_ =	shalt  }
0x7c: {  	_ =	shalt  }
0x7d: {  	_ =	shalt  }
0x7e: {  	_ =	shalt  }
0x7f: {  	_ =	shalt  }
0x80: {  	_ =	shalt  }
0x81: {  	_ =	shalt  }
0x82: {  	_ =	shalt  }
0x83: {  	_ =	shalt  }
0x84: {  	_ =	shalt  }
0x85: {  	_ =	shalt  }
0x86: {  	_ =	shalt  }
0x87: {  	_ =	shalt  }
.Lfunc_end0:
.L_simem_size_0:
called_computation.3_lowered:
.L_overlay_start_0:
0x88: {  	s2 =	sld [smem:$0x3FD9]  }
0x89: {  	s3 =	sld [smem:$0x3FFE];
	_ =	sdelay $0x1  }
0x8a: {  	s1 =	srdreg.scid  }
0x8b: {  	s0 =	sand.u32 $0x1, s1  }
0x8c: {  	s17 =	sshll.u32 s0, $0xA;
	s2 =	sadd.s32 s3, s2  }
0x8d: {  	s2 =	sadd.s32 s2, s17  }
0x8e: {  	[smem:$0x3FA7] =	sst s2  }
0x8f: {  	_ = 	snop  }
0x90: {  	(tm) =	ssettm $0x1  }
0x91: {  	s18 =	sld [smem:$0x3FFB];
	_ =	sdelay $0x3  }
0x92: {  	_ =	strace s18  }
0x93: {  	s2 =	sld [smem:$0x3FFC];
	_ =	sdelay $0x3  }
0x94: {  	_ =	strace s2  }
0x95: {  	s2 =	sld [smem:$0x3FFD];
	_ =	sdelay $0x3  }
0x96: {  	_ =	strace s2  }
0x97: {  	_ =	strace $0x8FFFFFFF  }
0x98: {  	s19 =	sld [smem:$0x3FDB];
	_ =	sdelay $0x1  }
0x99: {  	s20 =	simm.s32 $_scs_section_size  }
0x9a: {  	s4 =	simm.s32 $_size__tile_overlayer_lowered;
	s5 =	simm.s32 $_tile_overlayer_lowered  }
0x9b: {  	s6 =	simm.s32 $0x1BFF;
	s21 =	sshll.u32 s5, $0x1;
	s3 =	sadd.s32 s20, s19  }
0x9c: {  	s22 =	simm.s32 $0x0;
	s4 =	sshll.u32 s4, $0x1;
	s5 =	sadd.s32 s21, s3  }
0x9d: {  	[timem:s22], [sflag:s6] =	dma.local [hbm:s5], s4  }
0x9e: {  	_ =	swait.ge [sflag:s6], s4  }
0x9f: {  	s4 =	ssub.s32 $0x0, s4;
	[sflag:s6] =	ssyncset.done $0x0  }
0xa0: {  	[sflag:s6] =	ssyncadd.s32 s4;
	_ =	sdelay $0x1  }
0xa1: {  	s23 =	simm.s32 $0x1B8B  }
0xa2: {  	_ =	swait.ge [sflag:s23], $0x1  }
0xa3: {  	[sflag:s23] =	ssyncset.done $0x0  }
0xa4: {  	[sflag:s23] =	ssyncadd.s32 $0xFFFFFFFF  }
0xa5: {  	s4 =	sld [smem:$0x0]  }
0xa6: {  	s5 =	sand.u32 $0xFFFFFFFE, s1  }
0xa7: {  	p0 =	sne.s32 s1, s5  }
0xa8: {  	s5 =	sshll.u32 @p0 s5, $0xE  }
0xa9: {  	s5 =	sadd.s32 @p0 $0x11B8D, s5;
	s6 =	sshll.u32 @p0 s4, $0x11  }
0xaa: {  	s5 =	sor.u32 @p0 s6, s5  }
0xab: {  	[sflag:s5] =	ssyncadd.remote.s32 @p0 $0x1;
	_ =	sdelay $0x1  }
0xac: {  	s5 =	simm.s32 @p0 $0x1B8D  }
0xad: {  	_ =	swait.eq @p0 [sflag:s5], $0x1  }
0xae: {  	[sflag:s5] =	ssyncadd.s32 @p0 $0xFFFFFFFF  }
0xaf: {  	s6 =	sshll.u32 @!p0 s1, $0xE  }
0xb0: {  	s6 =	sor.u32 @!p0 $0x4000, s6;
	s5 =	simm.s32 @!p0 $0x1B8D  }
0xb1: {  	s4 =	sshll.u32 @!p0 s4, $0x11;
	s6 =	sadd.s32 @!p0 $0x11B8D, s6;
	_ =	swait.eq @!p0 [sflag:s5], $0x1  }
0xb2: {  	s4 =	sor.u32 @!p0 s4, s6;
	[sflag:s5] =	ssyncadd.s32 @!p0 $0xFFFFFFFF  }
0xb3: {  	s25 =	simm.s32 $0x1B8E;
	s24 =	sld [smem:$0x3FFE];
	[sflag:s4] =	ssyncadd.remote.s32 @!p0 $0x1  }
0xb4: {  	s26 =	simm.s32 $execute0_lowered;
	[smem:$0x3FD2] =	sst s25  }
0xb5: {  	s5 =	sshll.u32 s26, $0x1;
	_ =	strace $0x8000004C;
	[dreg:$0x1] =	wrdreg $0xFFFFFFFF  }
0xb6: {  	s28 =	simm.s32 $_size_execute0_lowered;
	s3 =	sadd.s32 s3, s5;
	[dreg:$0x0] =	wrdreg $0x0  }
0xb7: {  	s5 =	sshll.u32 s28, $0x1;
	[dreg:$0x2] =	wrdreg s3  }
0xb8: {  	[dreg:$0x3] =	wrdreg s5  }
0xb9: {  	[dreg:$0x4] =	wrdreg $0xC0  }
0xba: {  	_ =	task [dreg:s22], $0x5FFFF  }
0xbb: {  	[dreg:$0x1] =	wrdreg $0xFFFFFFFF  }
0xbc: {  	[dreg:$0x0] =	wrdreg $0x60  }
0xbd: {  	[dreg:$0x2] =	wrdreg s24  }
0xbe: {  	[dreg:$0x3] =	wrdreg $0x51000  }
0xbf: {  	[dreg:$0x4] =	wrdreg $0xA  }
0xc0: {  	_ =	task.clear_ibuf [dreg:s22], $0x5FFFF;
	_ =	strace $0x9000004C  }
0xc1: {  	s29 =	simm.s32 $0xA;
	_ =	strace $0x8000004E  }
0xc2: {  	_ =	swait.ge [sflag:s29], $0x1  }
0xc3: {  	[sflag:s29] =	ssyncadd.s32 $0xFFFFFFFF  }
0xc4: {  	_ =	strace $0x9000004E  }
0xc5: {  	_ =	sfence  }
0xc6: {  	s30 =	sld [smem:$0x0];
	_ =	sdelay $0x2  }
0xc7: {  	s31 =	sshll.u32 s1, $0xD;
	s1 =	sshrl.u32 s1, $0x2  }
0xc8: {  	s4 =	sand.u32 $0x4000, s31;
	s1 =	sadd.s32 s1, s30  }
0xc9: {  	s0 =	sor.u32 s4, s0;
	s1 =	sshll.u32 s1, $0x11  }
0xca: {  	s0 =	sor.u32 s1, s0  }
0xcb: {  	s0 =	sadd.s32 $0x8F2B, s0  }
0xcc: {  	[sflag:s0] =	ssyncadd.remote.s32 $0x1  }
0xcd: {  	_ =	sfence.sel $0xFFFF  }
0xce: {  	[dreg:$0x0] =	wrdreg $0xFFFFFFFF;
	(pc) =	sbr.abs _section_cstart, $3  }
0xcf: {  	[dreg:$0x1] =	wrdreg $0xFFFFFFFF  }
0xd0: {  	_ =	task.clear_ibuf [dreg:s22], $0x2FFFF;
	_ =	strace $0x9FFFFFFF  }
0xd1: {  	(tm) =	ssettm $0x7FFFFFFF  }
tec
execute0_lowered:
.L_overlay_start_1:
0x0: {  	(tag) =	ssettag $0x1  }
0x1: {  	s0 =	rddreg [dreg:$0x0]  }
0x2: {  	s2 =	rddreg [dreg:$0x1]  }
0x3: {  	s13 =	stileid.u32;
	s1 =	srdreg.scid;
	s3 =	simm.s32 $0x0  }
0x4: {  	s28 =	simm.s32 $0x5;
	s29 =	simm.s32 $0x2;
	s4 =	smul.u32 $0x14000, s13  }
0x5: {  	s30 =	simm.s32 $0x4;
	s31 =	simm.s32 $0x6;
	s7 =	smul.u32 $0x50000, s13  }
0x6: {  	s1 =	sand.u32 $0x1, s1;
	[smem:$0x7FF] =	sst s3;
	s9 =	smul.u32 $0x271000, s13  }
0x7: {  	s16 =	sadd.s32 $0xD19E00, s0;
	s14 =	sadd.s32 $0xD200, s0;
	s24 =	smul.u32 $0x4E2, s13  }
0x8: {  	s11 =	sshll.u32 s13, $0x6;
	s5 =	smul.u32 $0x140000, s1;
	_ =	strace $0x8000004D  }
0x9: {  	s25 =	ssub.s32 $0x2, s1;
	s1 =	sshll.u32 s1, $0xA;
	s6 =	sshrl.u32 s4, $0x3  }
0xa: {  	s26 =	sshrl.u32 s25, $0x1;
	s8 =	sshrl.u32 s7, $0x2;
	s15 =	sor.u32 s1, s9  }
0xb: {  	s4 =	sadd.s32 s4, s5;
	s6 =	sadd.s32 s6, s0;
	s17 =	sadd.s32 s8, s2  }
0xc: {  	s8 =	smul.u32 $0x2710, s13;
	s5 =	sor.u32 $0x1C07, s11;
	s7 =	sshrl.u32 s15, $0x3  }
0xd: {  	s4 =	sshrl.u32 s4, $0x3;
	s10 =	sadd.s32 $0x8CE00, s6;
	s18 =	sadd.s32 s16, s7  }
0xe: {  	s17 =	sshrl.u32 s17, $0x3;
	s0 =	sadd.s32 s4, s0;
	[dreg:$0x3] =	wrdreg s10  }
0xf: {  	s4 =	ssub.s32 s25, s26;
	s12 =	sshrl.u32 s8, $0x3;
	[dreg:$0x5] =	wrdreg s18  }
0x10: {  	s10 =	sadd.s32 $0x50, s8;
	s25 =	sadd.s32 $0x14000, s15;
	s26 =	sadd.s32 $0xF000, s15  }
0x11: {  	s18 =	simm.s32 $0x7;
	s6 =	sadd.s32 s14, s12;
	s12 =	sadd.s32 $0xA0, s8  }
0x12: {  	s8 =	sadd.s32 $0xB4E00, s0;
	s19 =	sshll.u32 s10, $0x8;
	s9 =	smax.u32 s4, $0x1  }
0x13: {  	s20 =	sshrl.u32 s10, $0x3;
	s4 =	sshrl.u32 s26, $0x3;
	s26 =	simm.s32 $0x50  }
0x14: {  	[dreg:$0x4] =	wrdreg s6;
	s0 =	sor.u32 s1, s19;
	s10 =	sadd.s32 s14, s20  }
0x15: {  	s21 =	sshll.u32 s12, $0x8;
	s22 =	sshrl.u32 s12, $0x3;
	s19 =	simm.s32 $0x400  }
0x16: {  	s20 =	simm.s32 $0x800;
	s0 =	sshrl.u32 s0, $0x3;
	s1 =	sor.u32 s1, s21  }
0x17: {  	s12 =	sadd.s32 s14, s22;
	s21 =	simm.s32 $0x100;
	s22 =	simm.s32 $0x80  }
0x18: {  	s11 =	sadd.s32 s16, s0;
	s23 =	sshrl.u32 s1, $0x3;
	s0 =	sshrl.u32 s25, $0x3  }
0x19: {  	s1 =	sadd.s32 s24, s14;
	s24 =	simm.s32 $0x1;
	s25 =	simm.s32 $0x3  }
0x1a: {  	s13 =	sadd.s32 s16, s23;
	s14 =	sadd.s32 s0, s16;
	s15 =	sadd.s32 $0x28, s1  }
0x1b: {  	s16 =	sadd.s32 s4, s16;
	s23 =	simm.s32 $0x2900;
	s0 =	simm.s32 $0x0  }
.LBB2_1:
0x1c: {  	s1 =	rddreg [dreg:$0x3]  }
0x1d: {  	[spmem:s17], [sflag:s5] =	dma.local [hbm:s1], $0x2800  }
0x1e: {  	_ =	swait.ge [sflag:s18], $0x2800  }
0x1f: {  	[sflag:s18] =	ssyncset.done $0x0  }
0x20: {  	[sflag:s18] =	ssyncadd.s32 $0xFFFFD800  }
0x21: {  	[bflag:$0x0] =	sbarrier.arrive $0xFFFF  }
0x22: {  	s6 =	rddreg [dreg:$0x4]  }
0x23: {  	[tilespmem:s3], [sflag:$0x1] =	stream.linear.gather [hbm4b:s6+s3], $0x50, $0x38;
	[tilespmem:$0x19100] =	vst v63  }
0x24: {  	s7 =	rddreg [dreg:$0x5]  }
0x25: {  	[tilespmem:s21], [sflag:$0x3] =	stream.strided.gather [hbm4b:s7+s19], $0x2800, s20, s19, $0x38;
	[tilespmem:$0x19100] =	vst v63  }
0x26: {  	_ = 	snop  }
0x27: {  	[tilespmem:s22], [sflag:$0x2] =	stream.linear.gather [hbm4b:s10+s3], $0x50, $0x38;
	[tilespmem:$0x19100] =	vst v63  }
0x28: {  	_ = 	snop  }
0x29: {  	[tilespmem:s23], [sflag:$0x4] =	stream.strided.gather [hbm4b:s11+s19], $0x2800, s20, s19, $0x38;
	[tilespmem:$0x19100] =	vst v63  }
0x2a: {  	_ =	swait.ge [sflag:s24], $0x50  }
0x2b: {  	[sflag:s24] =	ssyncset.done $0x0  }
0x2c: {  	[sflag:s24] =	ssyncadd.s32 $0xFFFFFFB0  }
0x2d: {  	_ =	swait.ge [sflag:s25], $0x2800  }
0x2e: {  	[sflag:s25] =	ssyncset.done $0x0  }
0x2f: {  	[sflag:s25] =	ssyncadd.s32 $0xFFFFD800  }
0x30: {  	[spmem:s2] =	stream.indirect.scatter.add.f32 [tilespmem:s21], [sflag:$0x5], $0x80, s3, s26, $0xb8;
	[tilespmem:$0x19100] =	vst v63  }
0x31: {  	_ =	swait.ge [sflag:s28], $0x2800  }
0x32: {  	[sflag:s28] =	ssyncset.done $0x0  }
0x33: {  	[sflag:s28] =	ssyncadd.s32 $0xFFFFD800  }
0x34: {  	[tilespmem:s3], [sflag:$0x1] =	stream.linear.gather [hbm4b:s12+s3], $0x50, $0x38;
	[tilespmem:$0x19100] =	vst v63  }
0x35: {  	_ = 	snop  }
0x36: {  	[tilespmem:s21], [sflag:$0x3] =	stream.strided.gather [hbm4b:s13+s19], $0x2800, s20, s19, $0x38;
	[tilespmem:$0x19100] =	vst v63  }
0x37: {  	_ =	swait.ge [sflag:s29], $0x50  }
0x38: {  	[sflag:s29] =	ssyncset.done $0x0  }
0x39: {  	[sflag:s29] =	ssyncadd.s32 $0xFFFFFFB0  }
0x3a: {  	_ =	swait.ge [sflag:s30], $0x2800  }
0x3b: {  	[sflag:s30] =	ssyncset.done $0x0  }
0x3c: {  	[sflag:s30] =	ssyncadd.s32 $0xFFFFD800  }
0x3d: {  	[spmem:s2] =	stream.indirect.scatter.add.f32 [tilespmem:s23], [sflag:$0x6], $0x80, s22, s26, $0xb8;
	[tilespmem:$0x19100] =	vst v63  }
0x3e: {  	_ =	swait.ge [sflag:s31], $0x2800  }
0x3f: {  	[sflag:s31] =	ssyncset.done $0x0  }
0x40: {  	s4 =	sadd.s32 $0xFFFFFFF6, s15;
	[sflag:s31] =	ssyncadd.s32 $0xFFFFD800  }
0x41: {  	[tilespmem:s22], [sflag:$0x2] =	stream.linear.gather [hbm4b:s4+s3], $0x50, $0x38;
	[tilespmem:$0x19100] =	vst v63  }
0x42: {  	s6 =	sadd.s32 $0x0, s16  }
0x43: {  	[tilespmem:s23], [sflag:$0x4] =	stream.strided.gather [hbm4b:s6+s19], $0x2800, s20, s19, $0x38;
	[tilespmem:$0x19100] =	vst v63  }
0x44: {  	_ =	swait.ge [sflag:s24], $0x50  }
0x45: {  	[sflag:s24] =	ssyncset.done $0x0  }
0x46: {  	[sflag:s24] =	ssyncadd.s32 $0xFFFFFFB0  }
0x47: {  	_ =	swait.ge [sflag:s25], $0x2800  }
0x48: {  	[sflag:s25] =	ssyncset.done $0x0  }
0x49: {  	[sflag:s25] =	ssyncadd.s32 $0xFFFFD800  }
0x4a: {  	[spmem:s2] =	stream.indirect.scatter.add.f32 [tilespmem:s21], [sflag:$0x5], $0x80, s3, s26, $0xb8;
	[tilespmem:$0x19100] =	vst v63  }
0x4b: {  	_ =	swait.ge [sflag:s28], $0x2800  }
0x4c: {  	[sflag:s28] =	ssyncset.done $0x0  }
0x4d: {  	[sflag:s28] =	ssyncadd.s32 $0xFFFFD800  }
0x4e: {  	[tilespmem:s3], [sflag:$0x1] =	stream.linear.gather [hbm4b:s15+s3], $0x50, $0x38;
	[tilespmem:$0x19100] =	vst v63  }
0x4f: {  	s7 =	sadd.s32 $0x0, s14  }
0x50: {  	[tilespmem:s21], [sflag:$0x3] =	stream.strided.gather [hbm4b:s7+s19], $0x2800, s20, s19, $0x38;
	[tilespmem:$0x19100] =	vst v63  }
0x51: {  	_ =	swait.ge [sflag:s29], $0x50  }
0x52: {  	[sflag:s29] =	ssyncset.done $0x0  }
0x53: {  	[sflag:s29] =	ssyncadd.s32 $0xFFFFFFB0  }
0x54: {  	_ =	swait.ge [sflag:s30], $0x2800  }
0x55: {  	[sflag:s30] =	ssyncset.done $0x0  }
0x56: {  	s1 =	simm.s32 $0x1400;
	s4 =	sadd.s32 $0x14, s15;
	[sflag:s30] =	ssyncadd.s32 $0xFFFFD800  }
.LBB2_2:
0x57: {  	[spmem:s2] =	stream.indirect.scatter.add.f32 [tilespmem:s23], [sflag:$0x6], $0x80, s22, s26, $0xb8;
	[tilespmem:$0x19100] =	vst v63  }
0x58: {  	s6 =	smov.u32 s1  }
0x59: {  	p0 =	sne.s32 s1, $0x4B000;
	s1 =	sadd.s32 $0x1400, s1;
	_ =	swait.ge [sflag:s31], $0x2800  }
0x5a: {  	[sflag:s31] =	ssyncset.done $0x0  }
0x5b: {  	s7 =	sadd.s32 $0xFFFFFFF6, s4;
	[sflag:s31] =	ssyncadd.s32 $0xFFFFD800  }
0x5c: {  	[tilespmem:s22], [sflag:$0x2] =	stream.linear.gather [hbm4b:s7+s3], $0x50, $0x38;
	[tilespmem:$0x19100] =	vst v63  }
0x5d: {  	s7 =	sadd.s32 s6, s16  }
0x5e: {  	[tilespmem:s23], [sflag:$0x4] =	stream.strided.gather [hbm4b:s7+s19], $0x2800, s20, s19, $0x38;
	[tilespmem:$0x19100] =	vst v63  }
0x5f: {  	_ =	swait.ge [sflag:s24], $0x50  }
0x60: {  	[sflag:s24] =	ssyncset.done $0x0  }
0x61: {  	[sflag:s24] =	ssyncadd.s32 $0xFFFFFFB0  }
0x62: {  	_ =	swait.ge [sflag:s25], $0x2800  }
0x63: {  	[sflag:s25] =	ssyncset.done $0x0  }
0x64: {  	[sflag:s25] =	ssyncadd.s32 $0xFFFFD800  }
0x65: {  	[spmem:s2] =	stream.indirect.scatter.add.f32 [tilespmem:s21], [sflag:$0x5], $0x80, s3, s26, $0xb8;
	[tilespmem:$0x19100] =	vst v63  }
0x66: {  	_ =	swait.ge [sflag:s28], $0x2800  }
0x67: {  	[sflag:s28] =	ssyncset.done $0x0  }
0x68: {  	[sflag:s28] =	ssyncadd.s32 $0xFFFFD800  }
0x69: {  	[tilespmem:s3], [sflag:$0x1] =	stream.linear.gather [hbm4b:s4+s3], $0x50, $0x38;
	[tilespmem:$0x19100] =	vst v63  }
0x6a: {  	s6 =	sadd.s32 s6, s14  }
0x6b: {  	[tilespmem:s21], [sflag:$0x3] =	stream.strided.gather [hbm4b:s6+s19], $0x2800, s20, s19, $0x38;
	[tilespmem:$0x19100] =	vst v63  }
0x6c: {  	_ =	swait.ge [sflag:s29], $0x50  }
.Ltmp0:
0x6d: {  	[sflag:s29] =	ssyncset.done $0x0;
	(pc) =	sbr.rel @p0 .LBB2_2-.Ltmp0, $4  }
0x6e: {  	[sflag:s29] =	ssyncadd.s32 $0xFFFFFFB0  }
0x6f: {  	_ =	swait.ge [sflag:s30], $0x2800  }
0x70: {  	[sflag:s30] =	ssyncset.done $0x0  }
0x71: {  	s4 =	sadd.s32 $0x14, s4;
	[sflag:s30] =	ssyncadd.s32 $0xFFFFD800  }
0x72: {  	[spmem:s2] =	stream.indirect.scatter.add.f32 [tilespmem:s23], [sflag:$0x6], $0x80, s22, s26, $0xb8;
	[tilespmem:$0x19100] =	vst v63  }
0x73: {  	_ =	swait.ge [sflag:s24], $0x50  }
0x74: {  	[sflag:s24] =	ssyncset.done $0x0  }
0x75: {  	[sflag:s24] =	ssyncadd.s32 $0xFFFFFFB0  }
0x76: {  	_ =	swait.ge [sflag:s25], $0x2800  }
0x77: {  	[sflag:s25] =	ssyncset.done $0x0  }
0x78: {  	[sflag:s25] =	ssyncadd.s32 $0xFFFFD800  }
0x79: {  	[spmem:s2] =	stream.indirect.scatter.add.f32 [tilespmem:s21], [sflag:$0x5], $0x80, s3, s26, $0xb8;
	[tilespmem:$0x19100] =	vst v63  }
0x7a: {  	_ =	swait.ge [sflag:s31], $0x2800  }
0x7b: {  	[sflag:s31] =	ssyncset.done $0x0  }
0x7c: {  	[sflag:s31] =	ssyncadd.s32 $0xFFFFD800  }
0x7d: {  	_ =	swait.ge [sflag:s28], $0x2800  }
0x7e: {  	s0 =	sadd.s32 $0x1, s0;
	[sflag:s28] =	ssyncset.done $0x0  }
0x7f: {  	p0 =	sne.s32 s0, s9;
	[sflag:s28] =	ssyncadd.s32 $0xFFFFD800  }
.Ltmp1:
0x80: {  	[bflag:$0x0] =	sbarrier.arrive $0xFFFF;
	(pc) =	sbr.rel @p0 .LBB2_1-.Ltmp1, $4  }
0x81: {  	[hbm:s8], [sflag:s5] =	dma.local [spmem:s17], $0x2800  }
0x82: {  	_ =	swait.ge [sflag:s18], $0x2800  }
0x83: {  	[sflag:s18] =	ssyncset.done $0x0  }
0x84: {  	[sflag:s18] =	ssyncadd.s32 $0xFFFFD800  }
0x85: {  	_ =	sfence.sel $0x180000  }
0x86: {  	[bflag:$0x0] =	sbarrier.arrive $0xFFFF  }
0x87: {  	_ =	strace $0x9000004D  }
0x88: {  	s0 =	stileid.u32;
	[bflag:$0x2] =	sbarrier.arrive $0xFFFF  }
0x89: {  	p0 =	sne.s32 s0, $0x0;
	s0 =	rddreg [dreg:$0x2]  }
0x8a: {  	s0 =	sadd.s32 @!p0 $0x100000, s0  }
0x8b: {  	[sflag:s0] =	ssyncadd.tile.s32 @!p0 $0x1;
	_ =	shalt  }
.Lfunc_end2:
_tile_overlayer_lowered:
.L_overlay_start_2:
0x8c: {  	(tag) =	ssettag $0x2  }
0x8d: {  	s0 =	rddreg [dreg:$0x0];
	s2 =	stileid.u32  }
0x8e: {  	s1 =	rddreg [dreg:$0x1];
	p0 =	sne.s32 s2, $0x0  }
0x8f: {  	s3 =	rddreg [dreg:$0x2];
	[bflag:$0x3] =	sbarrier.arrive $0xFFFF;
	s2 =	simm.s32 @!p0 $0x1C07  }
0x90: {  	[timem:s3], [sflag:s2] =	dma.local @!p0 [hbm:s0], s1  }
0x91: {  	s0 =	simm.s32 @!p0 $0x7  }
0x92: {  	_ =	swait.ge @!p0 [sflag:s0], s1  }
0x93: {  	s1 =	ssub.s32 @!p0 $0x0, s1;
	[sflag:s0] =	ssyncset.done @!p0 $0x0  }
0x94: {  	[sflag:s0] =	ssyncadd.s32 @!p0 s1  }
0x95: {  	[bflag:$0x3] =	sbarrier.arrive $0xFFFF  }
0x96: {  	_ =	shalt  }

// kernel: kernel.31.cloned.1.call-start
scs
__scs_entry_jumppad:
0x0: {  	(pc) =	sbr.rel $0x88, $3  }
0x1: {  	(tag) =	ssettag $0x0;
	lr =	simm.s32 $0x1  }
0x2: {  	[smem:$0x3F80] =	sst lr;
	_ =	strace $0xD0000000  }
0x3: {  	_ = 	snop  }
0x4: {  	_ = 	snop  }
0x5: {  	_ = 	snop  }
0x6: {  	_ = 	snop  }
0x7: {  	_ = 	snop  }
__scs_overlays_trampoline_lowered:
0x8: {  	[smem:$0x3F8F] =	sst s0  }
0x9: {  	[smem:$0x3F90] =	sst s1  }
0xa: {  	[smem:$0x3F91] =	sst s2  }
0xb: {  	[smem:$0x3F92] =	sst s3  }
0xc: {  	[smem:$0x3F93] =	sst s4  }
0xd: {  	[smem:$0x3F94] =	sst s5  }
0xe: {  	[smem:$0x3F95] =	sst s6  }
0xf: {  	[smem:$0x3F96] =	sst s7  }
0x10: {  	[smem:$0x3F97] =	sst s8  }
0x11: {  	[smem:$0x3F98] =	sst s9;
	s0 =	simm.s32 @!p0 $0x0  }
0x12: {  	s1 =	sld [smem:$0x3F7E];
	s0 =	simm.s32 @p0 $0x1  }
0x13: {  	[smem:$0x3F99] =	sst s0;
	s0 =	simm.s32 @!p1 $0x0  }
0x14: {  	s2 =	sld [smem:$0x3F7D];
	s0 =	simm.s32 @p1 $0x1  }
0x15: {  	[smem:$0x3F9A] =	sst s0;
	s0 =	simm.s32 @!p2 $0x0  }
0x16: {  	s3 =	sld [smem:$0x3FDB];
	s0 =	simm.s32 @p2 $0x1  }
0x17: {  	s4 =	simm.s32 $0x1BF5;
	[smem:$0x3F9C] =	sst s0  }
0x18: {  	s0 =	sld [smem:$0x3F7F];
	_ =	swait.ge [sflag:s4], $0x0  }
0x19: {  	s7 =	sld [smem:$0x3F80]  }
0x1a: {  	s8 =	sadd.s32 $0xFFFFE003, lr  }
0x1b: {  	s9 =	sadd.s32 $0xFFFFFEF7, lr;
	s5 =	simm.s32 $0xFFFFFFFF;
	p2 =	slt.u32 s8, $0xFFFFF086  }
0x1c: {  	p1 =	slt.u32 s9, $0xF7A;
	s5 =	simm.s32 @!p2 $0x0  }
0x1d: {  	s5 =	simm.s32 @p1 $0x1;
	p0 =	seq.s32 s7, s2  }
0x1e: {  	s7 =	smul.u32 @!p0 $0xF7A, s2;
	p2 =	seq.s32 @!p0 s5, $0x0  }
0x1f: {  	s9 =	smul.u32 $0xF7A, s1;
	s8 =	simm.s32 @!p0 $0x1BF5;
	p2 =	por !p2, p0  }
0x20: {  	[sflag:s8] =	ssyncset.s32 @!p0 $0xFFFFF086;
	s6 =	sadd.s32 @!p0 s3, s7;
	s7 =	simm.s32 @!p0 $0x108  }
0x21: {  	s3 =	sadd.s32 s3, s9;
	s6 =	sadd.s32 @!p0 $0x88, s6;
	s7 =	simm.s32 @p2 $0x1082  }
0x22: {  	[simem:s7], [sflag:s8] =	dma.local @!p0 [hbm:s6], $0xF7A  }
0x23: {  	s9 =	sor.u32 $0xD0000000, s2;
	s6 =	simm.s32 $0x108;
	_ =	swait.ge @!p0 [sflag:s8], $0x0  }
0x24: {  	s3 =	sadd.s32 $0x88, s3;
	s6 =	simm.s32 @!p1 $0x1082;
	[sflag:s4] =	ssyncset.s32 $0xFFFFF086  }
0x25: {  	[simem:s6], [sflag:s4] =	dma.local [hbm:s3], $0xF7A  }
0x26: {  	[smem:$0x3F80] =	sst s1;
	(tag) =	ssettag s2;
	_ =	strace s9  }
0x27: {  	s1 =	sld [smem:$0x3F90]  }
0x28: {  	s2 =	sld [smem:$0x3F91]  }
0x29: {  	s4 =	sld [smem:$0x3F93]  }
0x2a: {  	p0 =	seq.s32 s5, $0x0;
	s5 =	sld [smem:$0x3F94]  }
0x2b: {  	s6 =	sld [smem:$0x3F95]  }
0x2c: {  	s7 =	sld [smem:$0x3F96]  }
0x2d: {  	s3 =	simm.s32 $0x108;
	s8 =	sld [smem:$0x3F97]  }
0x2e: {  	s3 =	simm.s32 @!p0 $0x1082;
	s9 =	sld [smem:$0x3F98]  }
0x2f: {  	lr =	sadd.s32 s0, s3;
	s0 =	sld [smem:$0x3F8F]  }
0x30: {  	s3 =	sld [smem:$0x3F92]  }
0x31: {  	[smem:$0x3F9B] =	sst s10  }
0x32: {  	s10 =	sld [smem:$0x3F99];
	_ =	sdelay $0x3  }
0x33: {  	p0 =	seq.s32 s10, $0x1;
	s10 =	sld [smem:$0x3F9B];
	_ =	sdelay $0x3  }
0x34: {  	[smem:$0x3F9B] =	sst s10  }
0x35: {  	s10 =	sld [smem:$0x3F9A];
	_ =	sdelay $0x3  }
0x36: {  	p1 =	seq.s32 s10, $0x1;
	s10 =	sld [smem:$0x3F9B];
	_ =	sdelay $0x3  }
0x37: {  	[smem:$0x3F9B] =	sst s10  }
0x38: {  	s10 =	sld [smem:$0x3F9C]  }
0x39: {  	_ = 	snop;
	(pc) =	sbr.ind lr, $3  }
0x3a: {  	_ = 	snop  }
0x3b: {  	_ = 	snop  }
0x3c: {  	p2 =	seq.s32 s10, $0x1;
	s10 =	sld [smem:$0x3F9B]  }
0x3d: {  	_ =	shalt  }
0x3e: {  	_ =	shalt  }
0x3f: {  	_ =	shalt  }
0x40: {  	_ =	shalt  }
0x41: {  	_ =	shalt  }
0x42: {  	_ =	shalt  }
0x43: {  	_ =	shalt  }
0x44: {  	_ =	shalt  }
0x45: {  	_ =	shalt  }
0x46: {  	_ =	shalt  }
0x47: {  	_ =	shalt  }
0x48: {  	_ =	shalt  }
0x49: {  	_ =	shalt  }
0x4a: {  	_ =	shalt  }
0x4b: {  	_ =	shalt  }
0x4c: {  	_ =	shalt  }
0x4d: {  	_ =	shalt  }
0x4e: {  	_ =	shalt  }
0x4f: {  	_ =	shalt  }
0x50: {  	_ =	shalt  }
0x51: {  	_ =	shalt  }
0x52: {  	_ =	shalt  }
0x53: {  	_ =	shalt  }
0x54: {  	_ =	shalt  }
0x55: {  	_ =	shalt  }
0x56: {  	_ =	shalt  }
0x57: {  	_ =	shalt  }
0x58: {  	_ =	shalt  }
0x59: {  	_ =	shalt  }
0x5a: {  	_ =	shalt  }
0x5b: {  	_ =	shalt  }
0x5c: {  	_ =	shalt  }
0x5d: {  	_ =	shalt  }
0x5e: {  	_ =	shalt  }
0x5f: {  	_ =	shalt  }
0x60: {  	_ =	shalt  }
0x61: {  	_ =	shalt  }
0x62: {  	_ =	shalt  }
0x63: {  	_ =	shalt  }
0x64: {  	_ =	shalt  }
0x65: {  	_ =	shalt  }
0x66: {  	_ =	shalt  }
0x67: {  	_ =	shalt  }
0x68: {  	_ =	shalt  }
0x69: {  	_ =	shalt  }
0x6a: {  	_ =	shalt  }
0x6b: {  	_ =	shalt  }
0x6c: {  	_ =	shalt  }
0x6d: {  	_ =	shalt  }
0x6e: {  	_ =	shalt  }
0x6f: {  	_ =	shalt  }
0x70: {  	_ =	shalt  }
0x71: {  	_ =	shalt  }
0x72: {  	_ =	shalt  }
0x73: {  	_ =	shalt  }
0x74: {  	_ =	shalt  }
0x75: {  	_ =	shalt  }
0x76: {  	_ =	shalt  }
0x77: {  	_ =	shalt  }
0x78: {  	_ =	shalt  }
0x79: {  	_ =	shalt  }
0x7a: {  	_ =	shalt  }
0x7b: {  	_ =	shalt  }
0x7c: {  	_ =	shalt  }
0x7d: {  	_ =	shalt  }
0x7e: {  	_ =	shalt  }
0x7f: {  	_ =	shalt  }
0x80: {  	_ =	shalt  }
0x81: {  	_ =	shalt  }
0x82: {  	_ =	shalt  }
0x83: {  	_ =	shalt  }
0x84: {  	_ =	shalt  }
0x85: {  	_ =	shalt  }
0x86: {  	_ =	shalt  }
0x87: {  	_ =	shalt  }
.Lfunc_end0:
.L_simem_size_0:
called_computation.4_lowered:
.L_overlay_start_0:
0x88: {  	s2 =	sld [smem:$0x3FD9]  }
0x89: {  	s3 =	sld [smem:$0x3FFE];
	_ =	sdelay $0x1  }
0x8a: {  	s1 =	srdreg.scid  }
0x8b: {  	s0 =	sand.u32 $0x1, s1  }
0x8c: {  	s17 =	sshll.u32 s0, $0xA;
	s2 =	sadd.s32 s3, s2  }
0x8d: {  	s2 =	sadd.s32 s2, s17  }
0x8e: {  	[smem:$0x3FA7] =	sst s2  }
0x8f: {  	_ = 	snop  }
0x90: {  	(tm) =	ssettm $0x1  }
0x91: {  	s18 =	sld [smem:$0x3FFB];
	_ =	sdelay $0x3  }
0x92: {  	_ =	strace s18  }
0x93: {  	s2 =	sld [smem:$0x3FFC];
	_ =	sdelay $0x3  }
0x94: {  	_ =	strace s2  }
0x95: {  	s2 =	sld [smem:$0x3FFD];
	_ =	sdelay $0x3  }
0x96: {  	_ =	strace s2  }
0x97: {  	_ =	strace $0x8FFFFFFF  }
0x98: {  	s19 =	sld [smem:$0x3FDB];
	_ =	sdelay $0x1  }
0x99: {  	s20 =	simm.s32 $_scs_section_size  }
0x9a: {  	s4 =	simm.s32 $_size__tile_overlayer_lowered;
	s5 =	simm.s32 $_tile_overlayer_lowered  }
0x9b: {  	s6 =	simm.s32 $0x1BFF;
	s21 =	sshll.u32 s5, $0x1;
	s3 =	sadd.s32 s20, s19  }
0x9c: {  	s22 =	simm.s32 $0x0;
	s4 =	sshll.u32 s4, $0x1;
	s5 =	sadd.s32 s21, s3  }
0x9d: {  	[timem:s22], [sflag:s6] =	dma.local [hbm:s5], s4  }
0x9e: {  	_ =	swait.ge [sflag:s6], s4  }
0x9f: {  	s4 =	ssub.s32 $0x0, s4;
	[sflag:s6] =	ssyncset.done $0x0  }
0xa0: {  	[sflag:s6] =	ssyncadd.s32 s4;
	_ =	sdelay $0x1  }
0xa1: {  	s23 =	simm.s32 $0x1B8B  }
0xa2: {  	_ =	swait.ge [sflag:s23], $0x1  }
0xa3: {  	[sflag:s23] =	ssyncset.done $0x0  }
0xa4: {  	[sflag:s23] =	ssyncadd.s32 $0xFFFFFFFF  }
0xa5: {  	s4 =	sld [smem:$0x0]  }
0xa6: {  	s5 =	sand.u32 $0xFFFFFFFE, s1  }
0xa7: {  	p0 =	sne.s32 s1, s5  }
0xa8: {  	s5 =	sshll.u32 @p0 s5, $0xE  }
0xa9: {  	s5 =	sadd.s32 @p0 $0x11B8D, s5;
	s6 =	sshll.u32 @p0 s4, $0x11  }
0xaa: {  	s5 =	sor.u32 @p0 s6, s5  }
0xab: {  	[sflag:s5] =	ssyncadd.remote.s32 @p0 $0x1;
	_ =	sdelay $0x1  }
0xac: {  	s5 =	simm.s32 @p0 $0x1B8D  }
0xad: {  	_ =	swait.eq @p0 [sflag:s5], $0x1  }
0xae: {  	[sflag:s5] =	ssyncadd.s32 @p0 $0xFFFFFFFF  }
0xaf: {  	s6 =	sshll.u32 @!p0 s1, $0xE  }
0xb0: {  	s6 =	sor.u32 @!p0 $0x4000, s6;
	s5 =	simm.s32 @!p0 $0x1B8D  }
0xb1: {  	s4 =	sshll.u32 @!p0 s4, $0x11;
	s6 =	sadd.s32 @!p0 $0x11B8D, s6;
	_ =	swait.eq @!p0 [sflag:s5], $0x1  }
0xb2: {  	s4 =	sor.u32 @!p0 s4, s6;
	[sflag:s5] =	ssyncadd.s32 @!p0 $0xFFFFFFFF  }
0xb3: {  	s25 =	simm.s32 $0x1B8E;
	s24 =	sld [smem:$0x3FFE];
	[sflag:s4] =	ssyncadd.remote.s32 @!p0 $0x1  }
0xb4: {  	s26 =	simm.s32 $execute0_lowered;
	[smem:$0x3FD2] =	sst s25  }
0xb5: {  	s5 =	sshll.u32 s26, $0x1;
	_ =	strace $0x80000055;
	[dreg:$0x1] =	wrdreg $0xFFFFFFFF  }
0xb6: {  	s28 =	simm.s32 $_size_execute0_lowered;
	s3 =	sadd.s32 s3, s5;
	[dreg:$0x0] =	wrdreg $0x0  }
0xb7: {  	s5 =	sshll.u32 s28, $0x1;
	[dreg:$0x2] =	wrdreg s3  }
0xb8: {  	[dreg:$0x3] =	wrdreg s5  }
0xb9: {  	[dreg:$0x4] =	wrdreg $0xC0  }
0xba: {  	_ =	task [dreg:s22], $0x5FFFF  }
0xbb: {  	[dreg:$0x1] =	wrdreg $0xFFFFFFFF  }
0xbc: {  	[dreg:$0x0] =	wrdreg $0x60  }
0xbd: {  	[dreg:$0x2] =	wrdreg s24  }
0xbe: {  	[dreg:$0x3] =	wrdreg $0x78000  }
0xbf: {  	[dreg:$0x4] =	wrdreg $0x9  }
0xc0: {  	_ =	task.clear_ibuf [dreg:s22], $0x5FFFF;
	_ =	strace $0x90000055  }
0xc1: {  	s29 =	simm.s32 $0x9;
	_ =	strace $0x80000057  }
0xc2: {  	_ =	swait.ge [sflag:s29], $0x1  }
0xc3: {  	[sflag:s29] =	ssyncadd.s32 $0xFFFFFFFF  }
0xc4: {  	_ =	strace $0x90000057  }
0xc5: {  	_ =	sfence  }
0xc6: {  	s30 =	sld [smem:$0x0];
	_ =	sdelay $0x2  }
0xc7: {  	s31 =	sshll.u32 s1, $0xD;
	s1 =	sshrl.u32 s1, $0x2  }
0xc8: {  	s4 =	sand.u32 $0x4000, s31;
	s1 =	sadd.s32 s1, s30  }
0xc9: {  	s0 =	sor.u32 s4, s0;
	s1 =	sshll.u32 s1, $0x11  }
0xca: {  	s0 =	sor.u32 s1, s0  }
0xcb: {  	s0 =	sadd.s32 $0x8F2B, s0  }
0xcc: {  	[sflag:s0] =	ssyncadd.remote.s32 $0x1  }
0xcd: {  	_ =	sfence.sel $0xFFFF  }
0xce: {  	[dreg:$0x0] =	wrdreg $0xFFFFFFFF;
	(pc) =	sbr.abs _section_cstart, $3  }
0xcf: {  	[dreg:$0x1] =	wrdreg $0xFFFFFFFF  }
0xd0: {  	_ =	task.clear_ibuf [dreg:s22], $0x2FFFF;
	_ =	strace $0x9FFFFFFF  }
0xd1: {  	(tm) =	ssettm $0x7FFFFFFF  }
tec
execute0_lowered:
.L_overlay_start_1:
0x0: {  	(tag) =	ssettag $0x1  }
0x1: {  	s0 =	rddreg [dreg:$0x0];
	s2 =	srdreg.scid  }
0x2: {  	s3 =	stileid.u32;
	s1 =	rddreg [dreg:$0x1];
	s18 =	simm.s32 $0x9  }
0x3: {  	s28 =	simm.s32 $0x3;
	s29 =	simm.s32 $0x5;
	s30 =	simm.s32 $0x7  }
0x4: {  	s31 =	simm.s32 $0x4;
	s5 =	sand.u32 $0x1, s2;
	s4 =	sshll.u32 s3, $0x1  }
0x5: {  	s2 =	simm.s32 $0x0;
	s19 =	sadd.s32 $0xB4E00, s0;
	s15 =	sadd.s32 $0x146CE00, s0  }
0x6: {  	s25 =	smul.u32 $0x27100, s3;
	p0 =	sne.s32 s3, $0x0;
	s3 =	simm.s32 $0x8  }
0x7: {  	s6 =	sor.u32 s5, s4;
	[smem:$0x7FF] =	sst s2;
	s4 =	sadd.s32 $0xDC000, s0  }
0x8: {  	s8 =	ssub.s32 $0x2, s5;
	s14 =	smul.u32 $0x13880, s5;
	s17 =	sshrl.u32 @!p0 s1, $0x3  }
0x9: {  	s5 =	simm.s32 $0x0;
	s7 =	smul.u32 $0x1388, s6;
	_ =	strace $0x80000056  }
0xa: {  	[dreg:$0x3] =	wrdreg s19;
	s9 =	smul.u32 $0x9C400, s6;
	s10 =	sshrl.u32 s8, $0x1  }
0xb: {  	s6 =	smul.u32 $0x13880, s6;
	s19 =	simm.s32 $0x1400;
	s8 =	ssub.s32 s8, s10  }
0xc: {  	s7 =	sshrl.u32 s7, $0x3;
	s9 =	sshrl.u32 s9, $0x3;
	s22 =	smax.u32 s8, $0x1  }
0xd: {  	s23 =	sadd.s32 s15, s6;
	s24 =	sadd.s32 $0x280, s6;
	s7 =	sadd.s32 s7, s0  }
0xe: {  	s0 =	sadd.s32 $0x16DDE00, s0;
	s21 =	sadd.s32 $0x13600, s9;
	[dreg:$0x8] =	wrdreg s22  }
0xf: {  	[dreg:$0x9] =	wrdreg s23;
	s26 =	sadd.s32 s15, s24;
	s22 =	simm.s32 $0x5000  }
0x10: {  	s23 =	simm.s32 $0x3C00;
	s20 =	sadd.s32 $0x56EC00, s7;
	s7 =	sadd.s32 $0x573C00, s7  }
0x11: {  	s9 =	sadd.s32 s15, s21;
	s6 =	sadd.s32 s0, s6;
	[dreg:$0xb] =	wrdreg s26  }
0x12: {  	s13 =	sadd.s32 s0, s24;
	s15 =	sadd.s32 s25, s15;
	[dreg:$0x4] =	wrdreg s20  }
0x13: {  	s16 =	sadd.s32 s25, s0;
	s25 =	simm.s32 $0x6400;
	[dreg:$0x5] =	wrdreg s7  }
0x14: {  	s26 =	simm.s32 $0x1;
	s24 =	simm.s32 $0x2;
	[dreg:$0x6] =	wrdreg s9  }
0x15: {  	s7 =	sadd.s32 s0, s21;
	[dreg:$0xa] =	wrdreg s6;
	s20 =	simm.s32 $0x28  }
0x16: {  	s21 =	simm.s32 $0x2800;
	s0 =	simm.s32 $0x6;
	[dreg:$0x7] =	wrdreg s7  }
.LBB2_1:
0x17: {  	s6 =	simm.s32 @!p0 $0x1C09;
	s7 =	rddreg [dreg:$0x3]  }
0x18: {  	[spmem:s17], [sflag:s6] =	dma.local @!p0 [hbm:s7], $0x27100  }
0x19: {  	s6 =	simm.s32 @!p0 $0x9  }
0x1a: {  	_ =	swait.ge @!p0 [sflag:s6], $0x27100  }
0x1b: {  	[sflag:s6] =	ssyncset.done @!p0 $0x0  }
0x1c: {  	s11 =	rddreg [dreg:$0x4];
	[sflag:s6] =	ssyncadd.s32 @!p0 $0xFFFD8F00  }
0x1d: {  	[tilespmem:s2], [sflag:$0x9] =	stream.linear.gather [hbm4b:s11+s2], $0x1388, $0x38;
	[tilespmem:$0x1B080] =	vst v63  }
0x1e: {  	_ =	swait.ge [sflag:s18], $0x1388  }
0x1f: {  	[sflag:s18] =	ssyncset.done $0x0  }
0x20: {  	s12 =	rddreg [dreg:$0x5];
	[sflag:s18] =	ssyncadd.s32 $0xFFFFEC78  }
0x21: {  	[tilespmem:s19], [sflag:$0x9] =	stream.linear.gather [hbm4b:s12+s2], $0x1388, $0x38;
	[tilespmem:$0x1B080] =	vst v63  }
0x22: {  	_ =	swait.ge [sflag:s18], $0x1388  }
0x23: {  	[sflag:s18] =	ssyncset.done $0x0  }
0x24: {  	[sflag:s18] =	ssyncadd.s32 $0xFFFFEC78  }
0x25: {  	[bflag:$0x0] =	sbarrier.arrive $0xFFFF  }
0x26: {  	[tilespmem:s21], [sflag:$0x1] =	stream.indirect.gather [spmem:s1], $0x80, s2, s20, $0xb8;
	[tilespmem:$0x1B080] =	vst v63  }
0x27: {  	_ = 	snop  }
0x28: {  	[tilespmem:s22], [sflag:$0x3] =	stream.indirect.gather [hbm4b:s4+s20], $0x80, s19, s20, $0xb8;
	[tilespmem:$0x1B080] =	vst v63  }
0x29: {  	_ = 	snop  }
0x2a: {  	[tilespmem:s23], [sflag:$0x2] =	stream.indirect.gather [spmem:s1], $0x80, s20, s20, $0xb8;
	[tilespmem:$0x1B080] =	vst v63  }
0x2b: {  	s7 =	simm.s32 $0x1428  }
0x2c: {  	[tilespmem:s25], [sflag:$0x4] =	stream.indirect.gather [hbm4b:s4+s20], $0x80, s7, s20, $0xb8;
	[tilespmem:$0x1B080] =	vst v63  }
0x2d: {  	_ =	swait.ge [sflag:s26], $0x1400  }
0x2e: {  	[sflag:s26] =	ssyncset.done $0x0  }
0x2f: {  	[sflag:s26] =	ssyncadd.s32 $0xFFFFEC00  }
0x30: {  	_ =	swait.ge [sflag:s28], $0x1400  }
0x31: {  	[sflag:s28] =	ssyncset.done $0x0  }
0x32: {  	s8 =	rddreg [dreg:$0x9];
	[sflag:s28] =	ssyncadd.s32 $0xFFFFEC00  }
0x33: {  	[hbm4b:s8+s2] =	stream.linear.scatter [tilespmem:s21], [sflag:$0x5], $0x1400, $0x38;
	[tilespmem:$0x1B080] =	vst v63  }
0x34: {  	s9 =	rddreg [dreg:$0xa]  }
0x35: {  	[hbm4b:s9+s2] =	stream.linear.scatter [tilespmem:s22], [sflag:$0x7], $0x1400, $0x38;
	[tilespmem:$0x1B080] =	vst v63  }
0x36: {  	_ =	swait.ge [sflag:s29], $0x1400  }
0x37: {  	[sflag:s29] =	ssyncset.done $0x0  }
0x38: {  	[sflag:s29] =	ssyncadd.s32 $0xFFFFEC00  }
0x39: {  	_ =	swait.ge [sflag:s30], $0x1400  }
0x3a: {  	[sflag:s30] =	ssyncset.done $0x0  }
0x3b: {  	s10 =	simm.s32 $0x50;
	[sflag:s30] =	ssyncadd.s32 $0xFFFFEC00  }
0x3c: {  	[tilespmem:s21], [sflag:$0x1] =	stream.indirect.gather [spmem:s1], $0x80, s10, s20, $0xb8;
	[tilespmem:$0x1B080] =	vst v63  }
0x3d: {  	s11 =	simm.s32 $0x1450  }
0x3e: {  	[tilespmem:s22], [sflag:$0x3] =	stream.indirect.gather [hbm4b:s4+s20], $0x80, s11, s20, $0xb8;
	[tilespmem:$0x1B080] =	vst v63  }
0x3f: {  	_ =	swait.ge [sflag:s24], $0x1400  }
0x40: {  	[sflag:s24] =	ssyncset.done $0x0  }
0x41: {  	[sflag:s24] =	ssyncadd.s32 $0xFFFFEC00  }
0x42: {  	_ =	swait.ge [sflag:s31], $0x1400  }
0x43: {  	[sflag:s31] =	ssyncset.done $0x0  }
0x44: {  	s12 =	rddreg [dreg:$0xb];
	[sflag:s31] =	ssyncadd.s32 $0xFFFFEC00  }
0x45: {  	[hbm4b:s12+s2] =	stream.linear.scatter [tilespmem:s23], [sflag:$0x6], $0x1400, $0x38;
	[tilespmem:$0x1B080] =	vst v63  }
0x46: {  	_ = 	snop  }
0x47: {  	[hbm4b:s13+s2] =	stream.linear.scatter [tilespmem:s25], [sflag:$0x8], $0x1400, $0x38;
	[tilespmem:$0x1B080] =	vst v63  }
0x48: {  	_ =	swait.ge [sflag:s0], $0x1400  }
0x49: {  	[sflag:s0] =	ssyncset.done $0x0  }
0x4a: {  	[sflag:s0] =	ssyncadd.s32 $0xFFFFEC00  }
0x4b: {  	_ =	swait.ge [sflag:s3], $0x1400  }
0x4c: {  	[sflag:s3] =	ssyncset.done $0x0  }
0x4d: {  	s7 =	simm.s32 $0x78;
	[sflag:s3] =	ssyncadd.s32 $0xFFFFEC00  }
0x4e: {  	[tilespmem:s23], [sflag:$0x2] =	stream.indirect.gather [spmem:s1], $0x80, s7, s20, $0xb8;
	[tilespmem:$0x1B080] =	vst v63  }
0x4f: {  	s8 =	simm.s32 $0x1478  }
0x50: {  	[tilespmem:s25], [sflag:$0x4] =	stream.indirect.gather [hbm4b:s4+s20], $0x80, s8, s20, $0xb8;
	[tilespmem:$0x1B080] =	vst v63  }
0x51: {  	_ =	swait.ge [sflag:s26], $0x1400  }
0x52: {  	[sflag:s26] =	ssyncset.done $0x0  }
0x53: {  	[sflag:s26] =	ssyncadd.s32 $0xFFFFEC00  }
0x54: {  	_ =	swait.ge [sflag:s28], $0x1400  }
0x55: {  	s6 =	sadd.s32 s15, s14;
	[sflag:s28] =	ssyncset.done $0x0  }
0x56: {  	s9 =	sadd.s32 $0x500, s6;
	s8 =	sadd.s32 s16, s14;
	[sflag:s28] =	ssyncadd.s32 $0xFFFFEC00  }
0x57: {  	[hbm4b:s9+s2] =	stream.linear.scatter [tilespmem:s21], [sflag:$0x5], $0x1400, $0x38;
	[tilespmem:$0x1B080] =	vst v63  }
0x58: {  	s10 =	sadd.s32 $0x500, s8  }
0x59: {  	[hbm4b:s10+s2] =	stream.linear.scatter [tilespmem:s22], [sflag:$0x7], $0x1400, $0x38;
	[tilespmem:$0x1B080] =	vst v63  }
0x5a: {  	_ =	swait.ge [sflag:s29], $0x1400  }
0x5b: {  	[sflag:s29] =	ssyncset.done $0x0  }
0x5c: {  	[sflag:s29] =	ssyncadd.s32 $0xFFFFEC00  }
0x5d: {  	_ =	swait.ge [sflag:s30], $0x1400  }
0x5e: {  	[sflag:s30] =	ssyncset.done $0x0  }
0x5f: {  	s11 =	simm.s32 $0xA0;
	[sflag:s30] =	ssyncadd.s32 $0xFFFFEC00  }
0x60: {  	[tilespmem:s21], [sflag:$0x1] =	stream.indirect.gather [spmem:s1], $0x80, s11, s20, $0xb8;
	[tilespmem:$0x1B080] =	vst v63  }
0x61: {  	s12 =	simm.s32 $0x14A0  }
0x62: {  	[tilespmem:s22], [sflag:$0x3] =	stream.indirect.gather [hbm4b:s4+s20], $0x80, s12, s20, $0xb8;
	[tilespmem:$0x1B080] =	vst v63  }
0x63: {  	_ =	swait.ge [sflag:s24], $0x1400  }
0x64: {  	[sflag:s24] =	ssyncset.done $0x0  }
0x65: {  	[sflag:s24] =	ssyncadd.s32 $0xFFFFEC00  }
0x66: {  	_ =	swait.ge [sflag:s31], $0x1400  }
0x67: {  	[sflag:s31] =	ssyncset.done $0x0  }
0x68: {  	s6 =	sadd.s32 $0x780, s6;
	s7 =	sadd.s32 $0x500, s15;
	[sflag:s31] =	ssyncadd.s32 $0xFFFFEC00  }
0x69: {  	[hbm4b:s6+s2] =	stream.linear.scatter [tilespmem:s23], [sflag:$0x6], $0x1400, $0x38;
	[tilespmem:$0x1B080] =	vst v63  }
0x6a: {  	s9 =	sadd.s32 $0x780, s8;
	s8 =	sadd.s32 $0x500, s16;
	s6 =	simm.s32 $0x140  }
.LBB2_2:
0x6b: {  	[hbm4b:s9+s2] =	stream.linear.scatter [tilespmem:s25], [sflag:$0x8], $0x1400, $0x38;
	[tilespmem:$0x1B080] =	vst v63  }
0x6c: {  	s9 =	smov.u32 s6  }
0x6d: {  	p1 =	sne.s32 s6, $0x4B00;
	s6 =	sadd.s32 $0x140, s6;
	_ =	swait.ge [sflag:s0], $0x1400  }
0x6e: {  	[sflag:s0] =	ssyncset.done $0x0  }
0x6f: {  	[sflag:s0] =	ssyncadd.s32 $0xFFFFEC00  }
0x70: {  	_ =	swait.ge [sflag:s3], $0x1400  }
0x71: {  	s9 =	sshra.s32 s9, $0x2;
	[sflag:s3] =	ssyncset.done $0x0  }
0x72: {  	s10 =	sadd.s32 $0x78, s9;
	[sflag:s3] =	ssyncadd.s32 $0xFFFFEC00  }
0x73: {  	[tilespmem:s23], [sflag:$0x2] =	stream.indirect.gather [spmem:s1], $0x80, s10, s20, $0xb8;
	[tilespmem:$0x1B080] =	vst v63  }
0x74: {  	s10 =	sadd.s32 $0x1478, s9  }
0x75: {  	[tilespmem:s25], [sflag:$0x4] =	stream.indirect.gather [hbm4b:s4+s20], $0x80, s10, s20, $0xb8;
	[tilespmem:$0x1B080] =	vst v63  }
0x76: {  	_ =	swait.ge [sflag:s26], $0x1400  }
0x77: {  	[sflag:s26] =	ssyncset.done $0x0  }
0x78: {  	[sflag:s26] =	ssyncadd.s32 $0xFFFFEC00  }
0x79: {  	_ =	swait.ge [sflag:s28], $0x1400  }
0x7a: {  	s10 =	sadd.s32 s7, s14;
	[sflag:s28] =	ssyncset.done $0x0  }
0x7b: {  	s12 =	sadd.s32 s8, s14;
	s11 =	sadd.s32 $0x500, s10;
	[sflag:s28] =	ssyncadd.s32 $0xFFFFEC00  }
0x7c: {  	[hbm4b:s11+s2] =	stream.linear.scatter [tilespmem:s21], [sflag:$0x5], $0x1400, $0x38;
	[tilespmem:$0x1B080] =	vst v63  }
0x7d: {  	s11 =	sadd.s32 $0x500, s12  }
0x7e: {  	[hbm4b:s11+s2] =	stream.linear.scatter [tilespmem:s22], [sflag:$0x7], $0x1400, $0x38;
	[tilespmem:$0x1B080] =	vst v63  }
0x7f: {  	_ =	swait.ge [sflag:s29], $0x1400  }
0x80: {  	[sflag:s29] =	ssyncset.done $0x0  }
0x81: {  	[sflag:s29] =	ssyncadd.s32 $0xFFFFEC00  }
0x82: {  	_ =	swait.ge [sflag:s30], $0x1400  }
0x83: {  	[sflag:s30] =	ssyncset.done $0x0  }
0x84: {  	s11 =	sadd.s32 $0xA0, s9;
	[sflag:s30] =	ssyncadd.s32 $0xFFFFEC00  }
0x85: {  	[tilespmem:s21], [sflag:$0x1] =	stream.indirect.gather [spmem:s1], $0x80, s11, s20, $0xb8;
	[tilespmem:$0x1B080] =	vst v63  }
0x86: {  	s9 =	sadd.s32 $0x14A0, s9  }
0x87: {  	[tilespmem:s22], [sflag:$0x3] =	stream.indirect.gather [hbm4b:s4+s20], $0x80, s9, s20, $0xb8;
	[tilespmem:$0x1B080] =	vst v63  }
0x88: {  	_ =	swait.ge [sflag:s24], $0x1400  }
0x89: {  	[sflag:s24] =	ssyncset.done $0x0  }
0x8a: {  	[sflag:s24] =	ssyncadd.s32 $0xFFFFEC00  }
.Ltmp0:
0x8b: {  	_ =	swait.ge [sflag:s31], $0x1400;
	(pc) =	sbr.rel @p1 .LBB2_2-.Ltmp0, $4  }
0x8c: {  	[sflag:s31] =	ssyncset.done $0x0  }
0x8d: {  	s9 =	sadd.s32 $0x780, s10;
	[sflag:s31] =	ssyncadd.s32 $0xFFFFEC00  }
0x8e: {  	[hbm4b:s9+s2] =	stream.linear.scatter [tilespmem:s23], [sflag:$0x6], $0x1400, $0x38;
	[tilespmem:$0x1B080] =	vst v63  }
0x8f: {  	s8 =	sadd.s32 $0x500, s8;
	s7 =	sadd.s32 $0x500, s7;
	s9 =	sadd.s32 $0x780, s12  }
0x90: {  	[hbm4b:s9+s2] =	stream.linear.scatter [tilespmem:s25], [sflag:$0x8], $0x1400, $0x38;
	[tilespmem:$0x1B080] =	vst v63  }
0x91: {  	_ =	swait.ge [sflag:s26], $0x1400  }
0x92: {  	[sflag:s26] =	ssyncset.done $0x0  }
0x93: {  	[sflag:s26] =	ssyncadd.s32 $0xFFFFEC00  }
0x94: {  	_ =	swait.ge [sflag:s28], $0x1400  }
0x95: {  	[sflag:s28] =	ssyncset.done $0x0  }
0x96: {  	s6 =	rddreg [dreg:$0x6];
	[sflag:s28] =	ssyncadd.s32 $0xFFFFEC00  }
0x97: {  	[hbm4b:s6+s2] =	stream.linear.scatter [tilespmem:s21], [sflag:$0x5], $0x1400, $0x38;
	[tilespmem:$0x1B080] =	vst v63  }
0x98: {  	s11 =	rddreg [dreg:$0x7]  }
0x99: {  	[hbm4b:s11+s2] =	stream.linear.scatter [tilespmem:s22], [sflag:$0x7], $0x1400, $0x38;
	[tilespmem:$0x1B080] =	vst v63  }
0x9a: {  	_ =	swait.ge [sflag:s0], $0x1400  }
0x9b: {  	[sflag:s0] =	ssyncset.done $0x0  }
0x9c: {  	[sflag:s0] =	ssyncadd.s32 $0xFFFFEC00  }
0x9d: {  	_ =	swait.ge [sflag:s3], $0x1400  }
0x9e: {  	[sflag:s3] =	ssyncset.done $0x0  }
0x9f: {  	[sflag:s3] =	ssyncadd.s32 $0xFFFFEC00  }
0xa0: {  	_ =	swait.ge [sflag:s29], $0x1400  }
0xa1: {  	[sflag:s29] =	ssyncset.done $0x0  }
0xa2: {  	[sflag:s29] =	ssyncadd.s32 $0xFFFFEC00  }
0xa3: {  	_ =	swait.ge [sflag:s30], $0x1400  }
0xa4: {  	s5 =	sadd.s32 $0x1, s5;
	s12 =	rddreg [dreg:$0x8]  }
0xa5: {  	p1 =	sne.s32 s5, s12  }
.Ltmp1:
0xa6: {  	_ = 	snop;
	(pc) =	sbr.rel @p1 .LBB2_1-.Ltmp1, $3  }
0xa7: {  	_ =	sdelay $0x1  }
0xa8: {  	[sflag:s30] =	ssyncset.done $0x0  }
0xa9: {  	[sflag:s30] =	ssyncadd.s32 $0xFFFFEC00  }
0xaa: {  	_ =	sfence.sel $0x180000  }
0xab: {  	[bflag:$0x0] =	sbarrier.arrive $0xFFFF  }
0xac: {  	_ =	strace $0x90000056  }
0xad: {  	[bflag:$0x2] =	sbarrier.arrive $0xFFFF  }
0xae: {  	s0 =	rddreg [dreg:$0x2]  }
0xaf: {  	s0 =	sadd.s32 @!p0 $0x100000, s0  }
0xb0: {  	[sflag:s0] =	ssyncadd.tile.s32 @!p0 $0x1;
	_ =	shalt  }
.Lfunc_end2:
_tile_overlayer_lowered:
.L_overlay_start_2:
0xb1: {  	(tag) =	ssettag $0x2  }
0xb2: {  	s0 =	rddreg [dreg:$0x0];
	s2 =	stileid.u32  }
0xb3: {  	s1 =	rddreg [dreg:$0x1];
	p0 =	sne.s32 s2, $0x0  }
0xb4: {  	s3 =	rddreg [dreg:$0x2];
	[bflag:$0x3] =	sbarrier.arrive $0xFFFF;
	s2 =	simm.s32 @!p0 $0x1C09  }
0xb5: {  	[timem:s3], [sflag:s2] =	dma.local @!p0 [hbm:s0], s1  }
0xb6: {  	s0 =	simm.s32 @!p0 $0x9  }
0xb7: {  	_ =	swait.ge @!p0 [sflag:s0], s1  }
0xb8: {  	s1 =	ssub.s32 @!p0 $0x0, s1;
	[sflag:s0] =	ssyncset.done @!p0 $0x0  }
0xb9: {  	[sflag:s0] =	ssyncadd.s32 @!p0 s1  }
0xba: {  	[bflag:$0x3] =	sbarrier.arrive $0xFFFF  }
0xbb: {  	_ =	shalt  }

// kernel: kernel.34.cloned.1.call-start
scs
__scs_entry_jumppad:
0x0: {  	(pc) =	sbr.rel $0x88, $3  }
0x1: {  	(tag) =	ssettag $0x0;
	lr =	simm.s32 $0x1  }
0x2: {  	[smem:$0x3F80] =	sst lr;
	_ =	strace $0xD0000000  }
0x3: {  	_ = 	snop  }
0x4: {  	_ = 	snop  }
0x5: {  	_ = 	snop  }
0x6: {  	_ = 	snop  }
0x7: {  	_ = 	snop  }
__scs_overlays_trampoline_lowered:
0x8: {  	[smem:$0x3F8F] =	sst s0  }
0x9: {  	[smem:$0x3F90] =	sst s1  }
0xa: {  	[smem:$0x3F91] =	sst s2  }
0xb: {  	[smem:$0x3F92] =	sst s3  }
0xc: {  	[smem:$0x3F93] =	sst s4  }
0xd: {  	[smem:$0x3F94] =	sst s5  }
0xe: {  	[smem:$0x3F95] =	sst s6  }
0xf: {  	[smem:$0x3F96] =	sst s7  }
0x10: {  	[smem:$0x3F97] =	sst s8  }
0x11: {  	[smem:$0x3F98] =	sst s9;
	s0 =	simm.s32 @!p0 $0x0  }
0x12: {  	s1 =	sld [smem:$0x3F7E];
	s0 =	simm.s32 @p0 $0x1  }
0x13: {  	[smem:$0x3F99] =	sst s0;
	s0 =	simm.s32 @!p1 $0x0  }
0x14: {  	s2 =	sld [smem:$0x3F7D];
	s0 =	simm.s32 @p1 $0x1  }
0x15: {  	[smem:$0x3F9A] =	sst s0;
	s0 =	simm.s32 @!p2 $0x0  }
0x16: {  	s3 =	sld [smem:$0x3FDB];
	s0 =	simm.s32 @p2 $0x1  }
0x17: {  	s4 =	simm.s32 $0x1BF5;
	[smem:$0x3F9C] =	sst s0  }
0x18: {  	s0 =	sld [smem:$0x3F7F];
	_ =	swait.ge [sflag:s4], $0x0  }
0x19: {  	s7 =	sld [smem:$0x3F80]  }
0x1a: {  	s8 =	sadd.s32 $0xFFFFE003, lr  }
0x1b: {  	s9 =	sadd.s32 $0xFFFFFEF7, lr;
	s5 =	simm.s32 $0xFFFFFFFF;
	p2 =	slt.u32 s8, $0xFFFFF086  }
0x1c: {  	p1 =	slt.u32 s9, $0xF7A;
	s5 =	simm.s32 @!p2 $0x0  }
0x1d: {  	s5 =	simm.s32 @p1 $0x1;
	p0 =	seq.s32 s7, s2  }
0x1e: {  	s7 =	smul.u32 @!p0 $0xF7A, s2;
	p2 =	seq.s32 @!p0 s5, $0x0  }
0x1f: {  	s9 =	smul.u32 $0xF7A, s1;
	s8 =	simm.s32 @!p0 $0x1BF5;
	p2 =	por !p2, p0  }
0x20: {  	[sflag:s8] =	ssyncset.s32 @!p0 $0xFFFFF086;
	s6 =	sadd.s32 @!p0 s3, s7;
	s7 =	simm.s32 @!p0 $0x108  }
0x21: {  	s3 =	sadd.s32 s3, s9;
	s6 =	sadd.s32 @!p0 $0x88, s6;
	s7 =	simm.s32 @p2 $0x1082  }
0x22: {  	[simem:s7], [sflag:s8] =	dma.local @!p0 [hbm:s6], $0xF7A  }
0x23: {  	s9 =	sor.u32 $0xD0000000, s2;
	s6 =	simm.s32 $0x108;
	_ =	swait.ge @!p0 [sflag:s8], $0x0  }
0x24: {  	s3 =	sadd.s32 $0x88, s3;
	s6 =	simm.s32 @!p1 $0x1082;
	[sflag:s4] =	ssyncset.s32 $0xFFFFF086  }
0x25: {  	[simem:s6], [sflag:s4] =	dma.local [hbm:s3], $0xF7A  }
0x26: {  	[smem:$0x3F80] =	sst s1;
	(tag) =	ssettag s2;
	_ =	strace s9  }
0x27: {  	s1 =	sld [smem:$0x3F90]  }
0x28: {  	s2 =	sld [smem:$0x3F91]  }
0x29: {  	s4 =	sld [smem:$0x3F93]  }
0x2a: {  	p0 =	seq.s32 s5, $0x0;
	s5 =	sld [smem:$0x3F94]  }
0x2b: {  	s6 =	sld [smem:$0x3F95]  }
0x2c: {  	s7 =	sld [smem:$0x3F96]  }
0x2d: {  	s3 =	simm.s32 $0x108;
	s8 =	sld [smem:$0x3F97]  }
0x2e: {  	s3 =	simm.s32 @!p0 $0x1082;
	s9 =	sld [smem:$0x3F98]  }
0x2f: {  	lr =	sadd.s32 s0, s3;
	s0 =	sld [smem:$0x3F8F]  }
0x30: {  	s3 =	sld [smem:$0x3F92]  }
0x31: {  	[smem:$0x3F9B] =	sst s10  }
0x32: {  	s10 =	sld [smem:$0x3F99];
	_ =	sdelay $0x3  }
0x33: {  	p0 =	seq.s32 s10, $0x1;
	s10 =	sld [smem:$0x3F9B];
	_ =	sdelay $0x3  }
0x34: {  	[smem:$0x3F9B] =	sst s10  }
0x35: {  	s10 =	sld [smem:$0x3F9A];
	_ =	sdelay $0x3  }
0x36: {  	p1 =	seq.s32 s10, $0x1;
	s10 =	sld [smem:$0x3F9B];
	_ =	sdelay $0x3  }
0x37: {  	[smem:$0x3F9B] =	sst s10  }
0x38: {  	s10 =	sld [smem:$0x3F9C]  }
0x39: {  	_ = 	snop;
	(pc) =	sbr.ind lr, $3  }
0x3a: {  	_ = 	snop  }
0x3b: {  	_ = 	snop  }
0x3c: {  	p2 =	seq.s32 s10, $0x1;
	s10 =	sld [smem:$0x3F9B]  }
0x3d: {  	_ =	shalt  }
0x3e: {  	_ =	shalt  }
0x3f: {  	_ =	shalt  }
0x40: {  	_ =	shalt  }
0x41: {  	_ =	shalt  }
0x42: {  	_ =	shalt  }
0x43: {  	_ =	shalt  }
0x44: {  	_ =	shalt  }
0x45: {  	_ =	shalt  }
0x46: {  	_ =	shalt  }
0x47: {  	_ =	shalt  }
0x48: {  	_ =	shalt  }
0x49: {  	_ =	shalt  }
0x4a: {  	_ =	shalt  }
0x4b: {  	_ =	shalt  }
0x4c: {  	_ =	shalt  }
0x4d: {  	_ =	shalt  }
0x4e: {  	_ =	shalt  }
0x4f: {  	_ =	shalt  }
0x50: {  	_ =	shalt  }
0x51: {  	_ =	shalt  }
0x52: {  	_ =	shalt  }
0x53: {  	_ =	shalt  }
0x54: {  	_ =	shalt  }
0x55: {  	_ =	shalt  }
0x56: {  	_ =	shalt  }
0x57: {  	_ =	shalt  }
0x58: {  	_ =	shalt  }
0x59: {  	_ =	shalt  }
0x5a: {  	_ =	shalt  }
0x5b: {  	_ =	shalt  }
0x5c: {  	_ =	shalt  }
0x5d: {  	_ =	shalt  }
0x5e: {  	_ =	shalt  }
0x5f: {  	_ =	shalt  }
0x60: {  	_ =	shalt  }
0x61: {  	_ =	shalt  }
0x62: {  	_ =	shalt  }
0x63: {  	_ =	shalt  }
0x64: {  	_ =	shalt  }
0x65: {  	_ =	shalt  }
0x66: {  	_ =	shalt  }
0x67: {  	_ =	shalt  }
0x68: {  	_ =	shalt  }
0x69: {  	_ =	shalt  }
0x6a: {  	_ =	shalt  }
0x6b: {  	_ =	shalt  }
0x6c: {  	_ =	shalt  }
0x6d: {  	_ =	shalt  }
0x6e: {  	_ =	shalt  }
0x6f: {  	_ =	shalt  }
0x70: {  	_ =	shalt  }
0x71: {  	_ =	shalt  }
0x72: {  	_ =	shalt  }
0x73: {  	_ =	shalt  }
0x74: {  	_ =	shalt  }
0x75: {  	_ =	shalt  }
0x76: {  	_ =	shalt  }
0x77: {  	_ =	shalt  }
0x78: {  	_ =	shalt  }
0x79: {  	_ =	shalt  }
0x7a: {  	_ =	shalt  }
0x7b: {  	_ =	shalt  }
0x7c: {  	_ =	shalt  }
0x7d: {  	_ =	shalt  }
0x7e: {  	_ =	shalt  }
0x7f: {  	_ =	shalt  }
0x80: {  	_ =	shalt  }
0x81: {  	_ =	shalt  }
0x82: {  	_ =	shalt  }
0x83: {  	_ =	shalt  }
0x84: {  	_ =	shalt  }
0x85: {  	_ =	shalt  }
0x86: {  	_ =	shalt  }
0x87: {  	_ =	shalt  }
.Lfunc_end0:
.L_simem_size_0:
called_computation.5_lowered:
.L_overlay_start_0:
0x88: {  	s2 =	sld [smem:$0x3FD9]  }
0x89: {  	s3 =	sld [smem:$0x3FFE];
	_ =	sdelay $0x1  }
0x8a: {  	s1 =	srdreg.scid  }
0x8b: {  	s0 =	sand.u32 $0x1, s1  }
0x8c: {  	s16 =	sshll.u32 s0, $0xA;
	s2 =	sadd.s32 s3, s2  }
0x8d: {  	s2 =	sadd.s32 s2, s16  }
0x8e: {  	[smem:$0x3FA7] =	sst s2  }
0x8f: {  	_ = 	snop  }
0x90: {  	(tm) =	ssettm $0x1  }
0x91: {  	s17 =	sld [smem:$0x3FFB];
	_ =	sdelay $0x3  }
0x92: {  	_ =	strace s17  }
0x93: {  	s2 =	sld [smem:$0x3FFC];
	_ =	sdelay $0x3  }
0x94: {  	_ =	strace s2  }
0x95: {  	s2 =	sld [smem:$0x3FFD];
	_ =	sdelay $0x3  }
0x96: {  	_ =	strace s2  }
0x97: {  	_ =	strace $0x8FFFFFFF  }
0x98: {  	s18 =	sld [smem:$0x3FDB];
	_ =	sdelay $0x1  }
0x99: {  	s19 =	simm.s32 $_scs_section_size  }
0x9a: {  	s4 =	simm.s32 $_size__tile_overlayer_lowered;
	s5 =	simm.s32 $_tile_overlayer_lowered  }
0x9b: {  	s22 =	simm.s32 $0x1BFF;
	s21 =	sshll.u32 s5, $0x1;
	s2 =	sadd.s32 s19, s18  }
0x9c: {  	s6 =	simm.s32 $0x0;
	s20 =	sshll.u32 s4, $0x1;
	s4 =	sadd.s32 s21, s2  }
0x9d: {  	[timem:s6], [sflag:s22] =	dma.local [hbm:s4], s20  }
0x9e: {  	_ =	swait.ge [sflag:s22], s20  }
0x9f: {  	s3 =	ssub.s32 $0x0, s20;
	[sflag:s22] =	ssyncset.done $0x0  }
0xa0: {  	[sflag:s22] =	ssyncadd.s32 s3;
	_ =	sdelay $0x1  }
0xa1: {  	s23 =	simm.s32 $0x1B8B  }
0xa2: {  	_ =	swait.ge [sflag:s23], $0x1  }
0xa3: {  	[sflag:s23] =	ssyncset.done $0x0  }
0xa4: {  	s25 =	simm.s32 $0x1B8E;
	s24 =	sld [smem:$0x3FFE];
	[sflag:s23] =	ssyncadd.s32 $0xFFFFFFFF  }
0xa5: {  	s26 =	simm.s32 $execute0_lowered;
	[smem:$0x3FD2] =	sst s25  }
0xa6: {  	s4 =	sshll.u32 s26, $0x1;
	_ =	strace $0x80000052;
	[dreg:$0x1] =	wrdreg $0xFFFFFFFF  }
0xa7: {  	s28 =	simm.s32 $_size_execute0_lowered;
	s2 =	sadd.s32 s2, s4;
	[dreg:$0x0] =	wrdreg $0x0  }
0xa8: {  	s4 =	sshll.u32 s28, $0x1;
	[dreg:$0x2] =	wrdreg s2  }
0xa9: {  	[dreg:$0x3] =	wrdreg s4  }
0xaa: {  	[dreg:$0x4] =	wrdreg $0xC0  }
0xab: {  	_ =	task [dreg:s6], $0x5FFFF  }
0xac: {  	[dreg:$0x1] =	wrdreg $0xFFFFFFFF  }
0xad: {  	[dreg:$0x0] =	wrdreg $0x60  }
0xae: {  	[dreg:$0x2] =	wrdreg s24  }
0xaf: {  	[dreg:$0x3] =	wrdreg $0x78000  }
0xb0: {  	[dreg:$0x4] =	wrdreg $0xA  }
0xb1: {  	_ =	task.clear_ibuf [dreg:s6], $0x5FFFF;
	_ =	strace $0x90000052  }
0xb2: {  	s29 =	simm.s32 $0xA;
	_ =	strace $0x80000054  }
0xb3: {  	_ =	swait.ge [sflag:s29], $0x1  }
0xb4: {  	[sflag:s29] =	ssyncadd.s32 $0xFFFFFFFF  }
0xb5: {  	_ =	strace $0x90000054  }
0xb6: {  	_ =	sfence  }
0xb7: {  	s30 =	sld [smem:$0x0];
	_ =	sdelay $0x2  }
0xb8: {  	s31 =	sshll.u32 s1, $0xD;
	s1 =	sshrl.u32 s1, $0x2  }
0xb9: {  	s3 =	sand.u32 $0x4000, s31;
	s1 =	sadd.s32 s1, s30  }
0xba: {  	s0 =	sor.u32 s3, s0;
	s1 =	sshll.u32 s1, $0x11  }
0xbb: {  	s0 =	sor.u32 s1, s0  }
0xbc: {  	s0 =	sadd.s32 $0x8F2B, s0  }
0xbd: {  	[sflag:s0] =	ssyncadd.remote.s32 $0x1  }
0xbe: {  	_ =	sfence.sel $0xFFFF  }
0xbf: {  	[dreg:$0x0] =	wrdreg $0xFFFFFFFF;
	(pc) =	sbr.abs _section_cstart, $3  }
0xc0: {  	[dreg:$0x1] =	wrdreg $0xFFFFFFFF  }
0xc1: {  	_ =	task.clear_ibuf [dreg:s6], $0x2FFFF;
	_ =	strace $0x9FFFFFFF  }
0xc2: {  	(tm) =	ssettm $0x7FFFFFFF  }
0xc3: {  	_ =	shalt  }
tec
execute0_lowered:
.L_overlay_start_1:
0x0: {  	(tag) =	ssettag $0x1  }
0x1: {  	s0 =	rddreg [dreg:$0x0];
	s2 =	srdreg.scid  }
0x2: {  	s3 =	stileid.u32;
	s1 =	rddreg [dreg:$0x1];
	s18 =	simm.s32 $0x9  }
0x3: {  	s28 =	simm.s32 $0x3;
	s29 =	simm.s32 $0x5;
	s30 =	simm.s32 $0x7  }
0x4: {  	s31 =	simm.s32 $0x4;
	s5 =	sand.u32 $0x1, s2;
	s4 =	sshll.u32 s3, $0x1  }
0x5: {  	s2 =	simm.s32 $0x0;
	s19 =	sadd.s32 $0xB4E00, s0;
	s15 =	sadd.s32 $0xD19E00, s0  }
0x6: {  	s25 =	smul.u32 $0x27100, s3;
	p0 =	sne.s32 s3, $0x0;
	s3 =	simm.s32 $0x8  }
0x7: {  	s6 =	sor.u32 s5, s4;
	[smem:$0x7FF] =	sst s2;
	s4 =	sadd.s32 $0xDC000, s0  }
0x8: {  	s8 =	ssub.s32 $0x2, s5;
	s14 =	smul.u32 $0x13880, s5;
	s17 =	sshrl.u32 @!p0 s1, $0x3  }
0x9: {  	s5 =	simm.s32 $0x0;
	s7 =	smul.u32 $0x1388, s6;
	_ =	strace $0x80000053  }
0xa: {  	[dreg:$0x3] =	wrdreg s19;
	s9 =	smul.u32 $0x9C400, s6;
	s10 =	sshrl.u32 s8, $0x1  }
0xb: {  	s6 =	smul.u32 $0x13880, s6;
	s19 =	simm.s32 $0x1400;
	s8 =	ssub.s32 s8, s10  }
0xc: {  	s7 =	sshrl.u32 s7, $0x3;
	s9 =	sshrl.u32 s9, $0x3;
	s22 =	smax.u32 s8, $0x1  }
0xd: {  	s23 =	sadd.s32 s15, s6;
	s24 =	sadd.s32 $0x280, s6;
	s7 =	sadd.s32 s7, s0  }
0xe: {  	s0 =	sadd.s32 $0xF8AE00, s0;
	s21 =	sadd.s32 $0x13600, s9;
	[dreg:$0x8] =	wrdreg s22  }
0xf: {  	[dreg:$0x9] =	wrdreg s23;
	s26 =	sadd.s32 s15, s24;
	s22 =	simm.s32 $0x5000  }
0x10: {  	s23 =	simm.s32 $0x3C00;
	s20 =	sadd.s32 $0x12200, s7;
	s7 =	sadd.s32 $0xD200, s7  }
0x11: {  	s9 =	sadd.s32 s15, s21;
	s6 =	sadd.s32 s0, s6;
	[dreg:$0xb] =	wrdreg s26  }
0x12: {  	s13 =	sadd.s32 s0, s24;
	s15 =	sadd.s32 s25, s15;
	[dreg:$0x4] =	wrdreg s20  }
0x13: {  	s16 =	sadd.s32 s25, s0;
	s25 =	simm.s32 $0x6400;
	[dreg:$0x5] =	wrdreg s7  }
0x14: {  	s26 =	simm.s32 $0x1;
	s24 =	simm.s32 $0x2;
	[dreg:$0x6] =	wrdreg s9  }
0x15: {  	s7 =	sadd.s32 s0, s21;
	[dreg:$0xa] =	wrdreg s6;
	s20 =	simm.s32 $0x28  }
0x16: {  	s21 =	simm.s32 $0x2800;
	s0 =	simm.s32 $0x6;
	[dreg:$0x7] =	wrdreg s7  }
.LBB2_1:
0x17: {  	s6 =	simm.s32 @!p0 $0x1C09;
	s7 =	rddreg [dreg:$0x3]  }
0x18: {  	[spmem:s17], [sflag:s6] =	dma.local @!p0 [hbm:s7], $0x27100  }
0x19: {  	s6 =	simm.s32 @!p0 $0x9  }
0x1a: {  	_ =	swait.ge @!p0 [sflag:s6], $0x27100  }
0x1b: {  	[sflag:s6] =	ssyncset.done @!p0 $0x0  }
0x1c: {  	s11 =	rddreg [dreg:$0x4];
	[sflag:s6] =	ssyncadd.s32 @!p0 $0xFFFD8F00  }
0x1d: {  	[tilespmem:s2], [sflag:$0x9] =	stream.linear.gather [hbm4b:s11+s2], $0x1388, $0x38;
	[tilespmem:$0x1B080] =	vst v63  }
0x1e: {  	_ =	swait.ge [sflag:s18], $0x1388  }
0x1f: {  	[sflag:s18] =	ssyncset.done $0x0  }
0x20: {  	s12 =	rddreg [dreg:$0x5];
	[sflag:s18] =	ssyncadd.s32 $0xFFFFEC78  }
0x21: {  	[tilespmem:s19], [sflag:$0x9] =	stream.linear.gather [hbm4b:s12+s2], $0x1388, $0x38;
	[tilespmem:$0x1B080] =	vst v63  }
0x22: {  	_ =	swait.ge [sflag:s18], $0x1388  }
0x23: {  	[sflag:s18] =	ssyncset.done $0x0  }
0x24: {  	[sflag:s18] =	ssyncadd.s32 $0xFFFFEC78  }
0x25: {  	[bflag:$0x0] =	sbarrier.arrive $0xFFFF  }
0x26: {  	[tilespmem:s21], [sflag:$0x1] =	stream.indirect.gather [spmem:s1], $0x80, s2, s20, $0xb8;
	[tilespmem:$0x1B080] =	vst v63  }
0x27: {  	_ = 	snop  }
0x28: {  	[tilespmem:s22], [sflag:$0x3] =	stream.indirect.gather [hbm4b:s4+s20], $0x80, s19, s20, $0xb8;
	[tilespmem:$0x1B080] =	vst v63  }
0x29: {  	_ = 	snop  }
0x2a: {  	[tilespmem:s23], [sflag:$0x2] =	stream.indirect.gather [spmem:s1], $0x80, s20, s20, $0xb8;
	[tilespmem:$0x1B080] =	vst v63  }
0x2b: {  	s7 =	simm.s32 $0x1428  }
0x2c: {  	[tilespmem:s25], [sflag:$0x4] =	stream.indirect.gather [hbm4b:s4+s20], $0x80, s7, s20, $0xb8;
	[tilespmem:$0x1B080] =	vst v63  }
0x2d: {  	_ =	swait.ge [sflag:s26], $0x1400  }
0x2e: {  	[sflag:s26] =	ssyncset.done $0x0  }
0x2f: {  	[sflag:s26] =	ssyncadd.s32 $0xFFFFEC00  }
0x30: {  	_ =	swait.ge [sflag:s28], $0x1400  }
0x31: {  	[sflag:s28] =	ssyncset.done $0x0  }
0x32: {  	s8 =	rddreg [dreg:$0x9];
	[sflag:s28] =	ssyncadd.s32 $0xFFFFEC00  }
0x33: {  	[hbm4b:s8+s2] =	stream.linear.scatter [tilespmem:s21], [sflag:$0x5], $0x1400, $0x38;
	[tilespmem:$0x1B080] =	vst v63  }
0x34: {  	s9 =	rddreg [dreg:$0xa]  }
0x35: {  	[hbm4b:s9+s2] =	stream.linear.scatter [tilespmem:s22], [sflag:$0x7], $0x1400, $0x38;
	[tilespmem:$0x1B080] =	vst v63  }
0x36: {  	_ =	swait.ge [sflag:s29], $0x1400  }
0x37: {  	[sflag:s29] =	ssyncset.done $0x0  }
0x38: {  	[sflag:s29] =	ssyncadd.s32 $0xFFFFEC00  }
0x39: {  	_ =	swait.ge [sflag:s30], $0x1400  }
0x3a: {  	[sflag:s30] =	ssyncset.done $0x0  }
0x3b: {  	s10 =	simm.s32 $0x50;
	[sflag:s30] =	ssyncadd.s32 $0xFFFFEC00  }
0x3c: {  	[tilespmem:s21], [sflag:$0x1] =	stream.indirect.gather [spmem:s1], $0x80, s10, s20, $0xb8;
	[tilespmem:$0x1B080] =	vst v63  }
0x3d: {  	s11 =	simm.s32 $0x1450  }
0x3e: {  	[tilespmem:s22], [sflag:$0x3] =	stream.indirect.gather [hbm4b:s4+s20], $0x80, s11, s20, $0xb8;
	[tilespmem:$0x1B080] =	vst v63  }
0x3f: {  	_ =	swait.ge [sflag:s24], $0x1400  }
0x40: {  	[sflag:s24] =	ssyncset.done $0x0  }
0x41: {  	[sflag:s24] =	ssyncadd.s32 $0xFFFFEC00  }
0x42: {  	_ =	swait.ge [sflag:s31], $0x1400  }
0x43: {  	[sflag:s31] =	ssyncset.done $0x0  }
0x44: {  	s12 =	rddreg [dreg:$0xb];
	[sflag:s31] =	ssyncadd.s32 $0xFFFFEC00  }
0x45: {  	[hbm4b:s12+s2] =	stream.linear.scatter [tilespmem:s23], [sflag:$0x6], $0x1400, $0x38;
	[tilespmem:$0x1B080] =	vst v63  }
0x46: {  	_ = 	snop  }
0x47: {  	[hbm4b:s13+s2] =	stream.linear.scatter [tilespmem:s25], [sflag:$0x8], $0x1400, $0x38;
	[tilespmem:$0x1B080] =	vst v63  }
0x48: {  	_ =	swait.ge [sflag:s0], $0x1400  }
0x49: {  	[sflag:s0] =	ssyncset.done $0x0  }
0x4a: {  	[sflag:s0] =	ssyncadd.s32 $0xFFFFEC00  }
0x4b: {  	_ =	swait.ge [sflag:s3], $0x1400  }
0x4c: {  	[sflag:s3] =	ssyncset.done $0x0  }
0x4d: {  	s7 =	simm.s32 $0x78;
	[sflag:s3] =	ssyncadd.s32 $0xFFFFEC00  }
0x4e: {  	[tilespmem:s23], [sflag:$0x2] =	stream.indirect.gather [spmem:s1], $0x80, s7, s20, $0xb8;
	[tilespmem:$0x1B080] =	vst v63  }
0x4f: {  	s8 =	simm.s32 $0x1478  }
0x50: {  	[tilespmem:s25], [sflag:$0x4] =	stream.indirect.gather [hbm4b:s4+s20], $0x80, s8, s20, $0xb8;
	[tilespmem:$0x1B080] =	vst v63  }
0x51: {  	_ =	swait.ge [sflag:s26], $0x1400  }
0x52: {  	[sflag:s26] =	ssyncset.done $0x0  }
0x53: {  	[sflag:s26] =	ssyncadd.s32 $0xFFFFEC00  }
0x54: {  	_ =	swait.ge [sflag:s28], $0x1400  }
0x55: {  	s6 =	sadd.s32 s15, s14;
	[sflag:s28] =	ssyncset.done $0x0  }
0x56: {  	s9 =	sadd.s32 $0x500, s6;
	s8 =	sadd.s32 s16, s14;
	[sflag:s28] =	ssyncadd.s32 $0xFFFFEC00  }
0x57: {  	[hbm4b:s9+s2] =	stream.linear.scatter [tilespmem:s21], [sflag:$0x5], $0x1400, $0x38;
	[tilespmem:$0x1B080] =	vst v63  }
0x58: {  	s10 =	sadd.s32 $0x500, s8  }
0x59: {  	[hbm4b:s10+s2] =	stream.linear.scatter [tilespmem:s22], [sflag:$0x7], $0x1400, $0x38;
	[tilespmem:$0x1B080] =	vst v63  }
0x5a: {  	_ =	swait.ge [sflag:s29], $0x1400  }
0x5b: {  	[sflag:s29] =	ssyncset.done $0x0  }
0x5c: {  	[sflag:s29] =	ssyncadd.s32 $0xFFFFEC00  }
0x5d: {  	_ =	swait.ge [sflag:s30], $0x1400  }
0x5e: {  	[sflag:s30] =	ssyncset.done $0x0  }
0x5f: {  	s11 =	simm.s32 $0xA0;
	[sflag:s30] =	ssyncadd.s32 $0xFFFFEC00  }
0x60: {  	[tilespmem:s21], [sflag:$0x1] =	stream.indirect.gather [spmem:s1], $0x80, s11, s20, $0xb8;
	[tilespmem:$0x1B080] =	vst v63  }
0x61: {  	s12 =	simm.s32 $0x14A0  }
0x62: {  	[tilespmem:s22], [sflag:$0x3] =	stream.indirect.gather [hbm4b:s4+s20], $0x80, s12, s20, $0xb8;
	[tilespmem:$0x1B080] =	vst v63  }
0x63: {  	_ =	swait.ge [sflag:s24], $0x1400  }
0x64: {  	[sflag:s24] =	ssyncset.done $0x0  }
0x65: {  	[sflag:s24] =	ssyncadd.s32 $0xFFFFEC00  }
0x66: {  	_ =	swait.ge [sflag:s31], $0x1400  }
0x67: {  	[sflag:s31] =	ssyncset.done $0x0  }
0x68: {  	s6 =	sadd.s32 $0x780, s6;
	s7 =	sadd.s32 $0x500, s15;
	[sflag:s31] =	ssyncadd.s32 $0xFFFFEC00  }
0x69: {  	[hbm4b:s6+s2] =	stream.linear.scatter [tilespmem:s23], [sflag:$0x6], $0x1400, $0x38;
	[tilespmem:$0x1B080] =	vst v63  }
0x6a: {  	s9 =	sadd.s32 $0x780, s8;
	s8 =	sadd.s32 $0x500, s16;
	s6 =	simm.s32 $0x140  }
.LBB2_2:
0x6b: {  	[hbm4b:s9+s2] =	stream.linear.scatter [tilespmem:s25], [sflag:$0x8], $0x1400, $0x38;
	[tilespmem:$0x1B080] =	vst v63  }
0x6c: {  	s9 =	smov.u32 s6  }
0x6d: {  	p1 =	sne.s32 s6, $0x4B00;
	s6 =	sadd.s32 $0x140, s6;
	_ =	swait.ge [sflag:s0], $0x1400  }
0x6e: {  	[sflag:s0] =	ssyncset.done $0x0  }
0x6f: {  	[sflag:s0] =	ssyncadd.s32 $0xFFFFEC00  }
0x70: {  	_ =	swait.ge [sflag:s3], $0x1400  }
0x71: {  	s9 =	sshra.s32 s9, $0x2;
	[sflag:s3] =	ssyncset.done $0x0  }
0x72: {  	s10 =	sadd.s32 $0x78, s9;
	[sflag:s3] =	ssyncadd.s32 $0xFFFFEC00  }
0x73: {  	[tilespmem:s23], [sflag:$0x2] =	stream.indirect.gather [spmem:s1], $0x80, s10, s20, $0xb8;
	[tilespmem:$0x1B080] =	vst v63  }
0x74: {  	s10 =	sadd.s32 $0x1478, s9  }
0x75: {  	[tilespmem:s25], [sflag:$0x4] =	stream.indirect.gather [hbm4b:s4+s20], $0x80, s10, s20, $0xb8;
	[tilespmem:$0x1B080] =	vst v63  }
0x76: {  	_ =	swait.ge [sflag:s26], $0x1400  }
0x77: {  	[sflag:s26] =	ssyncset.done $0x0  }
0x78: {  	[sflag:s26] =	ssyncadd.s32 $0xFFFFEC00  }
0x79: {  	_ =	swait.ge [sflag:s28], $0x1400  }
0x7a: {  	s10 =	sadd.s32 s7, s14;
	[sflag:s28] =	ssyncset.done $0x0  }
0x7b: {  	s12 =	sadd.s32 s8, s14;
	s11 =	sadd.s32 $0x500, s10;
	[sflag:s28] =	ssyncadd.s32 $0xFFFFEC00  }
0x7c: {  	[hbm4b:s11+s2] =	stream.linear.scatter [tilespmem:s21], [sflag:$0x5], $0x1400, $0x38;
	[tilespmem:$0x1B080] =	vst v63  }
0x7d: {  	s11 =	sadd.s32 $0x500, s12  }
0x7e: {  	[hbm4b:s11+s2] =	stream.linear.scatter [tilespmem:s22], [sflag:$0x7], $0x1400, $0x38;
	[tilespmem:$0x1B080] =	vst v63  }
0x7f: {  	_ =	swait.ge [sflag:s29], $0x1400  }
0x80: {  	[sflag:s29] =	ssyncset.done $0x0  }
0x81: {  	[sflag:s29] =	ssyncadd.s32 $0xFFFFEC00  }
0x82: {  	_ =	swait.ge [sflag:s30], $0x1400  }
0x83: {  	[sflag:s30] =	ssyncset.done $0x0  }
0x84: {  	s11 =	sadd.s32 $0xA0, s9;
	[sflag:s30] =	ssyncadd.s32 $0xFFFFEC00  }
0x85: {  	[tilespmem:s21], [sflag:$0x1] =	stream.indirect.gather [spmem:s1], $0x80, s11, s20, $0xb8;
	[tilespmem:$0x1B080] =	vst v63  }
0x86: {  	s9 =	sadd.s32 $0x14A0, s9  }
0x87: {  	[tilespmem:s22], [sflag:$0x3] =	stream.indirect.gather [hbm4b:s4+s20], $0x80, s9, s20, $0xb8;
	[tilespmem:$0x1B080] =	vst v63  }
0x88: {  	_ =	swait.ge [sflag:s24], $0x1400  }
0x89: {  	[sflag:s24] =	ssyncset.done $0x0  }
0x8a: {  	[sflag:s24] =	ssyncadd.s32 $0xFFFFEC00  }
.Ltmp0:
0x8b: {  	_ =	swait.ge [sflag:s31], $0x1400;
	(pc) =	sbr.rel @p1 .LBB2_2-.Ltmp0, $4  }
0x8c: {  	[sflag:s31] =	ssyncset.done $0x0  }
0x8d: {  	s9 =	sadd.s32 $0x780, s10;
	[sflag:s31] =	ssyncadd.s32 $0xFFFFEC00  }
0x8e: {  	[hbm4b:s9+s2] =	stream.linear.scatter [tilespmem:s23], [sflag:$0x6], $0x1400, $0x38;
	[tilespmem:$0x1B080] =	vst v63  }
0x8f: {  	s8 =	sadd.s32 $0x500, s8;
	s7 =	sadd.s32 $0x500, s7;
	s9 =	sadd.s32 $0x780, s12  }
0x90: {  	[hbm4b:s9+s2] =	stream.linear.scatter [tilespmem:s25], [sflag:$0x8], $0x1400, $0x38;
	[tilespmem:$0x1B080] =	vst v63  }
0x91: {  	_ =	swait.ge [sflag:s26], $0x1400  }
0x92: {  	[sflag:s26] =	ssyncset.done $0x0  }
0x93: {  	[sflag:s26] =	ssyncadd.s32 $0xFFFFEC00  }
0x94: {  	_ =	swait.ge [sflag:s28], $0x1400  }
0x95: {  	[sflag:s28] =	ssyncset.done $0x0  }
0x96: {  	s6 =	rddreg [dreg:$0x6];
	[sflag:s28] =	ssyncadd.s32 $0xFFFFEC00  }
0x97: {  	[hbm4b:s6+s2] =	stream.linear.scatter [tilespmem:s21], [sflag:$0x5], $0x1400, $0x38;
	[tilespmem:$0x1B080] =	vst v63  }
0x98: {  	s11 =	rddreg [dreg:$0x7]  }
0x99: {  	[hbm4b:s11+s2] =	stream.linear.scatter [tilespmem:s22], [sflag:$0x7], $0x1400, $0x38;
	[tilespmem:$0x1B080] =	vst v63  }
0x9a: {  	_ =	swait.ge [sflag:s0], $0x1400  }
0x9b: {  	[sflag:s0] =	ssyncset.done $0x0  }
0x9c: {  	[sflag:s0] =	ssyncadd.s32 $0xFFFFEC00  }
0x9d: {  	_ =	swait.ge [sflag:s3], $0x1400  }
0x9e: {  	[sflag:s3] =	ssyncset.done $0x0  }
0x9f: {  	[sflag:s3] =	ssyncadd.s32 $0xFFFFEC00  }
0xa0: {  	_ =	swait.ge [sflag:s29], $0x1400  }
0xa1: {  	[sflag:s29] =	ssyncset.done $0x0  }
0xa2: {  	[sflag:s29] =	ssyncadd.s32 $0xFFFFEC00  }
0xa3: {  	_ =	swait.ge [sflag:s30], $0x1400  }
0xa4: {  	s5 =	sadd.s32 $0x1, s5;
	s12 =	rddreg [dreg:$0x8]  }
0xa5: {  	p1 =	sne.s32 s5, s12  }
.Ltmp1:
0xa6: {  	_ = 	snop;
	(pc) =	sbr.rel @p1 .LBB2_1-.Ltmp1, $3  }
0xa7: {  	_ =	sdelay $0x1  }
0xa8: {  	[sflag:s30] =	ssyncset.done $0x0  }
0xa9: {  	[sflag:s30] =	ssyncadd.s32 $0xFFFFEC00  }
0xaa: {  	_ =	sfence.sel $0x180000  }
0xab: {  	[bflag:$0x0] =	sbarrier.arrive $0xFFFF  }
0xac: {  	_ =	strace $0x90000053  }
0xad: {  	[bflag:$0x2] =	sbarrier.arrive $0xFFFF  }
0xae: {  	s0 =	rddreg [dreg:$0x2]  }
0xaf: {  	s0 =	sadd.s32 @!p0 $0x100000, s0  }
0xb0: {  	[sflag:s0] =	ssyncadd.tile.s32 @!p0 $0x1;
	_ =	shalt  }
.Lfunc_end2:
_tile_overlayer_lowered:
.L_overlay_start_2:
0xb1: {  	(tag) =	ssettag $0x2  }
0xb2: {  	s0 =	rddreg [dreg:$0x0];
	s2 =	stileid.u32  }
0xb3: {  	s1 =	rddreg [dreg:$0x1];
	p0 =	sne.s32 s2, $0x0  }
0xb4: {  	s3 =	rddreg [dreg:$0x2];
	[bflag:$0x3] =	sbarrier.arrive $0xFFFF;
	s2 =	simm.s32 @!p0 $0x1C09  }
0xb5: {  	[timem:s3], [sflag:s2] =	dma.local @!p0 [hbm:s0], s1  }
0xb6: {  	s0 =	simm.s32 @!p0 $0x9  }
0xb7: {  	_ =	swait.ge @!p0 [sflag:s0], s1  }
0xb8: {  	s1 =	ssub.s32 @!p0 $0x0, s1;
	[sflag:s0] =	ssyncset.done @!p0 $0x0  }
0xb9: {  	[sflag:s0] =	ssyncadd.s32 @!p0 s1  }
0xba: {  	[bflag:$0x3] =	sbarrier.arrive $0xFFFF  }
0xbb: {  	_ =	shalt  }

// kernel: kernel.37.cloned.1.call-start
scs
__scs_entry_jumppad:
0x0: {  	(pc) =	sbr.rel $0x88, $3  }
0x1: {  	(tag) =	ssettag $0x0;
	lr =	simm.s32 $0x1  }
0x2: {  	[smem:$0x3F80] =	sst lr;
	_ =	strace $0xD0000000  }
0x3: {  	_ = 	snop  }
0x4: {  	_ = 	snop  }
0x5: {  	_ = 	snop  }
0x6: {  	_ = 	snop  }
0x7: {  	_ = 	snop  }
__scs_overlays_trampoline_lowered:
0x8: {  	[smem:$0x3F8F] =	sst s0  }
0x9: {  	[smem:$0x3F90] =	sst s1  }
0xa: {  	[smem:$0x3F91] =	sst s2  }
0xb: {  	[smem:$0x3F92] =	sst s3  }
0xc: {  	[smem:$0x3F93] =	sst s4  }
0xd: {  	[smem:$0x3F94] =	sst s5  }
0xe: {  	[smem:$0x3F95] =	sst s6  }
0xf: {  	[smem:$0x3F96] =	sst s7  }
0x10: {  	[smem:$0x3F97] =	sst s8  }
0x11: {  	[smem:$0x3F98] =	sst s9;
	s0 =	simm.s32 @!p0 $0x0  }
0x12: {  	s1 =	sld [smem:$0x3F7E];
	s0 =	simm.s32 @p0 $0x1  }
0x13: {  	[smem:$0x3F99] =	sst s0;
	s0 =	simm.s32 @!p1 $0x0  }
0x14: {  	s2 =	sld [smem:$0x3F7D];
	s0 =	simm.s32 @p1 $0x1  }
0x15: {  	[smem:$0x3F9A] =	sst s0;
	s0 =	simm.s32 @!p2 $0x0  }
0x16: {  	s3 =	sld [smem:$0x3FDB];
	s0 =	simm.s32 @p2 $0x1  }
0x17: {  	s4 =	simm.s32 $0x1BF5;
	[smem:$0x3F9C] =	sst s0  }
0x18: {  	s0 =	sld [smem:$0x3F7F];
	_ =	swait.ge [sflag:s4], $0x0  }
0x19: {  	s7 =	sld [smem:$0x3F80]  }
0x1a: {  	s8 =	sadd.s32 $0xFFFFE003, lr  }
0x1b: {  	s9 =	sadd.s32 $0xFFFFFEF7, lr;
	s5 =	simm.s32 $0xFFFFFFFF;
	p2 =	slt.u32 s8, $0xFFFFF086  }
0x1c: {  	p1 =	slt.u32 s9, $0xF7A;
	s5 =	simm.s32 @!p2 $0x0  }
0x1d: {  	s5 =	simm.s32 @p1 $0x1;
	p0 =	seq.s32 s7, s2  }
0x1e: {  	s7 =	smul.u32 @!p0 $0xF7A, s2;
	p2 =	seq.s32 @!p0 s5, $0x0  }
0x1f: {  	s9 =	smul.u32 $0xF7A, s1;
	s8 =	simm.s32 @!p0 $0x1BF5;
	p2 =	por !p2, p0  }
0x20: {  	[sflag:s8] =	ssyncset.s32 @!p0 $0xFFFFF086;
	s6 =	sadd.s32 @!p0 s3, s7;
	s7 =	simm.s32 @!p0 $0x108  }
0x21: {  	s3 =	sadd.s32 s3, s9;
	s6 =	sadd.s32 @!p0 $0x88, s6;
	s7 =	simm.s32 @p2 $0x1082  }
0x22: {  	[simem:s7], [sflag:s8] =	dma.local @!p0 [hbm:s6], $0xF7A  }
0x23: {  	s9 =	sor.u32 $0xD0000000, s2;
	s6 =	simm.s32 $0x108;
	_ =	swait.ge @!p0 [sflag:s8], $0x0  }
0x24: {  	s3 =	sadd.s32 $0x88, s3;
	s6 =	simm.s32 @!p1 $0x1082;
	[sflag:s4] =	ssyncset.s32 $0xFFFFF086  }
0x25: {  	[simem:s6], [sflag:s4] =	dma.local [hbm:s3], $0xF7A  }
0x26: {  	[smem:$0x3F80] =	sst s1;
	(tag) =	ssettag s2;
	_ =	strace s9  }
0x27: {  	s1 =	sld [smem:$0x3F90]  }
0x28: {  	s2 =	sld [smem:$0x3F91]  }
0x29: {  	s4 =	sld [smem:$0x3F93]  }
0x2a: {  	p0 =	seq.s32 s5, $0x0;
	s5 =	sld [smem:$0x3F94]  }
0x2b: {  	s6 =	sld [smem:$0x3F95]  }
0x2c: {  	s7 =	sld [smem:$0x3F96]  }
0x2d: {  	s3 =	simm.s32 $0x108;
	s8 =	sld [smem:$0x3F97]  }
0x2e: {  	s3 =	simm.s32 @!p0 $0x1082;
	s9 =	sld [smem:$0x3F98]  }
0x2f: {  	lr =	sadd.s32 s0, s3;
	s0 =	sld [smem:$0x3F8F]  }
0x30: {  	s3 =	sld [smem:$0x3F92]  }
0x31: {  	[smem:$0x3F9B] =	sst s10  }
0x32: {  	s10 =	sld [smem:$0x3F99];
	_ =	sdelay $0x3  }
0x33: {  	p0 =	seq.s32 s10, $0x1;
	s10 =	sld [smem:$0x3F9B];
	_ =	sdelay $0x3  }
0x34: {  	[smem:$0x3F9B] =	sst s10  }
0x35: {  	s10 =	sld [smem:$0x3F9A];
	_ =	sdelay $0x3  }
0x36: {  	p1 =	seq.s32 s10, $0x1;
	s10 =	sld [smem:$0x3F9B];
	_ =	sdelay $0x3  }
0x37: {  	[smem:$0x3F9B] =	sst s10  }
0x38: {  	s10 =	sld [smem:$0x3F9C]  }
0x39: {  	_ = 	snop;
	(pc) =	sbr.ind lr, $3  }
0x3a: {  	_ = 	snop  }
0x3b: {  	_ = 	snop  }
0x3c: {  	p2 =	seq.s32 s10, $0x1;
	s10 =	sld [smem:$0x3F9B]  }
0x3d: {  	_ =	shalt  }
0x3e: {  	_ =	shalt  }
0x3f: {  	_ =	shalt  }
0x40: {  	_ =	shalt  }
0x41: {  	_ =	shalt  }
0x42: {  	_ =	shalt  }
0x43: {  	_ =	shalt  }
0x44: {  	_ =	shalt  }
0x45: {  	_ =	shalt  }
0x46: {  	_ =	shalt  }
0x47: {  	_ =	shalt  }
0x48: {  	_ =	shalt  }
0x49: {  	_ =	shalt  }
0x4a: {  	_ =	shalt  }
0x4b: {  	_ =	shalt  }
0x4c: {  	_ =	shalt  }
0x4d: {  	_ =	shalt  }
0x4e: {  	_ =	shalt  }
0x4f: {  	_ =	shalt  }
0x50: {  	_ =	shalt  }
0x51: {  	_ =	shalt  }
0x52: {  	_ =	shalt  }
0x53: {  	_ =	shalt  }
0x54: {  	_ =	shalt  }
0x55: {  	_ =	shalt  }
0x56: {  	_ =	shalt  }
0x57: {  	_ =	shalt  }
0x58: {  	_ =	shalt  }
0x59: {  	_ =	shalt  }
0x5a: {  	_ =	shalt  }
0x5b: {  	_ =	shalt  }
0x5c: {  	_ =	shalt  }
0x5d: {  	_ =	shalt  }
0x5e: {  	_ =	shalt  }
0x5f: {  	_ =	shalt  }
0x60: {  	_ =	shalt  }
0x61: {  	_ =	shalt  }
0x62: {  	_ =	shalt  }
0x63: {  	_ =	shalt  }
0x64: {  	_ =	shalt  }
0x65: {  	_ =	shalt  }
0x66: {  	_ =	shalt  }
0x67: {  	_ =	shalt  }
0x68: {  	_ =	shalt  }
0x69: {  	_ =	shalt  }
0x6a: {  	_ =	shalt  }
0x6b: {  	_ =	shalt  }
0x6c: {  	_ =	shalt  }
0x6d: {  	_ =	shalt  }
0x6e: {  	_ =	shalt  }
0x6f: {  	_ =	shalt  }
0x70: {  	_ =	shalt  }
0x71: {  	_ =	shalt  }
0x72: {  	_ =	shalt  }
0x73: {  	_ =	shalt  }
0x74: {  	_ =	shalt  }
0x75: {  	_ =	shalt  }
0x76: {  	_ =	shalt  }
0x77: {  	_ =	shalt  }
0x78: {  	_ =	shalt  }
0x79: {  	_ =	shalt  }
0x7a: {  	_ =	shalt  }
0x7b: {  	_ =	shalt  }
0x7c: {  	_ =	shalt  }
0x7d: {  	_ =	shalt  }
0x7e: {  	_ =	shalt  }
0x7f: {  	_ =	shalt  }
0x80: {  	_ =	shalt  }
0x81: {  	_ =	shalt  }
0x82: {  	_ =	shalt  }
0x83: {  	_ =	shalt  }
0x84: {  	_ =	shalt  }
0x85: {  	_ =	shalt  }
0x86: {  	_ =	shalt  }
0x87: {  	_ =	shalt  }
.Lfunc_end0:
.L_simem_size_0:
called_computation.6_lowered:
.L_overlay_start_0:
0x88: {  	s2 =	sld [smem:$0x3FD9]  }
0x89: {  	s3 =	sld [smem:$0x3FFE];
	_ =	sdelay $0x1  }
0x8a: {  	s1 =	srdreg.scid  }
0x8b: {  	s0 =	sand.u32 $0x1, s1  }
0x8c: {  	s17 =	sshll.u32 s0, $0xA;
	s2 =	sadd.s32 s3, s2  }
0x8d: {  	s2 =	sadd.s32 s2, s17  }
0x8e: {  	[smem:$0x3FA7] =	sst s2  }
0x8f: {  	_ = 	snop  }
0x90: {  	(tm) =	ssettm $0x1  }
0x91: {  	s18 =	sld [smem:$0x3FFB];
	_ =	sdelay $0x3  }
0x92: {  	_ =	strace s18  }
0x93: {  	s2 =	sld [smem:$0x3FFC];
	_ =	sdelay $0x3  }
0x94: {  	_ =	strace s2  }
0x95: {  	s2 =	sld [smem:$0x3FFD];
	_ =	sdelay $0x3  }
0x96: {  	_ =	strace s2  }
0x97: {  	_ =	strace $0x8FFFFFFF  }
0x98: {  	s19 =	sld [smem:$0x3FDB];
	_ =	sdelay $0x1  }
0x99: {  	s20 =	simm.s32 $_scs_section_size  }
0x9a: {  	s4 =	simm.s32 $_size__tile_overlayer_lowered;
	s5 =	simm.s32 $_tile_overlayer_lowered  }
0x9b: {  	s6 =	simm.s32 $0x1BFF;
	s21 =	sshll.u32 s5, $0x1;
	s3 =	sadd.s32 s20, s19  }
0x9c: {  	s22 =	simm.s32 $0x0;
	s4 =	sshll.u32 s4, $0x1;
	s5 =	sadd.s32 s21, s3  }
0x9d: {  	[timem:s22], [sflag:s6] =	dma.local [hbm:s5], s4  }
0x9e: {  	_ =	swait.ge [sflag:s6], s4  }
0x9f: {  	s4 =	ssub.s32 $0x0, s4;
	[sflag:s6] =	ssyncset.done $0x0  }
0xa0: {  	[sflag:s6] =	ssyncadd.s32 s4;
	_ =	sdelay $0x1  }
0xa1: {  	s23 =	simm.s32 $0x1B8B  }
0xa2: {  	_ =	swait.ge [sflag:s23], $0x1  }
0xa3: {  	[sflag:s23] =	ssyncset.done $0x0  }
0xa4: {  	[sflag:s23] =	ssyncadd.s32 $0xFFFFFFFF  }
0xa5: {  	s4 =	sld [smem:$0x0]  }
0xa6: {  	s5 =	sand.u32 $0xFFFFFFFE, s1  }
0xa7: {  	p0 =	sne.s32 s1, s5  }
0xa8: {  	s5 =	sshll.u32 @p0 s5, $0xE  }
0xa9: {  	s5 =	sadd.s32 @p0 $0x11B8D, s5;
	s6 =	sshll.u32 @p0 s4, $0x11  }
0xaa: {  	s5 =	sor.u32 @p0 s6, s5  }
0xab: {  	[sflag:s5] =	ssyncadd.remote.s32 @p0 $0x1;
	_ =	sdelay $0x1  }
0xac: {  	s5 =	simm.s32 @p0 $0x1B8D  }
0xad: {  	_ =	swait.eq @p0 [sflag:s5], $0x1  }
0xae: {  	[sflag:s5] =	ssyncadd.s32 @p0 $0xFFFFFFFF  }
0xaf: {  	s6 =	sshll.u32 @!p0 s1, $0xE  }
0xb0: {  	s6 =	sor.u32 @!p0 $0x4000, s6;
	s5 =	simm.s32 @!p0 $0x1B8D  }
0xb1: {  	s4 =	sshll.u32 @!p0 s4, $0x11;
	s6 =	sadd.s32 @!p0 $0x11B8D, s6;
	_ =	swait.eq @!p0 [sflag:s5], $0x1  }
0xb2: {  	s4 =	sor.u32 @!p0 s4, s6;
	[sflag:s5] =	ssyncadd.s32 @!p0 $0xFFFFFFFF  }
0xb3: {  	s25 =	simm.s32 $0x1B8E;
	s24 =	sld [smem:$0x3FFE];
	[sflag:s4] =	ssyncadd.remote.s32 @!p0 $0x1  }
0xb4: {  	s26 =	simm.s32 $execute0_lowered;
	[smem:$0x3FD2] =	sst s25  }
0xb5: {  	s5 =	sshll.u32 s26, $0x1;
	_ =	strace $0x8000005B;
	[dreg:$0x1] =	wrdreg $0xFFFFFFFF  }
0xb6: {  	s28 =	simm.s32 $_size_execute0_lowered;
	s3 =	sadd.s32 s3, s5;
	[dreg:$0x0] =	wrdreg $0x0  }
0xb7: {  	s5 =	sshll.u32 s28, $0x1;
	[dreg:$0x2] =	wrdreg s3  }
0xb8: {  	[dreg:$0x3] =	wrdreg s5  }
0xb9: {  	[dreg:$0x4] =	wrdreg $0xC0  }
0xba: {  	_ =	task [dreg:s22], $0x5FFFF  }
0xbb: {  	[dreg:$0x1] =	wrdreg $0xFFFFFFFF  }
0xbc: {  	[dreg:$0x0] =	wrdreg $0x60  }
0xbd: {  	[dreg:$0x2] =	wrdreg s24  }
0xbe: {  	[dreg:$0x3] =	wrdreg $0x51000  }
0xbf: {  	[dreg:$0x4] =	wrdreg $0x9  }
0xc0: {  	_ =	task.clear_ibuf [dreg:s22], $0x5FFFF;
	_ =	strace $0x9000005B  }
0xc1: {  	s29 =	simm.s32 $0x9;
	_ =	strace $0x8000005D  }
0xc2: {  	_ =	swait.ge [sflag:s29], $0x1  }
0xc3: {  	[sflag:s29] =	ssyncadd.s32 $0xFFFFFFFF  }
0xc4: {  	_ =	strace $0x9000005D  }
0xc5: {  	_ =	sfence  }
0xc6: {  	s30 =	sld [smem:$0x0];
	_ =	sdelay $0x2  }
0xc7: {  	s31 =	sshll.u32 s1, $0xD;
	s1 =	sshrl.u32 s1, $0x2  }
0xc8: {  	s4 =	sand.u32 $0x4000, s31;
	s1 =	sadd.s32 s1, s30  }
0xc9: {  	s0 =	sor.u32 s4, s0;
	s1 =	sshll.u32 s1, $0x11  }
0xca: {  	s0 =	sor.u32 s1, s0  }
0xcb: {  	s0 =	sadd.s32 $0x8F2B, s0  }
0xcc: {  	[sflag:s0] =	ssyncadd.remote.s32 $0x1  }
0xcd: {  	_ =	sfence.sel $0xFFFF  }
0xce: {  	[dreg:$0x0] =	wrdreg $0xFFFFFFFF;
	(pc) =	sbr.abs _section_cstart, $3  }
0xcf: {  	[dreg:$0x1] =	wrdreg $0xFFFFFFFF  }
0xd0: {  	_ =	task.clear_ibuf [dreg:s22], $0x2FFFF;
	_ =	strace $0x9FFFFFFF  }
0xd1: {  	(tm) =	ssettm $0x7FFFFFFF  }
tec
execute0_lowered:
.L_overlay_start_1:
0x0: {  	(tag) =	ssettag $0x1  }
0x1: {  	s0 =	rddreg [dreg:$0x0]  }
0x2: {  	s2 =	rddreg [dreg:$0x1]  }
0x3: {  	s13 =	stileid.u32;
	s1 =	srdreg.scid;
	s3 =	simm.s32 $0x0  }
0x4: {  	s28 =	simm.s32 $0x5;
	s29 =	simm.s32 $0x2;
	s4 =	smul.u32 $0x14000, s13  }
0x5: {  	s30 =	simm.s32 $0x4;
	s31 =	simm.s32 $0x6;
	s7 =	smul.u32 $0x50000, s13  }
0x6: {  	s1 =	sand.u32 $0x1, s1;
	s16 =	sadd.s32 $0xA5AC00, s0;
	s9 =	smul.u32 $0x271000, s13  }
0x7: {  	[smem:$0x7FF] =	sst s3;
	s14 =	sadd.s32 $0x573C00, s0;
	s24 =	smul.u32 $0x4E2, s13  }
0x8: {  	s11 =	sshll.u32 s13, $0x6;
	s5 =	smul.u32 $0x140000, s1;
	_ =	strace $0x8000005C  }
0x9: {  	s25 =	ssub.s32 $0x2, s1;
	s1 =	sshll.u32 s1, $0xA;
	s6 =	sshrl.u32 s4, $0x3  }
0xa: {  	s26 =	sshrl.u32 s25, $0x1;
	s8 =	sshrl.u32 s7, $0x2;
	s15 =	sor.u32 s1, s9  }
0xb: {  	s4 =	sadd.s32 s4, s5;
	s6 =	sadd.s32 s6, s0;
	s17 =	sadd.s32 s8, s2  }
0xc: {  	s8 =	smul.u32 $0x2710, s13;
	s5 =	sor.u32 $0x1C07, s11;
	s7 =	sshrl.u32 s15, $0x3  }
0xd: {  	s4 =	sshrl.u32 s4, $0x3;
	s10 =	sadd.s32 $0x8CE00, s6;
	s18 =	sadd.s32 s16, s7  }
0xe: {  	s17 =	sshrl.u32 s17, $0x3;
	s0 =	sadd.s32 s4, s0;
	[dreg:$0x3] =	wrdreg s10  }
0xf: {  	s4 =	ssub.s32 s25, s26;
	s12 =	sshrl.u32 s8, $0x3;
	[dreg:$0x5] =	wrdreg s18  }
0x10: {  	s10 =	sadd.s32 $0x50, s8;
	s25 =	sadd.s32 $0x14000, s15;
	s26 =	sadd.s32 $0xF000, s15  }
0x11: {  	s18 =	simm.s32 $0x7;
	s6 =	sadd.s32 s14, s12;
	s12 =	sadd.s32 $0xA0, s8  }
0x12: {  	s8 =	sadd.s32 $0x3C5E00, s0;
	s19 =	sshll.u32 s10, $0x8;
	s9 =	smax.u32 s4, $0x1  }
0x13: {  	s20 =	sshrl.u32 s10, $0x3;
	s4 =	sshrl.u32 s26, $0x3;
	s26 =	simm.s32 $0x50  }
0x14: {  	[dreg:$0x4] =	wrdreg s6;
	s0 =	sor.u32 s1, s19;
	s10 =	sadd.s32 s14, s20  }
0x15: {  	s21 =	sshll.u32 s12, $0x8;
	s22 =	sshrl.u32 s12, $0x3;
	s19 =	simm.s32 $0x400  }
0x16: {  	s20 =	simm.s32 $0x800;
	s0 =	sshrl.u32 s0, $0x3;
	s1 =	sor.u32 s1, s21  }
0x17: {  	s12 =	sadd.s32 s14, s22;
	s21 =	simm.s32 $0x100;
	s22 =	simm.s32 $0x80  }
0x18: {  	s11 =	sadd.s32 s16, s0;
	s23 =	sshrl.u32 s1, $0x3;
	s0 =	sshrl.u32 s25, $0x3  }
0x19: {  	s1 =	sadd.s32 s24, s14;
	s24 =	simm.s32 $0x1;
	s25 =	simm.s32 $0x3  }
0x1a: {  	s13 =	sadd.s32 s16, s23;
	s14 =	sadd.s32 s0, s16;
	s15 =	sadd.s32 $0x28, s1  }
0x1b: {  	s16 =	sadd.s32 s4, s16;
	s23 =	simm.s32 $0x2900;
	s0 =	simm.s32 $0x0  }
.LBB2_1:
0x1c: {  	s1 =	rddreg [dreg:$0x3]  }
0x1d: {  	[spmem:s17], [sflag:s5] =	dma.local [hbm:s1], $0x2800  }
0x1e: {  	_ =	swait.ge [sflag:s18], $0x2800  }
0x1f: {  	[sflag:s18] =	ssyncset.done $0x0  }
0x20: {  	[sflag:s18] =	ssyncadd.s32 $0xFFFFD800  }
0x21: {  	[bflag:$0x0] =	sbarrier.arrive $0xFFFF  }
0x22: {  	s6 =	rddreg [dreg:$0x4]  }
0x23: {  	[tilespmem:s3], [sflag:$0x1] =	stream.linear.gather [hbm4b:s6+s3], $0x50, $0x38;
	[tilespmem:$0x19100] =	vst v63  }
0x24: {  	s7 =	rddreg [dreg:$0x5]  }
0x25: {  	[tilespmem:s21], [sflag:$0x3] =	stream.strided.gather [hbm4b:s7+s19], $0x2800, s20, s19, $0x38;
	[tilespmem:$0x19100] =	vst v63  }
0x26: {  	_ = 	snop  }
0x27: {  	[tilespmem:s22], [sflag:$0x2] =	stream.linear.gather [hbm4b:s10+s3], $0x50, $0x38;
	[tilespmem:$0x19100] =	vst v63  }
0x28: {  	_ = 	snop  }
0x29: {  	[tilespmem:s23], [sflag:$0x4] =	stream.strided.gather [hbm4b:s11+s19], $0x2800, s20, s19, $0x38;
	[tilespmem:$0x19100] =	vst v63  }
0x2a: {  	_ =	swait.ge [sflag:s24], $0x50  }
0x2b: {  	[sflag:s24] =	ssyncset.done $0x0  }
0x2c: {  	[sflag:s24] =	ssyncadd.s32 $0xFFFFFFB0  }
0x2d: {  	_ =	swait.ge [sflag:s25], $0x2800  }
0x2e: {  	[sflag:s25] =	ssyncset.done $0x0  }
0x2f: {  	[sflag:s25] =	ssyncadd.s32 $0xFFFFD800  }
0x30: {  	[spmem:s2] =	stream.indirect.scatter.add.f32 [tilespmem:s21], [sflag:$0x5], $0x80, s3, s26, $0xb8;
	[tilespmem:$0x19100] =	vst v63  }
0x31: {  	_ =	swait.ge [sflag:s28], $0x2800  }
0x32: {  	[sflag:s28] =	ssyncset.done $0x0  }
0x33: {  	[sflag:s28] =	ssyncadd.s32 $0xFFFFD800  }
0x34: {  	[tilespmem:s3], [sflag:$0x1] =	stream.linear.gather [hbm4b:s12+s3], $0x50, $0x38;
	[tilespmem:$0x19100] =	vst v63  }
0x35: {  	_ = 	snop  }
0x36: {  	[tilespmem:s21], [sflag:$0x3] =	stream.strided.gather [hbm4b:s13+s19], $0x2800, s20, s19, $0x38;
	[tilespmem:$0x19100] =	vst v63  }
0x37: {  	_ =	swait.ge [sflag:s29], $0x50  }
0x38: {  	[sflag:s29] =	ssyncset.done $0x0  }
0x39: {  	[sflag:s29] =	ssyncadd.s32 $0xFFFFFFB0  }
0x3a: {  	_ =	swait.ge [sflag:s30], $0x2800  }
0x3b: {  	[sflag:s30] =	ssyncset.done $0x0  }
0x3c: {  	[sflag:s30] =	ssyncadd.s32 $0xFFFFD800  }
0x3d: {  	[spmem:s2] =	stream.indirect.scatter.add.f32 [tilespmem:s23], [sflag:$0x6], $0x80, s22, s26, $0xb8;
	[tilespmem:$0x19100] =	vst v63  }
0x3e: {  	_ =	swait.ge [sflag:s31], $0x2800  }
0x3f: {  	[sflag:s31] =	ssyncset.done $0x0  }
0x40: {  	s4 =	sadd.s32 $0xFFFFFFF6, s15;
	[sflag:s31] =	ssyncadd.s32 $0xFFFFD800  }
0x41: {  	[tilespmem:s22], [sflag:$0x2] =	stream.linear.gather [hbm4b:s4+s3], $0x50, $0x38;
	[tilespmem:$0x19100] =	vst v63  }
0x42: {  	s6 =	sadd.s32 $0x0, s16  }
0x43: {  	[tilespmem:s23], [sflag:$0x4] =	stream.strided.gather [hbm4b:s6+s19], $0x2800, s20, s19, $0x38;
	[tilespmem:$0x19100] =	vst v63  }
0x44: {  	_ =	swait.ge [sflag:s24], $0x50  }
0x45: {  	[sflag:s24] =	ssyncset.done $0x0  }
0x46: {  	[sflag:s24] =	ssyncadd.s32 $0xFFFFFFB0  }
0x47: {  	_ =	swait.ge [sflag:s25], $0x2800  }
0x48: {  	[sflag:s25] =	ssyncset.done $0x0  }
0x49: {  	[sflag:s25] =	ssyncadd.s32 $0xFFFFD800  }
0x4a: {  	[spmem:s2] =	stream.indirect.scatter.add.f32 [tilespmem:s21], [sflag:$0x5], $0x80, s3, s26, $0xb8;
	[tilespmem:$0x19100] =	vst v63  }
0x4b: {  	_ =	swait.ge [sflag:s28], $0x2800  }
0x4c: {  	[sflag:s28] =	ssyncset.done $0x0  }
0x4d: {  	[sflag:s28] =	ssyncadd.s32 $0xFFFFD800  }
0x4e: {  	[tilespmem:s3], [sflag:$0x1] =	stream.linear.gather [hbm4b:s15+s3], $0x50, $0x38;
	[tilespmem:$0x19100] =	vst v63  }
0x4f: {  	s7 =	sadd.s32 $0x0, s14  }
0x50: {  	[tilespmem:s21], [sflag:$0x3] =	stream.strided.gather [hbm4b:s7+s19], $0x2800, s20, s19, $0x38;
	[tilespmem:$0x19100] =	vst v63  }
0x51: {  	_ =	swait.ge [sflag:s29], $0x50  }
0x52: {  	[sflag:s29] =	ssyncset.done $0x0  }
0x53: {  	[sflag:s29] =	ssyncadd.s32 $0xFFFFFFB0  }
0x54: {  	_ =	swait.ge [sflag:s30], $0x2800  }
0x55: {  	[sflag:s30] =	ssyncset.done $0x0  }
0x56: {  	s1 =	simm.s32 $0x1400;
	s4 =	sadd.s32 $0x14, s15;
	[sflag:s30] =	ssyncadd.s32 $0xFFFFD800  }
.LBB2_2:
0x57: {  	[spmem:s2] =	stream.indirect.scatter.add.f32 [tilespmem:s23], [sflag:$0x6], $0x80, s22, s26, $0xb8;
	[tilespmem:$0x19100] =	vst v63  }
0x58: {  	s6 =	smov.u32 s1  }
0x59: {  	p0 =	sne.s32 s1, $0x4B000;
	s1 =	sadd.s32 $0x1400, s1;
	_ =	swait.ge [sflag:s31], $0x2800  }
0x5a: {  	[sflag:s31] =	ssyncset.done $0x0  }
0x5b: {  	s7 =	sadd.s32 $0xFFFFFFF6, s4;
	[sflag:s31] =	ssyncadd.s32 $0xFFFFD800  }
0x5c: {  	[tilespmem:s22], [sflag:$0x2] =	stream.linear.gather [hbm4b:s7+s3], $0x50, $0x38;
	[tilespmem:$0x19100] =	vst v63  }
0x5d: {  	s7 =	sadd.s32 s6, s16  }
0x5e: {  	[tilespmem:s23], [sflag:$0x4] =	stream.strided.gather [hbm4b:s7+s19], $0x2800, s20, s19, $0x38;
	[tilespmem:$0x19100] =	vst v63  }
0x5f: {  	_ =	swait.ge [sflag:s24], $0x50  }
0x60: {  	[sflag:s24] =	ssyncset.done $0x0  }
0x61: {  	[sflag:s24] =	ssyncadd.s32 $0xFFFFFFB0  }
0x62: {  	_ =	swait.ge [sflag:s25], $0x2800  }
0x63: {  	[sflag:s25] =	ssyncset.done $0x0  }
0x64: {  	[sflag:s25] =	ssyncadd.s32 $0xFFFFD800  }
0x65: {  	[spmem:s2] =	stream.indirect.scatter.add.f32 [tilespmem:s21], [sflag:$0x5], $0x80, s3, s26, $0xb8;
	[tilespmem:$0x19100] =	vst v63  }
0x66: {  	_ =	swait.ge [sflag:s28], $0x2800  }
0x67: {  	[sflag:s28] =	ssyncset.done $0x0  }
0x68: {  	[sflag:s28] =	ssyncadd.s32 $0xFFFFD800  }
0x69: {  	[tilespmem:s3], [sflag:$0x1] =	stream.linear.gather [hbm4b:s4+s3], $0x50, $0x38;
	[tilespmem:$0x19100] =	vst v63  }
0x6a: {  	s6 =	sadd.s32 s6, s14  }
0x6b: {  	[tilespmem:s21], [sflag:$0x3] =	stream.strided.gather [hbm4b:s6+s19], $0x2800, s20, s19, $0x38;
	[tilespmem:$0x19100] =	vst v63  }
0x6c: {  	_ =	swait.ge [sflag:s29], $0x50  }
.Ltmp0:
0x6d: {  	[sflag:s29] =	ssyncset.done $0x0;
	(pc) =	sbr.rel @p0 .LBB2_2-.Ltmp0, $4  }
0x6e: {  	[sflag:s29] =	ssyncadd.s32 $0xFFFFFFB0  }
0x6f: {  	_ =	swait.ge [sflag:s30], $0x2800  }
0x70: {  	[sflag:s30] =	ssyncset.done $0x0  }
0x71: {  	s4 =	sadd.s32 $0x14, s4;
	[sflag:s30] =	ssyncadd.s32 $0xFFFFD800  }
0x72: {  	[spmem:s2] =	stream.indirect.scatter.add.f32 [tilespmem:s23], [sflag:$0x6], $0x80, s22, s26, $0xb8;
	[tilespmem:$0x19100] =	vst v63  }
0x73: {  	_ =	swait.ge [sflag:s24], $0x50  }
0x74: {  	[sflag:s24] =	ssyncset.done $0x0  }
0x75: {  	[sflag:s24] =	ssyncadd.s32 $0xFFFFFFB0  }
0x76: {  	_ =	swait.ge [sflag:s25], $0x2800  }
0x77: {  	[sflag:s25] =	ssyncset.done $0x0  }
0x78: {  	[sflag:s25] =	ssyncadd.s32 $0xFFFFD800  }
0x79: {  	[spmem:s2] =	stream.indirect.scatter.add.f32 [tilespmem:s21], [sflag:$0x5], $0x80, s3, s26, $0xb8;
	[tilespmem:$0x19100] =	vst v63  }
0x7a: {  	_ =	swait.ge [sflag:s31], $0x2800  }
0x7b: {  	[sflag:s31] =	ssyncset.done $0x0  }
0x7c: {  	[sflag:s31] =	ssyncadd.s32 $0xFFFFD800  }
0x7d: {  	_ =	swait.ge [sflag:s28], $0x2800  }
0x7e: {  	s0 =	sadd.s32 $0x1, s0;
	[sflag:s28] =	ssyncset.done $0x0  }
0x7f: {  	p0 =	sne.s32 s0, s9;
	[sflag:s28] =	ssyncadd.s32 $0xFFFFD800  }
.Ltmp1:
0x80: {  	[bflag:$0x0] =	sbarrier.arrive $0xFFFF;
	(pc) =	sbr.rel @p0 .LBB2_1-.Ltmp1, $4  }
0x81: {  	[hbm:s8], [sflag:s5] =	dma.local [spmem:s17], $0x2800  }
0x82: {  	_ =	swait.ge [sflag:s18], $0x2800  }
0x83: {  	[sflag:s18] =	ssyncset.done $0x0  }
0x84: {  	[sflag:s18] =	ssyncadd.s32 $0xFFFFD800  }
0x85: {  	_ =	sfence.sel $0x180000  }
0x86: {  	[bflag:$0x0] =	sbarrier.arrive $0xFFFF  }
0x87: {  	_ =	strace $0x9000005C  }
0x88: {  	s0 =	stileid.u32;
	[bflag:$0x2] =	sbarrier.arrive $0xFFFF  }
0x89: {  	p0 =	sne.s32 s0, $0x0;
	s0 =	rddreg [dreg:$0x2]  }
0x8a: {  	s0 =	sadd.s32 @!p0 $0x100000, s0  }
0x8b: {  	[sflag:s0] =	ssyncadd.tile.s32 @!p0 $0x1;
	_ =	shalt  }
.Lfunc_end2:
_tile_overlayer_lowered:
.L_overlay_start_2:
0x8c: {  	(tag) =	ssettag $0x2  }
0x8d: {  	s0 =	rddreg [dreg:$0x0];
	s2 =	stileid.u32  }
0x8e: {  	s1 =	rddreg [dreg:$0x1];
	p0 =	sne.s32 s2, $0x0  }
0x8f: {  	s3 =	rddreg [dreg:$0x2];
	[bflag:$0x3] =	sbarrier.arrive $0xFFFF;
	s2 =	simm.s32 @!p0 $0x1C07  }
0x90: {  	[timem:s3], [sflag:s2] =	dma.local @!p0 [hbm:s0], s1  }
0x91: {  	s0 =	simm.s32 @!p0 $0x7  }
0x92: {  	_ =	swait.ge @!p0 [sflag:s0], s1  }
0x93: {  	s1 =	ssub.s32 @!p0 $0x0, s1;
	[sflag:s0] =	ssyncset.done @!p0 $0x0  }
0x94: {  	[sflag:s0] =	ssyncadd.s32 @!p0 s1  }
0x95: {  	[bflag:$0x3] =	sbarrier.arrive $0xFFFF  }
0x96: {  	_ =	shalt  }

// kernel: kernel.40.cloned.1.call-start
scs
__scs_entry_jumppad:
0x0: {  	(pc) =	sbr.rel $0x88, $3  }
0x1: {  	(tag) =	ssettag $0x0;
	lr =	simm.s32 $0x1  }
0x2: {  	[smem:$0x3F80] =	sst lr;
	_ =	strace $0xD0000000  }
0x3: {  	_ = 	snop  }
0x4: {  	_ = 	snop  }
0x5: {  	_ = 	snop  }
0x6: {  	_ = 	snop  }
0x7: {  	_ = 	snop  }
__scs_overlays_trampoline_lowered:
0x8: {  	[smem:$0x3F8F] =	sst s0  }
0x9: {  	[smem:$0x3F90] =	sst s1  }
0xa: {  	[smem:$0x3F91] =	sst s2  }
0xb: {  	[smem:$0x3F92] =	sst s3  }
0xc: {  	[smem:$0x3F93] =	sst s4  }
0xd: {  	[smem:$0x3F94] =	sst s5  }
0xe: {  	[smem:$0x3F95] =	sst s6  }
0xf: {  	[smem:$0x3F96] =	sst s7  }
0x10: {  	[smem:$0x3F97] =	sst s8  }
0x11: {  	[smem:$0x3F98] =	sst s9;
	s0 =	simm.s32 @!p0 $0x0  }
0x12: {  	s1 =	sld [smem:$0x3F7E];
	s0 =	simm.s32 @p0 $0x1  }
0x13: {  	[smem:$0x3F99] =	sst s0;
	s0 =	simm.s32 @!p1 $0x0  }
0x14: {  	s2 =	sld [smem:$0x3F7D];
	s0 =	simm.s32 @p1 $0x1  }
0x15: {  	[smem:$0x3F9A] =	sst s0;
	s0 =	simm.s32 @!p2 $0x0  }
0x16: {  	s3 =	sld [smem:$0x3FDB];
	s0 =	simm.s32 @p2 $0x1  }
0x17: {  	s4 =	simm.s32 $0x1BF5;
	[smem:$0x3F9C] =	sst s0  }
0x18: {  	s0 =	sld [smem:$0x3F7F];
	_ =	swait.ge [sflag:s4], $0x0  }
0x19: {  	s7 =	sld [smem:$0x3F80]  }
0x1a: {  	s8 =	sadd.s32 $0xFFFFE003, lr  }
0x1b: {  	s9 =	sadd.s32 $0xFFFFFEF7, lr;
	s5 =	simm.s32 $0xFFFFFFFF;
	p2 =	slt.u32 s8, $0xFFFFF086  }
0x1c: {  	p1 =	slt.u32 s9, $0xF7A;
	s5 =	simm.s32 @!p2 $0x0  }
0x1d: {  	s5 =	simm.s32 @p1 $0x1;
	p0 =	seq.s32 s7, s2  }
0x1e: {  	s7 =	smul.u32 @!p0 $0xF7A, s2;
	p2 =	seq.s32 @!p0 s5, $0x0  }
0x1f: {  	s9 =	smul.u32 $0xF7A, s1;
	s8 =	simm.s32 @!p0 $0x1BF5;
	p2 =	por !p2, p0  }
0x20: {  	[sflag:s8] =	ssyncset.s32 @!p0 $0xFFFFF086;
	s6 =	sadd.s32 @!p0 s3, s7;
	s7 =	simm.s32 @!p0 $0x108  }
0x21: {  	s3 =	sadd.s32 s3, s9;
	s6 =	sadd.s32 @!p0 $0x88, s6;
	s7 =	simm.s32 @p2 $0x1082  }
0x22: {  	[simem:s7], [sflag:s8] =	dma.local @!p0 [hbm:s6], $0xF7A  }
0x23: {  	s9 =	sor.u32 $0xD0000000, s2;
	s6 =	simm.s32 $0x108;
	_ =	swait.ge @!p0 [sflag:s8], $0x0  }
0x24: {  	s3 =	sadd.s32 $0x88, s3;
	s6 =	simm.s32 @!p1 $0x1082;
	[sflag:s4] =	ssyncset.s32 $0xFFFFF086  }
0x25: {  	[simem:s6], [sflag:s4] =	dma.local [hbm:s3], $0xF7A  }
0x26: {  	[smem:$0x3F80] =	sst s1;
	(tag) =	ssettag s2;
	_ =	strace s9  }
0x27: {  	s1 =	sld [smem:$0x3F90]  }
0x28: {  	s2 =	sld [smem:$0x3F91]  }
0x29: {  	s4 =	sld [smem:$0x3F93]  }
0x2a: {  	p0 =	seq.s32 s5, $0x0;
	s5 =	sld [smem:$0x3F94]  }
0x2b: {  	s6 =	sld [smem:$0x3F95]  }
0x2c: {  	s7 =	sld [smem:$0x3F96]  }
0x2d: {  	s3 =	simm.s32 $0x108;
	s8 =	sld [smem:$0x3F97]  }
0x2e: {  	s3 =	simm.s32 @!p0 $0x1082;
	s9 =	sld [smem:$0x3F98]  }
0x2f: {  	lr =	sadd.s32 s0, s3;
	s0 =	sld [smem:$0x3F8F]  }
0x30: {  	s3 =	sld [smem:$0x3F92]  }
0x31: {  	[smem:$0x3F9B] =	sst s10  }
0x32: {  	s10 =	sld [smem:$0x3F99];
	_ =	sdelay $0x3  }
0x33: {  	p0 =	seq.s32 s10, $0x1;
	s10 =	sld [smem:$0x3F9B];
	_ =	sdelay $0x3  }
0x34: {  	[smem:$0x3F9B] =	sst s10  }
0x35: {  	s10 =	sld [smem:$0x3F9A];
	_ =	sdelay $0x3  }
0x36: {  	p1 =	seq.s32 s10, $0x1;
	s10 =	sld [smem:$0x3F9B];
	_ =	sdelay $0x3  }
0x37: {  	[smem:$0x3F9B] =	sst s10  }
0x38: {  	s10 =	sld [smem:$0x3F9C]  }
0x39: {  	_ = 	snop;
	(pc) =	sbr.ind lr, $3  }
0x3a: {  	_ = 	snop  }
0x3b: {  	_ = 	snop  }
0x3c: {  	p2 =	seq.s32 s10, $0x1;
	s10 =	sld [smem:$0x3F9B]  }
0x3d: {  	_ =	shalt  }
0x3e: {  	_ =	shalt  }
0x3f: {  	_ =	shalt  }
0x40: {  	_ =	shalt  }
0x41: {  	_ =	shalt  }
0x42: {  	_ =	shalt  }
0x43: {  	_ =	shalt  }
0x44: {  	_ =	shalt  }
0x45: {  	_ =	shalt  }
0x46: {  	_ =	shalt  }
0x47: {  	_ =	shalt  }
0x48: {  	_ =	shalt  }
0x49: {  	_ =	shalt  }
0x4a: {  	_ =	shalt  }
0x4b: {  	_ =	shalt  }
0x4c: {  	_ =	shalt  }
0x4d: {  	_ =	shalt  }
0x4e: {  	_ =	shalt  }
0x4f: {  	_ =	shalt  }
0x50: {  	_ =	shalt  }
0x51: {  	_ =	shalt  }
0x52: {  	_ =	shalt  }
0x53: {  	_ =	shalt  }
0x54: {  	_ =	shalt  }
0x55: {  	_ =	shalt  }
0x56: {  	_ =	shalt  }
0x57: {  	_ =	shalt  }
0x58: {  	_ =	shalt  }
0x59: {  	_ =	shalt  }
0x5a: {  	_ =	shalt  }
0x5b: {  	_ =	shalt  }
0x5c: {  	_ =	shalt  }
0x5d: {  	_ =	shalt  }
0x5e: {  	_ =	shalt  }
0x5f: {  	_ =	shalt  }
0x60: {  	_ =	shalt  }
0x61: {  	_ =	shalt  }
0x62: {  	_ =	shalt  }
0x63: {  	_ =	shalt  }
0x64: {  	_ =	shalt  }
0x65: {  	_ =	shalt  }
0x66: {  	_ =	shalt  }
0x67: {  	_ =	shalt  }
0x68: {  	_ =	shalt  }
0x69: {  	_ =	shalt  }
0x6a: {  	_ =	shalt  }
0x6b: {  	_ =	shalt  }
0x6c: {  	_ =	shalt  }
0x6d: {  	_ =	shalt  }
0x6e: {  	_ =	shalt  }
0x6f: {  	_ =	shalt  }
0x70: {  	_ =	shalt  }
0x71: {  	_ =	shalt  }
0x72: {  	_ =	shalt  }
0x73: {  	_ =	shalt  }
0x74: {  	_ =	shalt  }
0x75: {  	_ =	shalt  }
0x76: {  	_ =	shalt  }
0x77: {  	_ =	shalt  }
0x78: {  	_ =	shalt  }
0x79: {  	_ =	shalt  }
0x7a: {  	_ =	shalt  }
0x7b: {  	_ =	shalt  }
0x7c: {  	_ =	shalt  }
0x7d: {  	_ =	shalt  }
0x7e: {  	_ =	shalt  }
0x7f: {  	_ =	shalt  }
0x80: {  	_ =	shalt  }
0x81: {  	_ =	shalt  }
0x82: {  	_ =	shalt  }
0x83: {  	_ =	shalt  }
0x84: {  	_ =	shalt  }
0x85: {  	_ =	shalt  }
0x86: {  	_ =	shalt  }
0x87: {  	_ =	shalt  }
.Lfunc_end0:
.L_simem_size_0:
called_computation.7_lowered:
.L_overlay_start_0:
0x88: {  	s2 =	sld [smem:$0x3FD9]  }
0x89: {  	s3 =	sld [smem:$0x3FFE];
	_ =	sdelay $0x1  }
0x8a: {  	s1 =	srdreg.scid  }
0x8b: {  	s0 =	sand.u32 $0x1, s1  }
0x8c: {  	s17 =	sshll.u32 s0, $0xA;
	s2 =	sadd.s32 s3, s2  }
0x8d: {  	s2 =	sadd.s32 s2, s17  }
0x8e: {  	[smem:$0x3FA7] =	sst s2  }
0x8f: {  	_ = 	snop  }
0x90: {  	(tm) =	ssettm $0x1  }
0x91: {  	s18 =	sld [smem:$0x3FFB];
	_ =	sdelay $0x3  }
0x92: {  	_ =	strace s18  }
0x93: {  	s2 =	sld [smem:$0x3FFC];
	_ =	sdelay $0x3  }
0x94: {  	_ =	strace s2  }
0x95: {  	s2 =	sld [smem:$0x3FFD];
	_ =	sdelay $0x3  }
0x96: {  	_ =	strace s2  }
0x97: {  	_ =	strace $0x8FFFFFFF  }
0x98: {  	s19 =	sld [smem:$0x3FDB];
	_ =	sdelay $0x1  }
0x99: {  	s20 =	simm.s32 $_scs_section_size  }
0x9a: {  	s4 =	simm.s32 $_size__tile_overlayer_lowered;
	s5 =	simm.s32 $_tile_overlayer_lowered  }
0x9b: {  	s6 =	simm.s32 $0x1BFF;
	s21 =	sshll.u32 s5, $0x1;
	s3 =	sadd.s32 s20, s19  }
0x9c: {  	s22 =	simm.s32 $0x0;
	s4 =	sshll.u32 s4, $0x1;
	s5 =	sadd.s32 s21, s3  }
0x9d: {  	[timem:s22], [sflag:s6] =	dma.local [hbm:s5], s4  }
0x9e: {  	_ =	swait.ge [sflag:s6], s4  }
0x9f: {  	s4 =	ssub.s32 $0x0, s4;
	[sflag:s6] =	ssyncset.done $0x0  }
0xa0: {  	[sflag:s6] =	ssyncadd.s32 s4;
	_ =	sdelay $0x1  }
0xa1: {  	s23 =	simm.s32 $0x1B8B  }
0xa2: {  	_ =	swait.ge [sflag:s23], $0x1  }
0xa3: {  	[sflag:s23] =	ssyncset.done $0x0  }
0xa4: {  	[sflag:s23] =	ssyncadd.s32 $0xFFFFFFFF  }
0xa5: {  	s4 =	sld [smem:$0x0]  }
0xa6: {  	s5 =	sand.u32 $0xFFFFFFFE, s1  }
0xa7: {  	p0 =	sne.s32 s1, s5  }
0xa8: {  	s5 =	sshll.u32 @p0 s5, $0xE  }
0xa9: {  	s5 =	sadd.s32 @p0 $0x11B8D, s5;
	s6 =	sshll.u32 @p0 s4, $0x11  }
0xaa: {  	s5 =	sor.u32 @p0 s6, s5  }
0xab: {  	[sflag:s5] =	ssyncadd.remote.s32 @p0 $0x1;
	_ =	sdelay $0x1  }
0xac: {  	s5 =	simm.s32 @p0 $0x1B8D  }
0xad: {  	_ =	swait.eq @p0 [sflag:s5], $0x1  }
0xae: {  	[sflag:s5] =	ssyncadd.s32 @p0 $0xFFFFFFFF  }
0xaf: {  	s6 =	sshll.u32 @!p0 s1, $0xE  }
0xb0: {  	s6 =	sor.u32 @!p0 $0x4000, s6;
	s5 =	simm.s32 @!p0 $0x1B8D  }
0xb1: {  	s4 =	sshll.u32 @!p0 s4, $0x11;
	s6 =	sadd.s32 @!p0 $0x11B8D, s6;
	_ =	swait.eq @!p0 [sflag:s5], $0x1  }
0xb2: {  	s4 =	sor.u32 @!p0 s4, s6;
	[sflag:s5] =	ssyncadd.s32 @!p0 $0xFFFFFFFF  }
0xb3: {  	s25 =	simm.s32 $0x1B8E;
	s24 =	sld [smem:$0x3FFE];
	[sflag:s4] =	ssyncadd.remote.s32 @!p0 $0x1  }
0xb4: {  	s26 =	simm.s32 $execute0_lowered;
	[smem:$0x3FD2] =	sst s25  }
0xb5: {  	s5 =	sshll.u32 s26, $0x1;
	_ =	strace $0x80000058;
	[dreg:$0x1] =	wrdreg $0xFFFFFFFF  }
0xb6: {  	s28 =	simm.s32 $_size_execute0_lowered;
	s3 =	sadd.s32 s3, s5;
	[dreg:$0x0] =	wrdreg $0x0  }
0xb7: {  	s5 =	sshll.u32 s28, $0x1;
	[dreg:$0x2] =	wrdreg s3  }
0xb8: {  	[dreg:$0x3] =	wrdreg s5  }
0xb9: {  	[dreg:$0x4] =	wrdreg $0xC0  }
0xba: {  	_ =	task [dreg:s22], $0x5FFFF  }
0xbb: {  	[dreg:$0x1] =	wrdreg $0xFFFFFFFF  }
0xbc: {  	[dreg:$0x0] =	wrdreg $0x60  }
0xbd: {  	[dreg:$0x2] =	wrdreg s24  }
0xbe: {  	[dreg:$0x3] =	wrdreg $0x51000  }
0xbf: {  	[dreg:$0x4] =	wrdreg $0xA  }
0xc0: {  	_ =	task.clear_ibuf [dreg:s22], $0x5FFFF;
	_ =	strace $0x90000058  }
0xc1: {  	s29 =	simm.s32 $0xA;
	_ =	strace $0x8000005A  }
0xc2: {  	_ =	swait.ge [sflag:s29], $0x1  }
0xc3: {  	[sflag:s29] =	ssyncadd.s32 $0xFFFFFFFF  }
0xc4: {  	_ =	strace $0x9000005A  }
0xc5: {  	_ =	sfence  }
0xc6: {  	s30 =	sld [smem:$0x0];
	_ =	sdelay $0x2  }
0xc7: {  	s31 =	sshll.u32 s1, $0xD;
	s1 =	sshrl.u32 s1, $0x2  }
0xc8: {  	s4 =	sand.u32 $0x4000, s31;
	s1 =	sadd.s32 s1, s30  }
0xc9: {  	s0 =	sor.u32 s4, s0;
	s1 =	sshll.u32 s1, $0x11  }
0xca: {  	s0 =	sor.u32 s1, s0  }
0xcb: {  	s0 =	sadd.s32 $0x8F2B, s0  }
0xcc: {  	[sflag:s0] =	ssyncadd.remote.s32 $0x1  }
0xcd: {  	_ =	sfence.sel $0xFFFF  }
0xce: {  	[dreg:$0x0] =	wrdreg $0xFFFFFFFF;
	(pc) =	sbr.abs _section_cstart, $3  }
0xcf: {  	[dreg:$0x1] =	wrdreg $0xFFFFFFFF  }
0xd0: {  	_ =	task.clear_ibuf [dreg:s22], $0x2FFFF;
	_ =	strace $0x9FFFFFFF  }
0xd1: {  	(tm) =	ssettm $0x7FFFFFFF  }
tec
execute0_lowered:
.L_overlay_start_1:
0x0: {  	(tag) =	ssettag $0x1  }
0x1: {  	s0 =	rddreg [dreg:$0x0]  }
0x2: {  	s2 =	rddreg [dreg:$0x1]  }
0x3: {  	s13 =	stileid.u32;
	s1 =	srdreg.scid;
	s3 =	simm.s32 $0x0  }
0x4: {  	s28 =	simm.s32 $0x5;
	s29 =	simm.s32 $0x2;
	s4 =	smul.u32 $0x14000, s13  }
0x5: {  	s30 =	simm.s32 $0x4;
	s31 =	simm.s32 $0x6;
	s7 =	smul.u32 $0x50000, s13  }
0x6: {  	s1 =	sand.u32 $0x1, s1;
	[smem:$0x7FF] =	sst s3;
	s9 =	smul.u32 $0x271000, s13  }
0x7: {  	s16 =	sadd.s32 $0x578C00, s0;
	s14 =	sadd.s32 $0xD200, s0;
	s24 =	smul.u32 $0x4E2, s13  }
0x8: {  	s11 =	sshll.u32 s13, $0x6;
	s5 =	smul.u32 $0x140000, s1;
	_ =	strace $0x80000059  }
0x9: {  	s25 =	ssub.s32 $0x2, s1;
	s1 =	sshll.u32 s1, $0xA;
	s6 =	sshrl.u32 s4, $0x3  }
0xa: {  	s26 =	sshrl.u32 s25, $0x1;
	s8 =	sshrl.u32 s7, $0x2;
	s15 =	sor.u32 s1, s9  }
0xb: {  	s4 =	sadd.s32 s4, s5;
	s6 =	sadd.s32 s6, s0;
	s17 =	sadd.s32 s8, s2  }
0xc: {  	s8 =	smul.u32 $0x2710, s13;
	s5 =	sor.u32 $0x1C07, s11;
	s7 =	sshrl.u32 s15, $0x3  }
0xd: {  	s4 =	sshrl.u32 s4, $0x3;
	s10 =	sadd.s32 $0x8CE00, s6;
	s18 =	sadd.s32 s16, s7  }
0xe: {  	s17 =	sshrl.u32 s17, $0x3;
	s0 =	sadd.s32 s4, s0;
	[dreg:$0x3] =	wrdreg s10  }
0xf: {  	s4 =	ssub.s32 s25, s26;
	s12 =	sshrl.u32 s8, $0x3;
	[dreg:$0x5] =	wrdreg s18  }
0x10: {  	s10 =	sadd.s32 $0x50, s8;
	s25 =	sadd.s32 $0x14000, s15;
	s26 =	sadd.s32 $0xF000, s15  }
0x11: {  	s18 =	simm.s32 $0x7;
	s6 =	sadd.s32 s14, s12;
	s12 =	sadd.s32 $0xA0, s8  }
0x12: {  	s8 =	sadd.s32 $0x375E00, s0;
	s19 =	sshll.u32 s10, $0x8;
	s9 =	smax.u32 s4, $0x1  }
0x13: {  	s20 =	sshrl.u32 s10, $0x3;
	s4 =	sshrl.u32 s26, $0x3;
	s26 =	simm.s32 $0x50  }
0x14: {  	[dreg:$0x4] =	wrdreg s6;
	s0 =	sor.u32 s1, s19;
	s10 =	sadd.s32 s14, s20  }
0x15: {  	s21 =	sshll.u32 s12, $0x8;
	s22 =	sshrl.u32 s12, $0x3;
	s19 =	simm.s32 $0x400  }
0x16: {  	s20 =	simm.s32 $0x800;
	s0 =	sshrl.u32 s0, $0x3;
	s1 =	sor.u32 s1, s21  }
0x17: {  	s12 =	sadd.s32 s14, s22;
	s21 =	simm.s32 $0x100;
	s22 =	simm.s32 $0x80  }
0x18: {  	s11 =	sadd.s32 s16, s0;
	s23 =	sshrl.u32 s1, $0x3;
	s0 =	sshrl.u32 s25, $0x3  }
0x19: {  	s1 =	sadd.s32 s24, s14;
	s24 =	simm.s32 $0x1;
	s25 =	simm.s32 $0x3  }
0x1a: {  	s13 =	sadd.s32 s16, s23;
	s14 =	sadd.s32 s0, s16;
	s15 =	sadd.s32 $0x28, s1  }
0x1b: {  	s16 =	sadd.s32 s4, s16;
	s23 =	simm.s32 $0x2900;
	s0 =	simm.s32 $0x0  }
.LBB2_1:
0x1c: {  	s1 =	rddreg [dreg:$0x3]  }
0x1d: {  	[spmem:s17], [sflag:s5] =	dma.local [hbm:s1], $0x2800  }
0x1e: {  	_ =	swait.ge [sflag:s18], $0x2800  }
0x1f: {  	[sflag:s18] =	ssyncset.done $0x0  }
0x20: {  	[sflag:s18] =	ssyncadd.s32 $0xFFFFD800  }
0x21: {  	[bflag:$0x0] =	sbarrier.arrive $0xFFFF  }
0x22: {  	s6 =	rddreg [dreg:$0x4]  }
0x23: {  	[tilespmem:s3], [sflag:$0x1] =	stream.linear.gather [hbm4b:s6+s3], $0x50, $0x38;
	[tilespmem:$0x19100] =	vst v63  }
0x24: {  	s7 =	rddreg [dreg:$0x5]  }
0x25: {  	[tilespmem:s21], [sflag:$0x3] =	stream.strided.gather [hbm4b:s7+s19], $0x2800, s20, s19, $0x38;
	[tilespmem:$0x19100] =	vst v63  }
0x26: {  	_ = 	snop  }
0x27: {  	[tilespmem:s22], [sflag:$0x2] =	stream.linear.gather [hbm4b:s10+s3], $0x50, $0x38;
	[tilespmem:$0x19100] =	vst v63  }
0x28: {  	_ = 	snop  }
0x29: {  	[tilespmem:s23], [sflag:$0x4] =	stream.strided.gather [hbm4b:s11+s19], $0x2800, s20, s19, $0x38;
	[tilespmem:$0x19100] =	vst v63  }
0x2a: {  	_ =	swait.ge [sflag:s24], $0x50  }
0x2b: {  	[sflag:s24] =	ssyncset.done $0x0  }
0x2c: {  	[sflag:s24] =	ssyncadd.s32 $0xFFFFFFB0  }
0x2d: {  	_ =	swait.ge [sflag:s25], $0x2800  }
0x2e: {  	[sflag:s25] =	ssyncset.done $0x0  }
0x2f: {  	[sflag:s25] =	ssyncadd.s32 $0xFFFFD800  }
0x30: {  	[spmem:s2] =	stream.indirect.scatter.add.f32 [tilespmem:s21], [sflag:$0x5], $0x80, s3, s26, $0xb8;
	[tilespmem:$0x19100] =	vst v63  }
0x31: {  	_ =	swait.ge [sflag:s28], $0x2800  }
0x32: {  	[sflag:s28] =	ssyncset.done $0x0  }
0x33: {  	[sflag:s28] =	ssyncadd.s32 $0xFFFFD800  }
0x34: {  	[tilespmem:s3], [sflag:$0x1] =	stream.linear.gather [hbm4b:s12+s3], $0x50, $0x38;
	[tilespmem:$0x19100] =	vst v63  }
0x35: {  	_ = 	snop  }
0x36: {  	[tilespmem:s21], [sflag:$0x3] =	stream.strided.gather [hbm4b:s13+s19], $0x2800, s20, s19, $0x38;
	[tilespmem:$0x19100] =	vst v63  }
0x37: {  	_ =	swait.ge [sflag:s29], $0x50  }
0x38: {  	[sflag:s29] =	ssyncset.done $0x0  }
0x39: {  	[sflag:s29] =	ssyncadd.s32 $0xFFFFFFB0  }
0x3a: {  	_ =	swait.ge [sflag:s30], $0x2800  }
0x3b: {  	[sflag:s30] =	ssyncset.done $0x0  }
0x3c: {  	[sflag:s30] =	ssyncadd.s32 $0xFFFFD800  }
0x3d: {  	[spmem:s2] =	stream.indirect.scatter.add.f32 [tilespmem:s23], [sflag:$0x6], $0x80, s22, s26, $0xb8;
	[tilespmem:$0x19100] =	vst v63  }
0x3e: {  	_ =	swait.ge [sflag:s31], $0x2800  }
0x3f: {  	[sflag:s31] =	ssyncset.done $0x0  }
0x40: {  	s4 =	sadd.s32 $0xFFFFFFF6, s15;
	[sflag:s31] =	ssyncadd.s32 $0xFFFFD800  }
0x41: {  	[tilespmem:s22], [sflag:$0x2] =	stream.linear.gather [hbm4b:s4+s3], $0x50, $0x38;
	[tilespmem:$0x19100] =	vst v63  }
0x42: {  	s6 =	sadd.s32 $0x0, s16  }
0x43: {  	[tilespmem:s23], [sflag:$0x4] =	stream.strided.gather [hbm4b:s6+s19], $0x2800, s20, s19, $0x38;
	[tilespmem:$0x19100] =	vst v63  }
0x44: {  	_ =	swait.ge [sflag:s24], $0x50  }
0x45: {  	[sflag:s24] =	ssyncset.done $0x0  }
0x46: {  	[sflag:s24] =	ssyncadd.s32 $0xFFFFFFB0  }
0x47: {  	_ =	swait.ge [sflag:s25], $0x2800  }
0x48: {  	[sflag:s25] =	ssyncset.done $0x0  }
0x49: {  	[sflag:s25] =	ssyncadd.s32 $0xFFFFD800  }
0x4a: {  	[spmem:s2] =	stream.indirect.scatter.add.f32 [tilespmem:s21], [sflag:$0x5], $0x80, s3, s26, $0xb8;
	[tilespmem:$0x19100] =	vst v63  }
0x4b: {  	_ =	swait.ge [sflag:s28], $0x2800  }
0x4c: {  	[sflag:s28] =	ssyncset.done $0x0  }
0x4d: {  	[sflag:s28] =	ssyncadd.s32 $0xFFFFD800  }
0x4e: {  	[tilespmem:s3], [sflag:$0x1] =	stream.linear.gather [hbm4b:s15+s3], $0x50, $0x38;
	[tilespmem:$0x19100] =	vst v63  }
0x4f: {  	s7 =	sadd.s32 $0x0, s14  }
0x50: {  	[tilespmem:s21], [sflag:$0x3] =	stream.strided.gather [hbm4b:s7+s19], $0x2800, s20, s19, $0x38;
	[tilespmem:$0x19100] =	vst v63  }
0x51: {  	_ =	swait.ge [sflag:s29], $0x50  }
0x52: {  	[sflag:s29] =	ssyncset.done $0x0  }
0x53: {  	[sflag:s29] =	ssyncadd.s32 $0xFFFFFFB0  }
0x54: {  	_ =	swait.ge [sflag:s30], $0x2800  }
0x55: {  	[sflag:s30] =	ssyncset.done $0x0  }
0x56: {  	s1 =	simm.s32 $0x1400;
	s4 =	sadd.s32 $0x14, s15;
	[sflag:s30] =	ssyncadd.s32 $0xFFFFD800  }
.LBB2_2:
0x57: {  	[spmem:s2] =	stream.indirect.scatter.add.f32 [tilespmem:s23], [sflag:$0x6], $0x80, s22, s26, $0xb8;
	[tilespmem:$0x19100] =	vst v63  }
0x58: {  	s6 =	smov.u32 s1  }
0x59: {  	p0 =	sne.s32 s1, $0x4B000;
	s1 =	sadd.s32 $0x1400, s1;
	_ =	swait.ge [sflag:s31], $0x2800  }
0x5a: {  	[sflag:s31] =	ssyncset.done $0x0  }
0x5b: {  	s7 =	sadd.s32 $0xFFFFFFF6, s4;
	[sflag:s31] =	ssyncadd.s32 $0xFFFFD800  }
0x5c: {  	[tilespmem:s22], [sflag:$0x2] =	stream.linear.gather [hbm4b:s7+s3], $0x50, $0x38;
	[tilespmem:$0x19100] =	vst v63  }
0x5d: {  	s7 =	sadd.s32 s6, s16  }
0x5e: {  	[tilespmem:s23], [sflag:$0x4] =	stream.strided.gather [hbm4b:s7+s19], $0x2800, s20, s19, $0x38;
	[tilespmem:$0x19100] =	vst v63  }
0x5f: {  	_ =	swait.ge [sflag:s24], $0x50  }
0x60: {  	[sflag:s24] =	ssyncset.done $0x0  }
0x61: {  	[sflag:s24] =	ssyncadd.s32 $0xFFFFFFB0  }
0x62: {  	_ =	swait.ge [sflag:s25], $0x2800  }
0x63: {  	[sflag:s25] =	ssyncset.done $0x0  }
0x64: {  	[sflag:s25] =	ssyncadd.s32 $0xFFFFD800  }
0x65: {  	[spmem:s2] =	stream.indirect.scatter.add.f32 [tilespmem:s21], [sflag:$0x5], $0x80, s3, s26, $0xb8;
	[tilespmem:$0x19100] =	vst v63  }
0x66: {  	_ =	swait.ge [sflag:s28], $0x2800  }
0x67: {  	[sflag:s28] =	ssyncset.done $0x0  }
0x68: {  	[sflag:s28] =	ssyncadd.s32 $0xFFFFD800  }
0x69: {  	[tilespmem:s3], [sflag:$0x1] =	stream.linear.gather [hbm4b:s4+s3], $0x50, $0x38;
	[tilespmem:$0x19100] =	vst v63  }
0x6a: {  	s6 =	sadd.s32 s6, s14  }
0x6b: {  	[tilespmem:s21], [sflag:$0x3] =	stream.strided.gather [hbm4b:s6+s19], $0x2800, s20, s19, $0x38;
	[tilespmem:$0x19100] =	vst v63  }
0x6c: {  	_ =	swait.ge [sflag:s29], $0x50  }
.Ltmp0:
0x6d: {  	[sflag:s29] =	ssyncset.done $0x0;
	(pc) =	sbr.rel @p0 .LBB2_2-.Ltmp0, $4  }
0x6e: {  	[sflag:s29] =	ssyncadd.s32 $0xFFFFFFB0  }
0x6f: {  	_ =	swait.ge [sflag:s30], $0x2800  }
0x70: {  	[sflag:s30] =	ssyncset.done $0x0  }
0x71: {  	s4 =	sadd.s32 $0x14, s4;
	[sflag:s30] =	ssyncadd.s32 $0xFFFFD800  }
0x72: {  	[spmem:s2] =	stream.indirect.scatter.add.f32 [tilespmem:s23], [sflag:$0x6], $0x80, s22, s26, $0xb8;
	[tilespmem:$0x19100] =	vst v63  }
0x73: {  	_ =	swait.ge [sflag:s24], $0x50  }
0x74: {  	[sflag:s24] =	ssyncset.done $0x0  }
0x75: {  	[sflag:s24] =	ssyncadd.s32 $0xFFFFFFB0  }
0x76: {  	_ =	swait.ge [sflag:s25], $0x2800  }
0x77: {  	[sflag:s25] =	ssyncset.done $0x0  }
0x78: {  	[sflag:s25] =	ssyncadd.s32 $0xFFFFD800  }
0x79: {  	[spmem:s2] =	stream.indirect.scatter.add.f32 [tilespmem:s21], [sflag:$0x5], $0x80, s3, s26, $0xb8;
	[tilespmem:$0x19100] =	vst v63  }
0x7a: {  	_ =	swait.ge [sflag:s31], $0x2800  }
0x7b: {  	[sflag:s31] =	ssyncset.done $0x0  }
0x7c: {  	[sflag:s31] =	ssyncadd.s32 $0xFFFFD800  }
0x7d: {  	_ =	swait.ge [sflag:s28], $0x2800  }
0x7e: {  	s0 =	sadd.s32 $0x1, s0;
	[sflag:s28] =	ssyncset.done $0x0  }
0x7f: {  	p0 =	sne.s32 s0, s9;
	[sflag:s28] =	ssyncadd.s32 $0xFFFFD800  }
.Ltmp1:
0x80: {  	[bflag:$0x0] =	sbarrier.arrive $0xFFFF;
	(pc) =	sbr.rel @p0 .LBB2_1-.Ltmp1, $4  }
0x81: {  	[hbm:s8], [sflag:s5] =	dma.local [spmem:s17], $0x2800  }
0x82: {  	_ =	swait.ge [sflag:s18], $0x2800  }
0x83: {  	[sflag:s18] =	ssyncset.done $0x0  }
0x84: {  	[sflag:s18] =	ssyncadd.s32 $0xFFFFD800  }
0x85: {  	_ =	sfence.sel $0x180000  }
0x86: {  	[bflag:$0x0] =	sbarrier.arrive $0xFFFF  }
0x87: {  	_ =	strace $0x90000059  }
0x88: {  	s0 =	stileid.u32;
	[bflag:$0x2] =	sbarrier.arrive $0xFFFF  }
0x89: {  	p0 =	sne.s32 s0, $0x0;
	s0 =	rddreg [dreg:$0x2]  }
0x8a: {  	s0 =	sadd.s32 @!p0 $0x100000, s0  }
0x8b: {  	[sflag:s0] =	ssyncadd.tile.s32 @!p0 $0x1;
	_ =	shalt  }
.Lfunc_end2:
_tile_overlayer_lowered:
.L_overlay_start_2:
0x8c: {  	(tag) =	ssettag $0x2  }
0x8d: {  	s0 =	rddreg [dreg:$0x0];
	s2 =	stileid.u32  }
0x8e: {  	s1 =	rddreg [dreg:$0x1];
	p0 =	sne.s32 s2, $0x0  }
0x8f: {  	s3 =	rddreg [dreg:$0x2];
	[bflag:$0x3] =	sbarrier.arrive $0xFFFF;
	s2 =	simm.s32 @!p0 $0x1C07  }
0x90: {  	[timem:s3], [sflag:s2] =	dma.local @!p0 [hbm:s0], s1  }
0x91: {  	s0 =	simm.s32 @!p0 $0x7  }
0x92: {  	_ =	swait.ge @!p0 [sflag:s0], s1  }
0x93: {  	s1 =	ssub.s32 @!p0 $0x0, s1;
	[sflag:s0] =	ssyncset.done @!p0 $0x0  }
0x94: {  	[sflag:s0] =	ssyncadd.s32 @!p0 s1  }
0x95: {  	[bflag:$0x3] =	sbarrier.arrive $0xFFFF  }
0x96: {  	_ =	shalt  }

</sc_bundles>
